<compile_context>
chip_gen: v7x
topology: tpu7x:2x2x1
jax: 0.10.2.dev20260603
libtpu: 0.0.44.dev20260713+nightly
codegen_flags: <defaults>
</compile_context>

<pallas_src>
import functools
import math

import jax
import jax.numpy as jnp
from jax import lax
from jax.experimental import pallas as pl
from jax.experimental.pallas import tpu as pltpu
from jax.experimental.pallas import tpu_sc as plsc

_PERCENT = 0.5
_NC = 2
_NS = 16
_NW = _NC * _NS
_L = 16

_PASSES = ((21, 11), (10, 11), (0, 10))
_UNROLL = 8


def _sortable_u32(v):
  b = plsc.bitcast(v, jnp.uint32)
  m = (jnp.uint32(0) - (b >> 31)) | jnp.uint32(0x80000000)
  return b ^ m


@functools.lru_cache(maxsize=None)
def _build(shape, K, kpl):
  B, C, H, W = shape
  plane = H * W
  N = C * plane
  chunk = kpl * plane
  nchunk = C // kpl
  mesh = plsc.VectorSubcoreMesh(core_axis_name="c", subcore_axis_name="s")

  def body(x_hbm, out_hbm, xc_hbm, ib0, ib1, cb0, cb1, hist,
           si0, si1, so0, so1):
    wid = lax.axis_index("s") * _NC + lax.axis_index("c")
    row = wid
    iota = lax.iota(jnp.int32, _L)
    ones = jnp.ones((_L,), jnp.int32)
    ibufs = (ib0, ib1)
    obufs = ibufs
    cbufs = (cb0, cb1)
    nrow = chunk // W
    off2 = W - _L
    fresh = iota >= (_L - off2)
    fibufs = (ib0.reshape(nrow, W), ib1.reshape(nrow, W))
    fobufs = fibufs
    sis = (si0, si1)
    sos = (so0, so1)

    def in4d_desc(c, b):
      return pltpu.make_async_copy(
          x_hbm.at[row, pl.ds(c * kpl, kpl), :, :], ibufs[b], sis[b])

    def out4d_desc(c, b):
      return pltpu.make_async_copy(
          obufs[b], out_hbm.at[row, pl.ds(c * kpl, kpl), :, :], sos[b])

    def cin_desc(c, b):
      return pltpu.make_async_copy(
          xc_hbm.at[pl.ds(row * N + c * chunk, chunk)], cbufs[b], sis[b])

    def cout_desc(c, b):
      return pltpu.make_async_copy(
          cbufs[b], xc_hbm.at[pl.ds(row * N + c * chunk, chunk)], sos[b])

    def zero_hist(nb):
      @plsc.parallel_loop(0, nb, unroll=_UNROLL)
      def _(i):
        hist[pl.ds(i * _L, _L)] = jnp.zeros((_L,), jnp.int32)

    def find_bin(nb, r):
      nblk = nb // _L

      def bbody(j, carry):
        cum, fblk, fcum, found = carry
        blk = (nblk - 1) - j
        acc = jnp.zeros((_L,), jnp.int32)
        for t in range(_L):
          acc = acc + hist[pl.ds((blk * _L + t) * _L, _L)]
        ncum = cum + jnp.sum(acc)
        hit = jnp.logical_and(found == 0, ncum >= r)
        fblk = jnp.where(hit, blk, fblk)
        fcum = jnp.where(hit, cum, fcum)
        found = jnp.where(hit, jnp.int32(1), found)
        return (ncum, fblk, fcum, found)

      z = jnp.int32(0)
      _, fblk, fcum, _ = lax.fori_loop(0, nblk, bbody, (z, z, z, z))

      cum2 = fcum
      fbin = jnp.int32(0)
      fc2 = jnp.int32(0)
      found2 = jnp.int32(0)
      for t in range(_L - 1, -1, -1):
        dtot = jnp.sum(hist[pl.ds((fblk * _L + t) * _L, _L)])
        ncum = cum2 + dtot
        hit = jnp.logical_and(found2 == 0, ncum >= r)
        fbin = jnp.where(hit, jnp.int32(t), fbin)
        fc2 = jnp.where(hit, cum2, fc2)
        found2 = jnp.where(hit, jnp.int32(1), found2)
        cum2 = ncum
      return fblk * _L + fbin, fc2

    shift0, bits0 = _PASSES[0]
    nb0 = 1 << bits0
    in4d_desc(0, 0).start()
    in4d_desc(1, 1).start()
    zero_hist(nb0)
    r = jnp.int32(K)
    prefix = jnp.uint32(0)

    def pass0_pair(cc, carry):
      for half in (0, 1):
        c = cc * 2 + half
        in4d_desc(c, half).wait()

        @pl.when(cc >= 1)
        def _():
          cout_desc(c - 2, half).wait()

        buf = fibufs[half]
        cb = cbufs[half]

        @plsc.parallel_loop(0, nrow, unroll=_UNROLL)
        def _(j):
          for o, lanemask in ((0, None), (off2, fresh)):
            v = buf[j, pl.ds(o, _L)]
            cb[pl.ds(j * W + o, _L)] = v
            u = _sortable_u32(v)
            dig = (u >> shift0) & (nb0 - 1)
            idx = dig.astype(jnp.int32) * _L + iota
            plsc.addupdate_scatter(hist, [idx], ones, mask=lanemask)

        @pl.when(c + 2 < nchunk)
        def _():
          in4d_desc(c + 2, half).start()

        cout_desc(c, half).start()
      return carry

    lax.fori_loop(0, nchunk // 2, pass0_pair, 0)
    cout_desc(nchunk - 2, 0).wait()
    cout_desc(nchunk - 1, 1).wait()
    binv, fc = find_bin(nb0, r)
    prefix = (prefix << bits0) | binv.astype(jnp.uint32)
    r = r - fc

    for shift, bits in _PASSES[1:]:
      nb = 1 << bits
      cin_desc(0, 0).start()
      cin_desc(1, 1).start()
      zero_hist(nb)
      pvec = jnp.broadcast_to(prefix, (_L,))

      def passn_pair(cc, carry):
        for half in (0, 1):
          c = cc * 2 + half
          cin_desc(c, half).wait()
          cb = cbufs[half]

          @plsc.parallel_loop(0, chunk // _L, unroll=_UNROLL)
          def _(i):
            v = cb[pl.ds(i * _L, _L)]
            u = _sortable_u32(v)
            dig = (u >> shift) & (nb - 1)
            idx = dig.astype(jnp.int32) * _L + iota
            match = (u >> (shift + bits)) == pvec
            plsc.addupdate_scatter(hist, [idx], ones, mask=match)

          @pl.when(c + 2 < nchunk)
          def _():
            cin_desc(c + 2, half).start()
        return carry

      lax.fori_loop(0, nchunk // 2, passn_pair, 0)
      binv, fc = find_bin(nb, r)
      prefix = (prefix << bits) | binv.astype(jnp.uint32)
      r = r - fc

    uvec = jnp.broadcast_to(prefix, (_L,))
    tbits = jnp.where(uvec >= jnp.uint32(0x80000000),
                      uvec ^ jnp.uint32(0x80000000), ~uvec)
    thr = plsc.bitcast(tbits, jnp.float32)
    zero = jnp.zeros((_L,), jnp.float32)

    cin_desc(0, 0).start()
    cin_desc(1, 1).start()

    def mask_pair(cc, carry):
      for half in (0, 1):
        c = cc * 2 + half
        cin_desc(c, half).wait()

        @pl.when(cc >= 1)
        def _():
          out4d_desc(c - 2, half).wait()

        cb = cbufs[half]
        dst = fobufs[half]

        @plsc.parallel_loop(0, nrow, unroll=_UNROLL)
        def _(j):
          for o in (0, off2):
            v = cb[pl.ds(j * W + o, _L)]
            dst[j, pl.ds(o, _L)] = jnp.where(v >= thr, v, zero)

        @pl.when(c + 2 < nchunk)
        def _():
          cin_desc(c + 2, half).start()

        out4d_desc(c, half).start()
      return carry

    lax.fori_loop(0, nchunk // 2, mask_pair, 0)
    out4d_desc(nchunk - 2, 0).wait()
    out4d_desc(nchunk - 1, 1).wait()

  return pl.kernel(
      body,
      out_type=(
          jax.ShapeDtypeStruct(shape, jnp.float32),
          jax.ShapeDtypeStruct((B * N,), jnp.float32),
      ),
      mesh=mesh,
      compiler_params=pltpu.CompilerParams(needs_layout_passes=False),
      scratch_types=[
          pltpu.VMEM((kpl, H, W), jnp.float32),
          pltpu.VMEM((kpl, H, W), jnp.float32),
          pltpu.VMEM((chunk,), jnp.float32),
          pltpu.VMEM((chunk,), jnp.float32),
          pltpu.VMEM((2048 * _L,), jnp.int32),
          pltpu.SemaphoreType.DMA,
          pltpu.SemaphoreType.DMA,
          pltpu.SemaphoreType.DMA,
          pltpu.SemaphoreType.DMA,
      ],
  )


def _pick_kpl(C, plane):
  for kpl in range(max(1, 6912 // plane), 0, -1):
    if C % kpl == 0 and (kpl * plane) % 16 == 0:
      return kpl
  raise ValueError(f"no valid chunking for C={C}, plane={plane}")


@jax.jit
def kernel(x):
  B, C, H, W = x.shape
  N = C * H * W
  assert B == _NW, f"expected batch {_NW}, got {B}"
  assert _L < W < 2 * _L, f"row width {W} outside supported range"
  K = math.ceil(_PERCENT * N)
  out, _ = _build(x.shape, K, _pick_kpl(C, H * W))(x)
  return out

# --- scband reference (transcript-rebuilt; emitter-appended) ---
"""Pipeline reference for scband-c-re-lu-percent-1769526526671 (READ-ONLY COPY).

The authoritative reference and input builder live on the scoring server;
editing this copy changes nothing except your own understanding.
"""

import jax, jax.numpy as jnp
import numpy as np
import math

PERCENT = 0.5

def setup_inputs(seed: int = 0) -> dict:
    key = jax.random.key(seed)
    x = jax.random.normal(key, (32, 384, 24, 24), dtype=jnp.float32)
    return {"x": x}

def reference(x):
    B = x.shape[0]
    x_flatten = x.reshape(B, -1)
    k = math.ceil(PERCENT * x_flatten.shape[1])
    top_k_vals, _ = jax.lax.top_k(x_flatten, k)
    threshold = top_k_vals[:, -1].reshape(-1, 1, 1, 1)
    result = jnp.where(x >= threshold, x, jnp.zeros((), dtype=x.dtype))
    return result.reshape(x.shape)

if __name__ == "__main__":
    import jax
    _d = setup_inputs()
    print(jax.jit(kernel)(*tuple(_d.values())))

</pallas_src>

<mosaic_0001>
#map = affine_map<(d0, d1) -> (0, 0, 0, 0)>
#map1 = affine_map<(d0, d1) -> (0)>
module attributes {stable_mosaic.version = 14 : i64} {
  func.func @body(%arg0: i32, %arg1: i32, %arg2: memref<32x384x24x24xf32, #tpu.memory_space<hbm>>, %arg3: memref<32x384x24x24xf32, #tpu.memory_space<hbm>>, %arg4: memref<7077888xf32, #tpu.memory_space<hbm>>, %arg5: memref<12x24x24xf32, #tpu.memory_space<vmem>>, %arg6: memref<12x24x24xf32, #tpu.memory_space<vmem>>, %arg7: memref<6912xf32, #tpu.memory_space<vmem>>, %arg8: memref<6912xf32, #tpu.memory_space<vmem>>, %arg9: memref<32768xi32, #tpu.memory_space<vmem>>, %arg10: memref<!tpu.dma_semaphore, #tpu.memory_space<semaphore_mem>>, %arg11: memref<!tpu.dma_semaphore, #tpu.memory_space<semaphore_mem>>, %arg12: memref<!tpu.dma_semaphore, #tpu.memory_space<semaphore_mem>>, %arg13: memref<!tpu.dma_semaphore, #tpu.memory_space<semaphore_mem>>) attributes {dimension_semantics = [#tpu.dimension_semantics<core_parallel>, #tpu.dimension_semantics<subcore_parallel>], iteration_bounds = array<i64: 2, 16>, scalar_prefetch = 0 : i64, scratch_operands = 9 : i64, tpu.core_type = #tpu.core_type<sc_vector_subcore>, window_params = [{transform_indices = #map}, {transform_indices = #map}, {transform_indices = #map1}]} {
    %mul3A = arith.constant 2 : i32
    %mul3A_0 = arith.muli %arg1, %mul3A : i32
    %add3A = arith.addi %mul3A_0, %arg0 : i32
    %iota3A = tpu.iota {dimensions = array<i32: 0>} : vector<16xi32>
    %broadcast_in_dim3A = arith.constant 1 : i32
    %broadcast_in_dim3A_1 = vector.broadcast %broadcast_in_dim3A : i32 to vector<16xi32>
    %ge3A = arith.constant 8 : i32
    %ge3A_2 = vector.broadcast %ge3A : i32 to vector<16xi32>
    %ge3A_3 = arith.cmpi sge, %iota3A, %ge3A_2 : vector<16xi32>
    %dma_start3A = arith.constant 0 : i32
    %dma_start3A_4 = arith.constant 0 : i32
    %dma_start3A_5 = arith.constant 0 : i32
    %dma_start3A_6 = tpu.memref_slice %arg2[%add3A, %dma_start3A, %dma_start3A_4, %dma_start3A_5] : memref<32x384x24x24xf32, #tpu.memory_space<hbm>> -> memref<1x12x24x24xf32, #tpu.memory_space<hbm>>
    %dma_start3A_7 = tpu.memref_squeeze %dma_start3A_6 : memref<1x12x24x24xf32, #tpu.memory_space<hbm>> -> memref<12x24x24xf32, #tpu.memory_space<hbm>>
    %dma_start3A_8 = arith.constant 0 : i32
    %dma_start3A_9 = arith.constant 0 : i32
    %dma_start3A_10 = arith.constant 0 : i32
    %dma_start3A_11 = tpu.memref_slice %arg2[%add3A, %dma_start3A_8, %dma_start3A_9, %dma_start3A_10] : memref<32x384x24x24xf32, #tpu.memory_space<hbm>> -> memref<1x12x24x24xf32, #tpu.memory_space<hbm>>
    %dma_start3A_12 = tpu.memref_squeeze %dma_start3A_11 : memref<1x12x24x24xf32, #tpu.memory_space<hbm>> -> memref<12x24x24xf32, #tpu.memory_space<hbm>>
    tpu.enqueue_dma source(%dma_start3A_12 : memref<12x24x24xf32, #tpu.memory_space<hbm>>) target(%arg5 : memref<12x24x24xf32, #tpu.memory_space<vmem>>) target_semaphore(%arg10 : memref<!tpu.dma_semaphore, #tpu.memory_space<semaphore_mem>>)
    %dma_start3A_13 = arith.constant 12 : i32
    %dma_start3A_14 = arith.constant 0 : i32
    %dma_start3A_15 = arith.constant 0 : i32
    %dma_start3A_16 = tpu.memref_slice %arg2[%add3A, %dma_start3A_13, %dma_start3A_14, %dma_start3A_15] : memref<32x384x24x24xf32, #tpu.memory_space<hbm>> -> memref<1x12x24x24xf32, #tpu.memory_space<hbm>>
    %dma_start3A_17 = tpu.memref_squeeze %dma_start3A_16 : memref<1x12x24x24xf32, #tpu.memory_space<hbm>> -> memref<12x24x24xf32, #tpu.memory_space<hbm>>
    %dma_start3A_18 = arith.constant 12 : i32
    %dma_start3A_19 = arith.constant 0 : i32
    %dma_start3A_20 = arith.constant 0 : i32
    %dma_start3A_21 = tpu.memref_slice %arg2[%add3A, %dma_start3A_18, %dma_start3A_19, %dma_start3A_20] : memref<32x384x24x24xf32, #tpu.memory_space<hbm>> -> memref<1x12x24x24xf32, #tpu.memory_space<hbm>>
    %dma_start3A_22 = tpu.memref_squeeze %dma_start3A_21 : memref<1x12x24x24xf32, #tpu.memory_space<hbm>> -> memref<12x24x24xf32, #tpu.memory_space<hbm>>
    tpu.enqueue_dma source(%dma_start3A_22 : memref<12x24x24xf32, #tpu.memory_space<hbm>>) target(%arg6 : memref<12x24x24xf32, #tpu.memory_space<vmem>>) target_semaphore(%arg11 : memref<!tpu.dma_semaphore, #tpu.memory_space<semaphore_mem>>)
    %parallel_loop3A = arith.constant 0 : i32
    %parallel_loop3A_23 = arith.constant 2048 : i32
    %parallel_loop3A_24 = arith.constant 1 : i32
    scf.for %parallel_loop3A_1262 = %parallel_loop3A to %parallel_loop3A_23 step %parallel_loop3A_24  : i32 {
      %parallel_loop3A_1263 = arith.constant 0 : i32
      %parallel_loop3A_1264 = vector.broadcast %parallel_loop3A_1263 : i32 to vector<16xi32>
      %parallel_loop3A_1265 = arith.constant 16 : i32
      %parallel_loop3A_1266 = arith.muli %parallel_loop3A_1262, %parallel_loop3A_1265 : i32
      %parallel_loop3A_1267 = arith.index_cast %parallel_loop3A_1266 : i32 to index
      %parallel_loop3A_1268 = tpu.vector_load %arg9[%parallel_loop3A_1267] {strides = array<i32>} : memref<32768xi32, #tpu.memory_space<vmem>>, vector<16xi32>,
      tpu.vector_store %arg9[%parallel_loop3A_1267], %parallel_loop3A_1264 {strides = array<i32>} : memref<32768xi32, #tpu.memory_space<vmem>>, vector<16xi32>,
    } {sc.loop_unroll_factor = 8 : i64, sc.parallel_access}
    %scan3A = arith.constant 0 : i32
    %scan3A_25 = arith.constant 0 : i32
    %scan3A_26 = arith.constant 16 : i32
    %scan3A_27 = arith.addi %scan3A_25, %scan3A_26 : i32
    %scan3A_28 = arith.constant 1 : i32
    scf.for %scan3A_1262 = %scan3A_25 to %scan3A_27 step %scan3A_28  : i32 {
      %mul3A_1263 = arith.constant 2 : i32
      %mul3A_1264 = arith.muli %scan3A_1262, %mul3A_1263 : i32
      %add3A_1265 = arith.constant 0 : i32
      %add3A_1266 = arith.addi %mul3A_1264, %add3A_1265 : i32
      %mul3A_1267 = arith.constant 12 : i32
      %mul3A_1268 = arith.muli %add3A_1266, %mul3A_1267 : i32
      %dma_wait3A_1269 = arith.constant 0 : i32
      %dma_wait3A_1270 = arith.constant 0 : i32
      %dma_wait3A_1271 = tpu.memref_slice %arg2[%add3A, %mul3A_1268, %dma_wait3A_1269, %dma_wait3A_1270] : memref<32x384x24x24xf32, #tpu.memory_space<hbm>> -> memref<1x12x24x24xf32, #tpu.memory_space<hbm>>
      %dma_wait3A_1272 = tpu.memref_squeeze %dma_wait3A_1271 : memref<1x12x24x24xf32, #tpu.memory_space<hbm>> -> memref<12x24x24xf32, #tpu.memory_space<hbm>>
      %dma_wait3A_1273 = arith.constant 0 : i32
      %dma_wait3A_1274 = arith.constant 0 : i32
      %dma_wait3A_1275 = tpu.memref_slice %arg2[%add3A, %mul3A_1268, %dma_wait3A_1273, %dma_wait3A_1274] : memref<32x384x24x24xf32, #tpu.memory_space<hbm>> -> memref<1x12x24x24xf32, #tpu.memory_space<hbm>>
      %dma_wait3A_1276 = tpu.memref_squeeze %dma_wait3A_1275 : memref<1x12x24x24xf32, #tpu.memory_space<hbm>> -> memref<12x24x24xf32, #tpu.memory_space<hbm>>
      tpu.wait_dma2 semaphore(%arg10 : memref<!tpu.dma_semaphore, #tpu.memory_space<semaphore_mem>>) src(%dma_wait3A_1276 : memref<12x24x24xf32, #tpu.memory_space<hbm>>) dst(%arg5 : memref<12x24x24xf32, #tpu.memory_space<vmem>>)
      %ge3A_1277 = arith.constant 1 : i32
      %ge3A_1278 = arith.cmpi sge, %scan3A_1262, %ge3A_1277 : i32
      %convert_element_type3A = arith.extui %ge3A_1278 : i1 to i32
      %cond3A = arith.constant 0 : i32
      %cond3A_1279 = arith.cmpi ne, %convert_element_type3A, %cond3A : i32
      scf.if %cond3A_1279 {
        %sub3A_1332 = arith.constant 2 : i32
        %sub3A_1333 = arith.subi %add3A_1266, %sub3A_1332 : i32
        %mul3A_1334 = arith.constant 221184 : i32
        %mul3A_1335 = arith.muli %add3A, %mul3A_1334 : i32
        %mul3A_1336 = arith.constant 6912 : i32
        %mul3A_1337 = arith.muli %sub3A_1333, %mul3A_1336 : i32
        %add3A_1338 = arith.addi %mul3A_1335, %mul3A_1337 : i32
        %dma_wait3A_1339 = tpu.memref_slice %arg4[%add3A_1338] : memref<7077888xf32, #tpu.memory_space<hbm>> -> memref<6912xf32, #tpu.memory_space<hbm>>
        %dma_wait3A_1340 = tpu.memref_slice %arg4[%add3A_1338] : memref<7077888xf32, #tpu.memory_space<hbm>> -> memref<6912xf32, #tpu.memory_space<hbm>>
        tpu.wait_dma2 semaphore(%arg12 : memref<!tpu.dma_semaphore, #tpu.memory_space<semaphore_mem>>) src(%arg7 : memref<6912xf32, #tpu.memory_space<vmem>>) dst(%dma_wait3A_1340 : memref<6912xf32, #tpu.memory_space<hbm>>)
      } else {
      }
      %parallel_loop3A_1280 = arith.constant 0 : i32
      %parallel_loop3A_1281 = arith.constant 288 : i32
      %parallel_loop3A_1282 = arith.constant 1 : i32
      scf.for %parallel_loop3A_1332 = %parallel_loop3A_1280 to %parallel_loop3A_1281 step %parallel_loop3A_1282  : i32 {
        %parallel_loop3A_1333 = tpu.memref_reshape %arg5 : memref<12x24x24xf32, #tpu.memory_space<vmem>> -> memref<288x24xf32, #tpu.memory_space<vmem>>
        %parallel_loop3A_1334 = arith.index_cast %parallel_loop3A_1332 : i32 to index
        %parallel_loop3A_1335 = arith.constant 0 : index
        %parallel_loop3A_1336 = tpu.vector_load %parallel_loop3A_1333[%parallel_loop3A_1334, %parallel_loop3A_1335] {strides = array<i32>} : memref<288x24xf32, #tpu.memory_space<vmem>>, vector<16xf32>,
        %parallel_loop3A_1337 = arith.constant 24 : i32
        %parallel_loop3A_1338 = arith.muli %parallel_loop3A_1332, %parallel_loop3A_1337 : i32
        %parallel_loop3A_1339 = arith.constant 0 : i32
        %parallel_loop3A_1340 = arith.addi %parallel_loop3A_1338, %parallel_loop3A_1339 : i32
        %parallel_loop3A_1341 = arith.index_cast %parallel_loop3A_1340 : i32 to index
        %parallel_loop3A_1342 = tpu.vector_load %arg7[%parallel_loop3A_1341] {strides = array<i32>} : memref<6912xf32, #tpu.memory_space<vmem>>, vector<16xf32>,
        tpu.vector_store %arg7[%parallel_loop3A_1341], %parallel_loop3A_1336 {strides = array<i32>} : memref<6912xf32, #tpu.memory_space<vmem>>, vector<16xf32>,
        %parallel_loop3A_1343 = vector.bitcast %parallel_loop3A_1336 : vector<16xf32> to vector<16xi32>
        %parallel_loop3A_1344 = arith.constant 31 : i32
        %parallel_loop3A_1345 = vector.broadcast %parallel_loop3A_1344 : i32 to vector<16xi32>
        %parallel_loop3A_1346 = arith.shrui %parallel_loop3A_1343, %parallel_loop3A_1345 : vector<16xi32>
        %parallel_loop3A_1347 = arith.constant 0 : i32
        %parallel_loop3A_1348 = vector.broadcast %parallel_loop3A_1347 : i32 to vector<16xi32>
        %parallel_loop3A_1349 = arith.subi %parallel_loop3A_1348, %parallel_loop3A_1346 : vector<16xi32>
        %parallel_loop3A_1350 = arith.constant -2147483648 : i32
        %parallel_loop3A_1351 = vector.broadcast %parallel_loop3A_1350 : i32 to vector<16xi32>
        %parallel_loop3A_1352 = arith.ori %parallel_loop3A_1349, %parallel_loop3A_1351 : vector<16xi32>
        %parallel_loop3A_1353 = arith.xori %parallel_loop3A_1343, %parallel_loop3A_1352 : vector<16xi32>
        %parallel_loop3A_1354 = arith.constant 21 : i32
        %parallel_loop3A_1355 = vector.broadcast %parallel_loop3A_1354 : i32 to vector<16xi32>
        %parallel_loop3A_1356 = arith.shrui %parallel_loop3A_1353, %parallel_loop3A_1355 : vector<16xi32>
        %parallel_loop3A_1357 = arith.constant 2047 : i32
        %parallel_loop3A_1358 = vector.broadcast %parallel_loop3A_1357 : i32 to vector<16xi32>
        %parallel_loop3A_1359 = arith.andi %parallel_loop3A_1356, %parallel_loop3A_1358 : vector<16xi32>
        %parallel_loop3A_1360 = arith.constant 16 : i32
        %parallel_loop3A_1361 = vector.broadcast %parallel_loop3A_1360 : i32 to vector<16xi32>
        %parallel_loop3A_1362 = arith.muli %parallel_loop3A_1359, %parallel_loop3A_1361 : vector<16xi32>
        %parallel_loop3A_1363 = arith.addi %parallel_loop3A_1362, %iota3A : vector<16xi32>
        tpu.vector_store_idx %arg9[%parallel_loop3A_1363], %broadcast_in_dim3A_1 {add = true} : memref<32768xi32, #tpu.memory_space<vmem>>[vector<16xi32>], vector<16xi32>,
        %parallel_loop3A_1364 = tpu.memref_reshape %arg5 : memref<12x24x24xf32, #tpu.memory_space<vmem>> -> memref<288x24xf32, #tpu.memory_space<vmem>>
        %parallel_loop3A_1365 = arith.index_cast %parallel_loop3A_1332 : i32 to index
        %parallel_loop3A_1366 = arith.constant 8 : index
        %parallel_loop3A_1367 = tpu.vector_load %parallel_loop3A_1364[%parallel_loop3A_1365, %parallel_loop3A_1366] {strides = array<i32>} : memref<288x24xf32, #tpu.memory_space<vmem>>, vector<16xf32>,
        %parallel_loop3A_1368 = arith.constant 24 : i32
        %parallel_loop3A_1369 = arith.muli %parallel_loop3A_1332, %parallel_loop3A_1368 : i32
        %parallel_loop3A_1370 = arith.constant 8 : i32
        %parallel_loop3A_1371 = arith.addi %parallel_loop3A_1369, %parallel_loop3A_1370 : i32
        %parallel_loop3A_1372 = arith.index_cast %parallel_loop3A_1371 : i32 to index
        %parallel_loop3A_1373 = tpu.vector_load %arg7[%parallel_loop3A_1372] {strides = array<i32>} : memref<6912xf32, #tpu.memory_space<vmem>>, vector<16xf32>,
        tpu.vector_store %arg7[%parallel_loop3A_1372], %parallel_loop3A_1367 {strides = array<i32>} : memref<6912xf32, #tpu.memory_space<vmem>>, vector<16xf32>,
        %parallel_loop3A_1374 = vector.bitcast %parallel_loop3A_1367 : vector<16xf32> to vector<16xi32>
        %parallel_loop3A_1375 = arith.constant 31 : i32
        %parallel_loop3A_1376 = vector.broadcast %parallel_loop3A_1375 : i32 to vector<16xi32>
        %parallel_loop3A_1377 = arith.shrui %parallel_loop3A_1374, %parallel_loop3A_1376 : vector<16xi32>
        %parallel_loop3A_1378 = arith.constant 0 : i32
        %parallel_loop3A_1379 = vector.broadcast %parallel_loop3A_1378 : i32 to vector<16xi32>
        %parallel_loop3A_1380 = arith.subi %parallel_loop3A_1379, %parallel_loop3A_1377 : vector<16xi32>
        %parallel_loop3A_1381 = arith.constant -2147483648 : i32
        %parallel_loop3A_1382 = vector.broadcast %parallel_loop3A_1381 : i32 to vector<16xi32>
        %parallel_loop3A_1383 = arith.ori %parallel_loop3A_1380, %parallel_loop3A_1382 : vector<16xi32>
        %parallel_loop3A_1384 = arith.xori %parallel_loop3A_1374, %parallel_loop3A_1383 : vector<16xi32>
        %parallel_loop3A_1385 = arith.constant 21 : i32
        %parallel_loop3A_1386 = vector.broadcast %parallel_loop3A_1385 : i32 to vector<16xi32>
        %parallel_loop3A_1387 = arith.shrui %parallel_loop3A_1384, %parallel_loop3A_1386 : vector<16xi32>
        %parallel_loop3A_1388 = arith.constant 2047 : i32
        %parallel_loop3A_1389 = vector.broadcast %parallel_loop3A_1388 : i32 to vector<16xi32>
        %parallel_loop3A_1390 = arith.andi %parallel_loop3A_1387, %parallel_loop3A_1389 : vector<16xi32>
        %parallel_loop3A_1391 = arith.constant 16 : i32
        %parallel_loop3A_1392 = vector.broadcast %parallel_loop3A_1391 : i32 to vector<16xi32>
        %parallel_loop3A_1393 = arith.muli %parallel_loop3A_1390, %parallel_loop3A_1392 : vector<16xi32>
        %parallel_loop3A_1394 = arith.addi %parallel_loop3A_1393, %iota3A : vector<16xi32>
        tpu.vector_store_idx %arg9[%parallel_loop3A_1394], %broadcast_in_dim3A_1 masked %ge3A_3 {add = true} : memref<32768xi32, #tpu.memory_space<vmem>>[vector<16xi32>], vector<16xi32>, vector<16xi1>
      } {sc.loop_unroll_factor = 8 : i64, sc.parallel_access}
      %add3A_1283 = arith.constant 2 : i32
      %add3A_1284 = arith.addi %add3A_1266, %add3A_1283 : i32
      %lt3A = arith.constant 32 : i32
      %lt3A_1285 = arith.cmpi slt, %add3A_1284, %lt3A : i32
      %convert_element_type3A_1286 = arith.extui %lt3A_1285 : i1 to i32
      %cond3A_1287 = arith.constant 0 : i32
      %cond3A_1288 = arith.cmpi ne, %convert_element_type3A_1286, %cond3A_1287 : i32
      scf.if %cond3A_1288 {
        %add3A_1332 = arith.constant 2 : i32
        %add3A_1333 = arith.addi %add3A_1266, %add3A_1332 : i32
        %mul3A_1334 = arith.constant 12 : i32
        %mul3A_1335 = arith.muli %add3A_1333, %mul3A_1334 : i32
        %dma_start3A_1336 = arith.constant 0 : i32
        %dma_start3A_1337 = arith.constant 0 : i32
        %dma_start3A_1338 = tpu.memref_slice %arg2[%add3A, %mul3A_1335, %dma_start3A_1336, %dma_start3A_1337] : memref<32x384x24x24xf32, #tpu.memory_space<hbm>> -> memref<1x12x24x24xf32, #tpu.memory_space<hbm>>
        %dma_start3A_1339 = tpu.memref_squeeze %dma_start3A_1338 : memref<1x12x24x24xf32, #tpu.memory_space<hbm>> -> memref<12x24x24xf32, #tpu.memory_space<hbm>>
        %dma_start3A_1340 = arith.constant 0 : i32
        %dma_start3A_1341 = arith.constant 0 : i32
        %dma_start3A_1342 = tpu.memref_slice %arg2[%add3A, %mul3A_1335, %dma_start3A_1340, %dma_start3A_1341] : memref<32x384x24x24xf32, #tpu.memory_space<hbm>> -> memref<1x12x24x24xf32, #tpu.memory_space<hbm>>
        %dma_start3A_1343 = tpu.memref_squeeze %dma_start3A_1342 : memref<1x12x24x24xf32, #tpu.memory_space<hbm>> -> memref<12x24x24xf32, #tpu.memory_space<hbm>>
        tpu.enqueue_dma source(%dma_start3A_1343 : memref<12x24x24xf32, #tpu.memory_space<hbm>>) target(%arg5 : memref<12x24x24xf32, #tpu.memory_space<vmem>>) target_semaphore(%arg10 : memref<!tpu.dma_semaphore, #tpu.memory_space<semaphore_mem>>)
      } else {
      }
      %mul3A_1289 = arith.constant 221184 : i32
      %mul3A_1290 = arith.muli %add3A, %mul3A_1289 : i32
      %mul3A_1291 = arith.constant 6912 : i32
      %mul3A_1292 = arith.muli %add3A_1266, %mul3A_1291 : i32
      %add3A_1293 = arith.addi %mul3A_1290, %mul3A_1292 : i32
      %dma_start3A_1294 = tpu.memref_slice %arg4[%add3A_1293] : memref<7077888xf32, #tpu.memory_space<hbm>> -> memref<6912xf32, #tpu.memory_space<hbm>>
      %dma_start3A_1295 = tpu.memref_slice %arg4[%add3A_1293] : memref<7077888xf32, #tpu.memory_space<hbm>> -> memref<6912xf32, #tpu.memory_space<hbm>>
      tpu.enqueue_dma source(%arg7 : memref<6912xf32, #tpu.memory_space<vmem>>) target(%dma_start3A_1295 : memref<6912xf32, #tpu.memory_space<hbm>>) target_semaphore(%arg12 : memref<!tpu.dma_semaphore, #tpu.memory_space<semaphore_mem>>)
      %mul3A_1296 = arith.constant 2 : i32
      %mul3A_1297 = arith.muli %scan3A_1262, %mul3A_1296 : i32
      %add3A_1298 = arith.constant 1 : i32
      %add3A_1299 = arith.addi %mul3A_1297, %add3A_1298 : i32
      %mul3A_1300 = arith.constant 12 : i32
      %mul3A_1301 = arith.muli %add3A_1299, %mul3A_1300 : i32
      %dma_wait3A_1302 = arith.constant 0 : i32
      %dma_wait3A_1303 = arith.constant 0 : i32
      %dma_wait3A_1304 = tpu.memref_slice %arg2[%add3A, %mul3A_1301, %dma_wait3A_1302, %dma_wait3A_1303] : memref<32x384x24x24xf32, #tpu.memory_space<hbm>> -> memref<1x12x24x24xf32, #tpu.memory_space<hbm>>
      %dma_wait3A_1305 = tpu.memref_squeeze %dma_wait3A_1304 : memref<1x12x24x24xf32, #tpu.memory_space<hbm>> -> memref<12x24x24xf32, #tpu.memory_space<hbm>>
      %dma_wait3A_1306 = arith.constant 0 : i32
      %dma_wait3A_1307 = arith.constant 0 : i32
      %dma_wait3A_1308 = tpu.memref_slice %arg2[%add3A, %mul3A_1301, %dma_wait3A_1306, %dma_wait3A_1307] : memref<32x384x24x24xf32, #tpu.memory_space<hbm>> -> memref<1x12x24x24xf32, #tpu.memory_space<hbm>>
      %dma_wait3A_1309 = tpu.memref_squeeze %dma_wait3A_1308 : memref<1x12x24x24xf32, #tpu.memory_space<hbm>> -> memref<12x24x24xf32, #tpu.memory_space<hbm>>
      tpu.wait_dma2 semaphore(%arg11 : memref<!tpu.dma_semaphore, #tpu.memory_space<semaphore_mem>>) src(%dma_wait3A_1309 : memref<12x24x24xf32, #tpu.memory_space<hbm>>) dst(%arg6 : memref<12x24x24xf32, #tpu.memory_space<vmem>>)
      %ge3A_1310 = arith.constant 1 : i32
      %ge3A_1311 = arith.cmpi sge, %scan3A_1262, %ge3A_1310 : i32
      %convert_element_type3A_1312 = arith.extui %ge3A_1311 : i1 to i32
      %cond3A_1313 = arith.constant 0 : i32
      %cond3A_1314 = arith.cmpi ne, %convert_element_type3A_1312, %cond3A_1313 : i32
      scf.if %cond3A_1314 {
        %sub3A_1332 = arith.constant 2 : i32
        %sub3A_1333 = arith.subi %add3A_1299, %sub3A_1332 : i32
        %mul3A_1334 = arith.constant 221184 : i32
        %mul3A_1335 = arith.muli %add3A, %mul3A_1334 : i32
        %mul3A_1336 = arith.constant 6912 : i32
        %mul3A_1337 = arith.muli %sub3A_1333, %mul3A_1336 : i32
        %add3A_1338 = arith.addi %mul3A_1335, %mul3A_1337 : i32
        %dma_wait3A_1339 = tpu.memref_slice %arg4[%add3A_1338] : memref<7077888xf32, #tpu.memory_space<hbm>> -> memref<6912xf32, #tpu.memory_space<hbm>>
        %dma_wait3A_1340 = tpu.memref_slice %arg4[%add3A_1338] : memref<7077888xf32, #tpu.memory_space<hbm>> -> memref<6912xf32, #tpu.memory_space<hbm>>
        tpu.wait_dma2 semaphore(%arg13 : memref<!tpu.dma_semaphore, #tpu.memory_space<semaphore_mem>>) src(%arg8 : memref<6912xf32, #tpu.memory_space<vmem>>) dst(%dma_wait3A_1340 : memref<6912xf32, #tpu.memory_space<hbm>>)
      } else {
      }
      %parallel_loop3A_1315 = arith.constant 0 : i32
      %parallel_loop3A_1316 = arith.constant 288 : i32
      %parallel_loop3A_1317 = arith.constant 1 : i32
      scf.for %parallel_loop3A_1332 = %parallel_loop3A_1315 to %parallel_loop3A_1316 step %parallel_loop3A_1317  : i32 {
        %parallel_loop3A_1333 = tpu.memref_reshape %arg6 : memref<12x24x24xf32, #tpu.memory_space<vmem>> -> memref<288x24xf32, #tpu.memory_space<vmem>>
        %parallel_loop3A_1334 = arith.index_cast %parallel_loop3A_1332 : i32 to index
        %parallel_loop3A_1335 = arith.constant 0 : index
        %parallel_loop3A_1336 = tpu.vector_load %parallel_loop3A_1333[%parallel_loop3A_1334, %parallel_loop3A_1335] {strides = array<i32>} : memref<288x24xf32, #tpu.memory_space<vmem>>, vector<16xf32>,
        %parallel_loop3A_1337 = arith.constant 24 : i32
        %parallel_loop3A_1338 = arith.muli %parallel_loop3A_1332, %parallel_loop3A_1337 : i32
        %parallel_loop3A_1339 = arith.constant 0 : i32
        %parallel_loop3A_1340 = arith.addi %parallel_loop3A_1338, %parallel_loop3A_1339 : i32
        %parallel_loop3A_1341 = arith.index_cast %parallel_loop3A_1340 : i32 to index
        %parallel_loop3A_1342 = tpu.vector_load %arg8[%parallel_loop3A_1341] {strides = array<i32>} : memref<6912xf32, #tpu.memory_space<vmem>>, vector<16xf32>,
        tpu.vector_store %arg8[%parallel_loop3A_1341], %parallel_loop3A_1336 {strides = array<i32>} : memref<6912xf32, #tpu.memory_space<vmem>>, vector<16xf32>,
        %parallel_loop3A_1343 = vector.bitcast %parallel_loop3A_1336 : vector<16xf32> to vector<16xi32>
        %parallel_loop3A_1344 = arith.constant 31 : i32
        %parallel_loop3A_1345 = vector.broadcast %parallel_loop3A_1344 : i32 to vector<16xi32>
        %parallel_loop3A_1346 = arith.shrui %parallel_loop3A_1343, %parallel_loop3A_1345 : vector<16xi32>
        %parallel_loop3A_1347 = arith.constant 0 : i32
        %parallel_loop3A_1348 = vector.broadcast %parallel_loop3A_1347 : i32 to vector<16xi32>
        %parallel_loop3A_1349 = arith.subi %parallel_loop3A_1348, %parallel_loop3A_1346 : vector<16xi32>
        %parallel_loop3A_1350 = arith.constant -2147483648 : i32
        %parallel_loop3A_1351 = vector.broadcast %parallel_loop3A_1350 : i32 to vector<16xi32>
        %parallel_loop3A_1352 = arith.ori %parallel_loop3A_1349, %parallel_loop3A_1351 : vector<16xi32>
        %parallel_loop3A_1353 = arith.xori %parallel_loop3A_1343, %parallel_loop3A_1352 : vector<16xi32>
        %parallel_loop3A_1354 = arith.constant 21 : i32
        %parallel_loop3A_1355 = vector.broadcast %parallel_loop3A_1354 : i32 to vector<16xi32>
        %parallel_loop3A_1356 = arith.shrui %parallel_loop3A_1353, %parallel_loop3A_1355 : vector<16xi32>
        %parallel_loop3A_1357 = arith.constant 2047 : i32
        %parallel_loop3A_1358 = vector.broadcast %parallel_loop3A_1357 : i32 to vector<16xi32>
        %parallel_loop3A_1359 = arith.andi %parallel_loop3A_1356, %parallel_loop3A_1358 : vector<16xi32>
        %parallel_loop3A_1360 = arith.constant 16 : i32
        %parallel_loop3A_1361 = vector.broadcast %parallel_loop3A_1360 : i32 to vector<16xi32>
        %parallel_loop3A_1362 = arith.muli %parallel_loop3A_1359, %parallel_loop3A_1361 : vector<16xi32>
        %parallel_loop3A_1363 = arith.addi %parallel_loop3A_1362, %iota3A : vector<16xi32>
        tpu.vector_store_idx %arg9[%parallel_loop3A_1363], %broadcast_in_dim3A_1 {add = true} : memref<32768xi32, #tpu.memory_space<vmem>>[vector<16xi32>], vector<16xi32>,
        %parallel_loop3A_1364 = tpu.memref_reshape %arg6 : memref<12x24x24xf32, #tpu.memory_space<vmem>> -> memref<288x24xf32, #tpu.memory_space<vmem>>
        %parallel_loop3A_1365 = arith.index_cast %parallel_loop3A_1332 : i32 to index
        %parallel_loop3A_1366 = arith.constant 8 : index
        %parallel_loop3A_1367 = tpu.vector_load %parallel_loop3A_1364[%parallel_loop3A_1365, %parallel_loop3A_1366] {strides = array<i32>} : memref<288x24xf32, #tpu.memory_space<vmem>>, vector<16xf32>,
        %parallel_loop3A_1368 = arith.constant 24 : i32
        %parallel_loop3A_1369 = arith.muli %parallel_loop3A_1332, %parallel_loop3A_1368 : i32
        %parallel_loop3A_1370 = arith.constant 8 : i32
        %parallel_loop3A_1371 = arith.addi %parallel_loop3A_1369, %parallel_loop3A_1370 : i32
        %parallel_loop3A_1372 = arith.index_cast %parallel_loop3A_1371 : i32 to index
        %parallel_loop3A_1373 = tpu.vector_load %arg8[%parallel_loop3A_1372] {strides = array<i32>} : memref<6912xf32, #tpu.memory_space<vmem>>, vector<16xf32>,
        tpu.vector_store %arg8[%parallel_loop3A_1372], %parallel_loop3A_1367 {strides = array<i32>} : memref<6912xf32, #tpu.memory_space<vmem>>, vector<16xf32>,
        %parallel_loop3A_1374 = vector.bitcast %parallel_loop3A_1367 : vector<16xf32> to vector<16xi32>
        %parallel_loop3A_1375 = arith.constant 31 : i32
        %parallel_loop3A_1376 = vector.broadcast %parallel_loop3A_1375 : i32 to vector<16xi32>
        %parallel_loop3A_1377 = arith.shrui %parallel_loop3A_1374, %parallel_loop3A_1376 : vector<16xi32>
        %parallel_loop3A_1378 = arith.constant 0 : i32
        %parallel_loop3A_1379 = vector.broadcast %parallel_loop3A_1378 : i32 to vector<16xi32>
        %parallel_loop3A_1380 = arith.subi %parallel_loop3A_1379, %parallel_loop3A_1377 : vector<16xi32>
        %parallel_loop3A_1381 = arith.constant -2147483648 : i32
        %parallel_loop3A_1382 = vector.broadcast %parallel_loop3A_1381 : i32 to vector<16xi32>
        %parallel_loop3A_1383 = arith.ori %parallel_loop3A_1380, %parallel_loop3A_1382 : vector<16xi32>
        %parallel_loop3A_1384 = arith.xori %parallel_loop3A_1374, %parallel_loop3A_1383 : vector<16xi32>
        %parallel_loop3A_1385 = arith.constant 21 : i32
        %parallel_loop3A_1386 = vector.broadcast %parallel_loop3A_1385 : i32 to vector<16xi32>
        %parallel_loop3A_1387 = arith.shrui %parallel_loop3A_1384, %parallel_loop3A_1386 : vector<16xi32>
        %parallel_loop3A_1388 = arith.constant 2047 : i32
        %parallel_loop3A_1389 = vector.broadcast %parallel_loop3A_1388 : i32 to vector<16xi32>
        %parallel_loop3A_1390 = arith.andi %parallel_loop3A_1387, %parallel_loop3A_1389 : vector<16xi32>
        %parallel_loop3A_1391 = arith.constant 16 : i32
        %parallel_loop3A_1392 = vector.broadcast %parallel_loop3A_1391 : i32 to vector<16xi32>
        %parallel_loop3A_1393 = arith.muli %parallel_loop3A_1390, %parallel_loop3A_1392 : vector<16xi32>
        %parallel_loop3A_1394 = arith.addi %parallel_loop3A_1393, %iota3A : vector<16xi32>
        tpu.vector_store_idx %arg9[%parallel_loop3A_1394], %broadcast_in_dim3A_1 masked %ge3A_3 {add = true} : memref<32768xi32, #tpu.memory_space<vmem>>[vector<16xi32>], vector<16xi32>, vector<16xi1>
      } {sc.loop_unroll_factor = 8 : i64, sc.parallel_access}
      %add3A_1318 = arith.constant 2 : i32
      %add3A_1319 = arith.addi %add3A_1299, %add3A_1318 : i32
      %lt3A_1320 = arith.constant 32 : i32
      %lt3A_1321 = arith.cmpi slt, %add3A_1319, %lt3A_1320 : i32
      %convert_element_type3A_1322 = arith.extui %lt3A_1321 : i1 to i32
      %cond3A_1323 = arith.constant 0 : i32
      %cond3A_1324 = arith.cmpi ne, %convert_element_type3A_1322, %cond3A_1323 : i32
      scf.if %cond3A_1324 {
        %add3A_1332 = arith.constant 2 : i32
        %add3A_1333 = arith.addi %add3A_1299, %add3A_1332 : i32
        %mul3A_1334 = arith.constant 12 : i32
        %mul3A_1335 = arith.muli %add3A_1333, %mul3A_1334 : i32
        %dma_start3A_1336 = arith.constant 0 : i32
        %dma_start3A_1337 = arith.constant 0 : i32
        %dma_start3A_1338 = tpu.memref_slice %arg2[%add3A, %mul3A_1335, %dma_start3A_1336, %dma_start3A_1337] : memref<32x384x24x24xf32, #tpu.memory_space<hbm>> -> memref<1x12x24x24xf32, #tpu.memory_space<hbm>>
        %dma_start3A_1339 = tpu.memref_squeeze %dma_start3A_1338 : memref<1x12x24x24xf32, #tpu.memory_space<hbm>> -> memref<12x24x24xf32, #tpu.memory_space<hbm>>
        %dma_start3A_1340 = arith.constant 0 : i32
        %dma_start3A_1341 = arith.constant 0 : i32
        %dma_start3A_1342 = tpu.memref_slice %arg2[%add3A, %mul3A_1335, %dma_start3A_1340, %dma_start3A_1341] : memref<32x384x24x24xf32, #tpu.memory_space<hbm>> -> memref<1x12x24x24xf32, #tpu.memory_space<hbm>>
        %dma_start3A_1343 = tpu.memref_squeeze %dma_start3A_1342 : memref<1x12x24x24xf32, #tpu.memory_space<hbm>> -> memref<12x24x24xf32, #tpu.memory_space<hbm>>
        tpu.enqueue_dma source(%dma_start3A_1343 : memref<12x24x24xf32, #tpu.memory_space<hbm>>) target(%arg6 : memref<12x24x24xf32, #tpu.memory_space<vmem>>) target_semaphore(%arg11 : memref<!tpu.dma_semaphore, #tpu.memory_space<semaphore_mem>>)
      } else {
      }
      %mul3A_1325 = arith.constant 221184 : i32
      %mul3A_1326 = arith.muli %add3A, %mul3A_1325 : i32
      %mul3A_1327 = arith.constant 6912 : i32
      %mul3A_1328 = arith.muli %add3A_1299, %mul3A_1327 : i32
      %add3A_1329 = arith.addi %mul3A_1326, %mul3A_1328 : i32
      %dma_start3A_1330 = tpu.memref_slice %arg4[%add3A_1329] : memref<7077888xf32, #tpu.memory_space<hbm>> -> memref<6912xf32, #tpu.memory_space<hbm>>
      %dma_start3A_1331 = tpu.memref_slice %arg4[%add3A_1329] : memref<7077888xf32, #tpu.memory_space<hbm>> -> memref<6912xf32, #tpu.memory_space<hbm>>
      tpu.enqueue_dma source(%arg8 : memref<6912xf32, #tpu.memory_space<vmem>>) target(%dma_start3A_1331 : memref<6912xf32, #tpu.memory_space<hbm>>) target_semaphore(%arg13 : memref<!tpu.dma_semaphore, #tpu.memory_space<semaphore_mem>>)
    }
    %scan3A_29 = arith.constant 16 : i32
    %mul3A_30 = arith.constant 221184 : i32
    %mul3A_31 = arith.muli %add3A, %mul3A_30 : i32
    %add3A_32 = arith.constant 207360 : i32
    %add3A_33 = arith.addi %mul3A_31, %add3A_32 : i32
    %dma_wait3A = tpu.memref_slice %arg4[%add3A_33] : memref<7077888xf32, #tpu.memory_space<hbm>> -> memref<6912xf32, #tpu.memory_space<hbm>>
    %dma_wait3A_34 = tpu.memref_slice %arg4[%add3A_33] : memref<7077888xf32, #tpu.memory_space<hbm>> -> memref<6912xf32, #tpu.memory_space<hbm>>
    tpu.wait_dma2 semaphore(%arg12 : memref<!tpu.dma_semaphore, #tpu.memory_space<semaphore_mem>>) src(%arg7 : memref<6912xf32, #tpu.memory_space<vmem>>) dst(%dma_wait3A_34 : memref<6912xf32, #tpu.memory_space<hbm>>)
    %mul3A_35 = arith.constant 221184 : i32
    %mul3A_36 = arith.muli %add3A, %mul3A_35 : i32
    %add3A_37 = arith.constant 214272 : i32
    %add3A_38 = arith.addi %mul3A_36, %add3A_37 : i32
    %dma_wait3A_39 = tpu.memref_slice %arg4[%add3A_38] : memref<7077888xf32, #tpu.memory_space<hbm>> -> memref<6912xf32, #tpu.memory_space<hbm>>
    %dma_wait3A_40 = tpu.memref_slice %arg4[%add3A_38] : memref<7077888xf32, #tpu.memory_space<hbm>> -> memref<6912xf32, #tpu.memory_space<hbm>>
    tpu.wait_dma2 semaphore(%arg13 : memref<!tpu.dma_semaphore, #tpu.memory_space<semaphore_mem>>) src(%arg8 : memref<6912xf32, #tpu.memory_space<vmem>>) dst(%dma_wait3A_40 : memref<6912xf32, #tpu.memory_space<hbm>>)
    %scan3A_41 = arith.constant 110592 : i32
    %scan3A_42 = arith.constant 0 : i32
    %scan3A_43 = arith.constant 0 : i32
    %scan3A_44 = arith.constant 0 : i32
    %scan3A_45 = arith.constant 0 : i32
    %scan3A_46 = arith.constant 0 : i32
    %scan3A_47 = arith.constant 128 : i32
    %scan3A_48 = arith.addi %scan3A_46, %scan3A_47 : i32
    %scan3A_49 = arith.constant 1 : i32
    %scan3A_50:4 = scf.for %scan3A_1262 = %scan3A_46 to %scan3A_48 step %scan3A_49 iter_args(%scan3A_1263 = %scan3A_42, %scan3A_1264 = %scan3A_43, %scan3A_1265 = %scan3A_44, %scan3A_1266 = %scan3A_45) -> (i32, i32, i32, i32)  : i32 {
      %sub3A_1267 = arith.constant 127 : i32
      %sub3A_1268 = arith.subi %sub3A_1267, %scan3A_1262 : i32
      %broadcast_in_dim3A_1269 = arith.constant 0 : i32
      %broadcast_in_dim3A_1270 = vector.broadcast %broadcast_in_dim3A_1269 : i32 to vector<16xi32>
      %mul3A_1271 = arith.constant 16 : i32
      %mul3A_1272 = arith.muli %sub3A_1268, %mul3A_1271 : i32
      %add3A_1273 = arith.constant 0 : i32
      %add3A_1274 = arith.addi %mul3A_1272, %add3A_1273 : i32
      %mul3A_1275 = arith.constant 16 : i32
      %mul3A_1276 = arith.muli %add3A_1274, %mul3A_1275 : i32
      %get3A_1277 = arith.index_cast %mul3A_1276 : i32 to index
      %get3A_1278 = tpu.vector_load %arg9[%get3A_1277] {strides = array<i32>} : memref<32768xi32, #tpu.memory_space<vmem>>, vector<16xi32>,
      %add3A_1279 = arith.addi %broadcast_in_dim3A_1270, %get3A_1278 : vector<16xi32>
      %mul3A_1280 = arith.constant 16 : i32
      %mul3A_1281 = arith.muli %sub3A_1268, %mul3A_1280 : i32
      %add3A_1282 = arith.constant 1 : i32
      %add3A_1283 = arith.addi %mul3A_1281, %add3A_1282 : i32
      %mul3A_1284 = arith.constant 16 : i32
      %mul3A_1285 = arith.muli %add3A_1283, %mul3A_1284 : i32
      %get3A_1286 = arith.index_cast %mul3A_1285 : i32 to index
      %get3A_1287 = tpu.vector_load %arg9[%get3A_1286] {strides = array<i32>} : memref<32768xi32, #tpu.memory_space<vmem>>, vector<16xi32>,
      %add3A_1288 = arith.addi %add3A_1279, %get3A_1287 : vector<16xi32>
      %mul3A_1289 = arith.constant 16 : i32
      %mul3A_1290 = arith.muli %sub3A_1268, %mul3A_1289 : i32
      %add3A_1291 = arith.constant 2 : i32
      %add3A_1292 = arith.addi %mul3A_1290, %add3A_1291 : i32
      %mul3A_1293 = arith.constant 16 : i32
      %mul3A_1294 = arith.muli %add3A_1292, %mul3A_1293 : i32
      %get3A_1295 = arith.index_cast %mul3A_1294 : i32 to index
      %get3A_1296 = tpu.vector_load %arg9[%get3A_1295] {strides = array<i32>} : memref<32768xi32, #tpu.memory_space<vmem>>, vector<16xi32>,
      %add3A_1297 = arith.addi %add3A_1288, %get3A_1296 : vector<16xi32>
      %mul3A_1298 = arith.constant 16 : i32
      %mul3A_1299 = arith.muli %sub3A_1268, %mul3A_1298 : i32
      %add3A_1300 = arith.constant 3 : i32
      %add3A_1301 = arith.addi %mul3A_1299, %add3A_1300 : i32
      %mul3A_1302 = arith.constant 16 : i32
      %mul3A_1303 = arith.muli %add3A_1301, %mul3A_1302 : i32
      %get3A_1304 = arith.index_cast %mul3A_1303 : i32 to index
      %get3A_1305 = tpu.vector_load %arg9[%get3A_1304] {strides = array<i32>} : memref<32768xi32, #tpu.memory_space<vmem>>, vector<16xi32>,
      %add3A_1306 = arith.addi %add3A_1297, %get3A_1305 : vector<16xi32>
      %mul3A_1307 = arith.constant 16 : i32
      %mul3A_1308 = arith.muli %sub3A_1268, %mul3A_1307 : i32
      %add3A_1309 = arith.constant 4 : i32
      %add3A_1310 = arith.addi %mul3A_1308, %add3A_1309 : i32
      %mul3A_1311 = arith.constant 16 : i32
      %mul3A_1312 = arith.muli %add3A_1310, %mul3A_1311 : i32
      %get3A_1313 = arith.index_cast %mul3A_1312 : i32 to index
      %get3A_1314 = tpu.vector_load %arg9[%get3A_1313] {strides = array<i32>} : memref<32768xi32, #tpu.memory_space<vmem>>, vector<16xi32>,
      %add3A_1315 = arith.addi %add3A_1306, %get3A_1314 : vector<16xi32>
      %mul3A_1316 = arith.constant 16 : i32
      %mul3A_1317 = arith.muli %sub3A_1268, %mul3A_1316 : i32
      %add3A_1318 = arith.constant 5 : i32
      %add3A_1319 = arith.addi %mul3A_1317, %add3A_1318 : i32
      %mul3A_1320 = arith.constant 16 : i32
      %mul3A_1321 = arith.muli %add3A_1319, %mul3A_1320 : i32
      %get3A_1322 = arith.index_cast %mul3A_1321 : i32 to index
      %get3A_1323 = tpu.vector_load %arg9[%get3A_1322] {strides = array<i32>} : memref<32768xi32, #tpu.memory_space<vmem>>, vector<16xi32>,
      %add3A_1324 = arith.addi %add3A_1315, %get3A_1323 : vector<16xi32>
      %mul3A_1325 = arith.constant 16 : i32
      %mul3A_1326 = arith.muli %sub3A_1268, %mul3A_1325 : i32
      %add3A_1327 = arith.constant 6 : i32
      %add3A_1328 = arith.addi %mul3A_1326, %add3A_1327 : i32
      %mul3A_1329 = arith.constant 16 : i32
      %mul3A_1330 = arith.muli %add3A_1328, %mul3A_1329 : i32
      %get3A_1331 = arith.index_cast %mul3A_1330 : i32 to index
      %get3A_1332 = tpu.vector_load %arg9[%get3A_1331] {strides = array<i32>} : memref<32768xi32, #tpu.memory_space<vmem>>, vector<16xi32>,
      %add3A_1333 = arith.addi %add3A_1324, %get3A_1332 : vector<16xi32>
      %mul3A_1334 = arith.constant 16 : i32
      %mul3A_1335 = arith.muli %sub3A_1268, %mul3A_1334 : i32
      %add3A_1336 = arith.constant 7 : i32
      %add3A_1337 = arith.addi %mul3A_1335, %add3A_1336 : i32
      %mul3A_1338 = arith.constant 16 : i32
      %mul3A_1339 = arith.muli %add3A_1337, %mul3A_1338 : i32
      %get3A_1340 = arith.index_cast %mul3A_1339 : i32 to index
      %get3A_1341 = tpu.vector_load %arg9[%get3A_1340] {strides = array<i32>} : memref<32768xi32, #tpu.memory_space<vmem>>, vector<16xi32>,
      %add3A_1342 = arith.addi %add3A_1333, %get3A_1341 : vector<16xi32>
      %mul3A_1343 = arith.constant 16 : i32
      %mul3A_1344 = arith.muli %sub3A_1268, %mul3A_1343 : i32
      %add3A_1345 = arith.constant 8 : i32
      %add3A_1346 = arith.addi %mul3A_1344, %add3A_1345 : i32
      %mul3A_1347 = arith.constant 16 : i32
      %mul3A_1348 = arith.muli %add3A_1346, %mul3A_1347 : i32
      %get3A_1349 = arith.index_cast %mul3A_1348 : i32 to index
      %get3A_1350 = tpu.vector_load %arg9[%get3A_1349] {strides = array<i32>} : memref<32768xi32, #tpu.memory_space<vmem>>, vector<16xi32>,
      %add3A_1351 = arith.addi %add3A_1342, %get3A_1350 : vector<16xi32>
      %mul3A_1352 = arith.constant 16 : i32
      %mul3A_1353 = arith.muli %sub3A_1268, %mul3A_1352 : i32
      %add3A_1354 = arith.constant 9 : i32
      %add3A_1355 = arith.addi %mul3A_1353, %add3A_1354 : i32
      %mul3A_1356 = arith.constant 16 : i32
      %mul3A_1357 = arith.muli %add3A_1355, %mul3A_1356 : i32
      %get3A_1358 = arith.index_cast %mul3A_1357 : i32 to index
      %get3A_1359 = tpu.vector_load %arg9[%get3A_1358] {strides = array<i32>} : memref<32768xi32, #tpu.memory_space<vmem>>, vector<16xi32>,
      %add3A_1360 = arith.addi %add3A_1351, %get3A_1359 : vector<16xi32>
      %mul3A_1361 = arith.constant 16 : i32
      %mul3A_1362 = arith.muli %sub3A_1268, %mul3A_1361 : i32
      %add3A_1363 = arith.constant 10 : i32
      %add3A_1364 = arith.addi %mul3A_1362, %add3A_1363 : i32
      %mul3A_1365 = arith.constant 16 : i32
      %mul3A_1366 = arith.muli %add3A_1364, %mul3A_1365 : i32
      %get3A_1367 = arith.index_cast %mul3A_1366 : i32 to index
      %get3A_1368 = tpu.vector_load %arg9[%get3A_1367] {strides = array<i32>} : memref<32768xi32, #tpu.memory_space<vmem>>, vector<16xi32>,
      %add3A_1369 = arith.addi %add3A_1360, %get3A_1368 : vector<16xi32>
      %mul3A_1370 = arith.constant 16 : i32
      %mul3A_1371 = arith.muli %sub3A_1268, %mul3A_1370 : i32
      %add3A_1372 = arith.constant 11 : i32
      %add3A_1373 = arith.addi %mul3A_1371, %add3A_1372 : i32
      %mul3A_1374 = arith.constant 16 : i32
      %mul3A_1375 = arith.muli %add3A_1373, %mul3A_1374 : i32
      %get3A_1376 = arith.index_cast %mul3A_1375 : i32 to index
      %get3A_1377 = tpu.vector_load %arg9[%get3A_1376] {strides = array<i32>} : memref<32768xi32, #tpu.memory_space<vmem>>, vector<16xi32>,
      %add3A_1378 = arith.addi %add3A_1369, %get3A_1377 : vector<16xi32>
      %mul3A_1379 = arith.constant 16 : i32
      %mul3A_1380 = arith.muli %sub3A_1268, %mul3A_1379 : i32
      %add3A_1381 = arith.constant 12 : i32
      %add3A_1382 = arith.addi %mul3A_1380, %add3A_1381 : i32
      %mul3A_1383 = arith.constant 16 : i32
      %mul3A_1384 = arith.muli %add3A_1382, %mul3A_1383 : i32
      %get3A_1385 = arith.index_cast %mul3A_1384 : i32 to index
      %get3A_1386 = tpu.vector_load %arg9[%get3A_1385] {strides = array<i32>} : memref<32768xi32, #tpu.memory_space<vmem>>, vector<16xi32>,
      %add3A_1387 = arith.addi %add3A_1378, %get3A_1386 : vector<16xi32>
      %mul3A_1388 = arith.constant 16 : i32
      %mul3A_1389 = arith.muli %sub3A_1268, %mul3A_1388 : i32
      %add3A_1390 = arith.constant 13 : i32
      %add3A_1391 = arith.addi %mul3A_1389, %add3A_1390 : i32
      %mul3A_1392 = arith.constant 16 : i32
      %mul3A_1393 = arith.muli %add3A_1391, %mul3A_1392 : i32
      %get3A_1394 = arith.index_cast %mul3A_1393 : i32 to index
      %get3A_1395 = tpu.vector_load %arg9[%get3A_1394] {strides = array<i32>} : memref<32768xi32, #tpu.memory_space<vmem>>, vector<16xi32>,
      %add3A_1396 = arith.addi %add3A_1387, %get3A_1395 : vector<16xi32>
      %mul3A_1397 = arith.constant 16 : i32
      %mul3A_1398 = arith.muli %sub3A_1268, %mul3A_1397 : i32
      %add3A_1399 = arith.constant 14 : i32
      %add3A_1400 = arith.addi %mul3A_1398, %add3A_1399 : i32
      %mul3A_1401 = arith.constant 16 : i32
      %mul3A_1402 = arith.muli %add3A_1400, %mul3A_1401 : i32
      %get3A_1403 = arith.index_cast %mul3A_1402 : i32 to index
      %get3A_1404 = tpu.vector_load %arg9[%get3A_1403] {strides = array<i32>} : memref<32768xi32, #tpu.memory_space<vmem>>, vector<16xi32>,
      %add3A_1405 = arith.addi %add3A_1396, %get3A_1404 : vector<16xi32>
      %mul3A_1406 = arith.constant 16 : i32
      %mul3A_1407 = arith.muli %sub3A_1268, %mul3A_1406 : i32
      %add3A_1408 = arith.constant 15 : i32
      %add3A_1409 = arith.addi %mul3A_1407, %add3A_1408 : i32
      %mul3A_1410 = arith.constant 16 : i32
      %mul3A_1411 = arith.muli %add3A_1409, %mul3A_1410 : i32
      %get3A_1412 = arith.index_cast %mul3A_1411 : i32 to index
      %get3A_1413 = tpu.vector_load %arg9[%get3A_1412] {strides = array<i32>} : memref<32768xi32, #tpu.memory_space<vmem>>, vector<16xi32>,
      %add3A_1414 = arith.addi %add3A_1405, %get3A_1413 : vector<16xi32>
      %reduce_sum3A_1415 = arith.constant true
      %reduce_sum3A_1416 = vector.broadcast %reduce_sum3A_1415 : i1 to vector<16xi1>
      %reduce_sum3A_1417 = tpu.scan <sum>, %add3A_1414 masked %reduce_sum3A_1416 : vector<16xi32>, vector<16xi1> -> vector<16xi32>
      %reduce_sum3A_1418 = vector.extract %reduce_sum3A_1417[15] : i32 from vector<16xi32>
      %add3A_1419 = arith.addi %scan3A_1263, %reduce_sum3A_1418 : i32
      %eq3A_1420 = arith.constant 0 : i32
      %eq3A_1421 = arith.cmpi eq, %scan3A_1266, %eq3A_1420 : i32
      %ge3A_1422 = arith.cmpi sge, %add3A_1419, %scan3A_41 : i32
      %and3A_1423 = arith.andi %eq3A_1421, %ge3A_1422 : i1
      %select_n3A_1424 = arith.select %and3A_1423, %sub3A_1268, %scan3A_1264 : i32
      %select_n3A_1425 = arith.select %and3A_1423, %scan3A_1263, %scan3A_1265 : i32
      %jit3A_1426 = arith.constant 1 : i32
      %select_n3A_1427 = arith.select %and3A_1423, %jit3A_1426, %scan3A_1266 : i32
      scf.yield %add3A_1419, %select_n3A_1424, %select_n3A_1425, %select_n3A_1427 : i32, i32, i32, i32
    }
    %scan3A_51 = arith.constant 128 : i32
    %mul3A_52 = arith.constant 16 : i32
    %mul3A_53 = arith.muli %scan3A_50#1, %mul3A_52 : i32
    %add3A_54 = arith.constant 15 : i32
    %add3A_55 = arith.addi %mul3A_53, %add3A_54 : i32
    %mul3A_56 = arith.constant 16 : i32
    %mul3A_57 = arith.muli %add3A_55, %mul3A_56 : i32
    %get3A = arith.index_cast %mul3A_57 : i32 to index
    %get3A_58 = tpu.vector_load %arg9[%get3A] {strides = array<i32>} : memref<32768xi32, #tpu.memory_space<vmem>>, vector<16xi32>,
    %reduce_sum3A = arith.constant true
    %reduce_sum3A_59 = vector.broadcast %reduce_sum3A : i1 to vector<16xi1>
    %reduce_sum3A_60 = tpu.scan <sum>, %get3A_58 masked %reduce_sum3A_59 : vector<16xi32>, vector<16xi1> -> vector<16xi32>
    %reduce_sum3A_61 = vector.extract %reduce_sum3A_60[15] : i32 from vector<16xi32>
    %add3A_62 = arith.addi %scan3A_50#2, %reduce_sum3A_61 : i32
    %eq3A = arith.constant 0 : i32
    %eq3A_63 = arith.constant 0 : i32
    %eq3A_64 = arith.cmpi eq, %eq3A, %eq3A_63 : i32
    %ge3A_65 = arith.constant 110592 : i32
    %ge3A_66 = arith.cmpi sge, %add3A_62, %ge3A_65 : i32
    %and3A = arith.andi %eq3A_64, %ge3A_66 : i1
    %jit3A = arith.constant 15 : i32
    %jit3A_67 = arith.constant 0 : i32
    %select_n3A = arith.select %and3A, %jit3A, %jit3A_67 : i32
    %jit3A_68 = arith.constant 0 : i32
    %select_n3A_69 = arith.select %and3A, %scan3A_50#2, %jit3A_68 : i32
    %jit3A_70 = arith.constant 1 : i32
    %jit3A_71 = arith.constant 0 : i32
    %select_n3A_72 = arith.select %and3A, %jit3A_70, %jit3A_71 : i32
    %mul3A_73 = arith.constant 16 : i32
    %mul3A_74 = arith.muli %scan3A_50#1, %mul3A_73 : i32
    %add3A_75 = arith.constant 14 : i32
    %add3A_76 = arith.addi %mul3A_74, %add3A_75 : i32
    %mul3A_77 = arith.constant 16 : i32
    %mul3A_78 = arith.muli %add3A_76, %mul3A_77 : i32
    %get3A_79 = arith.index_cast %mul3A_78 : i32 to index
    %get3A_80 = tpu.vector_load %arg9[%get3A_79] {strides = array<i32>} : memref<32768xi32, #tpu.memory_space<vmem>>, vector<16xi32>,
    %reduce_sum3A_81 = arith.constant true
    %reduce_sum3A_82 = vector.broadcast %reduce_sum3A_81 : i1 to vector<16xi1>
    %reduce_sum3A_83 = tpu.scan <sum>, %get3A_80 masked %reduce_sum3A_82 : vector<16xi32>, vector<16xi1> -> vector<16xi32>
    %reduce_sum3A_84 = vector.extract %reduce_sum3A_83[15] : i32 from vector<16xi32>
    %add3A_85 = arith.addi %add3A_62, %reduce_sum3A_84 : i32
    %eq3A_86 = arith.constant 0 : i32
    %eq3A_87 = arith.cmpi eq, %select_n3A_72, %eq3A_86 : i32
    %ge3A_88 = arith.constant 110592 : i32
    %ge3A_89 = arith.cmpi sge, %add3A_85, %ge3A_88 : i32
    %and3A_90 = arith.andi %eq3A_87, %ge3A_89 : i1
    %jit3A_91 = arith.constant 14 : i32
    %select_n3A_92 = arith.select %and3A_90, %jit3A_91, %select_n3A : i32
    %select_n3A_93 = arith.select %and3A_90, %add3A_62, %select_n3A_69 : i32
    %jit3A_94 = arith.constant 1 : i32
    %select_n3A_95 = arith.select %and3A_90, %jit3A_94, %select_n3A_72 : i32
    %mul3A_96 = arith.constant 16 : i32
    %mul3A_97 = arith.muli %scan3A_50#1, %mul3A_96 : i32
    %add3A_98 = arith.constant 13 : i32
    %add3A_99 = arith.addi %mul3A_97, %add3A_98 : i32
    %mul3A_100 = arith.constant 16 : i32
    %mul3A_101 = arith.muli %add3A_99, %mul3A_100 : i32
    %get3A_102 = arith.index_cast %mul3A_101 : i32 to index
    %get3A_103 = tpu.vector_load %arg9[%get3A_102] {strides = array<i32>} : memref<32768xi32, #tpu.memory_space<vmem>>, vector<16xi32>,
    %reduce_sum3A_104 = arith.constant true
    %reduce_sum3A_105 = vector.broadcast %reduce_sum3A_104 : i1 to vector<16xi1>
    %reduce_sum3A_106 = tpu.scan <sum>, %get3A_103 masked %reduce_sum3A_105 : vector<16xi32>, vector<16xi1> -> vector<16xi32>
    %reduce_sum3A_107 = vector.extract %reduce_sum3A_106[15] : i32 from vector<16xi32>
    %add3A_108 = arith.addi %add3A_85, %reduce_sum3A_107 : i32
    %eq3A_109 = arith.constant 0 : i32
    %eq3A_110 = arith.cmpi eq, %select_n3A_95, %eq3A_109 : i32
    %ge3A_111 = arith.constant 110592 : i32
    %ge3A_112 = arith.cmpi sge, %add3A_108, %ge3A_111 : i32
    %and3A_113 = arith.andi %eq3A_110, %ge3A_112 : i1
    %jit3A_114 = arith.constant 13 : i32
    %select_n3A_115 = arith.select %and3A_113, %jit3A_114, %select_n3A_92 : i32
    %select_n3A_116 = arith.select %and3A_113, %add3A_85, %select_n3A_93 : i32
    %jit3A_117 = arith.constant 1 : i32
    %select_n3A_118 = arith.select %and3A_113, %jit3A_117, %select_n3A_95 : i32
    %mul3A_119 = arith.constant 16 : i32
    %mul3A_120 = arith.muli %scan3A_50#1, %mul3A_119 : i32
    %add3A_121 = arith.constant 12 : i32
    %add3A_122 = arith.addi %mul3A_120, %add3A_121 : i32
    %mul3A_123 = arith.constant 16 : i32
    %mul3A_124 = arith.muli %add3A_122, %mul3A_123 : i32
    %get3A_125 = arith.index_cast %mul3A_124 : i32 to index
    %get3A_126 = tpu.vector_load %arg9[%get3A_125] {strides = array<i32>} : memref<32768xi32, #tpu.memory_space<vmem>>, vector<16xi32>,
    %reduce_sum3A_127 = arith.constant true
    %reduce_sum3A_128 = vector.broadcast %reduce_sum3A_127 : i1 to vector<16xi1>
    %reduce_sum3A_129 = tpu.scan <sum>, %get3A_126 masked %reduce_sum3A_128 : vector<16xi32>, vector<16xi1> -> vector<16xi32>
    %reduce_sum3A_130 = vector.extract %reduce_sum3A_129[15] : i32 from vector<16xi32>
    %add3A_131 = arith.addi %add3A_108, %reduce_sum3A_130 : i32
    %eq3A_132 = arith.constant 0 : i32
    %eq3A_133 = arith.cmpi eq, %select_n3A_118, %eq3A_132 : i32
    %ge3A_134 = arith.constant 110592 : i32
    %ge3A_135 = arith.cmpi sge, %add3A_131, %ge3A_134 : i32
    %and3A_136 = arith.andi %eq3A_133, %ge3A_135 : i1
    %jit3A_137 = arith.constant 12 : i32
    %select_n3A_138 = arith.select %and3A_136, %jit3A_137, %select_n3A_115 : i32
    %select_n3A_139 = arith.select %and3A_136, %add3A_108, %select_n3A_116 : i32
    %jit3A_140 = arith.constant 1 : i32
    %select_n3A_141 = arith.select %and3A_136, %jit3A_140, %select_n3A_118 : i32
    %mul3A_142 = arith.constant 16 : i32
    %mul3A_143 = arith.muli %scan3A_50#1, %mul3A_142 : i32
    %add3A_144 = arith.constant 11 : i32
    %add3A_145 = arith.addi %mul3A_143, %add3A_144 : i32
    %mul3A_146 = arith.constant 16 : i32
    %mul3A_147 = arith.muli %add3A_145, %mul3A_146 : i32
    %get3A_148 = arith.index_cast %mul3A_147 : i32 to index
    %get3A_149 = tpu.vector_load %arg9[%get3A_148] {strides = array<i32>} : memref<32768xi32, #tpu.memory_space<vmem>>, vector<16xi32>,
    %reduce_sum3A_150 = arith.constant true
    %reduce_sum3A_151 = vector.broadcast %reduce_sum3A_150 : i1 to vector<16xi1>
    %reduce_sum3A_152 = tpu.scan <sum>, %get3A_149 masked %reduce_sum3A_151 : vector<16xi32>, vector<16xi1> -> vector<16xi32>
    %reduce_sum3A_153 = vector.extract %reduce_sum3A_152[15] : i32 from vector<16xi32>
    %add3A_154 = arith.addi %add3A_131, %reduce_sum3A_153 : i32
    %eq3A_155 = arith.constant 0 : i32
    %eq3A_156 = arith.cmpi eq, %select_n3A_141, %eq3A_155 : i32
    %ge3A_157 = arith.constant 110592 : i32
    %ge3A_158 = arith.cmpi sge, %add3A_154, %ge3A_157 : i32
    %and3A_159 = arith.andi %eq3A_156, %ge3A_158 : i1
    %jit3A_160 = arith.constant 11 : i32
    %select_n3A_161 = arith.select %and3A_159, %jit3A_160, %select_n3A_138 : i32
    %select_n3A_162 = arith.select %and3A_159, %add3A_131, %select_n3A_139 : i32
    %jit3A_163 = arith.constant 1 : i32
    %select_n3A_164 = arith.select %and3A_159, %jit3A_163, %select_n3A_141 : i32
    %mul3A_165 = arith.constant 16 : i32
    %mul3A_166 = arith.muli %scan3A_50#1, %mul3A_165 : i32
    %add3A_167 = arith.constant 10 : i32
    %add3A_168 = arith.addi %mul3A_166, %add3A_167 : i32
    %mul3A_169 = arith.constant 16 : i32
    %mul3A_170 = arith.muli %add3A_168, %mul3A_169 : i32
    %get3A_171 = arith.index_cast %mul3A_170 : i32 to index
    %get3A_172 = tpu.vector_load %arg9[%get3A_171] {strides = array<i32>} : memref<32768xi32, #tpu.memory_space<vmem>>, vector<16xi32>,
    %reduce_sum3A_173 = arith.constant true
    %reduce_sum3A_174 = vector.broadcast %reduce_sum3A_173 : i1 to vector<16xi1>
    %reduce_sum3A_175 = tpu.scan <sum>, %get3A_172 masked %reduce_sum3A_174 : vector<16xi32>, vector<16xi1> -> vector<16xi32>
    %reduce_sum3A_176 = vector.extract %reduce_sum3A_175[15] : i32 from vector<16xi32>
    %add3A_177 = arith.addi %add3A_154, %reduce_sum3A_176 : i32
    %eq3A_178 = arith.constant 0 : i32
    %eq3A_179 = arith.cmpi eq, %select_n3A_164, %eq3A_178 : i32
    %ge3A_180 = arith.constant 110592 : i32
    %ge3A_181 = arith.cmpi sge, %add3A_177, %ge3A_180 : i32
    %and3A_182 = arith.andi %eq3A_179, %ge3A_181 : i1
    %jit3A_183 = arith.constant 10 : i32
    %select_n3A_184 = arith.select %and3A_182, %jit3A_183, %select_n3A_161 : i32
    %select_n3A_185 = arith.select %and3A_182, %add3A_154, %select_n3A_162 : i32
    %jit3A_186 = arith.constant 1 : i32
    %select_n3A_187 = arith.select %and3A_182, %jit3A_186, %select_n3A_164 : i32
    %mul3A_188 = arith.constant 16 : i32
    %mul3A_189 = arith.muli %scan3A_50#1, %mul3A_188 : i32
    %add3A_190 = arith.constant 9 : i32
    %add3A_191 = arith.addi %mul3A_189, %add3A_190 : i32
    %mul3A_192 = arith.constant 16 : i32
    %mul3A_193 = arith.muli %add3A_191, %mul3A_192 : i32
    %get3A_194 = arith.index_cast %mul3A_193 : i32 to index
    %get3A_195 = tpu.vector_load %arg9[%get3A_194] {strides = array<i32>} : memref<32768xi32, #tpu.memory_space<vmem>>, vector<16xi32>,
    %reduce_sum3A_196 = arith.constant true
    %reduce_sum3A_197 = vector.broadcast %reduce_sum3A_196 : i1 to vector<16xi1>
    %reduce_sum3A_198 = tpu.scan <sum>, %get3A_195 masked %reduce_sum3A_197 : vector<16xi32>, vector<16xi1> -> vector<16xi32>
    %reduce_sum3A_199 = vector.extract %reduce_sum3A_198[15] : i32 from vector<16xi32>
    %add3A_200 = arith.addi %add3A_177, %reduce_sum3A_199 : i32
    %eq3A_201 = arith.constant 0 : i32
    %eq3A_202 = arith.cmpi eq, %select_n3A_187, %eq3A_201 : i32
    %ge3A_203 = arith.constant 110592 : i32
    %ge3A_204 = arith.cmpi sge, %add3A_200, %ge3A_203 : i32
    %and3A_205 = arith.andi %eq3A_202, %ge3A_204 : i1
    %jit3A_206 = arith.constant 9 : i32
    %select_n3A_207 = arith.select %and3A_205, %jit3A_206, %select_n3A_184 : i32
    %select_n3A_208 = arith.select %and3A_205, %add3A_177, %select_n3A_185 : i32
    %jit3A_209 = arith.constant 1 : i32
    %select_n3A_210 = arith.select %and3A_205, %jit3A_209, %select_n3A_187 : i32
    %mul3A_211 = arith.constant 16 : i32
    %mul3A_212 = arith.muli %scan3A_50#1, %mul3A_211 : i32
    %add3A_213 = arith.constant 8 : i32
    %add3A_214 = arith.addi %mul3A_212, %add3A_213 : i32
    %mul3A_215 = arith.constant 16 : i32
    %mul3A_216 = arith.muli %add3A_214, %mul3A_215 : i32
    %get3A_217 = arith.index_cast %mul3A_216 : i32 to index
    %get3A_218 = tpu.vector_load %arg9[%get3A_217] {strides = array<i32>} : memref<32768xi32, #tpu.memory_space<vmem>>, vector<16xi32>,
    %reduce_sum3A_219 = arith.constant true
    %reduce_sum3A_220 = vector.broadcast %reduce_sum3A_219 : i1 to vector<16xi1>
    %reduce_sum3A_221 = tpu.scan <sum>, %get3A_218 masked %reduce_sum3A_220 : vector<16xi32>, vector<16xi1> -> vector<16xi32>
    %reduce_sum3A_222 = vector.extract %reduce_sum3A_221[15] : i32 from vector<16xi32>
    %add3A_223 = arith.addi %add3A_200, %reduce_sum3A_222 : i32
    %eq3A_224 = arith.constant 0 : i32
    %eq3A_225 = arith.cmpi eq, %select_n3A_210, %eq3A_224 : i32
    %ge3A_226 = arith.constant 110592 : i32
    %ge3A_227 = arith.cmpi sge, %add3A_223, %ge3A_226 : i32
    %and3A_228 = arith.andi %eq3A_225, %ge3A_227 : i1
    %jit3A_229 = arith.constant 8 : i32
    %select_n3A_230 = arith.select %and3A_228, %jit3A_229, %select_n3A_207 : i32
    %select_n3A_231 = arith.select %and3A_228, %add3A_200, %select_n3A_208 : i32
    %jit3A_232 = arith.constant 1 : i32
    %select_n3A_233 = arith.select %and3A_228, %jit3A_232, %select_n3A_210 : i32
    %mul3A_234 = arith.constant 16 : i32
    %mul3A_235 = arith.muli %scan3A_50#1, %mul3A_234 : i32
    %add3A_236 = arith.constant 7 : i32
    %add3A_237 = arith.addi %mul3A_235, %add3A_236 : i32
    %mul3A_238 = arith.constant 16 : i32
    %mul3A_239 = arith.muli %add3A_237, %mul3A_238 : i32
    %get3A_240 = arith.index_cast %mul3A_239 : i32 to index
    %get3A_241 = tpu.vector_load %arg9[%get3A_240] {strides = array<i32>} : memref<32768xi32, #tpu.memory_space<vmem>>, vector<16xi32>,
    %reduce_sum3A_242 = arith.constant true
    %reduce_sum3A_243 = vector.broadcast %reduce_sum3A_242 : i1 to vector<16xi1>
    %reduce_sum3A_244 = tpu.scan <sum>, %get3A_241 masked %reduce_sum3A_243 : vector<16xi32>, vector<16xi1> -> vector<16xi32>
    %reduce_sum3A_245 = vector.extract %reduce_sum3A_244[15] : i32 from vector<16xi32>
    %add3A_246 = arith.addi %add3A_223, %reduce_sum3A_245 : i32
    %eq3A_247 = arith.constant 0 : i32
    %eq3A_248 = arith.cmpi eq, %select_n3A_233, %eq3A_247 : i32
    %ge3A_249 = arith.constant 110592 : i32
    %ge3A_250 = arith.cmpi sge, %add3A_246, %ge3A_249 : i32
    %and3A_251 = arith.andi %eq3A_248, %ge3A_250 : i1
    %jit3A_252 = arith.constant 7 : i32
    %select_n3A_253 = arith.select %and3A_251, %jit3A_252, %select_n3A_230 : i32
    %select_n3A_254 = arith.select %and3A_251, %add3A_223, %select_n3A_231 : i32
    %jit3A_255 = arith.constant 1 : i32
    %select_n3A_256 = arith.select %and3A_251, %jit3A_255, %select_n3A_233 : i32
    %mul3A_257 = arith.constant 16 : i32
    %mul3A_258 = arith.muli %scan3A_50#1, %mul3A_257 : i32
    %add3A_259 = arith.constant 6 : i32
    %add3A_260 = arith.addi %mul3A_258, %add3A_259 : i32
    %mul3A_261 = arith.constant 16 : i32
    %mul3A_262 = arith.muli %add3A_260, %mul3A_261 : i32
    %get3A_263 = arith.index_cast %mul3A_262 : i32 to index
    %get3A_264 = tpu.vector_load %arg9[%get3A_263] {strides = array<i32>} : memref<32768xi32, #tpu.memory_space<vmem>>, vector<16xi32>,
    %reduce_sum3A_265 = arith.constant true
    %reduce_sum3A_266 = vector.broadcast %reduce_sum3A_265 : i1 to vector<16xi1>
    %reduce_sum3A_267 = tpu.scan <sum>, %get3A_264 masked %reduce_sum3A_266 : vector<16xi32>, vector<16xi1> -> vector<16xi32>
    %reduce_sum3A_268 = vector.extract %reduce_sum3A_267[15] : i32 from vector<16xi32>
    %add3A_269 = arith.addi %add3A_246, %reduce_sum3A_268 : i32
    %eq3A_270 = arith.constant 0 : i32
    %eq3A_271 = arith.cmpi eq, %select_n3A_256, %eq3A_270 : i32
    %ge3A_272 = arith.constant 110592 : i32
    %ge3A_273 = arith.cmpi sge, %add3A_269, %ge3A_272 : i32
    %and3A_274 = arith.andi %eq3A_271, %ge3A_273 : i1
    %jit3A_275 = arith.constant 6 : i32
    %select_n3A_276 = arith.select %and3A_274, %jit3A_275, %select_n3A_253 : i32
    %select_n3A_277 = arith.select %and3A_274, %add3A_246, %select_n3A_254 : i32
    %jit3A_278 = arith.constant 1 : i32
    %select_n3A_279 = arith.select %and3A_274, %jit3A_278, %select_n3A_256 : i32
    %mul3A_280 = arith.constant 16 : i32
    %mul3A_281 = arith.muli %scan3A_50#1, %mul3A_280 : i32
    %add3A_282 = arith.constant 5 : i32
    %add3A_283 = arith.addi %mul3A_281, %add3A_282 : i32
    %mul3A_284 = arith.constant 16 : i32
    %mul3A_285 = arith.muli %add3A_283, %mul3A_284 : i32
    %get3A_286 = arith.index_cast %mul3A_285 : i32 to index
    %get3A_287 = tpu.vector_load %arg9[%get3A_286] {strides = array<i32>} : memref<32768xi32, #tpu.memory_space<vmem>>, vector<16xi32>,
    %reduce_sum3A_288 = arith.constant true
    %reduce_sum3A_289 = vector.broadcast %reduce_sum3A_288 : i1 to vector<16xi1>
    %reduce_sum3A_290 = tpu.scan <sum>, %get3A_287 masked %reduce_sum3A_289 : vector<16xi32>, vector<16xi1> -> vector<16xi32>
    %reduce_sum3A_291 = vector.extract %reduce_sum3A_290[15] : i32 from vector<16xi32>
    %add3A_292 = arith.addi %add3A_269, %reduce_sum3A_291 : i32
    %eq3A_293 = arith.constant 0 : i32
    %eq3A_294 = arith.cmpi eq, %select_n3A_279, %eq3A_293 : i32
    %ge3A_295 = arith.constant 110592 : i32
    %ge3A_296 = arith.cmpi sge, %add3A_292, %ge3A_295 : i32
    %and3A_297 = arith.andi %eq3A_294, %ge3A_296 : i1
    %jit3A_298 = arith.constant 5 : i32
    %select_n3A_299 = arith.select %and3A_297, %jit3A_298, %select_n3A_276 : i32
    %select_n3A_300 = arith.select %and3A_297, %add3A_269, %select_n3A_277 : i32
    %jit3A_301 = arith.constant 1 : i32
    %select_n3A_302 = arith.select %and3A_297, %jit3A_301, %select_n3A_279 : i32
    %mul3A_303 = arith.constant 16 : i32
    %mul3A_304 = arith.muli %scan3A_50#1, %mul3A_303 : i32
    %add3A_305 = arith.constant 4 : i32
    %add3A_306 = arith.addi %mul3A_304, %add3A_305 : i32
    %mul3A_307 = arith.constant 16 : i32
    %mul3A_308 = arith.muli %add3A_306, %mul3A_307 : i32
    %get3A_309 = arith.index_cast %mul3A_308 : i32 to index
    %get3A_310 = tpu.vector_load %arg9[%get3A_309] {strides = array<i32>} : memref<32768xi32, #tpu.memory_space<vmem>>, vector<16xi32>,
    %reduce_sum3A_311 = arith.constant true
    %reduce_sum3A_312 = vector.broadcast %reduce_sum3A_311 : i1 to vector<16xi1>
    %reduce_sum3A_313 = tpu.scan <sum>, %get3A_310 masked %reduce_sum3A_312 : vector<16xi32>, vector<16xi1> -> vector<16xi32>
    %reduce_sum3A_314 = vector.extract %reduce_sum3A_313[15] : i32 from vector<16xi32>
    %add3A_315 = arith.addi %add3A_292, %reduce_sum3A_314 : i32
    %eq3A_316 = arith.constant 0 : i32
    %eq3A_317 = arith.cmpi eq, %select_n3A_302, %eq3A_316 : i32
    %ge3A_318 = arith.constant 110592 : i32
    %ge3A_319 = arith.cmpi sge, %add3A_315, %ge3A_318 : i32
    %and3A_320 = arith.andi %eq3A_317, %ge3A_319 : i1
    %jit3A_321 = arith.constant 4 : i32
    %select_n3A_322 = arith.select %and3A_320, %jit3A_321, %select_n3A_299 : i32
    %select_n3A_323 = arith.select %and3A_320, %add3A_292, %select_n3A_300 : i32
    %jit3A_324 = arith.constant 1 : i32
    %select_n3A_325 = arith.select %and3A_320, %jit3A_324, %select_n3A_302 : i32
    %mul3A_326 = arith.constant 16 : i32
    %mul3A_327 = arith.muli %scan3A_50#1, %mul3A_326 : i32
    %add3A_328 = arith.constant 3 : i32
    %add3A_329 = arith.addi %mul3A_327, %add3A_328 : i32
    %mul3A_330 = arith.constant 16 : i32
    %mul3A_331 = arith.muli %add3A_329, %mul3A_330 : i32
    %get3A_332 = arith.index_cast %mul3A_331 : i32 to index
    %get3A_333 = tpu.vector_load %arg9[%get3A_332] {strides = array<i32>} : memref<32768xi32, #tpu.memory_space<vmem>>, vector<16xi32>,
    %reduce_sum3A_334 = arith.constant true
    %reduce_sum3A_335 = vector.broadcast %reduce_sum3A_334 : i1 to vector<16xi1>
    %reduce_sum3A_336 = tpu.scan <sum>, %get3A_333 masked %reduce_sum3A_335 : vector<16xi32>, vector<16xi1> -> vector<16xi32>
    %reduce_sum3A_337 = vector.extract %reduce_sum3A_336[15] : i32 from vector<16xi32>
    %add3A_338 = arith.addi %add3A_315, %reduce_sum3A_337 : i32
    %eq3A_339 = arith.constant 0 : i32
    %eq3A_340 = arith.cmpi eq, %select_n3A_325, %eq3A_339 : i32
    %ge3A_341 = arith.constant 110592 : i32
    %ge3A_342 = arith.cmpi sge, %add3A_338, %ge3A_341 : i32
    %and3A_343 = arith.andi %eq3A_340, %ge3A_342 : i1
    %jit3A_344 = arith.constant 3 : i32
    %select_n3A_345 = arith.select %and3A_343, %jit3A_344, %select_n3A_322 : i32
    %select_n3A_346 = arith.select %and3A_343, %add3A_315, %select_n3A_323 : i32
    %jit3A_347 = arith.constant 1 : i32
    %select_n3A_348 = arith.select %and3A_343, %jit3A_347, %select_n3A_325 : i32
    %mul3A_349 = arith.constant 16 : i32
    %mul3A_350 = arith.muli %scan3A_50#1, %mul3A_349 : i32
    %add3A_351 = arith.constant 2 : i32
    %add3A_352 = arith.addi %mul3A_350, %add3A_351 : i32
    %mul3A_353 = arith.constant 16 : i32
    %mul3A_354 = arith.muli %add3A_352, %mul3A_353 : i32
    %get3A_355 = arith.index_cast %mul3A_354 : i32 to index
    %get3A_356 = tpu.vector_load %arg9[%get3A_355] {strides = array<i32>} : memref<32768xi32, #tpu.memory_space<vmem>>, vector<16xi32>,
    %reduce_sum3A_357 = arith.constant true
    %reduce_sum3A_358 = vector.broadcast %reduce_sum3A_357 : i1 to vector<16xi1>
    %reduce_sum3A_359 = tpu.scan <sum>, %get3A_356 masked %reduce_sum3A_358 : vector<16xi32>, vector<16xi1> -> vector<16xi32>
    %reduce_sum3A_360 = vector.extract %reduce_sum3A_359[15] : i32 from vector<16xi32>
    %add3A_361 = arith.addi %add3A_338, %reduce_sum3A_360 : i32
    %eq3A_362 = arith.constant 0 : i32
    %eq3A_363 = arith.cmpi eq, %select_n3A_348, %eq3A_362 : i32
    %ge3A_364 = arith.constant 110592 : i32
    %ge3A_365 = arith.cmpi sge, %add3A_361, %ge3A_364 : i32
    %and3A_366 = arith.andi %eq3A_363, %ge3A_365 : i1
    %jit3A_367 = arith.constant 2 : i32
    %select_n3A_368 = arith.select %and3A_366, %jit3A_367, %select_n3A_345 : i32
    %select_n3A_369 = arith.select %and3A_366, %add3A_338, %select_n3A_346 : i32
    %jit3A_370 = arith.constant 1 : i32
    %select_n3A_371 = arith.select %and3A_366, %jit3A_370, %select_n3A_348 : i32
    %mul3A_372 = arith.constant 16 : i32
    %mul3A_373 = arith.muli %scan3A_50#1, %mul3A_372 : i32
    %add3A_374 = arith.constant 1 : i32
    %add3A_375 = arith.addi %mul3A_373, %add3A_374 : i32
    %mul3A_376 = arith.constant 16 : i32
    %mul3A_377 = arith.muli %add3A_375, %mul3A_376 : i32
    %get3A_378 = arith.index_cast %mul3A_377 : i32 to index
    %get3A_379 = tpu.vector_load %arg9[%get3A_378] {strides = array<i32>} : memref<32768xi32, #tpu.memory_space<vmem>>, vector<16xi32>,
    %reduce_sum3A_380 = arith.constant true
    %reduce_sum3A_381 = vector.broadcast %reduce_sum3A_380 : i1 to vector<16xi1>
    %reduce_sum3A_382 = tpu.scan <sum>, %get3A_379 masked %reduce_sum3A_381 : vector<16xi32>, vector<16xi1> -> vector<16xi32>
    %reduce_sum3A_383 = vector.extract %reduce_sum3A_382[15] : i32 from vector<16xi32>
    %add3A_384 = arith.addi %add3A_361, %reduce_sum3A_383 : i32
    %eq3A_385 = arith.constant 0 : i32
    %eq3A_386 = arith.cmpi eq, %select_n3A_371, %eq3A_385 : i32
    %ge3A_387 = arith.constant 110592 : i32
    %ge3A_388 = arith.cmpi sge, %add3A_384, %ge3A_387 : i32
    %and3A_389 = arith.andi %eq3A_386, %ge3A_388 : i1
    %jit3A_390 = arith.constant 1 : i32
    %select_n3A_391 = arith.select %and3A_389, %jit3A_390, %select_n3A_368 : i32
    %select_n3A_392 = arith.select %and3A_389, %add3A_361, %select_n3A_369 : i32
    %jit3A_393 = arith.constant 1 : i32
    %select_n3A_394 = arith.select %and3A_389, %jit3A_393, %select_n3A_371 : i32
    %mul3A_395 = arith.constant 16 : i32
    %mul3A_396 = arith.muli %scan3A_50#1, %mul3A_395 : i32
    %add3A_397 = arith.constant 0 : i32
    %add3A_398 = arith.addi %mul3A_396, %add3A_397 : i32
    %mul3A_399 = arith.constant 16 : i32
    %mul3A_400 = arith.muli %add3A_398, %mul3A_399 : i32
    %get3A_401 = arith.index_cast %mul3A_400 : i32 to index
    %get3A_402 = tpu.vector_load %arg9[%get3A_401] {strides = array<i32>} : memref<32768xi32, #tpu.memory_space<vmem>>, vector<16xi32>,
    %reduce_sum3A_403 = arith.constant true
    %reduce_sum3A_404 = vector.broadcast %reduce_sum3A_403 : i1 to vector<16xi1>
    %reduce_sum3A_405 = tpu.scan <sum>, %get3A_402 masked %reduce_sum3A_404 : vector<16xi32>, vector<16xi1> -> vector<16xi32>
    %reduce_sum3A_406 = vector.extract %reduce_sum3A_405[15] : i32 from vector<16xi32>
    %add3A_407 = arith.addi %add3A_384, %reduce_sum3A_406 : i32
    %eq3A_408 = arith.constant 0 : i32
    %eq3A_409 = arith.cmpi eq, %select_n3A_394, %eq3A_408 : i32
    %ge3A_410 = arith.constant 110592 : i32
    %ge3A_411 = arith.cmpi sge, %add3A_407, %ge3A_410 : i32
    %and3A_412 = arith.andi %eq3A_409, %ge3A_411 : i1
    %jit3A_413 = arith.constant 0 : i32
    %select_n3A_414 = arith.select %and3A_412, %jit3A_413, %select_n3A_391 : i32
    %select_n3A_415 = arith.select %and3A_412, %add3A_384, %select_n3A_392 : i32
    %jit3A_416 = arith.constant 1 : i32
    %select_n3A_417 = arith.select %and3A_412, %jit3A_416, %select_n3A_394 : i32
    %mul3A_418 = arith.constant 16 : i32
    %mul3A_419 = arith.muli %scan3A_50#1, %mul3A_418 : i32
    %add3A_420 = arith.addi %mul3A_419, %select_n3A_414 : i32
    %shift_left3A = arith.constant 0 : i32
    %shift_left3A_421 = arith.constant 11 : i32
    %shift_left3A_422 = arith.shli %shift_left3A, %shift_left3A_421 : i32
    %or3A = arith.ori %shift_left3A_422, %add3A_420 : i32
    %sub3A = arith.constant 110592 : i32
    %sub3A_423 = arith.subi %sub3A, %select_n3A_415 : i32
    %mul3A_424 = arith.constant 221184 : i32
    %mul3A_425 = arith.muli %add3A, %mul3A_424 : i32
    %add3A_426 = arith.constant 0 : i32
    %add3A_427 = arith.addi %mul3A_425, %add3A_426 : i32
    %dma_start3A_428 = tpu.memref_slice %arg4[%add3A_427] : memref<7077888xf32, #tpu.memory_space<hbm>> -> memref<6912xf32, #tpu.memory_space<hbm>>
    %dma_start3A_429 = tpu.memref_slice %arg4[%add3A_427] : memref<7077888xf32, #tpu.memory_space<hbm>> -> memref<6912xf32, #tpu.memory_space<hbm>>
    tpu.enqueue_dma source(%dma_start3A_429 : memref<6912xf32, #tpu.memory_space<hbm>>) target(%arg7 : memref<6912xf32, #tpu.memory_space<vmem>>) target_semaphore(%arg10 : memref<!tpu.dma_semaphore, #tpu.memory_space<semaphore_mem>>)
    %mul3A_430 = arith.constant 221184 : i32
    %mul3A_431 = arith.muli %add3A, %mul3A_430 : i32
    %add3A_432 = arith.constant 6912 : i32
    %add3A_433 = arith.addi %mul3A_431, %add3A_432 : i32
    %dma_start3A_434 = tpu.memref_slice %arg4[%add3A_433] : memref<7077888xf32, #tpu.memory_space<hbm>> -> memref<6912xf32, #tpu.memory_space<hbm>>
    %dma_start3A_435 = tpu.memref_slice %arg4[%add3A_433] : memref<7077888xf32, #tpu.memory_space<hbm>> -> memref<6912xf32, #tpu.memory_space<hbm>>
    tpu.enqueue_dma source(%dma_start3A_435 : memref<6912xf32, #tpu.memory_space<hbm>>) target(%arg8 : memref<6912xf32, #tpu.memory_space<vmem>>) target_semaphore(%arg11 : memref<!tpu.dma_semaphore, #tpu.memory_space<semaphore_mem>>)
    %parallel_loop3A_436 = arith.constant 0 : i32
    %parallel_loop3A_437 = arith.constant 2048 : i32
    %parallel_loop3A_438 = arith.constant 1 : i32
    scf.for %parallel_loop3A_1262 = %parallel_loop3A_436 to %parallel_loop3A_437 step %parallel_loop3A_438  : i32 {
      %parallel_loop3A_1263 = arith.constant 0 : i32
      %parallel_loop3A_1264 = vector.broadcast %parallel_loop3A_1263 : i32 to vector<16xi32>
      %parallel_loop3A_1265 = arith.constant 16 : i32
      %parallel_loop3A_1266 = arith.muli %parallel_loop3A_1262, %parallel_loop3A_1265 : i32
      %parallel_loop3A_1267 = arith.index_cast %parallel_loop3A_1266 : i32 to index
      %parallel_loop3A_1268 = tpu.vector_load %arg9[%parallel_loop3A_1267] {strides = array<i32>} : memref<32768xi32, #tpu.memory_space<vmem>>, vector<16xi32>,
      tpu.vector_store %arg9[%parallel_loop3A_1267], %parallel_loop3A_1264 {strides = array<i32>} : memref<32768xi32, #tpu.memory_space<vmem>>, vector<16xi32>,
    } {sc.loop_unroll_factor = 8 : i64, sc.parallel_access}
    %broadcast_in_dim3A_439 = vector.broadcast %or3A : i32 to vector<16xi32>
    %scan3A_440 = arith.constant 0 : i32
    %scan3A_441 = arith.constant 0 : i32
    %scan3A_442 = arith.constant 16 : i32
    %scan3A_443 = arith.addi %scan3A_441, %scan3A_442 : i32
    %scan3A_444 = arith.constant 1 : i32
    scf.for %scan3A_1262 = %scan3A_441 to %scan3A_443 step %scan3A_444  : i32 {
      %mul3A_1263 = arith.constant 2 : i32
      %mul3A_1264 = arith.muli %scan3A_1262, %mul3A_1263 : i32
      %add3A_1265 = arith.constant 0 : i32
      %add3A_1266 = arith.addi %mul3A_1264, %add3A_1265 : i32
      %mul3A_1267 = arith.constant 221184 : i32
      %mul3A_1268 = arith.muli %add3A, %mul3A_1267 : i32
      %mul3A_1269 = arith.constant 6912 : i32
      %mul3A_1270 = arith.muli %add3A_1266, %mul3A_1269 : i32
      %add3A_1271 = arith.addi %mul3A_1268, %mul3A_1270 : i32
      %dma_wait3A_1272 = tpu.memref_slice %arg4[%add3A_1271] : memref<7077888xf32, #tpu.memory_space<hbm>> -> memref<6912xf32, #tpu.memory_space<hbm>>
      %dma_wait3A_1273 = tpu.memref_slice %arg4[%add3A_1271] : memref<7077888xf32, #tpu.memory_space<hbm>> -> memref<6912xf32, #tpu.memory_space<hbm>>
      tpu.wait_dma2 semaphore(%arg10 : memref<!tpu.dma_semaphore, #tpu.memory_space<semaphore_mem>>) src(%dma_wait3A_1273 : memref<6912xf32, #tpu.memory_space<hbm>>) dst(%arg7 : memref<6912xf32, #tpu.memory_space<vmem>>)
      %parallel_loop3A_1274 = arith.constant 0 : i32
      %parallel_loop3A_1275 = arith.constant 432 : i32
      %parallel_loop3A_1276 = arith.constant 1 : i32
      scf.for %parallel_loop3A_1302 = %parallel_loop3A_1274 to %parallel_loop3A_1275 step %parallel_loop3A_1276  : i32 {
        %parallel_loop3A_1303 = arith.constant 16 : i32
        %parallel_loop3A_1304 = arith.muli %parallel_loop3A_1302, %parallel_loop3A_1303 : i32
        %parallel_loop3A_1305 = arith.index_cast %parallel_loop3A_1304 : i32 to index
        %parallel_loop3A_1306 = tpu.vector_load %arg7[%parallel_loop3A_1305] {strides = array<i32>} : memref<6912xf32, #tpu.memory_space<vmem>>, vector<16xf32>,
        %parallel_loop3A_1307 = vector.bitcast %parallel_loop3A_1306 : vector<16xf32> to vector<16xi32>
        %parallel_loop3A_1308 = arith.constant 31 : i32
        %parallel_loop3A_1309 = vector.broadcast %parallel_loop3A_1308 : i32 to vector<16xi32>
        %parallel_loop3A_1310 = arith.shrui %parallel_loop3A_1307, %parallel_loop3A_1309 : vector<16xi32>
        %parallel_loop3A_1311 = arith.constant 0 : i32
        %parallel_loop3A_1312 = vector.broadcast %parallel_loop3A_1311 : i32 to vector<16xi32>
        %parallel_loop3A_1313 = arith.subi %parallel_loop3A_1312, %parallel_loop3A_1310 : vector<16xi32>
        %parallel_loop3A_1314 = arith.constant -2147483648 : i32
        %parallel_loop3A_1315 = vector.broadcast %parallel_loop3A_1314 : i32 to vector<16xi32>
        %parallel_loop3A_1316 = arith.ori %parallel_loop3A_1313, %parallel_loop3A_1315 : vector<16xi32>
        %parallel_loop3A_1317 = arith.xori %parallel_loop3A_1307, %parallel_loop3A_1316 : vector<16xi32>
        %parallel_loop3A_1318 = arith.constant 10 : i32
        %parallel_loop3A_1319 = vector.broadcast %parallel_loop3A_1318 : i32 to vector<16xi32>
        %parallel_loop3A_1320 = arith.shrui %parallel_loop3A_1317, %parallel_loop3A_1319 : vector<16xi32>
        %parallel_loop3A_1321 = arith.constant 2047 : i32
        %parallel_loop3A_1322 = vector.broadcast %parallel_loop3A_1321 : i32 to vector<16xi32>
        %parallel_loop3A_1323 = arith.andi %parallel_loop3A_1320, %parallel_loop3A_1322 : vector<16xi32>
        %parallel_loop3A_1324 = arith.constant 16 : i32
        %parallel_loop3A_1325 = vector.broadcast %parallel_loop3A_1324 : i32 to vector<16xi32>
        %parallel_loop3A_1326 = arith.muli %parallel_loop3A_1323, %parallel_loop3A_1325 : vector<16xi32>
        %parallel_loop3A_1327 = arith.addi %parallel_loop3A_1326, %iota3A : vector<16xi32>
        %parallel_loop3A_1328 = arith.constant 21 : i32
        %parallel_loop3A_1329 = vector.broadcast %parallel_loop3A_1328 : i32 to vector<16xi32>
        %parallel_loop3A_1330 = arith.shrui %parallel_loop3A_1317, %parallel_loop3A_1329 : vector<16xi32>
        %parallel_loop3A_1331 = arith.cmpi eq, %parallel_loop3A_1330, %broadcast_in_dim3A_439 : vector<16xi32>
        tpu.vector_store_idx %arg9[%parallel_loop3A_1327], %broadcast_in_dim3A_1 masked %parallel_loop3A_1331 {add = true} : memref<32768xi32, #tpu.memory_space<vmem>>[vector<16xi32>], vector<16xi32>, vector<16xi1>
      } {sc.loop_unroll_factor = 8 : i64, sc.parallel_access}
      %add3A_1277 = arith.constant 2 : i32
      %add3A_1278 = arith.addi %add3A_1266, %add3A_1277 : i32
      %lt3A = arith.constant 32 : i32
      %lt3A_1279 = arith.cmpi slt, %add3A_1278, %lt3A : i32
      %convert_element_type3A = arith.extui %lt3A_1279 : i1 to i32
      %cond3A = arith.constant 0 : i32
      %cond3A_1280 = arith.cmpi ne, %convert_element_type3A, %cond3A : i32
      scf.if %cond3A_1280 {
        %add3A_1302 = arith.constant 2 : i32
        %add3A_1303 = arith.addi %add3A_1266, %add3A_1302 : i32
        %mul3A_1304 = arith.constant 221184 : i32
        %mul3A_1305 = arith.muli %add3A, %mul3A_1304 : i32
        %mul3A_1306 = arith.constant 6912 : i32
        %mul3A_1307 = arith.muli %add3A_1303, %mul3A_1306 : i32
        %add3A_1308 = arith.addi %mul3A_1305, %mul3A_1307 : i32
        %dma_start3A_1309 = tpu.memref_slice %arg4[%add3A_1308] : memref<7077888xf32, #tpu.memory_space<hbm>> -> memref<6912xf32, #tpu.memory_space<hbm>>
        %dma_start3A_1310 = tpu.memref_slice %arg4[%add3A_1308] : memref<7077888xf32, #tpu.memory_space<hbm>> -> memref<6912xf32, #tpu.memory_space<hbm>>
        tpu.enqueue_dma source(%dma_start3A_1310 : memref<6912xf32, #tpu.memory_space<hbm>>) target(%arg7 : memref<6912xf32, #tpu.memory_space<vmem>>) target_semaphore(%arg10 : memref<!tpu.dma_semaphore, #tpu.memory_space<semaphore_mem>>)
      } else {
      }
      %mul3A_1281 = arith.constant 2 : i32
      %mul3A_1282 = arith.muli %scan3A_1262, %mul3A_1281 : i32
      %add3A_1283 = arith.constant 1 : i32
      %add3A_1284 = arith.addi %mul3A_1282, %add3A_1283 : i32
      %mul3A_1285 = arith.constant 221184 : i32
      %mul3A_1286 = arith.muli %add3A, %mul3A_1285 : i32
      %mul3A_1287 = arith.constant 6912 : i32
      %mul3A_1288 = arith.muli %add3A_1284, %mul3A_1287 : i32
      %add3A_1289 = arith.addi %mul3A_1286, %mul3A_1288 : i32
      %dma_wait3A_1290 = tpu.memref_slice %arg4[%add3A_1289] : memref<7077888xf32, #tpu.memory_space<hbm>> -> memref<6912xf32, #tpu.memory_space<hbm>>
      %dma_wait3A_1291 = tpu.memref_slice %arg4[%add3A_1289] : memref<7077888xf32, #tpu.memory_space<hbm>> -> memref<6912xf32, #tpu.memory_space<hbm>>
      tpu.wait_dma2 semaphore(%arg11 : memref<!tpu.dma_semaphore, #tpu.memory_space<semaphore_mem>>) src(%dma_wait3A_1291 : memref<6912xf32, #tpu.memory_space<hbm>>) dst(%arg8 : memref<6912xf32, #tpu.memory_space<vmem>>)
      %parallel_loop3A_1292 = arith.constant 0 : i32
      %parallel_loop3A_1293 = arith.constant 432 : i32
      %parallel_loop3A_1294 = arith.constant 1 : i32
      scf.for %parallel_loop3A_1302 = %parallel_loop3A_1292 to %parallel_loop3A_1293 step %parallel_loop3A_1294  : i32 {
        %parallel_loop3A_1303 = arith.constant 16 : i32
        %parallel_loop3A_1304 = arith.muli %parallel_loop3A_1302, %parallel_loop3A_1303 : i32
        %parallel_loop3A_1305 = arith.index_cast %parallel_loop3A_1304 : i32 to index
        %parallel_loop3A_1306 = tpu.vector_load %arg8[%parallel_loop3A_1305] {strides = array<i32>} : memref<6912xf32, #tpu.memory_space<vmem>>, vector<16xf32>,
        %parallel_loop3A_1307 = vector.bitcast %parallel_loop3A_1306 : vector<16xf32> to vector<16xi32>
        %parallel_loop3A_1308 = arith.constant 31 : i32
        %parallel_loop3A_1309 = vector.broadcast %parallel_loop3A_1308 : i32 to vector<16xi32>
        %parallel_loop3A_1310 = arith.shrui %parallel_loop3A_1307, %parallel_loop3A_1309 : vector<16xi32>
        %parallel_loop3A_1311 = arith.constant 0 : i32
        %parallel_loop3A_1312 = vector.broadcast %parallel_loop3A_1311 : i32 to vector<16xi32>
        %parallel_loop3A_1313 = arith.subi %parallel_loop3A_1312, %parallel_loop3A_1310 : vector<16xi32>
        %parallel_loop3A_1314 = arith.constant -2147483648 : i32
        %parallel_loop3A_1315 = vector.broadcast %parallel_loop3A_1314 : i32 to vector<16xi32>
        %parallel_loop3A_1316 = arith.ori %parallel_loop3A_1313, %parallel_loop3A_1315 : vector<16xi32>
        %parallel_loop3A_1317 = arith.xori %parallel_loop3A_1307, %parallel_loop3A_1316 : vector<16xi32>
        %parallel_loop3A_1318 = arith.constant 10 : i32
        %parallel_loop3A_1319 = vector.broadcast %parallel_loop3A_1318 : i32 to vector<16xi32>
        %parallel_loop3A_1320 = arith.shrui %parallel_loop3A_1317, %parallel_loop3A_1319 : vector<16xi32>
        %parallel_loop3A_1321 = arith.constant 2047 : i32
        %parallel_loop3A_1322 = vector.broadcast %parallel_loop3A_1321 : i32 to vector<16xi32>
        %parallel_loop3A_1323 = arith.andi %parallel_loop3A_1320, %parallel_loop3A_1322 : vector<16xi32>
        %parallel_loop3A_1324 = arith.constant 16 : i32
        %parallel_loop3A_1325 = vector.broadcast %parallel_loop3A_1324 : i32 to vector<16xi32>
        %parallel_loop3A_1326 = arith.muli %parallel_loop3A_1323, %parallel_loop3A_1325 : vector<16xi32>
        %parallel_loop3A_1327 = arith.addi %parallel_loop3A_1326, %iota3A : vector<16xi32>
        %parallel_loop3A_1328 = arith.constant 21 : i32
        %parallel_loop3A_1329 = vector.broadcast %parallel_loop3A_1328 : i32 to vector<16xi32>
        %parallel_loop3A_1330 = arith.shrui %parallel_loop3A_1317, %parallel_loop3A_1329 : vector<16xi32>
        %parallel_loop3A_1331 = arith.cmpi eq, %parallel_loop3A_1330, %broadcast_in_dim3A_439 : vector<16xi32>
        tpu.vector_store_idx %arg9[%parallel_loop3A_1327], %broadcast_in_dim3A_1 masked %parallel_loop3A_1331 {add = true} : memref<32768xi32, #tpu.memory_space<vmem>>[vector<16xi32>], vector<16xi32>, vector<16xi1>
      } {sc.loop_unroll_factor = 8 : i64, sc.parallel_access}
      %add3A_1295 = arith.constant 2 : i32
      %add3A_1296 = arith.addi %add3A_1284, %add3A_1295 : i32
      %lt3A_1297 = arith.constant 32 : i32
      %lt3A_1298 = arith.cmpi slt, %add3A_1296, %lt3A_1297 : i32
      %convert_element_type3A_1299 = arith.extui %lt3A_1298 : i1 to i32
      %cond3A_1300 = arith.constant 0 : i32
      %cond3A_1301 = arith.cmpi ne, %convert_element_type3A_1299, %cond3A_1300 : i32
      scf.if %cond3A_1301 {
        %add3A_1302 = arith.constant 2 : i32
        %add3A_1303 = arith.addi %add3A_1284, %add3A_1302 : i32
        %mul3A_1304 = arith.constant 221184 : i32
        %mul3A_1305 = arith.muli %add3A, %mul3A_1304 : i32
        %mul3A_1306 = arith.constant 6912 : i32
        %mul3A_1307 = arith.muli %add3A_1303, %mul3A_1306 : i32
        %add3A_1308 = arith.addi %mul3A_1305, %mul3A_1307 : i32
        %dma_start3A_1309 = tpu.memref_slice %arg4[%add3A_1308] : memref<7077888xf32, #tpu.memory_space<hbm>> -> memref<6912xf32, #tpu.memory_space<hbm>>
        %dma_start3A_1310 = tpu.memref_slice %arg4[%add3A_1308] : memref<7077888xf32, #tpu.memory_space<hbm>> -> memref<6912xf32, #tpu.memory_space<hbm>>
        tpu.enqueue_dma source(%dma_start3A_1310 : memref<6912xf32, #tpu.memory_space<hbm>>) target(%arg8 : memref<6912xf32, #tpu.memory_space<vmem>>) target_semaphore(%arg11 : memref<!tpu.dma_semaphore, #tpu.memory_space<semaphore_mem>>)
      } else {
      }
    }
    %scan3A_445 = arith.constant 16 : i32
    %scan3A_446 = arith.constant 0 : i32
    %scan3A_447 = arith.constant 0 : i32
    %scan3A_448 = arith.constant 0 : i32
    %scan3A_449 = arith.constant 0 : i32
    %scan3A_450 = arith.constant 0 : i32
    %scan3A_451 = arith.constant 128 : i32
    %scan3A_452 = arith.addi %scan3A_450, %scan3A_451 : i32
    %scan3A_453 = arith.constant 1 : i32
    %scan3A_454:4 = scf.for %scan3A_1262 = %scan3A_450 to %scan3A_452 step %scan3A_453 iter_args(%scan3A_1263 = %scan3A_446, %scan3A_1264 = %scan3A_447, %scan3A_1265 = %scan3A_448, %scan3A_1266 = %scan3A_449) -> (i32, i32, i32, i32)  : i32 {
      %sub3A_1267 = arith.constant 127 : i32
      %sub3A_1268 = arith.subi %sub3A_1267, %scan3A_1262 : i32
      %broadcast_in_dim3A_1269 = arith.constant 0 : i32
      %broadcast_in_dim3A_1270 = vector.broadcast %broadcast_in_dim3A_1269 : i32 to vector<16xi32>
      %mul3A_1271 = arith.constant 16 : i32
      %mul3A_1272 = arith.muli %sub3A_1268, %mul3A_1271 : i32
      %add3A_1273 = arith.constant 0 : i32
      %add3A_1274 = arith.addi %mul3A_1272, %add3A_1273 : i32
      %mul3A_1275 = arith.constant 16 : i32
      %mul3A_1276 = arith.muli %add3A_1274, %mul3A_1275 : i32
      %get3A_1277 = arith.index_cast %mul3A_1276 : i32 to index
      %get3A_1278 = tpu.vector_load %arg9[%get3A_1277] {strides = array<i32>} : memref<32768xi32, #tpu.memory_space<vmem>>, vector<16xi32>,
      %add3A_1279 = arith.addi %broadcast_in_dim3A_1270, %get3A_1278 : vector<16xi32>
      %mul3A_1280 = arith.constant 16 : i32
      %mul3A_1281 = arith.muli %sub3A_1268, %mul3A_1280 : i32
      %add3A_1282 = arith.constant 1 : i32
      %add3A_1283 = arith.addi %mul3A_1281, %add3A_1282 : i32
      %mul3A_1284 = arith.constant 16 : i32
      %mul3A_1285 = arith.muli %add3A_1283, %mul3A_1284 : i32
      %get3A_1286 = arith.index_cast %mul3A_1285 : i32 to index
      %get3A_1287 = tpu.vector_load %arg9[%get3A_1286] {strides = array<i32>} : memref<32768xi32, #tpu.memory_space<vmem>>, vector<16xi32>,
      %add3A_1288 = arith.addi %add3A_1279, %get3A_1287 : vector<16xi32>
      %mul3A_1289 = arith.constant 16 : i32
      %mul3A_1290 = arith.muli %sub3A_1268, %mul3A_1289 : i32
      %add3A_1291 = arith.constant 2 : i32
      %add3A_1292 = arith.addi %mul3A_1290, %add3A_1291 : i32
      %mul3A_1293 = arith.constant 16 : i32
      %mul3A_1294 = arith.muli %add3A_1292, %mul3A_1293 : i32
      %get3A_1295 = arith.index_cast %mul3A_1294 : i32 to index
      %get3A_1296 = tpu.vector_load %arg9[%get3A_1295] {strides = array<i32>} : memref<32768xi32, #tpu.memory_space<vmem>>, vector<16xi32>,
      %add3A_1297 = arith.addi %add3A_1288, %get3A_1296 : vector<16xi32>
      %mul3A_1298 = arith.constant 16 : i32
      %mul3A_1299 = arith.muli %sub3A_1268, %mul3A_1298 : i32
      %add3A_1300 = arith.constant 3 : i32
      %add3A_1301 = arith.addi %mul3A_1299, %add3A_1300 : i32
      %mul3A_1302 = arith.constant 16 : i32
      %mul3A_1303 = arith.muli %add3A_1301, %mul3A_1302 : i32
      %get3A_1304 = arith.index_cast %mul3A_1303 : i32 to index
      %get3A_1305 = tpu.vector_load %arg9[%get3A_1304] {strides = array<i32>} : memref<32768xi32, #tpu.memory_space<vmem>>, vector<16xi32>,
      %add3A_1306 = arith.addi %add3A_1297, %get3A_1305 : vector<16xi32>
      %mul3A_1307 = arith.constant 16 : i32
      %mul3A_1308 = arith.muli %sub3A_1268, %mul3A_1307 : i32
      %add3A_1309 = arith.constant 4 : i32
      %add3A_1310 = arith.addi %mul3A_1308, %add3A_1309 : i32
      %mul3A_1311 = arith.constant 16 : i32
      %mul3A_1312 = arith.muli %add3A_1310, %mul3A_1311 : i32
      %get3A_1313 = arith.index_cast %mul3A_1312 : i32 to index
      %get3A_1314 = tpu.vector_load %arg9[%get3A_1313] {strides = array<i32>} : memref<32768xi32, #tpu.memory_space<vmem>>, vector<16xi32>,
      %add3A_1315 = arith.addi %add3A_1306, %get3A_1314 : vector<16xi32>
      %mul3A_1316 = arith.constant 16 : i32
      %mul3A_1317 = arith.muli %sub3A_1268, %mul3A_1316 : i32
      %add3A_1318 = arith.constant 5 : i32
      %add3A_1319 = arith.addi %mul3A_1317, %add3A_1318 : i32
      %mul3A_1320 = arith.constant 16 : i32
      %mul3A_1321 = arith.muli %add3A_1319, %mul3A_1320 : i32
      %get3A_1322 = arith.index_cast %mul3A_1321 : i32 to index
      %get3A_1323 = tpu.vector_load %arg9[%get3A_1322] {strides = array<i32>} : memref<32768xi32, #tpu.memory_space<vmem>>, vector<16xi32>,
      %add3A_1324 = arith.addi %add3A_1315, %get3A_1323 : vector<16xi32>
      %mul3A_1325 = arith.constant 16 : i32
      %mul3A_1326 = arith.muli %sub3A_1268, %mul3A_1325 : i32
      %add3A_1327 = arith.constant 6 : i32
      %add3A_1328 = arith.addi %mul3A_1326, %add3A_1327 : i32
      %mul3A_1329 = arith.constant 16 : i32
      %mul3A_1330 = arith.muli %add3A_1328, %mul3A_1329 : i32
      %get3A_1331 = arith.index_cast %mul3A_1330 : i32 to index
      %get3A_1332 = tpu.vector_load %arg9[%get3A_1331] {strides = array<i32>} : memref<32768xi32, #tpu.memory_space<vmem>>, vector<16xi32>,
      %add3A_1333 = arith.addi %add3A_1324, %get3A_1332 : vector<16xi32>
      %mul3A_1334 = arith.constant 16 : i32
      %mul3A_1335 = arith.muli %sub3A_1268, %mul3A_1334 : i32
      %add3A_1336 = arith.constant 7 : i32
      %add3A_1337 = arith.addi %mul3A_1335, %add3A_1336 : i32
      %mul3A_1338 = arith.constant 16 : i32
      %mul3A_1339 = arith.muli %add3A_1337, %mul3A_1338 : i32
      %get3A_1340 = arith.index_cast %mul3A_1339 : i32 to index
      %get3A_1341 = tpu.vector_load %arg9[%get3A_1340] {strides = array<i32>} : memref<32768xi32, #tpu.memory_space<vmem>>, vector<16xi32>,
      %add3A_1342 = arith.addi %add3A_1333, %get3A_1341 : vector<16xi32>
      %mul3A_1343 = arith.constant 16 : i32
      %mul3A_1344 = arith.muli %sub3A_1268, %mul3A_1343 : i32
      %add3A_1345 = arith.constant 8 : i32
      %add3A_1346 = arith.addi %mul3A_1344, %add3A_1345 : i32
      %mul3A_1347 = arith.constant 16 : i32
      %mul3A_1348 = arith.muli %add3A_1346, %mul3A_1347 : i32
      %get3A_1349 = arith.index_cast %mul3A_1348 : i32 to index
      %get3A_1350 = tpu.vector_load %arg9[%get3A_1349] {strides = array<i32>} : memref<32768xi32, #tpu.memory_space<vmem>>, vector<16xi32>,
      %add3A_1351 = arith.addi %add3A_1342, %get3A_1350 : vector<16xi32>
      %mul3A_1352 = arith.constant 16 : i32
      %mul3A_1353 = arith.muli %sub3A_1268, %mul3A_1352 : i32
      %add3A_1354 = arith.constant 9 : i32
      %add3A_1355 = arith.addi %mul3A_1353, %add3A_1354 : i32
      %mul3A_1356 = arith.constant 16 : i32
      %mul3A_1357 = arith.muli %add3A_1355, %mul3A_1356 : i32
      %get3A_1358 = arith.index_cast %mul3A_1357 : i32 to index
      %get3A_1359 = tpu.vector_load %arg9[%get3A_1358] {strides = array<i32>} : memref<32768xi32, #tpu.memory_space<vmem>>, vector<16xi32>,
      %add3A_1360 = arith.addi %add3A_1351, %get3A_1359 : vector<16xi32>
      %mul3A_1361 = arith.constant 16 : i32
      %mul3A_1362 = arith.muli %sub3A_1268, %mul3A_1361 : i32
      %add3A_1363 = arith.constant 10 : i32
      %add3A_1364 = arith.addi %mul3A_1362, %add3A_1363 : i32
      %mul3A_1365 = arith.constant 16 : i32
      %mul3A_1366 = arith.muli %add3A_1364, %mul3A_1365 : i32
      %get3A_1367 = arith.index_cast %mul3A_1366 : i32 to index
      %get3A_1368 = tpu.vector_load %arg9[%get3A_1367] {strides = array<i32>} : memref<32768xi32, #tpu.memory_space<vmem>>, vector<16xi32>,
      %add3A_1369 = arith.addi %add3A_1360, %get3A_1368 : vector<16xi32>
      %mul3A_1370 = arith.constant 16 : i32
      %mul3A_1371 = arith.muli %sub3A_1268, %mul3A_1370 : i32
      %add3A_1372 = arith.constant 11 : i32
      %add3A_1373 = arith.addi %mul3A_1371, %add3A_1372 : i32
      %mul3A_1374 = arith.constant 16 : i32
      %mul3A_1375 = arith.muli %add3A_1373, %mul3A_1374 : i32
      %get3A_1376 = arith.index_cast %mul3A_1375 : i32 to index
      %get3A_1377 = tpu.vector_load %arg9[%get3A_1376] {strides = array<i32>} : memref<32768xi32, #tpu.memory_space<vmem>>, vector<16xi32>,
      %add3A_1378 = arith.addi %add3A_1369, %get3A_1377 : vector<16xi32>
      %mul3A_1379 = arith.constant 16 : i32
      %mul3A_1380 = arith.muli %sub3A_1268, %mul3A_1379 : i32
      %add3A_1381 = arith.constant 12 : i32
      %add3A_1382 = arith.addi %mul3A_1380, %add3A_1381 : i32
      %mul3A_1383 = arith.constant 16 : i32
      %mul3A_1384 = arith.muli %add3A_1382, %mul3A_1383 : i32
      %get3A_1385 = arith.index_cast %mul3A_1384 : i32 to index
      %get3A_1386 = tpu.vector_load %arg9[%get3A_1385] {strides = array<i32>} : memref<32768xi32, #tpu.memory_space<vmem>>, vector<16xi32>,
      %add3A_1387 = arith.addi %add3A_1378, %get3A_1386 : vector<16xi32>
      %mul3A_1388 = arith.constant 16 : i32
      %mul3A_1389 = arith.muli %sub3A_1268, %mul3A_1388 : i32
      %add3A_1390 = arith.constant 13 : i32
      %add3A_1391 = arith.addi %mul3A_1389, %add3A_1390 : i32
      %mul3A_1392 = arith.constant 16 : i32
      %mul3A_1393 = arith.muli %add3A_1391, %mul3A_1392 : i32
      %get3A_1394 = arith.index_cast %mul3A_1393 : i32 to index
      %get3A_1395 = tpu.vector_load %arg9[%get3A_1394] {strides = array<i32>} : memref<32768xi32, #tpu.memory_space<vmem>>, vector<16xi32>,
      %add3A_1396 = arith.addi %add3A_1387, %get3A_1395 : vector<16xi32>
      %mul3A_1397 = arith.constant 16 : i32
      %mul3A_1398 = arith.muli %sub3A_1268, %mul3A_1397 : i32
      %add3A_1399 = arith.constant 14 : i32
      %add3A_1400 = arith.addi %mul3A_1398, %add3A_1399 : i32
      %mul3A_1401 = arith.constant 16 : i32
      %mul3A_1402 = arith.muli %add3A_1400, %mul3A_1401 : i32
      %get3A_1403 = arith.index_cast %mul3A_1402 : i32 to index
      %get3A_1404 = tpu.vector_load %arg9[%get3A_1403] {strides = array<i32>} : memref<32768xi32, #tpu.memory_space<vmem>>, vector<16xi32>,
      %add3A_1405 = arith.addi %add3A_1396, %get3A_1404 : vector<16xi32>
      %mul3A_1406 = arith.constant 16 : i32
      %mul3A_1407 = arith.muli %sub3A_1268, %mul3A_1406 : i32
      %add3A_1408 = arith.constant 15 : i32
      %add3A_1409 = arith.addi %mul3A_1407, %add3A_1408 : i32
      %mul3A_1410 = arith.constant 16 : i32
      %mul3A_1411 = arith.muli %add3A_1409, %mul3A_1410 : i32
      %get3A_1412 = arith.index_cast %mul3A_1411 : i32 to index
      %get3A_1413 = tpu.vector_load %arg9[%get3A_1412] {strides = array<i32>} : memref<32768xi32, #tpu.memory_space<vmem>>, vector<16xi32>,
      %add3A_1414 = arith.addi %add3A_1405, %get3A_1413 : vector<16xi32>
      %reduce_sum3A_1415 = arith.constant true
      %reduce_sum3A_1416 = vector.broadcast %reduce_sum3A_1415 : i1 to vector<16xi1>
      %reduce_sum3A_1417 = tpu.scan <sum>, %add3A_1414 masked %reduce_sum3A_1416 : vector<16xi32>, vector<16xi1> -> vector<16xi32>
      %reduce_sum3A_1418 = vector.extract %reduce_sum3A_1417[15] : i32 from vector<16xi32>
      %add3A_1419 = arith.addi %scan3A_1263, %reduce_sum3A_1418 : i32
      %eq3A_1420 = arith.constant 0 : i32
      %eq3A_1421 = arith.cmpi eq, %scan3A_1266, %eq3A_1420 : i32
      %ge3A_1422 = arith.cmpi sge, %add3A_1419, %sub3A_423 : i32
      %and3A_1423 = arith.andi %eq3A_1421, %ge3A_1422 : i1
      %select_n3A_1424 = arith.select %and3A_1423, %sub3A_1268, %scan3A_1264 : i32
      %select_n3A_1425 = arith.select %and3A_1423, %scan3A_1263, %scan3A_1265 : i32
      %jit3A_1426 = arith.constant 1 : i32
      %select_n3A_1427 = arith.select %and3A_1423, %jit3A_1426, %scan3A_1266 : i32
      scf.yield %add3A_1419, %select_n3A_1424, %select_n3A_1425, %select_n3A_1427 : i32, i32, i32, i32
    }
    %scan3A_455 = arith.constant 128 : i32
    %mul3A_456 = arith.constant 16 : i32
    %mul3A_457 = arith.muli %scan3A_454#1, %mul3A_456 : i32
    %add3A_458 = arith.constant 15 : i32
    %add3A_459 = arith.addi %mul3A_457, %add3A_458 : i32
    %mul3A_460 = arith.constant 16 : i32
    %mul3A_461 = arith.muli %add3A_459, %mul3A_460 : i32
    %get3A_462 = arith.index_cast %mul3A_461 : i32 to index
    %get3A_463 = tpu.vector_load %arg9[%get3A_462] {strides = array<i32>} : memref<32768xi32, #tpu.memory_space<vmem>>, vector<16xi32>,
    %reduce_sum3A_464 = arith.constant true
    %reduce_sum3A_465 = vector.broadcast %reduce_sum3A_464 : i1 to vector<16xi1>
    %reduce_sum3A_466 = tpu.scan <sum>, %get3A_463 masked %reduce_sum3A_465 : vector<16xi32>, vector<16xi1> -> vector<16xi32>
    %reduce_sum3A_467 = vector.extract %reduce_sum3A_466[15] : i32 from vector<16xi32>
    %add3A_468 = arith.addi %scan3A_454#2, %reduce_sum3A_467 : i32
    %eq3A_469 = arith.constant 0 : i32
    %eq3A_470 = arith.constant 0 : i32
    %eq3A_471 = arith.cmpi eq, %eq3A_469, %eq3A_470 : i32
    %ge3A_472 = arith.cmpi sge, %add3A_468, %sub3A_423 : i32
    %and3A_473 = arith.andi %eq3A_471, %ge3A_472 : i1
    %jit3A_474 = arith.constant 15 : i32
    %jit3A_475 = arith.constant 0 : i32
    %select_n3A_476 = arith.select %and3A_473, %jit3A_474, %jit3A_475 : i32
    %jit3A_477 = arith.constant 0 : i32
    %select_n3A_478 = arith.select %and3A_473, %scan3A_454#2, %jit3A_477 : i32
    %jit3A_479 = arith.constant 1 : i32
    %jit3A_480 = arith.constant 0 : i32
    %select_n3A_481 = arith.select %and3A_473, %jit3A_479, %jit3A_480 : i32
    %mul3A_482 = arith.constant 16 : i32
    %mul3A_483 = arith.muli %scan3A_454#1, %mul3A_482 : i32
    %add3A_484 = arith.constant 14 : i32
    %add3A_485 = arith.addi %mul3A_483, %add3A_484 : i32
    %mul3A_486 = arith.constant 16 : i32
    %mul3A_487 = arith.muli %add3A_485, %mul3A_486 : i32
    %get3A_488 = arith.index_cast %mul3A_487 : i32 to index
    %get3A_489 = tpu.vector_load %arg9[%get3A_488] {strides = array<i32>} : memref<32768xi32, #tpu.memory_space<vmem>>, vector<16xi32>,
    %reduce_sum3A_490 = arith.constant true
    %reduce_sum3A_491 = vector.broadcast %reduce_sum3A_490 : i1 to vector<16xi1>
    %reduce_sum3A_492 = tpu.scan <sum>, %get3A_489 masked %reduce_sum3A_491 : vector<16xi32>, vector<16xi1> -> vector<16xi32>
    %reduce_sum3A_493 = vector.extract %reduce_sum3A_492[15] : i32 from vector<16xi32>
    %add3A_494 = arith.addi %add3A_468, %reduce_sum3A_493 : i32
    %eq3A_495 = arith.constant 0 : i32
    %eq3A_496 = arith.cmpi eq, %select_n3A_481, %eq3A_495 : i32
    %ge3A_497 = arith.cmpi sge, %add3A_494, %sub3A_423 : i32
    %and3A_498 = arith.andi %eq3A_496, %ge3A_497 : i1
    %jit3A_499 = arith.constant 14 : i32
    %select_n3A_500 = arith.select %and3A_498, %jit3A_499, %select_n3A_476 : i32
    %select_n3A_501 = arith.select %and3A_498, %add3A_468, %select_n3A_478 : i32
    %jit3A_502 = arith.constant 1 : i32
    %select_n3A_503 = arith.select %and3A_498, %jit3A_502, %select_n3A_481 : i32
    %mul3A_504 = arith.constant 16 : i32
    %mul3A_505 = arith.muli %scan3A_454#1, %mul3A_504 : i32
    %add3A_506 = arith.constant 13 : i32
    %add3A_507 = arith.addi %mul3A_505, %add3A_506 : i32
    %mul3A_508 = arith.constant 16 : i32
    %mul3A_509 = arith.muli %add3A_507, %mul3A_508 : i32
    %get3A_510 = arith.index_cast %mul3A_509 : i32 to index
    %get3A_511 = tpu.vector_load %arg9[%get3A_510] {strides = array<i32>} : memref<32768xi32, #tpu.memory_space<vmem>>, vector<16xi32>,
    %reduce_sum3A_512 = arith.constant true
    %reduce_sum3A_513 = vector.broadcast %reduce_sum3A_512 : i1 to vector<16xi1>
    %reduce_sum3A_514 = tpu.scan <sum>, %get3A_511 masked %reduce_sum3A_513 : vector<16xi32>, vector<16xi1> -> vector<16xi32>
    %reduce_sum3A_515 = vector.extract %reduce_sum3A_514[15] : i32 from vector<16xi32>
    %add3A_516 = arith.addi %add3A_494, %reduce_sum3A_515 : i32
    %eq3A_517 = arith.constant 0 : i32
    %eq3A_518 = arith.cmpi eq, %select_n3A_503, %eq3A_517 : i32
    %ge3A_519 = arith.cmpi sge, %add3A_516, %sub3A_423 : i32
    %and3A_520 = arith.andi %eq3A_518, %ge3A_519 : i1
    %jit3A_521 = arith.constant 13 : i32
    %select_n3A_522 = arith.select %and3A_520, %jit3A_521, %select_n3A_500 : i32
    %select_n3A_523 = arith.select %and3A_520, %add3A_494, %select_n3A_501 : i32
    %jit3A_524 = arith.constant 1 : i32
    %select_n3A_525 = arith.select %and3A_520, %jit3A_524, %select_n3A_503 : i32
    %mul3A_526 = arith.constant 16 : i32
    %mul3A_527 = arith.muli %scan3A_454#1, %mul3A_526 : i32
    %add3A_528 = arith.constant 12 : i32
    %add3A_529 = arith.addi %mul3A_527, %add3A_528 : i32
    %mul3A_530 = arith.constant 16 : i32
    %mul3A_531 = arith.muli %add3A_529, %mul3A_530 : i32
    %get3A_532 = arith.index_cast %mul3A_531 : i32 to index
    %get3A_533 = tpu.vector_load %arg9[%get3A_532] {strides = array<i32>} : memref<32768xi32, #tpu.memory_space<vmem>>, vector<16xi32>,
    %reduce_sum3A_534 = arith.constant true
    %reduce_sum3A_535 = vector.broadcast %reduce_sum3A_534 : i1 to vector<16xi1>
    %reduce_sum3A_536 = tpu.scan <sum>, %get3A_533 masked %reduce_sum3A_535 : vector<16xi32>, vector<16xi1> -> vector<16xi32>
    %reduce_sum3A_537 = vector.extract %reduce_sum3A_536[15] : i32 from vector<16xi32>
    %add3A_538 = arith.addi %add3A_516, %reduce_sum3A_537 : i32
    %eq3A_539 = arith.constant 0 : i32
    %eq3A_540 = arith.cmpi eq, %select_n3A_525, %eq3A_539 : i32
    %ge3A_541 = arith.cmpi sge, %add3A_538, %sub3A_423 : i32
    %and3A_542 = arith.andi %eq3A_540, %ge3A_541 : i1
    %jit3A_543 = arith.constant 12 : i32
    %select_n3A_544 = arith.select %and3A_542, %jit3A_543, %select_n3A_522 : i32
    %select_n3A_545 = arith.select %and3A_542, %add3A_516, %select_n3A_523 : i32
    %jit3A_546 = arith.constant 1 : i32
    %select_n3A_547 = arith.select %and3A_542, %jit3A_546, %select_n3A_525 : i32
    %mul3A_548 = arith.constant 16 : i32
    %mul3A_549 = arith.muli %scan3A_454#1, %mul3A_548 : i32
    %add3A_550 = arith.constant 11 : i32
    %add3A_551 = arith.addi %mul3A_549, %add3A_550 : i32
    %mul3A_552 = arith.constant 16 : i32
    %mul3A_553 = arith.muli %add3A_551, %mul3A_552 : i32
    %get3A_554 = arith.index_cast %mul3A_553 : i32 to index
    %get3A_555 = tpu.vector_load %arg9[%get3A_554] {strides = array<i32>} : memref<32768xi32, #tpu.memory_space<vmem>>, vector<16xi32>,
    %reduce_sum3A_556 = arith.constant true
    %reduce_sum3A_557 = vector.broadcast %reduce_sum3A_556 : i1 to vector<16xi1>
    %reduce_sum3A_558 = tpu.scan <sum>, %get3A_555 masked %reduce_sum3A_557 : vector<16xi32>, vector<16xi1> -> vector<16xi32>
    %reduce_sum3A_559 = vector.extract %reduce_sum3A_558[15] : i32 from vector<16xi32>
    %add3A_560 = arith.addi %add3A_538, %reduce_sum3A_559 : i32
    %eq3A_561 = arith.constant 0 : i32
    %eq3A_562 = arith.cmpi eq, %select_n3A_547, %eq3A_561 : i32
    %ge3A_563 = arith.cmpi sge, %add3A_560, %sub3A_423 : i32
    %and3A_564 = arith.andi %eq3A_562, %ge3A_563 : i1
    %jit3A_565 = arith.constant 11 : i32
    %select_n3A_566 = arith.select %and3A_564, %jit3A_565, %select_n3A_544 : i32
    %select_n3A_567 = arith.select %and3A_564, %add3A_538, %select_n3A_545 : i32
    %jit3A_568 = arith.constant 1 : i32
    %select_n3A_569 = arith.select %and3A_564, %jit3A_568, %select_n3A_547 : i32
    %mul3A_570 = arith.constant 16 : i32
    %mul3A_571 = arith.muli %scan3A_454#1, %mul3A_570 : i32
    %add3A_572 = arith.constant 10 : i32
    %add3A_573 = arith.addi %mul3A_571, %add3A_572 : i32
    %mul3A_574 = arith.constant 16 : i32
    %mul3A_575 = arith.muli %add3A_573, %mul3A_574 : i32
    %get3A_576 = arith.index_cast %mul3A_575 : i32 to index
    %get3A_577 = tpu.vector_load %arg9[%get3A_576] {strides = array<i32>} : memref<32768xi32, #tpu.memory_space<vmem>>, vector<16xi32>,
    %reduce_sum3A_578 = arith.constant true
    %reduce_sum3A_579 = vector.broadcast %reduce_sum3A_578 : i1 to vector<16xi1>
    %reduce_sum3A_580 = tpu.scan <sum>, %get3A_577 masked %reduce_sum3A_579 : vector<16xi32>, vector<16xi1> -> vector<16xi32>
    %reduce_sum3A_581 = vector.extract %reduce_sum3A_580[15] : i32 from vector<16xi32>
    %add3A_582 = arith.addi %add3A_560, %reduce_sum3A_581 : i32
    %eq3A_583 = arith.constant 0 : i32
    %eq3A_584 = arith.cmpi eq, %select_n3A_569, %eq3A_583 : i32
    %ge3A_585 = arith.cmpi sge, %add3A_582, %sub3A_423 : i32
    %and3A_586 = arith.andi %eq3A_584, %ge3A_585 : i1
    %jit3A_587 = arith.constant 10 : i32
    %select_n3A_588 = arith.select %and3A_586, %jit3A_587, %select_n3A_566 : i32
    %select_n3A_589 = arith.select %and3A_586, %add3A_560, %select_n3A_567 : i32
    %jit3A_590 = arith.constant 1 : i32
    %select_n3A_591 = arith.select %and3A_586, %jit3A_590, %select_n3A_569 : i32
    %mul3A_592 = arith.constant 16 : i32
    %mul3A_593 = arith.muli %scan3A_454#1, %mul3A_592 : i32
    %add3A_594 = arith.constant 9 : i32
    %add3A_595 = arith.addi %mul3A_593, %add3A_594 : i32
    %mul3A_596 = arith.constant 16 : i32
    %mul3A_597 = arith.muli %add3A_595, %mul3A_596 : i32
    %get3A_598 = arith.index_cast %mul3A_597 : i32 to index
    %get3A_599 = tpu.vector_load %arg9[%get3A_598] {strides = array<i32>} : memref<32768xi32, #tpu.memory_space<vmem>>, vector<16xi32>,
    %reduce_sum3A_600 = arith.constant true
    %reduce_sum3A_601 = vector.broadcast %reduce_sum3A_600 : i1 to vector<16xi1>
    %reduce_sum3A_602 = tpu.scan <sum>, %get3A_599 masked %reduce_sum3A_601 : vector<16xi32>, vector<16xi1> -> vector<16xi32>
    %reduce_sum3A_603 = vector.extract %reduce_sum3A_602[15] : i32 from vector<16xi32>
    %add3A_604 = arith.addi %add3A_582, %reduce_sum3A_603 : i32
    %eq3A_605 = arith.constant 0 : i32
    %eq3A_606 = arith.cmpi eq, %select_n3A_591, %eq3A_605 : i32
    %ge3A_607 = arith.cmpi sge, %add3A_604, %sub3A_423 : i32
    %and3A_608 = arith.andi %eq3A_606, %ge3A_607 : i1
    %jit3A_609 = arith.constant 9 : i32
    %select_n3A_610 = arith.select %and3A_608, %jit3A_609, %select_n3A_588 : i32
    %select_n3A_611 = arith.select %and3A_608, %add3A_582, %select_n3A_589 : i32
    %jit3A_612 = arith.constant 1 : i32
    %select_n3A_613 = arith.select %and3A_608, %jit3A_612, %select_n3A_591 : i32
    %mul3A_614 = arith.constant 16 : i32
    %mul3A_615 = arith.muli %scan3A_454#1, %mul3A_614 : i32
    %add3A_616 = arith.constant 8 : i32
    %add3A_617 = arith.addi %mul3A_615, %add3A_616 : i32
    %mul3A_618 = arith.constant 16 : i32
    %mul3A_619 = arith.muli %add3A_617, %mul3A_618 : i32
    %get3A_620 = arith.index_cast %mul3A_619 : i32 to index
    %get3A_621 = tpu.vector_load %arg9[%get3A_620] {strides = array<i32>} : memref<32768xi32, #tpu.memory_space<vmem>>, vector<16xi32>,
    %reduce_sum3A_622 = arith.constant true
    %reduce_sum3A_623 = vector.broadcast %reduce_sum3A_622 : i1 to vector<16xi1>
    %reduce_sum3A_624 = tpu.scan <sum>, %get3A_621 masked %reduce_sum3A_623 : vector<16xi32>, vector<16xi1> -> vector<16xi32>
    %reduce_sum3A_625 = vector.extract %reduce_sum3A_624[15] : i32 from vector<16xi32>
    %add3A_626 = arith.addi %add3A_604, %reduce_sum3A_625 : i32
    %eq3A_627 = arith.constant 0 : i32
    %eq3A_628 = arith.cmpi eq, %select_n3A_613, %eq3A_627 : i32
    %ge3A_629 = arith.cmpi sge, %add3A_626, %sub3A_423 : i32
    %and3A_630 = arith.andi %eq3A_628, %ge3A_629 : i1
    %jit3A_631 = arith.constant 8 : i32
    %select_n3A_632 = arith.select %and3A_630, %jit3A_631, %select_n3A_610 : i32
    %select_n3A_633 = arith.select %and3A_630, %add3A_604, %select_n3A_611 : i32
    %jit3A_634 = arith.constant 1 : i32
    %select_n3A_635 = arith.select %and3A_630, %jit3A_634, %select_n3A_613 : i32
    %mul3A_636 = arith.constant 16 : i32
    %mul3A_637 = arith.muli %scan3A_454#1, %mul3A_636 : i32
    %add3A_638 = arith.constant 7 : i32
    %add3A_639 = arith.addi %mul3A_637, %add3A_638 : i32
    %mul3A_640 = arith.constant 16 : i32
    %mul3A_641 = arith.muli %add3A_639, %mul3A_640 : i32
    %get3A_642 = arith.index_cast %mul3A_641 : i32 to index
    %get3A_643 = tpu.vector_load %arg9[%get3A_642] {strides = array<i32>} : memref<32768xi32, #tpu.memory_space<vmem>>, vector<16xi32>,
    %reduce_sum3A_644 = arith.constant true
    %reduce_sum3A_645 = vector.broadcast %reduce_sum3A_644 : i1 to vector<16xi1>
    %reduce_sum3A_646 = tpu.scan <sum>, %get3A_643 masked %reduce_sum3A_645 : vector<16xi32>, vector<16xi1> -> vector<16xi32>
    %reduce_sum3A_647 = vector.extract %reduce_sum3A_646[15] : i32 from vector<16xi32>
    %add3A_648 = arith.addi %add3A_626, %reduce_sum3A_647 : i32
    %eq3A_649 = arith.constant 0 : i32
    %eq3A_650 = arith.cmpi eq, %select_n3A_635, %eq3A_649 : i32
    %ge3A_651 = arith.cmpi sge, %add3A_648, %sub3A_423 : i32
    %and3A_652 = arith.andi %eq3A_650, %ge3A_651 : i1
    %jit3A_653 = arith.constant 7 : i32
    %select_n3A_654 = arith.select %and3A_652, %jit3A_653, %select_n3A_632 : i32
    %select_n3A_655 = arith.select %and3A_652, %add3A_626, %select_n3A_633 : i32
    %jit3A_656 = arith.constant 1 : i32
    %select_n3A_657 = arith.select %and3A_652, %jit3A_656, %select_n3A_635 : i32
    %mul3A_658 = arith.constant 16 : i32
    %mul3A_659 = arith.muli %scan3A_454#1, %mul3A_658 : i32
    %add3A_660 = arith.constant 6 : i32
    %add3A_661 = arith.addi %mul3A_659, %add3A_660 : i32
    %mul3A_662 = arith.constant 16 : i32
    %mul3A_663 = arith.muli %add3A_661, %mul3A_662 : i32
    %get3A_664 = arith.index_cast %mul3A_663 : i32 to index
    %get3A_665 = tpu.vector_load %arg9[%get3A_664] {strides = array<i32>} : memref<32768xi32, #tpu.memory_space<vmem>>, vector<16xi32>,
    %reduce_sum3A_666 = arith.constant true
    %reduce_sum3A_667 = vector.broadcast %reduce_sum3A_666 : i1 to vector<16xi1>
    %reduce_sum3A_668 = tpu.scan <sum>, %get3A_665 masked %reduce_sum3A_667 : vector<16xi32>, vector<16xi1> -> vector<16xi32>
    %reduce_sum3A_669 = vector.extract %reduce_sum3A_668[15] : i32 from vector<16xi32>
    %add3A_670 = arith.addi %add3A_648, %reduce_sum3A_669 : i32
    %eq3A_671 = arith.constant 0 : i32
    %eq3A_672 = arith.cmpi eq, %select_n3A_657, %eq3A_671 : i32
    %ge3A_673 = arith.cmpi sge, %add3A_670, %sub3A_423 : i32
    %and3A_674 = arith.andi %eq3A_672, %ge3A_673 : i1
    %jit3A_675 = arith.constant 6 : i32
    %select_n3A_676 = arith.select %and3A_674, %jit3A_675, %select_n3A_654 : i32
    %select_n3A_677 = arith.select %and3A_674, %add3A_648, %select_n3A_655 : i32
    %jit3A_678 = arith.constant 1 : i32
    %select_n3A_679 = arith.select %and3A_674, %jit3A_678, %select_n3A_657 : i32
    %mul3A_680 = arith.constant 16 : i32
    %mul3A_681 = arith.muli %scan3A_454#1, %mul3A_680 : i32
    %add3A_682 = arith.constant 5 : i32
    %add3A_683 = arith.addi %mul3A_681, %add3A_682 : i32
    %mul3A_684 = arith.constant 16 : i32
    %mul3A_685 = arith.muli %add3A_683, %mul3A_684 : i32
    %get3A_686 = arith.index_cast %mul3A_685 : i32 to index
    %get3A_687 = tpu.vector_load %arg9[%get3A_686] {strides = array<i32>} : memref<32768xi32, #tpu.memory_space<vmem>>, vector<16xi32>,
    %reduce_sum3A_688 = arith.constant true
    %reduce_sum3A_689 = vector.broadcast %reduce_sum3A_688 : i1 to vector<16xi1>
    %reduce_sum3A_690 = tpu.scan <sum>, %get3A_687 masked %reduce_sum3A_689 : vector<16xi32>, vector<16xi1> -> vector<16xi32>
    %reduce_sum3A_691 = vector.extract %reduce_sum3A_690[15] : i32 from vector<16xi32>
    %add3A_692 = arith.addi %add3A_670, %reduce_sum3A_691 : i32
    %eq3A_693 = arith.constant 0 : i32
    %eq3A_694 = arith.cmpi eq, %select_n3A_679, %eq3A_693 : i32
    %ge3A_695 = arith.cmpi sge, %add3A_692, %sub3A_423 : i32
    %and3A_696 = arith.andi %eq3A_694, %ge3A_695 : i1
    %jit3A_697 = arith.constant 5 : i32
    %select_n3A_698 = arith.select %and3A_696, %jit3A_697, %select_n3A_676 : i32
    %select_n3A_699 = arith.select %and3A_696, %add3A_670, %select_n3A_677 : i32
    %jit3A_700 = arith.constant 1 : i32
    %select_n3A_701 = arith.select %and3A_696, %jit3A_700, %select_n3A_679 : i32
    %mul3A_702 = arith.constant 16 : i32
    %mul3A_703 = arith.muli %scan3A_454#1, %mul3A_702 : i32
    %add3A_704 = arith.constant 4 : i32
    %add3A_705 = arith.addi %mul3A_703, %add3A_704 : i32
    %mul3A_706 = arith.constant 16 : i32
    %mul3A_707 = arith.muli %add3A_705, %mul3A_706 : i32
    %get3A_708 = arith.index_cast %mul3A_707 : i32 to index
    %get3A_709 = tpu.vector_load %arg9[%get3A_708] {strides = array<i32>} : memref<32768xi32, #tpu.memory_space<vmem>>, vector<16xi32>,
    %reduce_sum3A_710 = arith.constant true
    %reduce_sum3A_711 = vector.broadcast %reduce_sum3A_710 : i1 to vector<16xi1>
    %reduce_sum3A_712 = tpu.scan <sum>, %get3A_709 masked %reduce_sum3A_711 : vector<16xi32>, vector<16xi1> -> vector<16xi32>
    %reduce_sum3A_713 = vector.extract %reduce_sum3A_712[15] : i32 from vector<16xi32>
    %add3A_714 = arith.addi %add3A_692, %reduce_sum3A_713 : i32
    %eq3A_715 = arith.constant 0 : i32
    %eq3A_716 = arith.cmpi eq, %select_n3A_701, %eq3A_715 : i32
    %ge3A_717 = arith.cmpi sge, %add3A_714, %sub3A_423 : i32
    %and3A_718 = arith.andi %eq3A_716, %ge3A_717 : i1
    %jit3A_719 = arith.constant 4 : i32
    %select_n3A_720 = arith.select %and3A_718, %jit3A_719, %select_n3A_698 : i32
    %select_n3A_721 = arith.select %and3A_718, %add3A_692, %select_n3A_699 : i32
    %jit3A_722 = arith.constant 1 : i32
    %select_n3A_723 = arith.select %and3A_718, %jit3A_722, %select_n3A_701 : i32
    %mul3A_724 = arith.constant 16 : i32
    %mul3A_725 = arith.muli %scan3A_454#1, %mul3A_724 : i32
    %add3A_726 = arith.constant 3 : i32
    %add3A_727 = arith.addi %mul3A_725, %add3A_726 : i32
    %mul3A_728 = arith.constant 16 : i32
    %mul3A_729 = arith.muli %add3A_727, %mul3A_728 : i32
    %get3A_730 = arith.index_cast %mul3A_729 : i32 to index
    %get3A_731 = tpu.vector_load %arg9[%get3A_730] {strides = array<i32>} : memref<32768xi32, #tpu.memory_space<vmem>>, vector<16xi32>,
    %reduce_sum3A_732 = arith.constant true
    %reduce_sum3A_733 = vector.broadcast %reduce_sum3A_732 : i1 to vector<16xi1>
    %reduce_sum3A_734 = tpu.scan <sum>, %get3A_731 masked %reduce_sum3A_733 : vector<16xi32>, vector<16xi1> -> vector<16xi32>
    %reduce_sum3A_735 = vector.extract %reduce_sum3A_734[15] : i32 from vector<16xi32>
    %add3A_736 = arith.addi %add3A_714, %reduce_sum3A_735 : i32
    %eq3A_737 = arith.constant 0 : i32
    %eq3A_738 = arith.cmpi eq, %select_n3A_723, %eq3A_737 : i32
    %ge3A_739 = arith.cmpi sge, %add3A_736, %sub3A_423 : i32
    %and3A_740 = arith.andi %eq3A_738, %ge3A_739 : i1
    %jit3A_741 = arith.constant 3 : i32
    %select_n3A_742 = arith.select %and3A_740, %jit3A_741, %select_n3A_720 : i32
    %select_n3A_743 = arith.select %and3A_740, %add3A_714, %select_n3A_721 : i32
    %jit3A_744 = arith.constant 1 : i32
    %select_n3A_745 = arith.select %and3A_740, %jit3A_744, %select_n3A_723 : i32
    %mul3A_746 = arith.constant 16 : i32
    %mul3A_747 = arith.muli %scan3A_454#1, %mul3A_746 : i32
    %add3A_748 = arith.constant 2 : i32
    %add3A_749 = arith.addi %mul3A_747, %add3A_748 : i32
    %mul3A_750 = arith.constant 16 : i32
    %mul3A_751 = arith.muli %add3A_749, %mul3A_750 : i32
    %get3A_752 = arith.index_cast %mul3A_751 : i32 to index
    %get3A_753 = tpu.vector_load %arg9[%get3A_752] {strides = array<i32>} : memref<32768xi32, #tpu.memory_space<vmem>>, vector<16xi32>,
    %reduce_sum3A_754 = arith.constant true
    %reduce_sum3A_755 = vector.broadcast %reduce_sum3A_754 : i1 to vector<16xi1>
    %reduce_sum3A_756 = tpu.scan <sum>, %get3A_753 masked %reduce_sum3A_755 : vector<16xi32>, vector<16xi1> -> vector<16xi32>
    %reduce_sum3A_757 = vector.extract %reduce_sum3A_756[15] : i32 from vector<16xi32>
    %add3A_758 = arith.addi %add3A_736, %reduce_sum3A_757 : i32
    %eq3A_759 = arith.constant 0 : i32
    %eq3A_760 = arith.cmpi eq, %select_n3A_745, %eq3A_759 : i32
    %ge3A_761 = arith.cmpi sge, %add3A_758, %sub3A_423 : i32
    %and3A_762 = arith.andi %eq3A_760, %ge3A_761 : i1
    %jit3A_763 = arith.constant 2 : i32
    %select_n3A_764 = arith.select %and3A_762, %jit3A_763, %select_n3A_742 : i32
    %select_n3A_765 = arith.select %and3A_762, %add3A_736, %select_n3A_743 : i32
    %jit3A_766 = arith.constant 1 : i32
    %select_n3A_767 = arith.select %and3A_762, %jit3A_766, %select_n3A_745 : i32
    %mul3A_768 = arith.constant 16 : i32
    %mul3A_769 = arith.muli %scan3A_454#1, %mul3A_768 : i32
    %add3A_770 = arith.constant 1 : i32
    %add3A_771 = arith.addi %mul3A_769, %add3A_770 : i32
    %mul3A_772 = arith.constant 16 : i32
    %mul3A_773 = arith.muli %add3A_771, %mul3A_772 : i32
    %get3A_774 = arith.index_cast %mul3A_773 : i32 to index
    %get3A_775 = tpu.vector_load %arg9[%get3A_774] {strides = array<i32>} : memref<32768xi32, #tpu.memory_space<vmem>>, vector<16xi32>,
    %reduce_sum3A_776 = arith.constant true
    %reduce_sum3A_777 = vector.broadcast %reduce_sum3A_776 : i1 to vector<16xi1>
    %reduce_sum3A_778 = tpu.scan <sum>, %get3A_775 masked %reduce_sum3A_777 : vector<16xi32>, vector<16xi1> -> vector<16xi32>
    %reduce_sum3A_779 = vector.extract %reduce_sum3A_778[15] : i32 from vector<16xi32>
    %add3A_780 = arith.addi %add3A_758, %reduce_sum3A_779 : i32
    %eq3A_781 = arith.constant 0 : i32
    %eq3A_782 = arith.cmpi eq, %select_n3A_767, %eq3A_781 : i32
    %ge3A_783 = arith.cmpi sge, %add3A_780, %sub3A_423 : i32
    %and3A_784 = arith.andi %eq3A_782, %ge3A_783 : i1
    %jit3A_785 = arith.constant 1 : i32
    %select_n3A_786 = arith.select %and3A_784, %jit3A_785, %select_n3A_764 : i32
    %select_n3A_787 = arith.select %and3A_784, %add3A_758, %select_n3A_765 : i32
    %jit3A_788 = arith.constant 1 : i32
    %select_n3A_789 = arith.select %and3A_784, %jit3A_788, %select_n3A_767 : i32
    %mul3A_790 = arith.constant 16 : i32
    %mul3A_791 = arith.muli %scan3A_454#1, %mul3A_790 : i32
    %add3A_792 = arith.constant 0 : i32
    %add3A_793 = arith.addi %mul3A_791, %add3A_792 : i32
    %mul3A_794 = arith.constant 16 : i32
    %mul3A_795 = arith.muli %add3A_793, %mul3A_794 : i32
    %get3A_796 = arith.index_cast %mul3A_795 : i32 to index
    %get3A_797 = tpu.vector_load %arg9[%get3A_796] {strides = array<i32>} : memref<32768xi32, #tpu.memory_space<vmem>>, vector<16xi32>,
    %reduce_sum3A_798 = arith.constant true
    %reduce_sum3A_799 = vector.broadcast %reduce_sum3A_798 : i1 to vector<16xi1>
    %reduce_sum3A_800 = tpu.scan <sum>, %get3A_797 masked %reduce_sum3A_799 : vector<16xi32>, vector<16xi1> -> vector<16xi32>
    %reduce_sum3A_801 = vector.extract %reduce_sum3A_800[15] : i32 from vector<16xi32>
    %add3A_802 = arith.addi %add3A_780, %reduce_sum3A_801 : i32
    %eq3A_803 = arith.constant 0 : i32
    %eq3A_804 = arith.cmpi eq, %select_n3A_789, %eq3A_803 : i32
    %ge3A_805 = arith.cmpi sge, %add3A_802, %sub3A_423 : i32
    %and3A_806 = arith.andi %eq3A_804, %ge3A_805 : i1
    %jit3A_807 = arith.constant 0 : i32
    %select_n3A_808 = arith.select %and3A_806, %jit3A_807, %select_n3A_786 : i32
    %select_n3A_809 = arith.select %and3A_806, %add3A_780, %select_n3A_787 : i32
    %jit3A_810 = arith.constant 1 : i32
    %select_n3A_811 = arith.select %and3A_806, %jit3A_810, %select_n3A_789 : i32
    %mul3A_812 = arith.constant 16 : i32
    %mul3A_813 = arith.muli %scan3A_454#1, %mul3A_812 : i32
    %add3A_814 = arith.addi %mul3A_813, %select_n3A_808 : i32
    %shift_left3A_815 = arith.constant 11 : i32
    %shift_left3A_816 = arith.shli %or3A, %shift_left3A_815 : i32
    %or3A_817 = arith.ori %shift_left3A_816, %add3A_814 : i32
    %sub3A_818 = arith.subi %sub3A_423, %select_n3A_809 : i32
    %mul3A_819 = arith.constant 221184 : i32
    %mul3A_820 = arith.muli %add3A, %mul3A_819 : i32
    %add3A_821 = arith.constant 0 : i32
    %add3A_822 = arith.addi %mul3A_820, %add3A_821 : i32
    %dma_start3A_823 = tpu.memref_slice %arg4[%add3A_822] : memref<7077888xf32, #tpu.memory_space<hbm>> -> memref<6912xf32, #tpu.memory_space<hbm>>
    %dma_start3A_824 = tpu.memref_slice %arg4[%add3A_822] : memref<7077888xf32, #tpu.memory_space<hbm>> -> memref<6912xf32, #tpu.memory_space<hbm>>
    tpu.enqueue_dma source(%dma_start3A_824 : memref<6912xf32, #tpu.memory_space<hbm>>) target(%arg7 : memref<6912xf32, #tpu.memory_space<vmem>>) target_semaphore(%arg10 : memref<!tpu.dma_semaphore, #tpu.memory_space<semaphore_mem>>)
    %mul3A_825 = arith.constant 221184 : i32
    %mul3A_826 = arith.muli %add3A, %mul3A_825 : i32
    %add3A_827 = arith.constant 6912 : i32
    %add3A_828 = arith.addi %mul3A_826, %add3A_827 : i32
    %dma_start3A_829 = tpu.memref_slice %arg4[%add3A_828] : memref<7077888xf32, #tpu.memory_space<hbm>> -> memref<6912xf32, #tpu.memory_space<hbm>>
    %dma_start3A_830 = tpu.memref_slice %arg4[%add3A_828] : memref<7077888xf32, #tpu.memory_space<hbm>> -> memref<6912xf32, #tpu.memory_space<hbm>>
    tpu.enqueue_dma source(%dma_start3A_830 : memref<6912xf32, #tpu.memory_space<hbm>>) target(%arg8 : memref<6912xf32, #tpu.memory_space<vmem>>) target_semaphore(%arg11 : memref<!tpu.dma_semaphore, #tpu.memory_space<semaphore_mem>>)
    %parallel_loop3A_831 = arith.constant 0 : i32
    %parallel_loop3A_832 = arith.constant 1024 : i32
    %parallel_loop3A_833 = arith.constant 1 : i32
    scf.for %parallel_loop3A_1262 = %parallel_loop3A_831 to %parallel_loop3A_832 step %parallel_loop3A_833  : i32 {
      %parallel_loop3A_1263 = arith.constant 0 : i32
      %parallel_loop3A_1264 = vector.broadcast %parallel_loop3A_1263 : i32 to vector<16xi32>
      %parallel_loop3A_1265 = arith.constant 16 : i32
      %parallel_loop3A_1266 = arith.muli %parallel_loop3A_1262, %parallel_loop3A_1265 : i32
      %parallel_loop3A_1267 = arith.index_cast %parallel_loop3A_1266 : i32 to index
      %parallel_loop3A_1268 = tpu.vector_load %arg9[%parallel_loop3A_1267] {strides = array<i32>} : memref<32768xi32, #tpu.memory_space<vmem>>, vector<16xi32>,
      tpu.vector_store %arg9[%parallel_loop3A_1267], %parallel_loop3A_1264 {strides = array<i32>} : memref<32768xi32, #tpu.memory_space<vmem>>, vector<16xi32>,
    } {sc.loop_unroll_factor = 8 : i64, sc.parallel_access}
    %broadcast_in_dim3A_834 = vector.broadcast %or3A_817 : i32 to vector<16xi32>
    %scan3A_835 = arith.constant 0 : i32
    %scan3A_836 = arith.constant 0 : i32
    %scan3A_837 = arith.constant 16 : i32
    %scan3A_838 = arith.addi %scan3A_836, %scan3A_837 : i32
    %scan3A_839 = arith.constant 1 : i32
    scf.for %scan3A_1262 = %scan3A_836 to %scan3A_838 step %scan3A_839  : i32 {
      %mul3A_1263 = arith.constant 2 : i32
      %mul3A_1264 = arith.muli %scan3A_1262, %mul3A_1263 : i32
      %add3A_1265 = arith.constant 0 : i32
      %add3A_1266 = arith.addi %mul3A_1264, %add3A_1265 : i32
      %mul3A_1267 = arith.constant 221184 : i32
      %mul3A_1268 = arith.muli %add3A, %mul3A_1267 : i32
      %mul3A_1269 = arith.constant 6912 : i32
      %mul3A_1270 = arith.muli %add3A_1266, %mul3A_1269 : i32
      %add3A_1271 = arith.addi %mul3A_1268, %mul3A_1270 : i32
      %dma_wait3A_1272 = tpu.memref_slice %arg4[%add3A_1271] : memref<7077888xf32, #tpu.memory_space<hbm>> -> memref<6912xf32, #tpu.memory_space<hbm>>
      %dma_wait3A_1273 = tpu.memref_slice %arg4[%add3A_1271] : memref<7077888xf32, #tpu.memory_space<hbm>> -> memref<6912xf32, #tpu.memory_space<hbm>>
      tpu.wait_dma2 semaphore(%arg10 : memref<!tpu.dma_semaphore, #tpu.memory_space<semaphore_mem>>) src(%dma_wait3A_1273 : memref<6912xf32, #tpu.memory_space<hbm>>) dst(%arg7 : memref<6912xf32, #tpu.memory_space<vmem>>)
      %parallel_loop3A_1274 = arith.constant 0 : i32
      %parallel_loop3A_1275 = arith.constant 432 : i32
      %parallel_loop3A_1276 = arith.constant 1 : i32
      scf.for %parallel_loop3A_1302 = %parallel_loop3A_1274 to %parallel_loop3A_1275 step %parallel_loop3A_1276  : i32 {
        %parallel_loop3A_1303 = arith.constant 16 : i32
        %parallel_loop3A_1304 = arith.muli %parallel_loop3A_1302, %parallel_loop3A_1303 : i32
        %parallel_loop3A_1305 = arith.index_cast %parallel_loop3A_1304 : i32 to index
        %parallel_loop3A_1306 = tpu.vector_load %arg7[%parallel_loop3A_1305] {strides = array<i32>} : memref<6912xf32, #tpu.memory_space<vmem>>, vector<16xf32>,
        %parallel_loop3A_1307 = vector.bitcast %parallel_loop3A_1306 : vector<16xf32> to vector<16xi32>
        %parallel_loop3A_1308 = arith.constant 31 : i32
        %parallel_loop3A_1309 = vector.broadcast %parallel_loop3A_1308 : i32 to vector<16xi32>
        %parallel_loop3A_1310 = arith.shrui %parallel_loop3A_1307, %parallel_loop3A_1309 : vector<16xi32>
        %parallel_loop3A_1311 = arith.constant 0 : i32
        %parallel_loop3A_1312 = vector.broadcast %parallel_loop3A_1311 : i32 to vector<16xi32>
        %parallel_loop3A_1313 = arith.subi %parallel_loop3A_1312, %parallel_loop3A_1310 : vector<16xi32>
        %parallel_loop3A_1314 = arith.constant -2147483648 : i32
        %parallel_loop3A_1315 = vector.broadcast %parallel_loop3A_1314 : i32 to vector<16xi32>
        %parallel_loop3A_1316 = arith.ori %parallel_loop3A_1313, %parallel_loop3A_1315 : vector<16xi32>
        %parallel_loop3A_1317 = arith.xori %parallel_loop3A_1307, %parallel_loop3A_1316 : vector<16xi32>
        %parallel_loop3A_1318 = arith.constant 0 : i32
        %parallel_loop3A_1319 = vector.broadcast %parallel_loop3A_1318 : i32 to vector<16xi32>
        %parallel_loop3A_1320 = arith.shrui %parallel_loop3A_1317, %parallel_loop3A_1319 : vector<16xi32>
        %parallel_loop3A_1321 = arith.constant 1023 : i32
        %parallel_loop3A_1322 = vector.broadcast %parallel_loop3A_1321 : i32 to vector<16xi32>
        %parallel_loop3A_1323 = arith.andi %parallel_loop3A_1320, %parallel_loop3A_1322 : vector<16xi32>
        %parallel_loop3A_1324 = arith.constant 16 : i32
        %parallel_loop3A_1325 = vector.broadcast %parallel_loop3A_1324 : i32 to vector<16xi32>
        %parallel_loop3A_1326 = arith.muli %parallel_loop3A_1323, %parallel_loop3A_1325 : vector<16xi32>
        %parallel_loop3A_1327 = arith.addi %parallel_loop3A_1326, %iota3A : vector<16xi32>
        %parallel_loop3A_1328 = arith.constant 10 : i32
        %parallel_loop3A_1329 = vector.broadcast %parallel_loop3A_1328 : i32 to vector<16xi32>
        %parallel_loop3A_1330 = arith.shrui %parallel_loop3A_1317, %parallel_loop3A_1329 : vector<16xi32>
        %parallel_loop3A_1331 = arith.cmpi eq, %parallel_loop3A_1330, %broadcast_in_dim3A_834 : vector<16xi32>
        tpu.vector_store_idx %arg9[%parallel_loop3A_1327], %broadcast_in_dim3A_1 masked %parallel_loop3A_1331 {add = true} : memref<32768xi32, #tpu.memory_space<vmem>>[vector<16xi32>], vector<16xi32>, vector<16xi1>
      } {sc.loop_unroll_factor = 8 : i64, sc.parallel_access}
      %add3A_1277 = arith.constant 2 : i32
      %add3A_1278 = arith.addi %add3A_1266, %add3A_1277 : i32
      %lt3A = arith.constant 32 : i32
      %lt3A_1279 = arith.cmpi slt, %add3A_1278, %lt3A : i32
      %convert_element_type3A = arith.extui %lt3A_1279 : i1 to i32
      %cond3A = arith.constant 0 : i32
      %cond3A_1280 = arith.cmpi ne, %convert_element_type3A, %cond3A : i32
      scf.if %cond3A_1280 {
        %add3A_1302 = arith.constant 2 : i32
        %add3A_1303 = arith.addi %add3A_1266, %add3A_1302 : i32
        %mul3A_1304 = arith.constant 221184 : i32
        %mul3A_1305 = arith.muli %add3A, %mul3A_1304 : i32
        %mul3A_1306 = arith.constant 6912 : i32
        %mul3A_1307 = arith.muli %add3A_1303, %mul3A_1306 : i32
        %add3A_1308 = arith.addi %mul3A_1305, %mul3A_1307 : i32
        %dma_start3A_1309 = tpu.memref_slice %arg4[%add3A_1308] : memref<7077888xf32, #tpu.memory_space<hbm>> -> memref<6912xf32, #tpu.memory_space<hbm>>
        %dma_start3A_1310 = tpu.memref_slice %arg4[%add3A_1308] : memref<7077888xf32, #tpu.memory_space<hbm>> -> memref<6912xf32, #tpu.memory_space<hbm>>
        tpu.enqueue_dma source(%dma_start3A_1310 : memref<6912xf32, #tpu.memory_space<hbm>>) target(%arg7 : memref<6912xf32, #tpu.memory_space<vmem>>) target_semaphore(%arg10 : memref<!tpu.dma_semaphore, #tpu.memory_space<semaphore_mem>>)
      } else {
      }
      %mul3A_1281 = arith.constant 2 : i32
      %mul3A_1282 = arith.muli %scan3A_1262, %mul3A_1281 : i32
      %add3A_1283 = arith.constant 1 : i32
      %add3A_1284 = arith.addi %mul3A_1282, %add3A_1283 : i32
      %mul3A_1285 = arith.constant 221184 : i32
      %mul3A_1286 = arith.muli %add3A, %mul3A_1285 : i32
      %mul3A_1287 = arith.constant 6912 : i32
      %mul3A_1288 = arith.muli %add3A_1284, %mul3A_1287 : i32
      %add3A_1289 = arith.addi %mul3A_1286, %mul3A_1288 : i32
      %dma_wait3A_1290 = tpu.memref_slice %arg4[%add3A_1289] : memref<7077888xf32, #tpu.memory_space<hbm>> -> memref<6912xf32, #tpu.memory_space<hbm>>
      %dma_wait3A_1291 = tpu.memref_slice %arg4[%add3A_1289] : memref<7077888xf32, #tpu.memory_space<hbm>> -> memref<6912xf32, #tpu.memory_space<hbm>>
      tpu.wait_dma2 semaphore(%arg11 : memref<!tpu.dma_semaphore, #tpu.memory_space<semaphore_mem>>) src(%dma_wait3A_1291 : memref<6912xf32, #tpu.memory_space<hbm>>) dst(%arg8 : memref<6912xf32, #tpu.memory_space<vmem>>)
      %parallel_loop3A_1292 = arith.constant 0 : i32
      %parallel_loop3A_1293 = arith.constant 432 : i32
      %parallel_loop3A_1294 = arith.constant 1 : i32
      scf.for %parallel_loop3A_1302 = %parallel_loop3A_1292 to %parallel_loop3A_1293 step %parallel_loop3A_1294  : i32 {
        %parallel_loop3A_1303 = arith.constant 16 : i32
        %parallel_loop3A_1304 = arith.muli %parallel_loop3A_1302, %parallel_loop3A_1303 : i32
        %parallel_loop3A_1305 = arith.index_cast %parallel_loop3A_1304 : i32 to index
        %parallel_loop3A_1306 = tpu.vector_load %arg8[%parallel_loop3A_1305] {strides = array<i32>} : memref<6912xf32, #tpu.memory_space<vmem>>, vector<16xf32>,
        %parallel_loop3A_1307 = vector.bitcast %parallel_loop3A_1306 : vector<16xf32> to vector<16xi32>
        %parallel_loop3A_1308 = arith.constant 31 : i32
        %parallel_loop3A_1309 = vector.broadcast %parallel_loop3A_1308 : i32 to vector<16xi32>
        %parallel_loop3A_1310 = arith.shrui %parallel_loop3A_1307, %parallel_loop3A_1309 : vector<16xi32>
        %parallel_loop3A_1311 = arith.constant 0 : i32
        %parallel_loop3A_1312 = vector.broadcast %parallel_loop3A_1311 : i32 to vector<16xi32>
        %parallel_loop3A_1313 = arith.subi %parallel_loop3A_1312, %parallel_loop3A_1310 : vector<16xi32>
        %parallel_loop3A_1314 = arith.constant -2147483648 : i32
        %parallel_loop3A_1315 = vector.broadcast %parallel_loop3A_1314 : i32 to vector<16xi32>
        %parallel_loop3A_1316 = arith.ori %parallel_loop3A_1313, %parallel_loop3A_1315 : vector<16xi32>
        %parallel_loop3A_1317 = arith.xori %parallel_loop3A_1307, %parallel_loop3A_1316 : vector<16xi32>
        %parallel_loop3A_1318 = arith.constant 0 : i32
        %parallel_loop3A_1319 = vector.broadcast %parallel_loop3A_1318 : i32 to vector<16xi32>
        %parallel_loop3A_1320 = arith.shrui %parallel_loop3A_1317, %parallel_loop3A_1319 : vector<16xi32>
        %parallel_loop3A_1321 = arith.constant 1023 : i32
        %parallel_loop3A_1322 = vector.broadcast %parallel_loop3A_1321 : i32 to vector<16xi32>
        %parallel_loop3A_1323 = arith.andi %parallel_loop3A_1320, %parallel_loop3A_1322 : vector<16xi32>
        %parallel_loop3A_1324 = arith.constant 16 : i32
        %parallel_loop3A_1325 = vector.broadcast %parallel_loop3A_1324 : i32 to vector<16xi32>
        %parallel_loop3A_1326 = arith.muli %parallel_loop3A_1323, %parallel_loop3A_1325 : vector<16xi32>
        %parallel_loop3A_1327 = arith.addi %parallel_loop3A_1326, %iota3A : vector<16xi32>
        %parallel_loop3A_1328 = arith.constant 10 : i32
        %parallel_loop3A_1329 = vector.broadcast %parallel_loop3A_1328 : i32 to vector<16xi32>
        %parallel_loop3A_1330 = arith.shrui %parallel_loop3A_1317, %parallel_loop3A_1329 : vector<16xi32>
        %parallel_loop3A_1331 = arith.cmpi eq, %parallel_loop3A_1330, %broadcast_in_dim3A_834 : vector<16xi32>
        tpu.vector_store_idx %arg9[%parallel_loop3A_1327], %broadcast_in_dim3A_1 masked %parallel_loop3A_1331 {add = true} : memref<32768xi32, #tpu.memory_space<vmem>>[vector<16xi32>], vector<16xi32>, vector<16xi1>
      } {sc.loop_unroll_factor = 8 : i64, sc.parallel_access}
      %add3A_1295 = arith.constant 2 : i32
      %add3A_1296 = arith.addi %add3A_1284, %add3A_1295 : i32
      %lt3A_1297 = arith.constant 32 : i32
      %lt3A_1298 = arith.cmpi slt, %add3A_1296, %lt3A_1297 : i32
      %convert_element_type3A_1299 = arith.extui %lt3A_1298 : i1 to i32
      %cond3A_1300 = arith.constant 0 : i32
      %cond3A_1301 = arith.cmpi ne, %convert_element_type3A_1299, %cond3A_1300 : i32
      scf.if %cond3A_1301 {
        %add3A_1302 = arith.constant 2 : i32
        %add3A_1303 = arith.addi %add3A_1284, %add3A_1302 : i32
        %mul3A_1304 = arith.constant 221184 : i32
        %mul3A_1305 = arith.muli %add3A, %mul3A_1304 : i32
        %mul3A_1306 = arith.constant 6912 : i32
        %mul3A_1307 = arith.muli %add3A_1303, %mul3A_1306 : i32
        %add3A_1308 = arith.addi %mul3A_1305, %mul3A_1307 : i32
        %dma_start3A_1309 = tpu.memref_slice %arg4[%add3A_1308] : memref<7077888xf32, #tpu.memory_space<hbm>> -> memref<6912xf32, #tpu.memory_space<hbm>>
        %dma_start3A_1310 = tpu.memref_slice %arg4[%add3A_1308] : memref<7077888xf32, #tpu.memory_space<hbm>> -> memref<6912xf32, #tpu.memory_space<hbm>>
        tpu.enqueue_dma source(%dma_start3A_1310 : memref<6912xf32, #tpu.memory_space<hbm>>) target(%arg8 : memref<6912xf32, #tpu.memory_space<vmem>>) target_semaphore(%arg11 : memref<!tpu.dma_semaphore, #tpu.memory_space<semaphore_mem>>)
      } else {
      }
    }
    %scan3A_840 = arith.constant 16 : i32
    %scan3A_841 = arith.constant 0 : i32
    %scan3A_842 = arith.constant 0 : i32
    %scan3A_843 = arith.constant 0 : i32
    %scan3A_844 = arith.constant 0 : i32
    %scan3A_845 = arith.constant 0 : i32
    %scan3A_846 = arith.constant 64 : i32
    %scan3A_847 = arith.addi %scan3A_845, %scan3A_846 : i32
    %scan3A_848 = arith.constant 1 : i32
    %scan3A_849:4 = scf.for %scan3A_1262 = %scan3A_845 to %scan3A_847 step %scan3A_848 iter_args(%scan3A_1263 = %scan3A_841, %scan3A_1264 = %scan3A_842, %scan3A_1265 = %scan3A_843, %scan3A_1266 = %scan3A_844) -> (i32, i32, i32, i32)  : i32 {
      %sub3A_1267 = arith.constant 63 : i32
      %sub3A_1268 = arith.subi %sub3A_1267, %scan3A_1262 : i32
      %broadcast_in_dim3A_1269 = arith.constant 0 : i32
      %broadcast_in_dim3A_1270 = vector.broadcast %broadcast_in_dim3A_1269 : i32 to vector<16xi32>
      %mul3A_1271 = arith.constant 16 : i32
      %mul3A_1272 = arith.muli %sub3A_1268, %mul3A_1271 : i32
      %add3A_1273 = arith.constant 0 : i32
      %add3A_1274 = arith.addi %mul3A_1272, %add3A_1273 : i32
      %mul3A_1275 = arith.constant 16 : i32
      %mul3A_1276 = arith.muli %add3A_1274, %mul3A_1275 : i32
      %get3A_1277 = arith.index_cast %mul3A_1276 : i32 to index
      %get3A_1278 = tpu.vector_load %arg9[%get3A_1277] {strides = array<i32>} : memref<32768xi32, #tpu.memory_space<vmem>>, vector<16xi32>,
      %add3A_1279 = arith.addi %broadcast_in_dim3A_1270, %get3A_1278 : vector<16xi32>
      %mul3A_1280 = arith.constant 16 : i32
      %mul3A_1281 = arith.muli %sub3A_1268, %mul3A_1280 : i32
      %add3A_1282 = arith.constant 1 : i32
      %add3A_1283 = arith.addi %mul3A_1281, %add3A_1282 : i32
      %mul3A_1284 = arith.constant 16 : i32
      %mul3A_1285 = arith.muli %add3A_1283, %mul3A_1284 : i32
      %get3A_1286 = arith.index_cast %mul3A_1285 : i32 to index
      %get3A_1287 = tpu.vector_load %arg9[%get3A_1286] {strides = array<i32>} : memref<32768xi32, #tpu.memory_space<vmem>>, vector<16xi32>,
      %add3A_1288 = arith.addi %add3A_1279, %get3A_1287 : vector<16xi32>
      %mul3A_1289 = arith.constant 16 : i32
      %mul3A_1290 = arith.muli %sub3A_1268, %mul3A_1289 : i32
      %add3A_1291 = arith.constant 2 : i32
      %add3A_1292 = arith.addi %mul3A_1290, %add3A_1291 : i32
      %mul3A_1293 = arith.constant 16 : i32
      %mul3A_1294 = arith.muli %add3A_1292, %mul3A_1293 : i32
      %get3A_1295 = arith.index_cast %mul3A_1294 : i32 to index
      %get3A_1296 = tpu.vector_load %arg9[%get3A_1295] {strides = array<i32>} : memref<32768xi32, #tpu.memory_space<vmem>>, vector<16xi32>,
      %add3A_1297 = arith.addi %add3A_1288, %get3A_1296 : vector<16xi32>
      %mul3A_1298 = arith.constant 16 : i32
      %mul3A_1299 = arith.muli %sub3A_1268, %mul3A_1298 : i32
      %add3A_1300 = arith.constant 3 : i32
      %add3A_1301 = arith.addi %mul3A_1299, %add3A_1300 : i32
      %mul3A_1302 = arith.constant 16 : i32
      %mul3A_1303 = arith.muli %add3A_1301, %mul3A_1302 : i32
      %get3A_1304 = arith.index_cast %mul3A_1303 : i32 to index
      %get3A_1305 = tpu.vector_load %arg9[%get3A_1304] {strides = array<i32>} : memref<32768xi32, #tpu.memory_space<vmem>>, vector<16xi32>,
      %add3A_1306 = arith.addi %add3A_1297, %get3A_1305 : vector<16xi32>
      %mul3A_1307 = arith.constant 16 : i32
      %mul3A_1308 = arith.muli %sub3A_1268, %mul3A_1307 : i32
      %add3A_1309 = arith.constant 4 : i32
      %add3A_1310 = arith.addi %mul3A_1308, %add3A_1309 : i32
      %mul3A_1311 = arith.constant 16 : i32
      %mul3A_1312 = arith.muli %add3A_1310, %mul3A_1311 : i32
      %get3A_1313 = arith.index_cast %mul3A_1312 : i32 to index
      %get3A_1314 = tpu.vector_load %arg9[%get3A_1313] {strides = array<i32>} : memref<32768xi32, #tpu.memory_space<vmem>>, vector<16xi32>,
      %add3A_1315 = arith.addi %add3A_1306, %get3A_1314 : vector<16xi32>
      %mul3A_1316 = arith.constant 16 : i32
      %mul3A_1317 = arith.muli %sub3A_1268, %mul3A_1316 : i32
      %add3A_1318 = arith.constant 5 : i32
      %add3A_1319 = arith.addi %mul3A_1317, %add3A_1318 : i32
      %mul3A_1320 = arith.constant 16 : i32
      %mul3A_1321 = arith.muli %add3A_1319, %mul3A_1320 : i32
      %get3A_1322 = arith.index_cast %mul3A_1321 : i32 to index
      %get3A_1323 = tpu.vector_load %arg9[%get3A_1322] {strides = array<i32>} : memref<32768xi32, #tpu.memory_space<vmem>>, vector<16xi32>,
      %add3A_1324 = arith.addi %add3A_1315, %get3A_1323 : vector<16xi32>
      %mul3A_1325 = arith.constant 16 : i32
      %mul3A_1326 = arith.muli %sub3A_1268, %mul3A_1325 : i32
      %add3A_1327 = arith.constant 6 : i32
      %add3A_1328 = arith.addi %mul3A_1326, %add3A_1327 : i32
      %mul3A_1329 = arith.constant 16 : i32
      %mul3A_1330 = arith.muli %add3A_1328, %mul3A_1329 : i32
      %get3A_1331 = arith.index_cast %mul3A_1330 : i32 to index
      %get3A_1332 = tpu.vector_load %arg9[%get3A_1331] {strides = array<i32>} : memref<32768xi32, #tpu.memory_space<vmem>>, vector<16xi32>,
      %add3A_1333 = arith.addi %add3A_1324, %get3A_1332 : vector<16xi32>
      %mul3A_1334 = arith.constant 16 : i32
      %mul3A_1335 = arith.muli %sub3A_1268, %mul3A_1334 : i32
      %add3A_1336 = arith.constant 7 : i32
      %add3A_1337 = arith.addi %mul3A_1335, %add3A_1336 : i32
      %mul3A_1338 = arith.constant 16 : i32
      %mul3A_1339 = arith.muli %add3A_1337, %mul3A_1338 : i32
      %get3A_1340 = arith.index_cast %mul3A_1339 : i32 to index
      %get3A_1341 = tpu.vector_load %arg9[%get3A_1340] {strides = array<i32>} : memref<32768xi32, #tpu.memory_space<vmem>>, vector<16xi32>,
      %add3A_1342 = arith.addi %add3A_1333, %get3A_1341 : vector<16xi32>
      %mul3A_1343 = arith.constant 16 : i32
      %mul3A_1344 = arith.muli %sub3A_1268, %mul3A_1343 : i32
      %add3A_1345 = arith.constant 8 : i32
      %add3A_1346 = arith.addi %mul3A_1344, %add3A_1345 : i32
      %mul3A_1347 = arith.constant 16 : i32
      %mul3A_1348 = arith.muli %add3A_1346, %mul3A_1347 : i32
      %get3A_1349 = arith.index_cast %mul3A_1348 : i32 to index
      %get3A_1350 = tpu.vector_load %arg9[%get3A_1349] {strides = array<i32>} : memref<32768xi32, #tpu.memory_space<vmem>>, vector<16xi32>,
      %add3A_1351 = arith.addi %add3A_1342, %get3A_1350 : vector<16xi32>
      %mul3A_1352 = arith.constant 16 : i32
      %mul3A_1353 = arith.muli %sub3A_1268, %mul3A_1352 : i32
      %add3A_1354 = arith.constant 9 : i32
      %add3A_1355 = arith.addi %mul3A_1353, %add3A_1354 : i32
      %mul3A_1356 = arith.constant 16 : i32
      %mul3A_1357 = arith.muli %add3A_1355, %mul3A_1356 : i32
      %get3A_1358 = arith.index_cast %mul3A_1357 : i32 to index
      %get3A_1359 = tpu.vector_load %arg9[%get3A_1358] {strides = array<i32>} : memref<32768xi32, #tpu.memory_space<vmem>>, vector<16xi32>,
      %add3A_1360 = arith.addi %add3A_1351, %get3A_1359 : vector<16xi32>
      %mul3A_1361 = arith.constant 16 : i32
      %mul3A_1362 = arith.muli %sub3A_1268, %mul3A_1361 : i32
      %add3A_1363 = arith.constant 10 : i32
      %add3A_1364 = arith.addi %mul3A_1362, %add3A_1363 : i32
      %mul3A_1365 = arith.constant 16 : i32
      %mul3A_1366 = arith.muli %add3A_1364, %mul3A_1365 : i32
      %get3A_1367 = arith.index_cast %mul3A_1366 : i32 to index
      %get3A_1368 = tpu.vector_load %arg9[%get3A_1367] {strides = array<i32>} : memref<32768xi32, #tpu.memory_space<vmem>>, vector<16xi32>,
      %add3A_1369 = arith.addi %add3A_1360, %get3A_1368 : vector<16xi32>
      %mul3A_1370 = arith.constant 16 : i32
      %mul3A_1371 = arith.muli %sub3A_1268, %mul3A_1370 : i32
      %add3A_1372 = arith.constant 11 : i32
      %add3A_1373 = arith.addi %mul3A_1371, %add3A_1372 : i32
      %mul3A_1374 = arith.constant 16 : i32
      %mul3A_1375 = arith.muli %add3A_1373, %mul3A_1374 : i32
      %get3A_1376 = arith.index_cast %mul3A_1375 : i32 to index
      %get3A_1377 = tpu.vector_load %arg9[%get3A_1376] {strides = array<i32>} : memref<32768xi32, #tpu.memory_space<vmem>>, vector<16xi32>,
      %add3A_1378 = arith.addi %add3A_1369, %get3A_1377 : vector<16xi32>
      %mul3A_1379 = arith.constant 16 : i32
      %mul3A_1380 = arith.muli %sub3A_1268, %mul3A_1379 : i32
      %add3A_1381 = arith.constant 12 : i32
      %add3A_1382 = arith.addi %mul3A_1380, %add3A_1381 : i32
      %mul3A_1383 = arith.constant 16 : i32
      %mul3A_1384 = arith.muli %add3A_1382, %mul3A_1383 : i32
      %get3A_1385 = arith.index_cast %mul3A_1384 : i32 to index
      %get3A_1386 = tpu.vector_load %arg9[%get3A_1385] {strides = array<i32>} : memref<32768xi32, #tpu.memory_space<vmem>>, vector<16xi32>,
      %add3A_1387 = arith.addi %add3A_1378, %get3A_1386 : vector<16xi32>
      %mul3A_1388 = arith.constant 16 : i32
      %mul3A_1389 = arith.muli %sub3A_1268, %mul3A_1388 : i32
      %add3A_1390 = arith.constant 13 : i32
      %add3A_1391 = arith.addi %mul3A_1389, %add3A_1390 : i32
      %mul3A_1392 = arith.constant 16 : i32
      %mul3A_1393 = arith.muli %add3A_1391, %mul3A_1392 : i32
      %get3A_1394 = arith.index_cast %mul3A_1393 : i32 to index
      %get3A_1395 = tpu.vector_load %arg9[%get3A_1394] {strides = array<i32>} : memref<32768xi32, #tpu.memory_space<vmem>>, vector<16xi32>,
      %add3A_1396 = arith.addi %add3A_1387, %get3A_1395 : vector<16xi32>
      %mul3A_1397 = arith.constant 16 : i32
      %mul3A_1398 = arith.muli %sub3A_1268, %mul3A_1397 : i32
      %add3A_1399 = arith.constant 14 : i32
      %add3A_1400 = arith.addi %mul3A_1398, %add3A_1399 : i32
      %mul3A_1401 = arith.constant 16 : i32
      %mul3A_1402 = arith.muli %add3A_1400, %mul3A_1401 : i32
      %get3A_1403 = arith.index_cast %mul3A_1402 : i32 to index
      %get3A_1404 = tpu.vector_load %arg9[%get3A_1403] {strides = array<i32>} : memref<32768xi32, #tpu.memory_space<vmem>>, vector<16xi32>,
      %add3A_1405 = arith.addi %add3A_1396, %get3A_1404 : vector<16xi32>
      %mul3A_1406 = arith.constant 16 : i32
      %mul3A_1407 = arith.muli %sub3A_1268, %mul3A_1406 : i32
      %add3A_1408 = arith.constant 15 : i32
      %add3A_1409 = arith.addi %mul3A_1407, %add3A_1408 : i32
      %mul3A_1410 = arith.constant 16 : i32
      %mul3A_1411 = arith.muli %add3A_1409, %mul3A_1410 : i32
      %get3A_1412 = arith.index_cast %mul3A_1411 : i32 to index
      %get3A_1413 = tpu.vector_load %arg9[%get3A_1412] {strides = array<i32>} : memref<32768xi32, #tpu.memory_space<vmem>>, vector<16xi32>,
      %add3A_1414 = arith.addi %add3A_1405, %get3A_1413 : vector<16xi32>
      %reduce_sum3A_1415 = arith.constant true
      %reduce_sum3A_1416 = vector.broadcast %reduce_sum3A_1415 : i1 to vector<16xi1>
      %reduce_sum3A_1417 = tpu.scan <sum>, %add3A_1414 masked %reduce_sum3A_1416 : vector<16xi32>, vector<16xi1> -> vector<16xi32>
      %reduce_sum3A_1418 = vector.extract %reduce_sum3A_1417[15] : i32 from vector<16xi32>
      %add3A_1419 = arith.addi %scan3A_1263, %reduce_sum3A_1418 : i32
      %eq3A_1420 = arith.constant 0 : i32
      %eq3A_1421 = arith.cmpi eq, %scan3A_1266, %eq3A_1420 : i32
      %ge3A_1422 = arith.cmpi sge, %add3A_1419, %sub3A_818 : i32
      %and3A_1423 = arith.andi %eq3A_1421, %ge3A_1422 : i1
      %select_n3A_1424 = arith.select %and3A_1423, %sub3A_1268, %scan3A_1264 : i32
      %select_n3A_1425 = arith.select %and3A_1423, %scan3A_1263, %scan3A_1265 : i32
      %jit3A_1426 = arith.constant 1 : i32
      %select_n3A_1427 = arith.select %and3A_1423, %jit3A_1426, %scan3A_1266 : i32
      scf.yield %add3A_1419, %select_n3A_1424, %select_n3A_1425, %select_n3A_1427 : i32, i32, i32, i32
    }
    %scan3A_850 = arith.constant 64 : i32
    %mul3A_851 = arith.constant 16 : i32
    %mul3A_852 = arith.muli %scan3A_849#1, %mul3A_851 : i32
    %add3A_853 = arith.constant 15 : i32
    %add3A_854 = arith.addi %mul3A_852, %add3A_853 : i32
    %mul3A_855 = arith.constant 16 : i32
    %mul3A_856 = arith.muli %add3A_854, %mul3A_855 : i32
    %get3A_857 = arith.index_cast %mul3A_856 : i32 to index
    %get3A_858 = tpu.vector_load %arg9[%get3A_857] {strides = array<i32>} : memref<32768xi32, #tpu.memory_space<vmem>>, vector<16xi32>,
    %reduce_sum3A_859 = arith.constant true
    %reduce_sum3A_860 = vector.broadcast %reduce_sum3A_859 : i1 to vector<16xi1>
    %reduce_sum3A_861 = tpu.scan <sum>, %get3A_858 masked %reduce_sum3A_860 : vector<16xi32>, vector<16xi1> -> vector<16xi32>
    %reduce_sum3A_862 = vector.extract %reduce_sum3A_861[15] : i32 from vector<16xi32>
    %add3A_863 = arith.addi %scan3A_849#2, %reduce_sum3A_862 : i32
    %eq3A_864 = arith.constant 0 : i32
    %eq3A_865 = arith.constant 0 : i32
    %eq3A_866 = arith.cmpi eq, %eq3A_864, %eq3A_865 : i32
    %ge3A_867 = arith.cmpi sge, %add3A_863, %sub3A_818 : i32
    %and3A_868 = arith.andi %eq3A_866, %ge3A_867 : i1
    %jit3A_869 = arith.constant 15 : i32
    %jit3A_870 = arith.constant 0 : i32
    %select_n3A_871 = arith.select %and3A_868, %jit3A_869, %jit3A_870 : i32
    %jit3A_872 = arith.constant 0 : i32
    %select_n3A_873 = arith.select %and3A_868, %scan3A_849#2, %jit3A_872 : i32
    %jit3A_874 = arith.constant 1 : i32
    %jit3A_875 = arith.constant 0 : i32
    %select_n3A_876 = arith.select %and3A_868, %jit3A_874, %jit3A_875 : i32
    %mul3A_877 = arith.constant 16 : i32
    %mul3A_878 = arith.muli %scan3A_849#1, %mul3A_877 : i32
    %add3A_879 = arith.constant 14 : i32
    %add3A_880 = arith.addi %mul3A_878, %add3A_879 : i32
    %mul3A_881 = arith.constant 16 : i32
    %mul3A_882 = arith.muli %add3A_880, %mul3A_881 : i32
    %get3A_883 = arith.index_cast %mul3A_882 : i32 to index
    %get3A_884 = tpu.vector_load %arg9[%get3A_883] {strides = array<i32>} : memref<32768xi32, #tpu.memory_space<vmem>>, vector<16xi32>,
    %reduce_sum3A_885 = arith.constant true
    %reduce_sum3A_886 = vector.broadcast %reduce_sum3A_885 : i1 to vector<16xi1>
    %reduce_sum3A_887 = tpu.scan <sum>, %get3A_884 masked %reduce_sum3A_886 : vector<16xi32>, vector<16xi1> -> vector<16xi32>
    %reduce_sum3A_888 = vector.extract %reduce_sum3A_887[15] : i32 from vector<16xi32>
    %add3A_889 = arith.addi %add3A_863, %reduce_sum3A_888 : i32
    %eq3A_890 = arith.constant 0 : i32
    %eq3A_891 = arith.cmpi eq, %select_n3A_876, %eq3A_890 : i32
    %ge3A_892 = arith.cmpi sge, %add3A_889, %sub3A_818 : i32
    %and3A_893 = arith.andi %eq3A_891, %ge3A_892 : i1
    %jit3A_894 = arith.constant 14 : i32
    %select_n3A_895 = arith.select %and3A_893, %jit3A_894, %select_n3A_871 : i32
    %select_n3A_896 = arith.select %and3A_893, %add3A_863, %select_n3A_873 : i32
    %jit3A_897 = arith.constant 1 : i32
    %select_n3A_898 = arith.select %and3A_893, %jit3A_897, %select_n3A_876 : i32
    %mul3A_899 = arith.constant 16 : i32
    %mul3A_900 = arith.muli %scan3A_849#1, %mul3A_899 : i32
    %add3A_901 = arith.constant 13 : i32
    %add3A_902 = arith.addi %mul3A_900, %add3A_901 : i32
    %mul3A_903 = arith.constant 16 : i32
    %mul3A_904 = arith.muli %add3A_902, %mul3A_903 : i32
    %get3A_905 = arith.index_cast %mul3A_904 : i32 to index
    %get3A_906 = tpu.vector_load %arg9[%get3A_905] {strides = array<i32>} : memref<32768xi32, #tpu.memory_space<vmem>>, vector<16xi32>,
    %reduce_sum3A_907 = arith.constant true
    %reduce_sum3A_908 = vector.broadcast %reduce_sum3A_907 : i1 to vector<16xi1>
    %reduce_sum3A_909 = tpu.scan <sum>, %get3A_906 masked %reduce_sum3A_908 : vector<16xi32>, vector<16xi1> -> vector<16xi32>
    %reduce_sum3A_910 = vector.extract %reduce_sum3A_909[15] : i32 from vector<16xi32>
    %add3A_911 = arith.addi %add3A_889, %reduce_sum3A_910 : i32
    %eq3A_912 = arith.constant 0 : i32
    %eq3A_913 = arith.cmpi eq, %select_n3A_898, %eq3A_912 : i32
    %ge3A_914 = arith.cmpi sge, %add3A_911, %sub3A_818 : i32
    %and3A_915 = arith.andi %eq3A_913, %ge3A_914 : i1
    %jit3A_916 = arith.constant 13 : i32
    %select_n3A_917 = arith.select %and3A_915, %jit3A_916, %select_n3A_895 : i32
    %select_n3A_918 = arith.select %and3A_915, %add3A_889, %select_n3A_896 : i32
    %jit3A_919 = arith.constant 1 : i32
    %select_n3A_920 = arith.select %and3A_915, %jit3A_919, %select_n3A_898 : i32
    %mul3A_921 = arith.constant 16 : i32
    %mul3A_922 = arith.muli %scan3A_849#1, %mul3A_921 : i32
    %add3A_923 = arith.constant 12 : i32
    %add3A_924 = arith.addi %mul3A_922, %add3A_923 : i32
    %mul3A_925 = arith.constant 16 : i32
    %mul3A_926 = arith.muli %add3A_924, %mul3A_925 : i32
    %get3A_927 = arith.index_cast %mul3A_926 : i32 to index
    %get3A_928 = tpu.vector_load %arg9[%get3A_927] {strides = array<i32>} : memref<32768xi32, #tpu.memory_space<vmem>>, vector<16xi32>,
    %reduce_sum3A_929 = arith.constant true
    %reduce_sum3A_930 = vector.broadcast %reduce_sum3A_929 : i1 to vector<16xi1>
    %reduce_sum3A_931 = tpu.scan <sum>, %get3A_928 masked %reduce_sum3A_930 : vector<16xi32>, vector<16xi1> -> vector<16xi32>
    %reduce_sum3A_932 = vector.extract %reduce_sum3A_931[15] : i32 from vector<16xi32>
    %add3A_933 = arith.addi %add3A_911, %reduce_sum3A_932 : i32
    %eq3A_934 = arith.constant 0 : i32
    %eq3A_935 = arith.cmpi eq, %select_n3A_920, %eq3A_934 : i32
    %ge3A_936 = arith.cmpi sge, %add3A_933, %sub3A_818 : i32
    %and3A_937 = arith.andi %eq3A_935, %ge3A_936 : i1
    %jit3A_938 = arith.constant 12 : i32
    %select_n3A_939 = arith.select %and3A_937, %jit3A_938, %select_n3A_917 : i32
    %select_n3A_940 = arith.select %and3A_937, %add3A_911, %select_n3A_918 : i32
    %jit3A_941 = arith.constant 1 : i32
    %select_n3A_942 = arith.select %and3A_937, %jit3A_941, %select_n3A_920 : i32
    %mul3A_943 = arith.constant 16 : i32
    %mul3A_944 = arith.muli %scan3A_849#1, %mul3A_943 : i32
    %add3A_945 = arith.constant 11 : i32
    %add3A_946 = arith.addi %mul3A_944, %add3A_945 : i32
    %mul3A_947 = arith.constant 16 : i32
    %mul3A_948 = arith.muli %add3A_946, %mul3A_947 : i32
    %get3A_949 = arith.index_cast %mul3A_948 : i32 to index
    %get3A_950 = tpu.vector_load %arg9[%get3A_949] {strides = array<i32>} : memref<32768xi32, #tpu.memory_space<vmem>>, vector<16xi32>,
    %reduce_sum3A_951 = arith.constant true
    %reduce_sum3A_952 = vector.broadcast %reduce_sum3A_951 : i1 to vector<16xi1>
    %reduce_sum3A_953 = tpu.scan <sum>, %get3A_950 masked %reduce_sum3A_952 : vector<16xi32>, vector<16xi1> -> vector<16xi32>
    %reduce_sum3A_954 = vector.extract %reduce_sum3A_953[15] : i32 from vector<16xi32>
    %add3A_955 = arith.addi %add3A_933, %reduce_sum3A_954 : i32
    %eq3A_956 = arith.constant 0 : i32
    %eq3A_957 = arith.cmpi eq, %select_n3A_942, %eq3A_956 : i32
    %ge3A_958 = arith.cmpi sge, %add3A_955, %sub3A_818 : i32
    %and3A_959 = arith.andi %eq3A_957, %ge3A_958 : i1
    %jit3A_960 = arith.constant 11 : i32
    %select_n3A_961 = arith.select %and3A_959, %jit3A_960, %select_n3A_939 : i32
    %select_n3A_962 = arith.select %and3A_959, %add3A_933, %select_n3A_940 : i32
    %jit3A_963 = arith.constant 1 : i32
    %select_n3A_964 = arith.select %and3A_959, %jit3A_963, %select_n3A_942 : i32
    %mul3A_965 = arith.constant 16 : i32
    %mul3A_966 = arith.muli %scan3A_849#1, %mul3A_965 : i32
    %add3A_967 = arith.constant 10 : i32
    %add3A_968 = arith.addi %mul3A_966, %add3A_967 : i32
    %mul3A_969 = arith.constant 16 : i32
    %mul3A_970 = arith.muli %add3A_968, %mul3A_969 : i32
    %get3A_971 = arith.index_cast %mul3A_970 : i32 to index
    %get3A_972 = tpu.vector_load %arg9[%get3A_971] {strides = array<i32>} : memref<32768xi32, #tpu.memory_space<vmem>>, vector<16xi32>,
    %reduce_sum3A_973 = arith.constant true
    %reduce_sum3A_974 = vector.broadcast %reduce_sum3A_973 : i1 to vector<16xi1>
    %reduce_sum3A_975 = tpu.scan <sum>, %get3A_972 masked %reduce_sum3A_974 : vector<16xi32>, vector<16xi1> -> vector<16xi32>
    %reduce_sum3A_976 = vector.extract %reduce_sum3A_975[15] : i32 from vector<16xi32>
    %add3A_977 = arith.addi %add3A_955, %reduce_sum3A_976 : i32
    %eq3A_978 = arith.constant 0 : i32
    %eq3A_979 = arith.cmpi eq, %select_n3A_964, %eq3A_978 : i32
    %ge3A_980 = arith.cmpi sge, %add3A_977, %sub3A_818 : i32
    %and3A_981 = arith.andi %eq3A_979, %ge3A_980 : i1
    %jit3A_982 = arith.constant 10 : i32
    %select_n3A_983 = arith.select %and3A_981, %jit3A_982, %select_n3A_961 : i32
    %select_n3A_984 = arith.select %and3A_981, %add3A_955, %select_n3A_962 : i32
    %jit3A_985 = arith.constant 1 : i32
    %select_n3A_986 = arith.select %and3A_981, %jit3A_985, %select_n3A_964 : i32
    %mul3A_987 = arith.constant 16 : i32
    %mul3A_988 = arith.muli %scan3A_849#1, %mul3A_987 : i32
    %add3A_989 = arith.constant 9 : i32
    %add3A_990 = arith.addi %mul3A_988, %add3A_989 : i32
    %mul3A_991 = arith.constant 16 : i32
    %mul3A_992 = arith.muli %add3A_990, %mul3A_991 : i32
    %get3A_993 = arith.index_cast %mul3A_992 : i32 to index
    %get3A_994 = tpu.vector_load %arg9[%get3A_993] {strides = array<i32>} : memref<32768xi32, #tpu.memory_space<vmem>>, vector<16xi32>,
    %reduce_sum3A_995 = arith.constant true
    %reduce_sum3A_996 = vector.broadcast %reduce_sum3A_995 : i1 to vector<16xi1>
    %reduce_sum3A_997 = tpu.scan <sum>, %get3A_994 masked %reduce_sum3A_996 : vector<16xi32>, vector<16xi1> -> vector<16xi32>
    %reduce_sum3A_998 = vector.extract %reduce_sum3A_997[15] : i32 from vector<16xi32>
    %add3A_999 = arith.addi %add3A_977, %reduce_sum3A_998 : i32
    %eq3A_1000 = arith.constant 0 : i32
    %eq3A_1001 = arith.cmpi eq, %select_n3A_986, %eq3A_1000 : i32
    %ge3A_1002 = arith.cmpi sge, %add3A_999, %sub3A_818 : i32
    %and3A_1003 = arith.andi %eq3A_1001, %ge3A_1002 : i1
    %jit3A_1004 = arith.constant 9 : i32
    %select_n3A_1005 = arith.select %and3A_1003, %jit3A_1004, %select_n3A_983 : i32
    %select_n3A_1006 = arith.select %and3A_1003, %add3A_977, %select_n3A_984 : i32
    %jit3A_1007 = arith.constant 1 : i32
    %select_n3A_1008 = arith.select %and3A_1003, %jit3A_1007, %select_n3A_986 : i32
    %mul3A_1009 = arith.constant 16 : i32
    %mul3A_1010 = arith.muli %scan3A_849#1, %mul3A_1009 : i32
    %add3A_1011 = arith.constant 8 : i32
    %add3A_1012 = arith.addi %mul3A_1010, %add3A_1011 : i32
    %mul3A_1013 = arith.constant 16 : i32
    %mul3A_1014 = arith.muli %add3A_1012, %mul3A_1013 : i32
    %get3A_1015 = arith.index_cast %mul3A_1014 : i32 to index
    %get3A_1016 = tpu.vector_load %arg9[%get3A_1015] {strides = array<i32>} : memref<32768xi32, #tpu.memory_space<vmem>>, vector<16xi32>,
    %reduce_sum3A_1017 = arith.constant true
    %reduce_sum3A_1018 = vector.broadcast %reduce_sum3A_1017 : i1 to vector<16xi1>
    %reduce_sum3A_1019 = tpu.scan <sum>, %get3A_1016 masked %reduce_sum3A_1018 : vector<16xi32>, vector<16xi1> -> vector<16xi32>
    %reduce_sum3A_1020 = vector.extract %reduce_sum3A_1019[15] : i32 from vector<16xi32>
    %add3A_1021 = arith.addi %add3A_999, %reduce_sum3A_1020 : i32
    %eq3A_1022 = arith.constant 0 : i32
    %eq3A_1023 = arith.cmpi eq, %select_n3A_1008, %eq3A_1022 : i32
    %ge3A_1024 = arith.cmpi sge, %add3A_1021, %sub3A_818 : i32
    %and3A_1025 = arith.andi %eq3A_1023, %ge3A_1024 : i1
    %jit3A_1026 = arith.constant 8 : i32
    %select_n3A_1027 = arith.select %and3A_1025, %jit3A_1026, %select_n3A_1005 : i32
    %select_n3A_1028 = arith.select %and3A_1025, %add3A_999, %select_n3A_1006 : i32
    %jit3A_1029 = arith.constant 1 : i32
    %select_n3A_1030 = arith.select %and3A_1025, %jit3A_1029, %select_n3A_1008 : i32
    %mul3A_1031 = arith.constant 16 : i32
    %mul3A_1032 = arith.muli %scan3A_849#1, %mul3A_1031 : i32
    %add3A_1033 = arith.constant 7 : i32
    %add3A_1034 = arith.addi %mul3A_1032, %add3A_1033 : i32
    %mul3A_1035 = arith.constant 16 : i32
    %mul3A_1036 = arith.muli %add3A_1034, %mul3A_1035 : i32
    %get3A_1037 = arith.index_cast %mul3A_1036 : i32 to index
    %get3A_1038 = tpu.vector_load %arg9[%get3A_1037] {strides = array<i32>} : memref<32768xi32, #tpu.memory_space<vmem>>, vector<16xi32>,
    %reduce_sum3A_1039 = arith.constant true
    %reduce_sum3A_1040 = vector.broadcast %reduce_sum3A_1039 : i1 to vector<16xi1>
    %reduce_sum3A_1041 = tpu.scan <sum>, %get3A_1038 masked %reduce_sum3A_1040 : vector<16xi32>, vector<16xi1> -> vector<16xi32>
    %reduce_sum3A_1042 = vector.extract %reduce_sum3A_1041[15] : i32 from vector<16xi32>
    %add3A_1043 = arith.addi %add3A_1021, %reduce_sum3A_1042 : i32
    %eq3A_1044 = arith.constant 0 : i32
    %eq3A_1045 = arith.cmpi eq, %select_n3A_1030, %eq3A_1044 : i32
    %ge3A_1046 = arith.cmpi sge, %add3A_1043, %sub3A_818 : i32
    %and3A_1047 = arith.andi %eq3A_1045, %ge3A_1046 : i1
    %jit3A_1048 = arith.constant 7 : i32
    %select_n3A_1049 = arith.select %and3A_1047, %jit3A_1048, %select_n3A_1027 : i32
    %select_n3A_1050 = arith.select %and3A_1047, %add3A_1021, %select_n3A_1028 : i32
    %jit3A_1051 = arith.constant 1 : i32
    %select_n3A_1052 = arith.select %and3A_1047, %jit3A_1051, %select_n3A_1030 : i32
    %mul3A_1053 = arith.constant 16 : i32
    %mul3A_1054 = arith.muli %scan3A_849#1, %mul3A_1053 : i32
    %add3A_1055 = arith.constant 6 : i32
    %add3A_1056 = arith.addi %mul3A_1054, %add3A_1055 : i32
    %mul3A_1057 = arith.constant 16 : i32
    %mul3A_1058 = arith.muli %add3A_1056, %mul3A_1057 : i32
    %get3A_1059 = arith.index_cast %mul3A_1058 : i32 to index
    %get3A_1060 = tpu.vector_load %arg9[%get3A_1059] {strides = array<i32>} : memref<32768xi32, #tpu.memory_space<vmem>>, vector<16xi32>,
    %reduce_sum3A_1061 = arith.constant true
    %reduce_sum3A_1062 = vector.broadcast %reduce_sum3A_1061 : i1 to vector<16xi1>
    %reduce_sum3A_1063 = tpu.scan <sum>, %get3A_1060 masked %reduce_sum3A_1062 : vector<16xi32>, vector<16xi1> -> vector<16xi32>
    %reduce_sum3A_1064 = vector.extract %reduce_sum3A_1063[15] : i32 from vector<16xi32>
    %add3A_1065 = arith.addi %add3A_1043, %reduce_sum3A_1064 : i32
    %eq3A_1066 = arith.constant 0 : i32
    %eq3A_1067 = arith.cmpi eq, %select_n3A_1052, %eq3A_1066 : i32
    %ge3A_1068 = arith.cmpi sge, %add3A_1065, %sub3A_818 : i32
    %and3A_1069 = arith.andi %eq3A_1067, %ge3A_1068 : i1
    %jit3A_1070 = arith.constant 6 : i32
    %select_n3A_1071 = arith.select %and3A_1069, %jit3A_1070, %select_n3A_1049 : i32
    %select_n3A_1072 = arith.select %and3A_1069, %add3A_1043, %select_n3A_1050 : i32
    %jit3A_1073 = arith.constant 1 : i32
    %select_n3A_1074 = arith.select %and3A_1069, %jit3A_1073, %select_n3A_1052 : i32
    %mul3A_1075 = arith.constant 16 : i32
    %mul3A_1076 = arith.muli %scan3A_849#1, %mul3A_1075 : i32
    %add3A_1077 = arith.constant 5 : i32
    %add3A_1078 = arith.addi %mul3A_1076, %add3A_1077 : i32
    %mul3A_1079 = arith.constant 16 : i32
    %mul3A_1080 = arith.muli %add3A_1078, %mul3A_1079 : i32
    %get3A_1081 = arith.index_cast %mul3A_1080 : i32 to index
    %get3A_1082 = tpu.vector_load %arg9[%get3A_1081] {strides = array<i32>} : memref<32768xi32, #tpu.memory_space<vmem>>, vector<16xi32>,
    %reduce_sum3A_1083 = arith.constant true
    %reduce_sum3A_1084 = vector.broadcast %reduce_sum3A_1083 : i1 to vector<16xi1>
    %reduce_sum3A_1085 = tpu.scan <sum>, %get3A_1082 masked %reduce_sum3A_1084 : vector<16xi32>, vector<16xi1> -> vector<16xi32>
    %reduce_sum3A_1086 = vector.extract %reduce_sum3A_1085[15] : i32 from vector<16xi32>
    %add3A_1087 = arith.addi %add3A_1065, %reduce_sum3A_1086 : i32
    %eq3A_1088 = arith.constant 0 : i32
    %eq3A_1089 = arith.cmpi eq, %select_n3A_1074, %eq3A_1088 : i32
    %ge3A_1090 = arith.cmpi sge, %add3A_1087, %sub3A_818 : i32
    %and3A_1091 = arith.andi %eq3A_1089, %ge3A_1090 : i1
    %jit3A_1092 = arith.constant 5 : i32
    %select_n3A_1093 = arith.select %and3A_1091, %jit3A_1092, %select_n3A_1071 : i32
    %select_n3A_1094 = arith.select %and3A_1091, %add3A_1065, %select_n3A_1072 : i32
    %jit3A_1095 = arith.constant 1 : i32
    %select_n3A_1096 = arith.select %and3A_1091, %jit3A_1095, %select_n3A_1074 : i32
    %mul3A_1097 = arith.constant 16 : i32
    %mul3A_1098 = arith.muli %scan3A_849#1, %mul3A_1097 : i32
    %add3A_1099 = arith.constant 4 : i32
    %add3A_1100 = arith.addi %mul3A_1098, %add3A_1099 : i32
    %mul3A_1101 = arith.constant 16 : i32
    %mul3A_1102 = arith.muli %add3A_1100, %mul3A_1101 : i32
    %get3A_1103 = arith.index_cast %mul3A_1102 : i32 to index
    %get3A_1104 = tpu.vector_load %arg9[%get3A_1103] {strides = array<i32>} : memref<32768xi32, #tpu.memory_space<vmem>>, vector<16xi32>,
    %reduce_sum3A_1105 = arith.constant true
    %reduce_sum3A_1106 = vector.broadcast %reduce_sum3A_1105 : i1 to vector<16xi1>
    %reduce_sum3A_1107 = tpu.scan <sum>, %get3A_1104 masked %reduce_sum3A_1106 : vector<16xi32>, vector<16xi1> -> vector<16xi32>
    %reduce_sum3A_1108 = vector.extract %reduce_sum3A_1107[15] : i32 from vector<16xi32>
    %add3A_1109 = arith.addi %add3A_1087, %reduce_sum3A_1108 : i32
    %eq3A_1110 = arith.constant 0 : i32
    %eq3A_1111 = arith.cmpi eq, %select_n3A_1096, %eq3A_1110 : i32
    %ge3A_1112 = arith.cmpi sge, %add3A_1109, %sub3A_818 : i32
    %and3A_1113 = arith.andi %eq3A_1111, %ge3A_1112 : i1
    %jit3A_1114 = arith.constant 4 : i32
    %select_n3A_1115 = arith.select %and3A_1113, %jit3A_1114, %select_n3A_1093 : i32
    %select_n3A_1116 = arith.select %and3A_1113, %add3A_1087, %select_n3A_1094 : i32
    %jit3A_1117 = arith.constant 1 : i32
    %select_n3A_1118 = arith.select %and3A_1113, %jit3A_1117, %select_n3A_1096 : i32
    %mul3A_1119 = arith.constant 16 : i32
    %mul3A_1120 = arith.muli %scan3A_849#1, %mul3A_1119 : i32
    %add3A_1121 = arith.constant 3 : i32
    %add3A_1122 = arith.addi %mul3A_1120, %add3A_1121 : i32
    %mul3A_1123 = arith.constant 16 : i32
    %mul3A_1124 = arith.muli %add3A_1122, %mul3A_1123 : i32
    %get3A_1125 = arith.index_cast %mul3A_1124 : i32 to index
    %get3A_1126 = tpu.vector_load %arg9[%get3A_1125] {strides = array<i32>} : memref<32768xi32, #tpu.memory_space<vmem>>, vector<16xi32>,
    %reduce_sum3A_1127 = arith.constant true
    %reduce_sum3A_1128 = vector.broadcast %reduce_sum3A_1127 : i1 to vector<16xi1>
    %reduce_sum3A_1129 = tpu.scan <sum>, %get3A_1126 masked %reduce_sum3A_1128 : vector<16xi32>, vector<16xi1> -> vector<16xi32>
    %reduce_sum3A_1130 = vector.extract %reduce_sum3A_1129[15] : i32 from vector<16xi32>
    %add3A_1131 = arith.addi %add3A_1109, %reduce_sum3A_1130 : i32
    %eq3A_1132 = arith.constant 0 : i32
    %eq3A_1133 = arith.cmpi eq, %select_n3A_1118, %eq3A_1132 : i32
    %ge3A_1134 = arith.cmpi sge, %add3A_1131, %sub3A_818 : i32
    %and3A_1135 = arith.andi %eq3A_1133, %ge3A_1134 : i1
    %jit3A_1136 = arith.constant 3 : i32
    %select_n3A_1137 = arith.select %and3A_1135, %jit3A_1136, %select_n3A_1115 : i32
    %select_n3A_1138 = arith.select %and3A_1135, %add3A_1109, %select_n3A_1116 : i32
    %jit3A_1139 = arith.constant 1 : i32
    %select_n3A_1140 = arith.select %and3A_1135, %jit3A_1139, %select_n3A_1118 : i32
    %mul3A_1141 = arith.constant 16 : i32
    %mul3A_1142 = arith.muli %scan3A_849#1, %mul3A_1141 : i32
    %add3A_1143 = arith.constant 2 : i32
    %add3A_1144 = arith.addi %mul3A_1142, %add3A_1143 : i32
    %mul3A_1145 = arith.constant 16 : i32
    %mul3A_1146 = arith.muli %add3A_1144, %mul3A_1145 : i32
    %get3A_1147 = arith.index_cast %mul3A_1146 : i32 to index
    %get3A_1148 = tpu.vector_load %arg9[%get3A_1147] {strides = array<i32>} : memref<32768xi32, #tpu.memory_space<vmem>>, vector<16xi32>,
    %reduce_sum3A_1149 = arith.constant true
    %reduce_sum3A_1150 = vector.broadcast %reduce_sum3A_1149 : i1 to vector<16xi1>
    %reduce_sum3A_1151 = tpu.scan <sum>, %get3A_1148 masked %reduce_sum3A_1150 : vector<16xi32>, vector<16xi1> -> vector<16xi32>
    %reduce_sum3A_1152 = vector.extract %reduce_sum3A_1151[15] : i32 from vector<16xi32>
    %add3A_1153 = arith.addi %add3A_1131, %reduce_sum3A_1152 : i32
    %eq3A_1154 = arith.constant 0 : i32
    %eq3A_1155 = arith.cmpi eq, %select_n3A_1140, %eq3A_1154 : i32
    %ge3A_1156 = arith.cmpi sge, %add3A_1153, %sub3A_818 : i32
    %and3A_1157 = arith.andi %eq3A_1155, %ge3A_1156 : i1
    %jit3A_1158 = arith.constant 2 : i32
    %select_n3A_1159 = arith.select %and3A_1157, %jit3A_1158, %select_n3A_1137 : i32
    %select_n3A_1160 = arith.select %and3A_1157, %add3A_1131, %select_n3A_1138 : i32
    %jit3A_1161 = arith.constant 1 : i32
    %select_n3A_1162 = arith.select %and3A_1157, %jit3A_1161, %select_n3A_1140 : i32
    %mul3A_1163 = arith.constant 16 : i32
    %mul3A_1164 = arith.muli %scan3A_849#1, %mul3A_1163 : i32
    %add3A_1165 = arith.constant 1 : i32
    %add3A_1166 = arith.addi %mul3A_1164, %add3A_1165 : i32
    %mul3A_1167 = arith.constant 16 : i32
    %mul3A_1168 = arith.muli %add3A_1166, %mul3A_1167 : i32
    %get3A_1169 = arith.index_cast %mul3A_1168 : i32 to index
    %get3A_1170 = tpu.vector_load %arg9[%get3A_1169] {strides = array<i32>} : memref<32768xi32, #tpu.memory_space<vmem>>, vector<16xi32>,
    %reduce_sum3A_1171 = arith.constant true
    %reduce_sum3A_1172 = vector.broadcast %reduce_sum3A_1171 : i1 to vector<16xi1>
    %reduce_sum3A_1173 = tpu.scan <sum>, %get3A_1170 masked %reduce_sum3A_1172 : vector<16xi32>, vector<16xi1> -> vector<16xi32>
    %reduce_sum3A_1174 = vector.extract %reduce_sum3A_1173[15] : i32 from vector<16xi32>
    %add3A_1175 = arith.addi %add3A_1153, %reduce_sum3A_1174 : i32
    %eq3A_1176 = arith.constant 0 : i32
    %eq3A_1177 = arith.cmpi eq, %select_n3A_1162, %eq3A_1176 : i32
    %ge3A_1178 = arith.cmpi sge, %add3A_1175, %sub3A_818 : i32
    %and3A_1179 = arith.andi %eq3A_1177, %ge3A_1178 : i1
    %jit3A_1180 = arith.constant 1 : i32
    %select_n3A_1181 = arith.select %and3A_1179, %jit3A_1180, %select_n3A_1159 : i32
    %select_n3A_1182 = arith.select %and3A_1179, %add3A_1153, %select_n3A_1160 : i32
    %jit3A_1183 = arith.constant 1 : i32
    %select_n3A_1184 = arith.select %and3A_1179, %jit3A_1183, %select_n3A_1162 : i32
    %mul3A_1185 = arith.constant 16 : i32
    %mul3A_1186 = arith.muli %scan3A_849#1, %mul3A_1185 : i32
    %add3A_1187 = arith.constant 0 : i32
    %add3A_1188 = arith.addi %mul3A_1186, %add3A_1187 : i32
    %mul3A_1189 = arith.constant 16 : i32
    %mul3A_1190 = arith.muli %add3A_1188, %mul3A_1189 : i32
    %get3A_1191 = arith.index_cast %mul3A_1190 : i32 to index
    %get3A_1192 = tpu.vector_load %arg9[%get3A_1191] {strides = array<i32>} : memref<32768xi32, #tpu.memory_space<vmem>>, vector<16xi32>,
    %reduce_sum3A_1193 = arith.constant true
    %reduce_sum3A_1194 = vector.broadcast %reduce_sum3A_1193 : i1 to vector<16xi1>
    %reduce_sum3A_1195 = tpu.scan <sum>, %get3A_1192 masked %reduce_sum3A_1194 : vector<16xi32>, vector<16xi1> -> vector<16xi32>
    %reduce_sum3A_1196 = vector.extract %reduce_sum3A_1195[15] : i32 from vector<16xi32>
    %add3A_1197 = arith.addi %add3A_1175, %reduce_sum3A_1196 : i32
    %eq3A_1198 = arith.constant 0 : i32
    %eq3A_1199 = arith.cmpi eq, %select_n3A_1184, %eq3A_1198 : i32
    %ge3A_1200 = arith.cmpi sge, %add3A_1197, %sub3A_818 : i32
    %and3A_1201 = arith.andi %eq3A_1199, %ge3A_1200 : i1
    %jit3A_1202 = arith.constant 0 : i32
    %select_n3A_1203 = arith.select %and3A_1201, %jit3A_1202, %select_n3A_1181 : i32
    %select_n3A_1204 = arith.select %and3A_1201, %add3A_1175, %select_n3A_1182 : i32
    %jit3A_1205 = arith.constant 1 : i32
    %select_n3A_1206 = arith.select %and3A_1201, %jit3A_1205, %select_n3A_1184 : i32
    %mul3A_1207 = arith.constant 16 : i32
    %mul3A_1208 = arith.muli %scan3A_849#1, %mul3A_1207 : i32
    %add3A_1209 = arith.addi %mul3A_1208, %select_n3A_1203 : i32
    %shift_left3A_1210 = arith.constant 10 : i32
    %shift_left3A_1211 = arith.shli %or3A_817, %shift_left3A_1210 : i32
    %or3A_1212 = arith.ori %shift_left3A_1211, %add3A_1209 : i32
    %sub3A_1213 = arith.subi %sub3A_818, %select_n3A_1204 : i32
    %broadcast_in_dim3A_1214 = vector.broadcast %or3A_1212 : i32 to vector<16xi32>
    %ge3A_1215 = arith.constant -2147483648 : i32
    %ge3A_1216 = vector.broadcast %ge3A_1215 : i32 to vector<16xi32>
    %ge3A_1217 = arith.cmpi uge, %broadcast_in_dim3A_1214, %ge3A_1216 : vector<16xi32>
    %xor3A = arith.constant -2147483648 : i32
    %xor3A_1218 = vector.broadcast %xor3A : i32 to vector<16xi32>
    %xor3A_1219 = arith.xori %broadcast_in_dim3A_1214, %xor3A_1218 : vector<16xi32>
    %not3A = arith.constant dense<-1> : vector<16xi32>
    %not3A_1220 = arith.xori %broadcast_in_dim3A_1214, %not3A : vector<16xi32>
    %select_n3A_1221 = arith.select %ge3A_1217, %xor3A_1219, %not3A_1220 : vector<16xi1>, vector<16xi32>
    %bitcast3A = vector.bitcast %select_n3A_1221 : vector<16xi32> to vector<16xf32>
    %broadcast_in_dim3A_1222 = arith.constant 0.000000e+00 : f32
    %broadcast_in_dim3A_1223 = vector.broadcast %broadcast_in_dim3A_1222 : f32 to vector<16xf32>
    %mul3A_1224 = arith.constant 221184 : i32
    %mul3A_1225 = arith.muli %add3A, %mul3A_1224 : i32
    %add3A_1226 = arith.constant 0 : i32
    %add3A_1227 = arith.addi %mul3A_1225, %add3A_1226 : i32
    %dma_start3A_1228 = tpu.memref_slice %arg4[%add3A_1227] : memref<7077888xf32, #tpu.memory_space<hbm>> -> memref<6912xf32, #tpu.memory_space<hbm>>
    %dma_start3A_1229 = tpu.memref_slice %arg4[%add3A_1227] : memref<7077888xf32, #tpu.memory_space<hbm>> -> memref<6912xf32, #tpu.memory_space<hbm>>
    tpu.enqueue_dma source(%dma_start3A_1229 : memref<6912xf32, #tpu.memory_space<hbm>>) target(%arg7 : memref<6912xf32, #tpu.memory_space<vmem>>) target_semaphore(%arg10 : memref<!tpu.dma_semaphore, #tpu.memory_space<semaphore_mem>>)
    %mul3A_1230 = arith.constant 221184 : i32
    %mul3A_1231 = arith.muli %add3A, %mul3A_1230 : i32
    %add3A_1232 = arith.constant 6912 : i32
    %add3A_1233 = arith.addi %mul3A_1231, %add3A_1232 : i32
    %dma_start3A_1234 = tpu.memref_slice %arg4[%add3A_1233] : memref<7077888xf32, #tpu.memory_space<hbm>> -> memref<6912xf32, #tpu.memory_space<hbm>>
    %dma_start3A_1235 = tpu.memref_slice %arg4[%add3A_1233] : memref<7077888xf32, #tpu.memory_space<hbm>> -> memref<6912xf32, #tpu.memory_space<hbm>>
    tpu.enqueue_dma source(%dma_start3A_1235 : memref<6912xf32, #tpu.memory_space<hbm>>) target(%arg8 : memref<6912xf32, #tpu.memory_space<vmem>>) target_semaphore(%arg11 : memref<!tpu.dma_semaphore, #tpu.memory_space<semaphore_mem>>)
    %scan3A_1236 = arith.constant 0 : i32
    %scan3A_1237 = arith.constant 0 : i32
    %scan3A_1238 = arith.constant 16 : i32
    %scan3A_1239 = arith.addi %scan3A_1237, %scan3A_1238 : i32
    %scan3A_1240 = arith.constant 1 : i32
    scf.for %scan3A_1262 = %scan3A_1237 to %scan3A_1239 step %scan3A_1240  : i32 {
      %mul3A_1263 = arith.constant 2 : i32
      %mul3A_1264 = arith.muli %scan3A_1262, %mul3A_1263 : i32
      %add3A_1265 = arith.constant 0 : i32
      %add3A_1266 = arith.addi %mul3A_1264, %add3A_1265 : i32
      %mul3A_1267 = arith.constant 221184 : i32
      %mul3A_1268 = arith.muli %add3A, %mul3A_1267 : i32
      %mul3A_1269 = arith.constant 6912 : i32
      %mul3A_1270 = arith.muli %add3A_1266, %mul3A_1269 : i32
      %add3A_1271 = arith.addi %mul3A_1268, %mul3A_1270 : i32
      %dma_wait3A_1272 = tpu.memref_slice %arg4[%add3A_1271] : memref<7077888xf32, #tpu.memory_space<hbm>> -> memref<6912xf32, #tpu.memory_space<hbm>>
      %dma_wait3A_1273 = tpu.memref_slice %arg4[%add3A_1271] : memref<7077888xf32, #tpu.memory_space<hbm>> -> memref<6912xf32, #tpu.memory_space<hbm>>
      tpu.wait_dma2 semaphore(%arg10 : memref<!tpu.dma_semaphore, #tpu.memory_space<semaphore_mem>>) src(%dma_wait3A_1273 : memref<6912xf32, #tpu.memory_space<hbm>>) dst(%arg7 : memref<6912xf32, #tpu.memory_space<vmem>>)
      %ge3A_1274 = arith.constant 1 : i32
      %ge3A_1275 = arith.cmpi sge, %scan3A_1262, %ge3A_1274 : i32
      %convert_element_type3A = arith.extui %ge3A_1275 : i1 to i32
      %cond3A = arith.constant 0 : i32
      %cond3A_1276 = arith.cmpi ne, %convert_element_type3A, %cond3A : i32
      scf.if %cond3A_1276 {
        %sub3A_1332 = arith.constant 2 : i32
        %sub3A_1333 = arith.subi %add3A_1266, %sub3A_1332 : i32
        %mul3A_1334 = arith.constant 12 : i32
        %mul3A_1335 = arith.muli %sub3A_1333, %mul3A_1334 : i32
        %dma_wait3A_1336 = arith.constant 0 : i32
        %dma_wait3A_1337 = arith.constant 0 : i32
        %dma_wait3A_1338 = tpu.memref_slice %arg3[%add3A, %mul3A_1335, %dma_wait3A_1336, %dma_wait3A_1337] : memref<32x384x24x24xf32, #tpu.memory_space<hbm>> -> memref<1x12x24x24xf32, #tpu.memory_space<hbm>>
        %dma_wait3A_1339 = tpu.memref_squeeze %dma_wait3A_1338 : memref<1x12x24x24xf32, #tpu.memory_space<hbm>> -> memref<12x24x24xf32, #tpu.memory_space<hbm>>
        %dma_wait3A_1340 = arith.constant 0 : i32
        %dma_wait3A_1341 = arith.constant 0 : i32
        %dma_wait3A_1342 = tpu.memref_slice %arg3[%add3A, %mul3A_1335, %dma_wait3A_1340, %dma_wait3A_1341] : memref<32x384x24x24xf32, #tpu.memory_space<hbm>> -> memref<1x12x24x24xf32, #tpu.memory_space<hbm>>
        %dma_wait3A_1343 = tpu.memref_squeeze %dma_wait3A_1342 : memref<1x12x24x24xf32, #tpu.memory_space<hbm>> -> memref<12x24x24xf32, #tpu.memory_space<hbm>>
        tpu.wait_dma2 semaphore(%arg12 : memref<!tpu.dma_semaphore, #tpu.memory_space<semaphore_mem>>) src(%arg5 : memref<12x24x24xf32, #tpu.memory_space<vmem>>) dst(%dma_wait3A_1343 : memref<12x24x24xf32, #tpu.memory_space<hbm>>)
      } else {
      }
      %parallel_loop3A_1277 = arith.constant 0 : i32
      %parallel_loop3A_1278 = arith.constant 288 : i32
      %parallel_loop3A_1279 = arith.constant 1 : i32
      scf.for %parallel_loop3A_1332 = %parallel_loop3A_1277 to %parallel_loop3A_1278 step %parallel_loop3A_1279  : i32 {
        %parallel_loop3A_1333 = arith.constant 24 : i32
        %parallel_loop3A_1334 = arith.muli %parallel_loop3A_1332, %parallel_loop3A_1333 : i32
        %parallel_loop3A_1335 = arith.constant 0 : i32
        %parallel_loop3A_1336 = arith.addi %parallel_loop3A_1334, %parallel_loop3A_1335 : i32
        %parallel_loop3A_1337 = arith.index_cast %parallel_loop3A_1336 : i32 to index
        %parallel_loop3A_1338 = tpu.vector_load %arg7[%parallel_loop3A_1337] {strides = array<i32>} : memref<6912xf32, #tpu.memory_space<vmem>>, vector<16xf32>,
        %parallel_loop3A_1339 = arith.cmpf oge, %parallel_loop3A_1338, %bitcast3A : vector<16xf32>
        %parallel_loop3A_1340 = arith.select %parallel_loop3A_1339, %parallel_loop3A_1338, %broadcast_in_dim3A_1223 : vector<16xi1>, vector<16xf32>
        %parallel_loop3A_1341 = tpu.memref_reshape %arg5 : memref<12x24x24xf32, #tpu.memory_space<vmem>> -> memref<288x24xf32, #tpu.memory_space<vmem>>
        %parallel_loop3A_1342 = arith.index_cast %parallel_loop3A_1332 : i32 to index
        %parallel_loop3A_1343 = arith.constant 0 : index
        %parallel_loop3A_1344 = tpu.vector_load %parallel_loop3A_1341[%parallel_loop3A_1342, %parallel_loop3A_1343] {strides = array<i32>} : memref<288x24xf32, #tpu.memory_space<vmem>>, vector<16xf32>,
        tpu.vector_store %parallel_loop3A_1341[%parallel_loop3A_1342, %parallel_loop3A_1343], %parallel_loop3A_1340 {strides = array<i32>} : memref<288x24xf32, #tpu.memory_space<vmem>>, vector<16xf32>,
        %parallel_loop3A_1345 = arith.constant 24 : i32
        %parallel_loop3A_1346 = arith.muli %parallel_loop3A_1332, %parallel_loop3A_1345 : i32
        %parallel_loop3A_1347 = arith.constant 8 : i32
        %parallel_loop3A_1348 = arith.addi %parallel_loop3A_1346, %parallel_loop3A_1347 : i32
        %parallel_loop3A_1349 = arith.index_cast %parallel_loop3A_1348 : i32 to index
        %parallel_loop3A_1350 = tpu.vector_load %arg7[%parallel_loop3A_1349] {strides = array<i32>} : memref<6912xf32, #tpu.memory_space<vmem>>, vector<16xf32>,
        %parallel_loop3A_1351 = arith.cmpf oge, %parallel_loop3A_1350, %bitcast3A : vector<16xf32>
        %parallel_loop3A_1352 = arith.select %parallel_loop3A_1351, %parallel_loop3A_1350, %broadcast_in_dim3A_1223 : vector<16xi1>, vector<16xf32>
        %parallel_loop3A_1353 = tpu.memref_reshape %arg5 : memref<12x24x24xf32, #tpu.memory_space<vmem>> -> memref<288x24xf32, #tpu.memory_space<vmem>>
        %parallel_loop3A_1354 = arith.index_cast %parallel_loop3A_1332 : i32 to index
        %parallel_loop3A_1355 = arith.constant 8 : index
        %parallel_loop3A_1356 = tpu.vector_load %parallel_loop3A_1353[%parallel_loop3A_1354, %parallel_loop3A_1355] {strides = array<i32>} : memref<288x24xf32, #tpu.memory_space<vmem>>, vector<16xf32>,
        tpu.vector_store %parallel_loop3A_1353[%parallel_loop3A_1354, %parallel_loop3A_1355], %parallel_loop3A_1352 {strides = array<i32>} : memref<288x24xf32, #tpu.memory_space<vmem>>, vector<16xf32>,
      } {sc.loop_unroll_factor = 8 : i64, sc.parallel_access}
      %add3A_1280 = arith.constant 2 : i32
      %add3A_1281 = arith.addi %add3A_1266, %add3A_1280 : i32
      %lt3A = arith.constant 32 : i32
      %lt3A_1282 = arith.cmpi slt, %add3A_1281, %lt3A : i32
      %convert_element_type3A_1283 = arith.extui %lt3A_1282 : i1 to i32
      %cond3A_1284 = arith.constant 0 : i32
      %cond3A_1285 = arith.cmpi ne, %convert_element_type3A_1283, %cond3A_1284 : i32
      scf.if %cond3A_1285 {
        %add3A_1332 = arith.constant 2 : i32
        %add3A_1333 = arith.addi %add3A_1266, %add3A_1332 : i32
        %mul3A_1334 = arith.constant 221184 : i32
        %mul3A_1335 = arith.muli %add3A, %mul3A_1334 : i32
        %mul3A_1336 = arith.constant 6912 : i32
        %mul3A_1337 = arith.muli %add3A_1333, %mul3A_1336 : i32
        %add3A_1338 = arith.addi %mul3A_1335, %mul3A_1337 : i32
        %dma_start3A_1339 = tpu.memref_slice %arg4[%add3A_1338] : memref<7077888xf32, #tpu.memory_space<hbm>> -> memref<6912xf32, #tpu.memory_space<hbm>>
        %dma_start3A_1340 = tpu.memref_slice %arg4[%add3A_1338] : memref<7077888xf32, #tpu.memory_space<hbm>> -> memref<6912xf32, #tpu.memory_space<hbm>>
        tpu.enqueue_dma source(%dma_start3A_1340 : memref<6912xf32, #tpu.memory_space<hbm>>) target(%arg7 : memref<6912xf32, #tpu.memory_space<vmem>>) target_semaphore(%arg10 : memref<!tpu.dma_semaphore, #tpu.memory_space<semaphore_mem>>)
      } else {
      }
      %mul3A_1286 = arith.constant 12 : i32
      %mul3A_1287 = arith.muli %add3A_1266, %mul3A_1286 : i32
      %dma_start3A_1288 = arith.constant 0 : i32
      %dma_start3A_1289 = arith.constant 0 : i32
      %dma_start3A_1290 = tpu.memref_slice %arg3[%add3A, %mul3A_1287, %dma_start3A_1288, %dma_start3A_1289] : memref<32x384x24x24xf32, #tpu.memory_space<hbm>> -> memref<1x12x24x24xf32, #tpu.memory_space<hbm>>
      %dma_start3A_1291 = tpu.memref_squeeze %dma_start3A_1290 : memref<1x12x24x24xf32, #tpu.memory_space<hbm>> -> memref<12x24x24xf32, #tpu.memory_space<hbm>>
      %dma_start3A_1292 = arith.constant 0 : i32
      %dma_start3A_1293 = arith.constant 0 : i32
      %dma_start3A_1294 = tpu.memref_slice %arg3[%add3A, %mul3A_1287, %dma_start3A_1292, %dma_start3A_1293] : memref<32x384x24x24xf32, #tpu.memory_space<hbm>> -> memref<1x12x24x24xf32, #tpu.memory_space<hbm>>
      %dma_start3A_1295 = tpu.memref_squeeze %dma_start3A_1294 : memref<1x12x24x24xf32, #tpu.memory_space<hbm>> -> memref<12x24x24xf32, #tpu.memory_space<hbm>>
      tpu.enqueue_dma source(%arg5 : memref<12x24x24xf32, #tpu.memory_space<vmem>>) target(%dma_start3A_1295 : memref<12x24x24xf32, #tpu.memory_space<hbm>>) target_semaphore(%arg12 : memref<!tpu.dma_semaphore, #tpu.memory_space<semaphore_mem>>)
      %mul3A_1296 = arith.constant 2 : i32
      %mul3A_1297 = arith.muli %scan3A_1262, %mul3A_1296 : i32
      %add3A_1298 = arith.constant 1 : i32
      %add3A_1299 = arith.addi %mul3A_1297, %add3A_1298 : i32
      %mul3A_1300 = arith.constant 221184 : i32
      %mul3A_1301 = arith.muli %add3A, %mul3A_1300 : i32
      %mul3A_1302 = arith.constant 6912 : i32
      %mul3A_1303 = arith.muli %add3A_1299, %mul3A_1302 : i32
      %add3A_1304 = arith.addi %mul3A_1301, %mul3A_1303 : i32
      %dma_wait3A_1305 = tpu.memref_slice %arg4[%add3A_1304] : memref<7077888xf32, #tpu.memory_space<hbm>> -> memref<6912xf32, #tpu.memory_space<hbm>>
      %dma_wait3A_1306 = tpu.memref_slice %arg4[%add3A_1304] : memref<7077888xf32, #tpu.memory_space<hbm>> -> memref<6912xf32, #tpu.memory_space<hbm>>
      tpu.wait_dma2 semaphore(%arg11 : memref<!tpu.dma_semaphore, #tpu.memory_space<semaphore_mem>>) src(%dma_wait3A_1306 : memref<6912xf32, #tpu.memory_space<hbm>>) dst(%arg8 : memref<6912xf32, #tpu.memory_space<vmem>>)
      %ge3A_1307 = arith.constant 1 : i32
      %ge3A_1308 = arith.cmpi sge, %scan3A_1262, %ge3A_1307 : i32
      %convert_element_type3A_1309 = arith.extui %ge3A_1308 : i1 to i32
      %cond3A_1310 = arith.constant 0 : i32
      %cond3A_1311 = arith.cmpi ne, %convert_element_type3A_1309, %cond3A_1310 : i32
      scf.if %cond3A_1311 {
        %sub3A_1332 = arith.constant 2 : i32
        %sub3A_1333 = arith.subi %add3A_1299, %sub3A_1332 : i32
        %mul3A_1334 = arith.constant 12 : i32
        %mul3A_1335 = arith.muli %sub3A_1333, %mul3A_1334 : i32
        %dma_wait3A_1336 = arith.constant 0 : i32
        %dma_wait3A_1337 = arith.constant 0 : i32
        %dma_wait3A_1338 = tpu.memref_slice %arg3[%add3A, %mul3A_1335, %dma_wait3A_1336, %dma_wait3A_1337] : memref<32x384x24x24xf32, #tpu.memory_space<hbm>> -> memref<1x12x24x24xf32, #tpu.memory_space<hbm>>
        %dma_wait3A_1339 = tpu.memref_squeeze %dma_wait3A_1338 : memref<1x12x24x24xf32, #tpu.memory_space<hbm>> -> memref<12x24x24xf32, #tpu.memory_space<hbm>>
        %dma_wait3A_1340 = arith.constant 0 : i32
        %dma_wait3A_1341 = arith.constant 0 : i32
        %dma_wait3A_1342 = tpu.memref_slice %arg3[%add3A, %mul3A_1335, %dma_wait3A_1340, %dma_wait3A_1341] : memref<32x384x24x24xf32, #tpu.memory_space<hbm>> -> memref<1x12x24x24xf32, #tpu.memory_space<hbm>>
        %dma_wait3A_1343 = tpu.memref_squeeze %dma_wait3A_1342 : memref<1x12x24x24xf32, #tpu.memory_space<hbm>> -> memref<12x24x24xf32, #tpu.memory_space<hbm>>
        tpu.wait_dma2 semaphore(%arg13 : memref<!tpu.dma_semaphore, #tpu.memory_space<semaphore_mem>>) src(%arg6 : memref<12x24x24xf32, #tpu.memory_space<vmem>>) dst(%dma_wait3A_1343 : memref<12x24x24xf32, #tpu.memory_space<hbm>>)
      } else {
      }
      %parallel_loop3A_1312 = arith.constant 0 : i32
      %parallel_loop3A_1313 = arith.constant 288 : i32
      %parallel_loop3A_1314 = arith.constant 1 : i32
      scf.for %parallel_loop3A_1332 = %parallel_loop3A_1312 to %parallel_loop3A_1313 step %parallel_loop3A_1314  : i32 {
        %parallel_loop3A_1333 = arith.constant 24 : i32
        %parallel_loop3A_1334 = arith.muli %parallel_loop3A_1332, %parallel_loop3A_1333 : i32
        %parallel_loop3A_1335 = arith.constant 0 : i32
        %parallel_loop3A_1336 = arith.addi %parallel_loop3A_1334, %parallel_loop3A_1335 : i32
        %parallel_loop3A_1337 = arith.index_cast %parallel_loop3A_1336 : i32 to index
        %parallel_loop3A_1338 = tpu.vector_load %arg8[%parallel_loop3A_1337] {strides = array<i32>} : memref<6912xf32, #tpu.memory_space<vmem>>, vector<16xf32>,
        %parallel_loop3A_1339 = arith.cmpf oge, %parallel_loop3A_1338, %bitcast3A : vector<16xf32>
        %parallel_loop3A_1340 = arith.select %parallel_loop3A_1339, %parallel_loop3A_1338, %broadcast_in_dim3A_1223 : vector<16xi1>, vector<16xf32>
        %parallel_loop3A_1341 = tpu.memref_reshape %arg6 : memref<12x24x24xf32, #tpu.memory_space<vmem>> -> memref<288x24xf32, #tpu.memory_space<vmem>>
        %parallel_loop3A_1342 = arith.index_cast %parallel_loop3A_1332 : i32 to index
        %parallel_loop3A_1343 = arith.constant 0 : index
        %parallel_loop3A_1344 = tpu.vector_load %parallel_loop3A_1341[%parallel_loop3A_1342, %parallel_loop3A_1343] {strides = array<i32>} : memref<288x24xf32, #tpu.memory_space<vmem>>, vector<16xf32>,
        tpu.vector_store %parallel_loop3A_1341[%parallel_loop3A_1342, %parallel_loop3A_1343], %parallel_loop3A_1340 {strides = array<i32>} : memref<288x24xf32, #tpu.memory_space<vmem>>, vector<16xf32>,
        %parallel_loop3A_1345 = arith.constant 24 : i32
        %parallel_loop3A_1346 = arith.muli %parallel_loop3A_1332, %parallel_loop3A_1345 : i32
        %parallel_loop3A_1347 = arith.constant 8 : i32
        %parallel_loop3A_1348 = arith.addi %parallel_loop3A_1346, %parallel_loop3A_1347 : i32
        %parallel_loop3A_1349 = arith.index_cast %parallel_loop3A_1348 : i32 to index
        %parallel_loop3A_1350 = tpu.vector_load %arg8[%parallel_loop3A_1349] {strides = array<i32>} : memref<6912xf32, #tpu.memory_space<vmem>>, vector<16xf32>,
        %parallel_loop3A_1351 = arith.cmpf oge, %parallel_loop3A_1350, %bitcast3A : vector<16xf32>
        %parallel_loop3A_1352 = arith.select %parallel_loop3A_1351, %parallel_loop3A_1350, %broadcast_in_dim3A_1223 : vector<16xi1>, vector<16xf32>
        %parallel_loop3A_1353 = tpu.memref_reshape %arg6 : memref<12x24x24xf32, #tpu.memory_space<vmem>> -> memref<288x24xf32, #tpu.memory_space<vmem>>
        %parallel_loop3A_1354 = arith.index_cast %parallel_loop3A_1332 : i32 to index
        %parallel_loop3A_1355 = arith.constant 8 : index
        %parallel_loop3A_1356 = tpu.vector_load %parallel_loop3A_1353[%parallel_loop3A_1354, %parallel_loop3A_1355] {strides = array<i32>} : memref<288x24xf32, #tpu.memory_space<vmem>>, vector<16xf32>,
        tpu.vector_store %parallel_loop3A_1353[%parallel_loop3A_1354, %parallel_loop3A_1355], %parallel_loop3A_1352 {strides = array<i32>} : memref<288x24xf32, #tpu.memory_space<vmem>>, vector<16xf32>,
      } {sc.loop_unroll_factor = 8 : i64, sc.parallel_access}
      %add3A_1315 = arith.constant 2 : i32
      %add3A_1316 = arith.addi %add3A_1299, %add3A_1315 : i32
      %lt3A_1317 = arith.constant 32 : i32
      %lt3A_1318 = arith.cmpi slt, %add3A_1316, %lt3A_1317 : i32
      %convert_element_type3A_1319 = arith.extui %lt3A_1318 : i1 to i32
      %cond3A_1320 = arith.constant 0 : i32
      %cond3A_1321 = arith.cmpi ne, %convert_element_type3A_1319, %cond3A_1320 : i32
      scf.if %cond3A_1321 {
        %add3A_1332 = arith.constant 2 : i32
        %add3A_1333 = arith.addi %add3A_1299, %add3A_1332 : i32
        %mul3A_1334 = arith.constant 221184 : i32
        %mul3A_1335 = arith.muli %add3A, %mul3A_1334 : i32
        %mul3A_1336 = arith.constant 6912 : i32
        %mul3A_1337 = arith.muli %add3A_1333, %mul3A_1336 : i32
        %add3A_1338 = arith.addi %mul3A_1335, %mul3A_1337 : i32
        %dma_start3A_1339 = tpu.memref_slice %arg4[%add3A_1338] : memref<7077888xf32, #tpu.memory_space<hbm>> -> memref<6912xf32, #tpu.memory_space<hbm>>
        %dma_start3A_1340 = tpu.memref_slice %arg4[%add3A_1338] : memref<7077888xf32, #tpu.memory_space<hbm>> -> memref<6912xf32, #tpu.memory_space<hbm>>
        tpu.enqueue_dma source(%dma_start3A_1340 : memref<6912xf32, #tpu.memory_space<hbm>>) target(%arg8 : memref<6912xf32, #tpu.memory_space<vmem>>) target_semaphore(%arg11 : memref<!tpu.dma_semaphore, #tpu.memory_space<semaphore_mem>>)
      } else {
      }
      %mul3A_1322 = arith.constant 12 : i32
      %mul3A_1323 = arith.muli %add3A_1299, %mul3A_1322 : i32
      %dma_start3A_1324 = arith.constant 0 : i32
      %dma_start3A_1325 = arith.constant 0 : i32
      %dma_start3A_1326 = tpu.memref_slice %arg3[%add3A, %mul3A_1323, %dma_start3A_1324, %dma_start3A_1325] : memref<32x384x24x24xf32, #tpu.memory_space<hbm>> -> memref<1x12x24x24xf32, #tpu.memory_space<hbm>>
      %dma_start3A_1327 = tpu.memref_squeeze %dma_start3A_1326 : memref<1x12x24x24xf32, #tpu.memory_space<hbm>> -> memref<12x24x24xf32, #tpu.memory_space<hbm>>
      %dma_start3A_1328 = arith.constant 0 : i32
      %dma_start3A_1329 = arith.constant 0 : i32
      %dma_start3A_1330 = tpu.memref_slice %arg3[%add3A, %mul3A_1323, %dma_start3A_1328, %dma_start3A_1329] : memref<32x384x24x24xf32, #tpu.memory_space<hbm>> -> memref<1x12x24x24xf32, #tpu.memory_space<hbm>>
      %dma_start3A_1331 = tpu.memref_squeeze %dma_start3A_1330 : memref<1x12x24x24xf32, #tpu.memory_space<hbm>> -> memref<12x24x24xf32, #tpu.memory_space<hbm>>
      tpu.enqueue_dma source(%arg6 : memref<12x24x24xf32, #tpu.memory_space<vmem>>) target(%dma_start3A_1331 : memref<12x24x24xf32, #tpu.memory_space<hbm>>) target_semaphore(%arg13 : memref<!tpu.dma_semaphore, #tpu.memory_space<semaphore_mem>>)
    }
    %scan3A_1241 = arith.constant 16 : i32
    %dma_wait3A_1242 = arith.constant 360 : i32
    %dma_wait3A_1243 = arith.constant 0 : i32
    %dma_wait3A_1244 = arith.constant 0 : i32
    %dma_wait3A_1245 = tpu.memref_slice %arg3[%add3A, %dma_wait3A_1242, %dma_wait3A_1243, %dma_wait3A_1244] : memref<32x384x24x24xf32, #tpu.memory_space<hbm>> -> memref<1x12x24x24xf32, #tpu.memory_space<hbm>>
    %dma_wait3A_1246 = tpu.memref_squeeze %dma_wait3A_1245 : memref<1x12x24x24xf32, #tpu.memory_space<hbm>> -> memref<12x24x24xf32, #tpu.memory_space<hbm>>
    %dma_wait3A_1247 = arith.constant 360 : i32
    %dma_wait3A_1248 = arith.constant 0 : i32
    %dma_wait3A_1249 = arith.constant 0 : i32
    %dma_wait3A_1250 = tpu.memref_slice %arg3[%add3A, %dma_wait3A_1247, %dma_wait3A_1248, %dma_wait3A_1249] : memref<32x384x24x24xf32, #tpu.memory_space<hbm>> -> memref<1x12x24x24xf32, #tpu.memory_space<hbm>>
    %dma_wait3A_1251 = tpu.memref_squeeze %dma_wait3A_1250 : memref<1x12x24x24xf32, #tpu.memory_space<hbm>> -> memref<12x24x24xf32, #tpu.memory_space<hbm>>
    tpu.wait_dma2 semaphore(%arg12 : memref<!tpu.dma_semaphore, #tpu.memory_space<semaphore_mem>>) src(%arg5 : memref<12x24x24xf32, #tpu.memory_space<vmem>>) dst(%dma_wait3A_1251 : memref<12x24x24xf32, #tpu.memory_space<hbm>>)
    %dma_wait3A_1252 = arith.constant 372 : i32
    %dma_wait3A_1253 = arith.constant 0 : i32
    %dma_wait3A_1254 = arith.constant 0 : i32
    %dma_wait3A_1255 = tpu.memref_slice %arg3[%add3A, %dma_wait3A_1252, %dma_wait3A_1253, %dma_wait3A_1254] : memref<32x384x24x24xf32, #tpu.memory_space<hbm>> -> memref<1x12x24x24xf32, #tpu.memory_space<hbm>>
    %dma_wait3A_1256 = tpu.memref_squeeze %dma_wait3A_1255 : memref<1x12x24x24xf32, #tpu.memory_space<hbm>> -> memref<12x24x24xf32, #tpu.memory_space<hbm>>
    %dma_wait3A_1257 = arith.constant 372 : i32
    %dma_wait3A_1258 = arith.constant 0 : i32
    %dma_wait3A_1259 = arith.constant 0 : i32
    %dma_wait3A_1260 = tpu.memref_slice %arg3[%add3A, %dma_wait3A_1257, %dma_wait3A_1258, %dma_wait3A_1259] : memref<32x384x24x24xf32, #tpu.memory_space<hbm>> -> memref<1x12x24x24xf32, #tpu.memory_space<hbm>>
    %dma_wait3A_1261 = tpu.memref_squeeze %dma_wait3A_1260 : memref<1x12x24x24xf32, #tpu.memory_space<hbm>> -> memref<12x24x24xf32, #tpu.memory_space<hbm>>
    tpu.wait_dma2 semaphore(%arg13 : memref<!tpu.dma_semaphore, #tpu.memory_space<semaphore_mem>>) src(%arg6 : memref<12x24x24xf32, #tpu.memory_space<vmem>>) dst(%dma_wait3A_1261 : memref<12x24x24xf32, #tpu.memory_space<hbm>>)
    return
  }
}

</mosaic_0001>

<sc_bundles>
// kernel: kernel.3.cloned.1.call-start
scs
__scs_entry_jumppad:
0x0: {  	(pc) =	sbr.rel $0x88, $3  }
0x1: {  	(tag) =	ssettag $0x0;
	lr =	simm.s32 $0x1  }
0x2: {  	[smem:$0x3FA0] =	sst lr;
	_ =	strace $0xD0000000  }
0x3: {  	_ = 	snop  }
0x4: {  	_ = 	snop  }
0x5: {  	_ = 	snop  }
0x6: {  	_ = 	snop  }
0x7: {  	_ = 	snop  }
__scs_overlays_trampoline_lowered:
0x8: {  	[smem:$0x3FAF] =	sst s0  }
0x9: {  	[smem:$0x3FB0] =	sst s1  }
0xa: {  	[smem:$0x3FB1] =	sst s2  }
0xb: {  	[smem:$0x3FB2] =	sst s3  }
0xc: {  	[smem:$0x3FB3] =	sst s4  }
0xd: {  	[smem:$0x3FB4] =	sst s5  }
0xe: {  	[smem:$0x3FB5] =	sst s6  }
0xf: {  	[smem:$0x3FB6] =	sst s7  }
0x10: {  	[smem:$0x3FB7] =	sst s8  }
0x11: {  	[smem:$0x3FB8] =	sst s9;
	s0 =	simm.s32 @!p0 $0x0  }
0x12: {  	s1 =	sld [smem:$0x3F9E];
	s0 =	simm.s32 @p0 $0x1  }
0x13: {  	[smem:$0x3FB9] =	sst s0;
	s0 =	simm.s32 @!p1 $0x0  }
0x14: {  	s2 =	sld [smem:$0x3F9D];
	s0 =	simm.s32 @p1 $0x1  }
0x15: {  	[smem:$0x3FBA] =	sst s0;
	s0 =	simm.s32 @!p2 $0x0  }
0x16: {  	s3 =	sld [smem:$0x3FDB];
	s0 =	simm.s32 @p2 $0x1  }
0x17: {  	s4 =	simm.s32 $0x1BF5;
	[smem:$0x3FBC] =	sst s0  }
0x18: {  	s0 =	sld [smem:$0x3F9F];
	_ =	swait.ge [sflag:s4], $0x0  }
0x19: {  	s7 =	sld [smem:$0x3FA0]  }
0x1a: {  	s8 =	sadd.s32 $0xFFFFE003, lr  }
0x1b: {  	s9 =	sadd.s32 $0xFFFFFEF7, lr;
	s5 =	simm.s32 $0xFFFFFFFF;
	p2 =	slt.u32 s8, $0xFFFFF086  }
0x1c: {  	p1 =	slt.u32 s9, $0xF7A;
	s5 =	simm.s32 @!p2 $0x0  }
0x1d: {  	s5 =	simm.s32 @p1 $0x1;
	p0 =	seq.s32 s7, s2  }
0x1e: {  	s7 =	smul.u32 @!p0 $0xF7A, s2;
	p2 =	seq.s32 @!p0 s5, $0x0  }
0x1f: {  	s9 =	smul.u32 $0xF7A, s1;
	s8 =	simm.s32 @!p0 $0x1BF5;
	p2 =	por !p2, p0  }
0x20: {  	[sflag:s8] =	ssyncset.s32 @!p0 $0xFFFFF086;
	s6 =	sadd.s32 @!p0 s3, s7;
	s7 =	simm.s32 @!p0 $0x108  }
0x21: {  	s3 =	sadd.s32 s3, s9;
	s6 =	sadd.s32 @!p0 $0x88, s6;
	s7 =	simm.s32 @p2 $0x1082  }
0x22: {  	[simem:s7], [sflag:s8] =	dma.local @!p0 [hbm:s6], $0xF7A  }
0x23: {  	s9 =	sor.u32 $0xD0000000, s2;
	s6 =	simm.s32 $0x108;
	_ =	swait.ge @!p0 [sflag:s8], $0x0  }
0x24: {  	s3 =	sadd.s32 $0x88, s3;
	s6 =	simm.s32 @!p1 $0x1082;
	[sflag:s4] =	ssyncset.s32 $0xFFFFF086  }
0x25: {  	[simem:s6], [sflag:s4] =	dma.local [hbm:s3], $0xF7A  }
0x26: {  	[smem:$0x3FA0] =	sst s1;
	(tag) =	ssettag s2;
	_ =	strace s9  }
0x27: {  	s1 =	sld [smem:$0x3FB0]  }
0x28: {  	s2 =	sld [smem:$0x3FB1]  }
0x29: {  	s4 =	sld [smem:$0x3FB3]  }
0x2a: {  	p0 =	seq.s32 s5, $0x0;
	s5 =	sld [smem:$0x3FB4]  }
0x2b: {  	s6 =	sld [smem:$0x3FB5]  }
0x2c: {  	s7 =	sld [smem:$0x3FB6]  }
0x2d: {  	s3 =	simm.s32 $0x108;
	s8 =	sld [smem:$0x3FB7]  }
0x2e: {  	s3 =	simm.s32 @!p0 $0x1082;
	s9 =	sld [smem:$0x3FB8]  }
0x2f: {  	lr =	sadd.s32 s0, s3;
	s0 =	sld [smem:$0x3FAF]  }
0x30: {  	s3 =	sld [smem:$0x3FB2]  }
0x31: {  	[smem:$0x3FBB] =	sst s10  }
0x32: {  	s10 =	sld [smem:$0x3FB9];
	_ =	sdelay $0x3  }
0x33: {  	p0 =	seq.s32 s10, $0x1;
	s10 =	sld [smem:$0x3FBB];
	_ =	sdelay $0x3  }
0x34: {  	[smem:$0x3FBB] =	sst s10  }
0x35: {  	s10 =	sld [smem:$0x3FBA];
	_ =	sdelay $0x3  }
0x36: {  	p1 =	seq.s32 s10, $0x1;
	s10 =	sld [smem:$0x3FBB];
	_ =	sdelay $0x3  }
0x37: {  	[smem:$0x3FBB] =	sst s10  }
0x38: {  	s10 =	sld [smem:$0x3FBC]  }
0x39: {  	_ = 	snop;
	(pc) =	sbr.ind lr, $3  }
0x3a: {  	_ = 	snop  }
0x3b: {  	_ = 	snop  }
0x3c: {  	p2 =	seq.s32 s10, $0x1;
	s10 =	sld [smem:$0x3FBB]  }
0x3d: {  	_ =	shalt  }
0x3e: {  	_ =	shalt  }
0x3f: {  	_ =	shalt  }
0x40: {  	_ =	shalt  }
0x41: {  	_ =	shalt  }
0x42: {  	_ =	shalt  }
0x43: {  	_ =	shalt  }
0x44: {  	_ =	shalt  }
0x45: {  	_ =	shalt  }
0x46: {  	_ =	shalt  }
0x47: {  	_ =	shalt  }
0x48: {  	_ =	shalt  }
0x49: {  	_ =	shalt  }
0x4a: {  	_ =	shalt  }
0x4b: {  	_ =	shalt  }
0x4c: {  	_ =	shalt  }
0x4d: {  	_ =	shalt  }
0x4e: {  	_ =	shalt  }
0x4f: {  	_ =	shalt  }
0x50: {  	_ =	shalt  }
0x51: {  	_ =	shalt  }
0x52: {  	_ =	shalt  }
0x53: {  	_ =	shalt  }
0x54: {  	_ =	shalt  }
0x55: {  	_ =	shalt  }
0x56: {  	_ =	shalt  }
0x57: {  	_ =	shalt  }
0x58: {  	_ =	shalt  }
0x59: {  	_ =	shalt  }
0x5a: {  	_ =	shalt  }
0x5b: {  	_ =	shalt  }
0x5c: {  	_ =	shalt  }
0x5d: {  	_ =	shalt  }
0x5e: {  	_ =	shalt  }
0x5f: {  	_ =	shalt  }
0x60: {  	_ =	shalt  }
0x61: {  	_ =	shalt  }
0x62: {  	_ =	shalt  }
0x63: {  	_ =	shalt  }
0x64: {  	_ =	shalt  }
0x65: {  	_ =	shalt  }
0x66: {  	_ =	shalt  }
0x67: {  	_ =	shalt  }
0x68: {  	_ =	shalt  }
0x69: {  	_ =	shalt  }
0x6a: {  	_ =	shalt  }
0x6b: {  	_ =	shalt  }
0x6c: {  	_ =	shalt  }
0x6d: {  	_ =	shalt  }
0x6e: {  	_ =	shalt  }
0x6f: {  	_ =	shalt  }
0x70: {  	_ =	shalt  }
0x71: {  	_ =	shalt  }
0x72: {  	_ =	shalt  }
0x73: {  	_ =	shalt  }
0x74: {  	_ =	shalt  }
0x75: {  	_ =	shalt  }
0x76: {  	_ =	shalt  }
0x77: {  	_ =	shalt  }
0x78: {  	_ =	shalt  }
0x79: {  	_ =	shalt  }
0x7a: {  	_ =	shalt  }
0x7b: {  	_ =	shalt  }
0x7c: {  	_ =	shalt  }
0x7d: {  	_ =	shalt  }
0x7e: {  	_ =	shalt  }
0x7f: {  	_ =	shalt  }
0x80: {  	_ =	shalt  }
0x81: {  	_ =	shalt  }
0x82: {  	_ =	shalt  }
0x83: {  	_ =	shalt  }
0x84: {  	_ =	shalt  }
0x85: {  	_ =	shalt  }
0x86: {  	_ =	shalt  }
0x87: {  	_ =	shalt  }
.Lfunc_end0:
.L_simem_size_0:
called_computation_lowered:
.L_overlay_start_0:
0x88: {  	s2 =	sld [smem:$0x3FD9]  }
0x89: {  	s3 =	sld [smem:$0x3FFE];
	_ =	sdelay $0x1  }
0x8a: {  	s1 =	srdreg.scid  }
0x8b: {  	s0 =	sand.u32 $0x1, s1  }
0x8c: {  	s17 =	sshll.u32 s0, $0xA;
	s2 =	sadd.s32 s3, s2  }
0x8d: {  	s2 =	sadd.s32 s2, s17  }
0x8e: {  	[smem:$0x3FC7] =	sst s2  }
0x8f: {  	_ = 	snop  }
0x90: {  	s2 =	sld [smem:$0x3FD0];
	(tm) =	ssettm $0x1  }
0x91: {  	s18 =	sld [smem:$0x3FFB];
	_ =	sdelay $0x3  }
0x92: {  	_ =	strace s18  }
0x93: {  	s3 =	sld [smem:$0x3FFC];
	_ =	sdelay $0x3  }
0x94: {  	_ =	strace s3  }
0x95: {  	s3 =	sld [smem:$0x3FFD];
	_ =	sdelay $0x3  }
0x96: {  	_ =	strace s3  }
0x97: {  	_ =	strace $0x8FFFFFFF  }
0x98: {  	s19 =	sld [smem:$0x3FDB];
	_ =	sdelay $0x1  }
0x99: {  	s4 =	simm.s32 $_scs_section_size  }
0x9a: {  	s5 =	simm.s32 $_size__tile_overlayer_lowered;
	s6 =	simm.s32 $_tile_overlayer_lowered  }
0x9b: {  	s22 =	simm.s32 $0x1BFF;
	s21 =	sshll.u32 s6, $0x1;
	s3 =	sadd.s32 s4, s19  }
0x9c: {  	s7 =	simm.s32 $0x0;
	s20 =	sshll.u32 s5, $0x1;
	s5 =	sadd.s32 s21, s3  }
0x9d: {  	[timem:s7], [sflag:s22] =	dma.local [hbm:s5], s20  }
0x9e: {  	_ =	swait.ge [sflag:s22], s20  }
0x9f: {  	s4 =	ssub.s32 $0x0, s20;
	[sflag:s22] =	ssyncset.done $0x0  }
0xa0: {  	[sflag:s22] =	ssyncadd.s32 s4;
	_ =	sdelay $0x1  }
0xa1: {  	s23 =	simm.s32 $0x1B8B  }
0xa2: {  	_ =	swait.ge [sflag:s23], $0x1  }
0xa3: {  	[sflag:s23] =	ssyncset.done $0x0  }
0xa4: {  	s25 =	simm.s32 $0x1B8E;
	s24 =	sld [smem:$0x3FFE];
	[sflag:s23] =	ssyncadd.s32 $0xFFFFFFFF  }
0xa5: {  	s26 =	simm.s32 $execute0_lowered;
	[smem:$0x3FD2] =	sst s25  }
0xa6: {  	s5 =	sshll.u32 s26, $0x1;
	_ =	strace $0x80000046;
	[dreg:$0x1] =	wrdreg $0xFFFFFFFF  }
0xa7: {  	s28 =	simm.s32 $_size_execute0_lowered;
	s3 =	sadd.s32 s3, s5;
	[dreg:$0x0] =	wrdreg $0x0  }
0xa8: {  	s5 =	sshll.u32 s28, $0x1;
	[dreg:$0x2] =	wrdreg s3  }
0xa9: {  	[dreg:$0x3] =	wrdreg s5  }
0xaa: {  	[dreg:$0x4] =	wrdreg $0xC0  }
0xab: {  	_ =	task [dreg:s7], $0x5FFFF  }
0xac: {  	[dreg:$0x1] =	wrdreg $0xFFFFFFFF  }
0xad: {  	[dreg:$0x0] =	wrdreg $0x60  }
0xae: {  	[dreg:$0x2] =	wrdreg s24  }
0xaf: {  	[dreg:$0x3] =	wrdreg s2  }
0xb0: {  	[dreg:$0x4] =	wrdreg $0x9  }
0xb1: {  	_ =	task.clear_ibuf [dreg:s7], $0x5FFFF;
	_ =	strace $0x90000046  }
0xb2: {  	s29 =	simm.s32 $0x9;
	_ =	strace $0x80000048  }
0xb3: {  	_ =	swait.ge [sflag:s29], $0x1  }
0xb4: {  	[sflag:s29] =	ssyncadd.s32 $0xFFFFFFFF  }
0xb5: {  	_ =	strace $0x90000048  }
0xb6: {  	_ =	sfence  }
0xb7: {  	s30 =	sld [smem:$0x0];
	_ =	sdelay $0x2  }
0xb8: {  	s31 =	sshll.u32 s1, $0xD;
	s1 =	sshrl.u32 s1, $0x2  }
0xb9: {  	s3 =	sand.u32 $0x4000, s31;
	s1 =	sadd.s32 s1, s30  }
0xba: {  	s0 =	sor.u32 s3, s0;
	s1 =	sshll.u32 s1, $0x11  }
0xbb: {  	s0 =	sor.u32 s1, s0  }
0xbc: {  	s0 =	sadd.s32 $0x8F2B, s0  }
0xbd: {  	[sflag:s0] =	ssyncadd.remote.s32 $0x1  }
0xbe: {  	_ =	sfence.sel $0xFFFF  }
0xbf: {  	[dreg:$0x0] =	wrdreg $0xFFFFFFFF;
	(pc) =	sbr.abs _section_cstart, $3  }
0xc0: {  	[dreg:$0x1] =	wrdreg $0xFFFFFFFF  }
0xc1: {  	_ =	task.clear_ibuf [dreg:s7], $0x2FFFF;
	_ =	strace $0x9FFFFFFF  }
0xc2: {  	(tm) =	ssettm $0x7FFFFFFF  }
0xc3: {  	_ =	shalt  }
tec
execute0_lowered:
.L_overlay_start_1:
0x0: {  	(tag) =	ssettag $0x1  }
0x1: {  	s0 =	rddreg [dreg:$0x0];
	s1 =	srdreg.scid  }
0x2: {  	s3 =	stileid.u32;
	s2 =	rddreg [dreg:$0x1];
	s18 =	simm.s32 $0x9000  }
0x3: {  	s20 =	simm.s32 $0x1;
	s1 =	sand.u32 $0x1, s1;
	s4 =	sshll.u32 s3, $0x1  }
0x4: {  	s3 =	simm.s32 $0x0;
	s5 =	sadd.s32 $0x800, s0;
	s4 =	sor.u32 s1, s4  }
0x5: {  	s7 =	sadd.s32 $0x480800, s0;
	s1 =	ssub.s32 $0x2, s1;
	s11 =	smul.u32 $0x120000, s4  }
0x6: {  	[smem:$0x7FF] =	sst s3;
	s6 =	smul.u32 $0x36000, s4;
	s28 =	sshrl.u32 s1, $0x1  }
0x7: {  	_ =	strace $0x80000047;
	s0 =	ssub.s32 s1, s28;
	[dreg:$0x3] =	wrdreg s11  }
0x8: {  	s21 =	simm.s32 $0x15600;
	s0 =	smax.u32 s0, $0x1;
	[dreg:$0x11] =	wrdreg s6  }
0x9: {  	s19 =	simm.s32 $0x12000;
	s13 =	sor.u32 $0x12000, s11;
	[dreg:$0xc] =	wrdreg s0  }
0xa: {  	s23 =	simm.s32 $0x2;
	s14 =	sor.u32 $0x1B000, s11;
	[dreg:$0x6] =	wrdreg s13  }
0xb: {  	s24 =	simm.s32 $0x13B00;
	s17 =	sor.u32 $0x1B00, s6;
	[dreg:$0x7] =	wrdreg s14  }
0xc: {  	s8 =	sshrl.u32 s11, $0x3;
	s12 =	sor.u32 $0x9000, s11;
	[dreg:$0x9] =	wrdreg s17  }
0xd: {  	vm0 =	vcmask $0x3F20;
	s31 =	sshrl.u32 s6, $0x3;
	s29 =	sadd.s32 s5, s8;
	[dreg:$0xb] =	wrdreg s12  }
0xe: {  	s22 =	simm.s32 $0x3;
	s1 =	sadd.s32 s2, s31;
	[dreg:$0x4] =	wrdreg s29  }
0xf: {  	s25 =	simm.s32 $0x4;
	s30 =	sadd.s32 $0x1200, s29;
	[dreg:$0x8] =	wrdreg s1  }
0x10: {  	v0 =	vimm.s32 $0x0;
	s15 =	sadd.s32 $0x3600, s6;
	s1 =	sadd.s32 $0x360, s1;
	[dreg:$0x5] =	wrdreg s30  }
0x11: {  	v1 =	vlaneseq.u32;
	v2 =	vimm.s32 $0x1;
	v3 =	vimm.s32 $0x80000000;
	s16 =	sadd.s32 $0x5100, s6;
	[dreg:$0xa] =	wrdreg s1;
	s1 =	simm.s32 $0x0  }
.LBB2_1:
0x12: {  	[dreg:$0xd] =	wrdreg s1  }
0x13: {  	s0 =	rddreg [dreg:$0x4]  }
0x14: {  	[tilespmem:s3], [sflag:$0x1] =	stream.linear.gather [hbm4b:s0+s3], $0x9000, $0x38;
	[tilespmem:$0x1D600] =	vst v63  }
0x15: {  	s31 =	rddreg [dreg:$0x5];
	s0 =	simm.s32 $0x15640  }
0x16: {  	[tilespmem:s18], [sflag:$0x2] =	stream.linear.gather [hbm4b:s31+s3], $0x9000, $0x38;
	[tilespmem:$0x1D600] =	vst v63  }
0x17: {  	[tilespmem:s0+$0xFFFFFFC0] =	vst v0  }
0x18: {  	[tilespmem:s0+$0x30] =	vst v0  }
0x19: {  	[tilespmem:s0+$0x20] =	vst v0  }
0x1a: {  	[tilespmem:s0+$0x10] =	vst v0  }
0x1b: {  	[tilespmem:s0+$0x0] =	vst v0  }
0x1c: {  	[tilespmem:s0+$0xFFFFFFF0] =	vst v0  }
0x1d: {  	s1 =	simm.s32 $0x0;
	[tilespmem:s0+$0xFFFFFFE0] =	vst v0  }
.LBB2_2:
0x1e: {  	s1 =	sadd.s32 $0x8, s1;
	[tilespmem:s0+$0xFFFFFFD0] =	vst v0;
	s0 =	sadd.s32 $0x80, s0  }
0x1f: {  	[tilespmem:s0+$0xFFFFFFC0] =	vst v0;
	p0 =	slt.u32 s1, $0x7F8  }
0x20: {  	[tilespmem:s0+$0x30] =	vst v0  }
.Ltmp0:
0x21: {  	[tilespmem:s0+$0x20] =	vst v0;
	(pc) =	sbr.rel @p0 .LBB2_2-.Ltmp0, $4  }
0x22: {  	[tilespmem:s0+$0x10] =	vst v0  }
0x23: {  	[tilespmem:s0+$0x0] =	vst v0  }
0x24: {  	[tilespmem:s0+$0xFFFFFFF0] =	vst v0  }
0x25: {  	[tilespmem:s0+$0xFFFFFFE0] =	vst v0  }
0x26: {  	[tilespmem:s0+$0xFFFFFFD0] =	vst v0;
	s29 =	simm.s32 $0x0  }
.LBB2_4:
0x27: {  	_ =	swait.ge [sflag:s20], $0x9000  }
0x28: {  	p1 =	seq.s32 s29, $0x0;
	[sflag:s20] =	ssyncset.done $0x0  }
0x29: {  	s0 =	simm.s32 @!p1 $0x3;
	[sflag:s20] =	ssyncadd.s32 $0xFFFF7000  }
0x2a: {  	_ =	swait.ge @!p1 [sflag:s0], $0x1B00  }
0x2b: {  	[sflag:s0] =	ssyncset.done @!p1 $0x0  }
0x2c: {  	s4 =	simm.s32 $0x200;
	[sflag:s0] =	ssyncadd.s32 @!p1 $0xFFFFE500  }
0x2d: {  	v4 =	vld [tilespmem:s4+$0x100]  }
0x2e: {  	v5 =	vld [tilespmem:s4+$0xFFFFFF80]  }
0x2f: {  	v6 =	vld [tilespmem:s4+$0xFFFFFE80]  }
0x30: {  	v8 =	vld [tilespmem:s4+$0xFFFFFF00]  }
0x31: {  	v10 =	vld [tilespmem:s4+$0x80];
	_ =	sdelay $0x1  }
0x32: {  	v7 =	vshra.s32 v4, $0x1F  }
0x33: {  	v9 =	vshra.s32 v5, $0x1F;
	v7 =	vor.u32 $0x80000000, v7  }
0x34: {  	v11 =	vshra.s32 v6, $0x1F;
	v13 =	vshra.s32 v8, $0x1F;
	v7 =	vxor.u32 v4, v7  }
0x35: {  	v12 =	vld [tilespmem:s4+$0x0];
	v15 =	vshra.s32 v10, $0x1F;
	v9 =	vor.u32 $0x80000000, v9;
	v7 =	vshrl.u32 v7, $0x11  }
0x36: {  	v11 =	vor.u32 $0x80000000, v11;
	v9 =	vxor.u32 v5, v9;
	v7 =	vand.u32 $0x7FF0, v7  }
0x37: {  	s1 =	simm.s32 $0x600;
	v14 =	vld [tilespmem:s4+$0xFFFFFE00];
	v11 =	vxor.u32 v6, v11;
	v9 =	vshrl.u32 v9, $0x11;
	v7 =	vor.u32 v1, v7  }
0x38: {  	s0 =	simm.s32 $0x12060;
	v17 =	vld [tilespmem:s1+$0xFFFFFE80];
	v13 =	vor.u32 $0x80000000, v13;
	v11 =	vshrl.u32 v11, $0x11;
	v9 =	vand.u32 $0x7FF0, v9  }
0x39: {  	v19 =	vld [tilespmem:s1+$0x80];
	[tilespmem:s0+$0x30] =	vst v4;
	v15 =	vor.u32 $0x80000000, v15;
	v11 =	vand.u32 $0x7FF0, v11;
	v9 =	vor.u32 v1, v9  }
0x3a: {  	[tilespmem:s0+$0xFFFFFFE8] =	vst v5;
	v4 =	vld [tilespmem:s4+$0x180];
	v5 =	vxor.u32 v10, v15;
	v15 =	vshra.s32 v12, $0x1F;
	v11 =	vor.u32 v1, v11  }
0x3b: {  	[tilespmem:s0+$0xFFFFFFB8] =	vst v6;
	v13 =	vxor.u32 v8, v13;
	v6 =	vor.u32 $0x80000000, v15;
	v15 =	vld [tilespmem:s1+$0xFFFFFF80]  }
0x3c: {  	v13 =	vshrl.u32 v13, $0x11;
	v5 =	vshrl.u32 v5, $0x11;
	[tilespmem:v7+s21+$0x0] =	vst.idx.add.s32.msk $0xffff, v2  }
0x3d: {  	[tilespmem:s0+$0xFFFFFFD0] =	vst v8;
	v5 =	vand.u32 $0x7FF0, v5;
	v7 =	vand.u32 $0x7FF0, v13;
	v13 =	vld [tilespmem:s4+$0x108]  }
0x3e: {  	v16 =	vor.u32 v1, v5;
	v5 =	vshra.s32 v14, $0x1F;
	[tilespmem:v9+s21+$0x0] =	vst.idx.add.s32.msk $0xffff, v2;
	v7 =	vor.u32 v1, v7  }
0x3f: {  	[tilespmem:v11+s21+$0x0] =	vst.idx.add.s32.msk $0xffff, v2;
	v11 =	vor.u32 $0x80000000, v5;
	v5 =	vxor.u32 v12, v6;
	v6 =	vshra.s32 v4, $0x1F  }
0x40: {  	[tilespmem:s0+$0x18] =	vst v10;
	v10 =	vshra.s32 v15, $0x1F;
	v9 =	vld [tilespmem:s4+$0xFFFFFF88];
	v5 =	vshrl.u32 v5, $0x11;
	v6 =	vor.u32 $0x80000000, v6  }
0x41: {  	[tilespmem:s0+$0x48] =	vst v4;
	v18 =	vld [tilespmem:s4+$0xFFFFFE88];
	v5 =	vand.u32 $0x7FF0, v5;
	v6 =	vxor.u32 v4, v6;
	v4 =	vshra.s32 v17, $0x1F  }
0x42: {  	v20 =	vld [tilespmem:s1+$0x100];
	[tilespmem:s0+$0x0] =	vst v12;
	v6 =	vshrl.u32 v6, $0x11;
	v4 =	vor.u32 $0x80000000, v4;
	v8 =	vshra.s32 v13, $0x1F  }
0x43: {  	v6 =	vand.u32 $0x7FF0, v6;
	[tilespmem:v7+s21+$0x0] =	vst.idx.add.s32.msk $0xffff, v2;
	v7 =	vor.u32 $0x80000000, v8;
	v8 =	vor.u32 v1, v5  }
0x44: {  	v4 =	vxor.u32 v17, v4;
	[tilespmem:s0+$0x38] =	vst v13;
	v7 =	vxor.u32 v13, v7;
	v13 =	vor.u32 v1, v6  }
0x45: {  	[tilespmem:v16+s21+$0x0] =	vst.idx.add.s32.msk $0xffff, v2;
	v4 =	vshrl.u32 v4, $0x11;
	v16 =	vshra.s32 v9, $0x1F;
	v7 =	vshrl.u32 v7, $0x11  }
0x46: {  	s8 =	simm.s32 $0x12120;
	[tilespmem:s0+$0xFFFFFFA0] =	vst v14;
	v6 =	vand.u32 $0x7FF0, v7;
	v7 =	vor.u32 $0x80000000, v10;
	v10 =	vshra.s32 v18, $0x1F  }
0x47: {  	[tilespmem:s8+$0x18] =	vst v19;
	v5 =	vld [tilespmem:s1+$0xFFFFFF00];
	v21 =	vor.u32 v1, v6;
	v6 =	vxor.u32 v14, v11;
	v7 =	vxor.u32 v15, v7  }
0x48: {  	v11 =	vor.u32 $0x80000000, v10;
	v10 =	vshra.s32 v20, $0x1F;
	v6 =	vshrl.u32 v6, $0x11;
	[tilespmem:v8+s21+$0x0] =	vst.idx.add.s32.msk $0xffff, v2  }
0x49: {  	v7 =	vshrl.u32 v7, $0x11;
	v10 =	vor.u32 $0x80000000, v10;
	v6 =	vand.u32 $0x7FF0, v6;
	[tilespmem:v13+s21+$0x0] =	vst.idx.add.s32.msk $0xffff, v2  }
0x4a: {  	[tilespmem:s8+$0xFFFFFFE8] =	vst v15;
	v7 =	vand.u32 $0x7FF0, v7;
	v15 =	vxor.u32 v20, v10;
	v10 =	vld [tilespmem:s4+$0x8];
	v8 =	vor.u32 v1, v6  }
0x4b: {  	[tilespmem:s8+$0xFFFFFFB8] =	vst v17;
	v4 =	vand.u32 $0x7FF0, v4;
	v22 =	vor.u32 v1, v7;
	v6 =	vld [tilespmem:s4+$0xFFFFFF08];
	v7 =	vshra.s32 v19, $0x1F  }
0x4c: {  	[tilespmem:s8+$0x30] =	vst v20;
	v16 =	vor.u32 $0x80000000, v16;
	v13 =	vld [tilespmem:s4+$0x188];
	v14 =	vshrl.u32 v15, $0x11;
	v7 =	vor.u32 $0x80000000, v7  }
0x4d: {  	[tilespmem:s0+$0xFFFFFFF0] =	vst v9;
	v15 =	vor.u32 v1, v4;
	v4 =	vand.u32 $0x7FF0, v14;
	v12 =	vxor.u32 v19, v7;
	v7 =	vld [tilespmem:s1+$0x0]  }
0x4e: {  	v23 =	vshra.s32 v5, $0x1F;
	v14 =	vor.u32 v1, v4;
	[tilespmem:v21+s21+$0x0] =	vst.idx.add.s32.msk vm0, v2;
	v12 =	vshrl.u32 v12, $0x11  }
0x4f: {  	v12 =	vand.u32 $0x7FF0, v12;
	v20 =	vshra.s32 v10, $0x1F;
	[tilespmem:v8+s21+$0x0] =	vst.idx.add.s32.msk $0xffff, v2;
	v8 =	vxor.u32 v18, v11  }
0x50: {  	v11 =	vor.u32 v1, v12;
	v25 =	vshra.s32 v6, $0x1F;
	[tilespmem:v22+s21+$0x0] =	vst.idx.add.s32.msk $0xffff, v2;
	v4 =	vshrl.u32 v8, $0x11  }
0x51: {  	[tilespmem:s0+$0xFFFFFFC0] =	vst v18;
	v18 =	vshra.s32 v13, $0x1F;
	v20 =	vor.u32 $0x80000000, v20;
	v8 =	vld [tilespmem:s1+$0xFFFFFE00];
	v19 =	vand.u32 $0x7FF0, v4  }
0x52: {  	[tilespmem:s0+$0x50] =	vst v13;
	v12 =	vld [tilespmem:s4+$0xFFFFFE08];
	v4 =	vxor.u32 v9, v16;
	v9 =	vor.u32 $0x80000000, v18;
	v16 =	vor.u32 $0x80000000, v23  }
0x53: {  	[tilespmem:v15+s21+$0x0] =	vst.idx.add.s32.msk $0xffff, v2;
	v22 =	vshrl.u32 v4, $0x11;
	v13 =	vxor.u32 v13, v9;
	v9 =	vxor.u32 v5, v16  }
0x54: {  	v24 =	vshra.s32 v7, $0x1F;
	v16 =	vand.u32 $0x7FF0, v22;
	v17 =	vshrl.u32 v9, $0x11;
	v9 =	vld [tilespmem:s4+$0x88]  }
0x55: {  	v18 =	vor.u32 v1, v19;
	v19 =	vor.u32 v1, v16;
	v16 =	vshrl.u32 v13, $0x11;
	v13 =	vld [tilespmem:s1+$0x180]  }
0x56: {  	[tilespmem:v14+s21+$0x0] =	vst.idx.add.s32.msk $0xffff, v2;
	v14 =	vor.u32 $0x80000000, v25;
	v17 =	vand.u32 $0x7FF0, v17;
	v23 =	vshra.s32 v8, $0x1F  }
0x57: {  	[tilespmem:s0+$0x8] =	vst v10;
	v4 =	vld [tilespmem:s1+$0xFFFFFF88];
	v16 =	vand.u32 $0x7FF0, v16;
	v21 =	vor.u32 v1, v17;
	v22 =	vshra.s32 v12, $0x1F  }
0x58: {  	s9 =	simm.s32 $0xA00;
	s10 =	simm.s32 $0x12120;
	s4 =	simm.s32 $0x8;
	[tilespmem:s0+$0xFFFFFFA8] =	vst v12;
	v17 =	vld [tilespmem:s1+$0x108];
	v15 =	vor.u32 v1, v16;
	v16 =	vor.u32 $0x80000000, v23;
	v23 =	vxor.u32 v6, v14  }
.LBB2_5:
0x59: {  	v14 =	vld [tilespmem:s9+$0xFFFFFE80];
	s4 =	sadd.s32 $0x8, s4;
	[tilespmem:s8+$0xFFFFFFD0] =	vst v5;
	v5 =	vor.u32 $0x80000000, v24;
	s10 =	sadd.s32 $0xC0, s10;
	v22 =	vor.u32 $0x80000000, v22;
	v23 =	vshrl.u32 v23, $0x11  }
0x5a: {  	p0 =	slt.u32 s4, $0x118;
	v5 =	vxor.u32 v7, v5;
	v24 =	vshra.s32 v13, $0x1F;
	[tilespmem:v18+s21+$0x0] =	vst.idx.add.s32.msk vm0, v2;
	v18 =	vshra.s32 v9, $0x1F  }
0x5b: {  	v5 =	vshrl.u32 v5, $0x11;
	v24 =	vor.u32 $0x80000000, v24;
	[tilespmem:v19+s21+$0x0] =	vst.idx.add.s32.msk vm0, v2;
	v18 =	vor.u32 $0x80000000, v18  }
0x5c: {  	v12 =	vxor.u32 v12, v22;
	[tilespmem:v21+s21+$0x0] =	vst.idx.add.s32.msk $0xffff, v2;
	v19 =	vand.u32 $0x7FF0, v5;
	v21 =	vxor.u32 v13, v24  }
0x5d: {  	v10 =	vxor.u32 v10, v20;
	v5 =	vld [tilespmem:s9+$0xFFFFFF00];
	v19 =	vor.u32 v1, v19;
	[tilespmem:s8+$0x38] =	vst v17;
	v22 =	vshra.s32 v17, $0x1F  }
0x5e: {  	v12 =	vshrl.u32 v12, $0x11;
	v21 =	vshrl.u32 v21, $0x11;
	v20 =	vld [tilespmem:s9+$0xFFFFFF80];
	v22 =	vor.u32 $0x80000000, v22;
	[tilespmem:s0+$0xFFFFFFD8] =	vst v6  }
0x5f: {  	v18 =	vxor.u32 v9, v18;
	v24 =	vld [tilespmem:s9+$0x100];
	[tilespmem:s8+$0xFFFFFFF0] =	vst v4;
	v6 =	vxor.u32 v17, v22;
	v17 =	vand.u32 $0x7FF0, v21  }
0x60: {  	v12 =	vand.u32 $0x7FF0, v12;
	[tilespmem:v11+s21+$0x0] =	vst.idx.add.s32.msk $0xffff, v2;
	v6 =	vshrl.u32 v6, $0x11;
	v11 =	vor.u32 v1, v17  }
0x61: {  	v12 =	vor.u32 v1, v12;
	v17 =	vld [tilespmem:s1+$0xFFFFFE88];
	[tilespmem:s8+$0x0] =	vst v7;
	v6 =	vand.u32 $0x7FF0, v6;
	v7 =	vshrl.u32 v10, $0x11  }
0x62: {  	v10 =	vand.u32 $0x7FF0, v23;
	[tilespmem:v19+s21+$0x0] =	vst.idx.add.s32.msk $0xffff, v2;
	v19 =	vor.u32 v1, v6;
	v6 =	vshrl.u32 v18, $0x11  }
0x63: {  	v22 =	vshra.s32 v4, $0x1F;
	v23 =	vand.u32 $0x7FF0, v7;
	[tilespmem:s10+$0xFFFFFFE8] =	vst v20;
	v18 =	vshra.s32 v20, $0x1F;
	v21 =	vld [tilespmem:s9+$0x80]  }
0x64: {  	v16 =	vxor.u32 v8, v16;
	v7 =	vor.u32 $0x80000000, v18;
	v18 =	vand.u32 $0x7FF0, v6;
	[tilespmem:v15+s21+$0x0] =	vst.idx.add.s32.msk vm0, v2  }
0x65: {  	v15 =	vshrl.u32 v16, $0x11;
	v6 =	vxor.u32 v20, v7;
	v7 =	vld [tilespmem:s9+$0x0];
	[tilespmem:s8+$0x48] =	vst v13;
	v13 =	vor.u32 v1, v23  }
0x66: {  	v15 =	vand.u32 $0x7FF0, v15;
	v18 =	vor.u32 v1, v18;
	v16 =	vshrl.u32 v6, $0x11;
	[tilespmem:s8+$0xFFFFFFC0] =	vst v17;
	v6 =	vld [tilespmem:s1+$0xFFFFFF08]  }
0x67: {  	v15 =	vor.u32 v1, v15;
	v20 =	vshra.s32 v17, $0x1F;
	v16 =	vand.u32 $0x7FF0, v16;
	[tilespmem:v11+s21+$0x0] =	vst.idx.add.s32.msk $0xffff, v2  }
0x68: {  	v11 =	vor.u32 $0x80000000, v20;
	v16 =	vor.u32 v1, v16;
	[tilespmem:v12+s21+$0x0] =	vst.idx.add.s32.msk vm0, v2;
	v12 =	vor.u32 v1, v10  }
0x69: {  	v23 =	vshra.s32 v5, $0x1F;
	v20 =	vshra.s32 v14, $0x1F;
	v25 =	vshra.s32 v21, $0x1F;
	[tilespmem:s8+$0xFFFFFFA0] =	vst v8;
	v10 =	vld [tilespmem:s1+$0x8]  }
0x6a: {  	v8 =	vor.u32 $0x80000000, v20;
	v20 =	vor.u32 $0x80000000, v25;
	v25 =	vshra.s32 v24, $0x1F;
	v26 =	vld [tilespmem:s1+$0x188];
	[tilespmem:s0+$0x20] =	vst v9;
	s0 =	smov.u32 s8;
	s8 =	smov.u32 s10  }
0x6b: {  	v8 =	vxor.u32 v14, v8;
	v9 =	vxor.u32 v21, v20;
	v20 =	vor.u32 $0x80000000, v25;
	[tilespmem:v13+s21+$0x0] =	vst.idx.add.s32.msk vm0, v2  }
0x6c: {  	v8 =	vshrl.u32 v8, $0x11;
	v9 =	vshrl.u32 v9, $0x11;
	v13 =	vxor.u32 v24, v20;
	[tilespmem:v18+s21+$0x0] =	vst.idx.add.s32.msk vm0, v2  }
0x6d: {  	v8 =	vand.u32 $0x7FF0, v8;
	v9 =	vand.u32 $0x7FF0, v9;
	v13 =	vshrl.u32 v13, $0x11;
	[tilespmem:v12+s21+$0x0] =	vst.idx.add.s32.msk vm0, v2  }
0x6e: {  	v20 =	vor.u32 v1, v8;
	v8 =	vand.u32 $0x7FF0, v13;
	v13 =	vxor.u32 v17, v11;
	[tilespmem:v15+s21+$0x0] =	vst.idx.add.s32.msk $0xffff, v2  }
0x6f: {  	v11 =	vor.u32 v1, v9;
	v15 =	vor.u32 v1, v8;
	v9 =	vshrl.u32 v13, $0x11;
	[tilespmem:s10+$0x18] =	vst v21;
	v12 =	vld [tilespmem:s1+$0xFFFFFE08]  }
0x70: {  	v17 =	vshra.s32 v6, $0x1F;
	v13 =	vor.u32 $0x80000000, v22;
	v18 =	vshra.s32 v26, $0x1F;
	v8 =	vld [tilespmem:s9+$0xFFFFFE00];
	[tilespmem:s0+$0x50] =	vst v26  }
0x71: {  	v9 =	vand.u32 $0x7FF0, v9;
	v4 =	vxor.u32 v4, v13;
	v13 =	vor.u32 $0x80000000, v18;
	[tilespmem:v16+s21+$0x0] =	vst.idx.add.s32.msk $0xffff, v2  }
0x72: {  	v21 =	vshrl.u32 v4, $0x11;
	v16 =	vor.u32 $0x80000000, v23;
	v13 =	vxor.u32 v26, v13;
	[tilespmem:v19+s21+$0x0] =	vst.idx.add.s32.msk vm0, v2  }
0x73: {  	v18 =	vor.u32 v1, v9;
	v9 =	vand.u32 $0x7FF0, v21;
	[tilespmem:s10+$0xFFFFFFB8] =	vst v14;
	v14 =	vxor.u32 v5, v16;
	v4 =	vld [tilespmem:s9+$0xFFFFFF88]  }
.Ltmp1:
0x74: {  	v19 =	vor.u32 v1, v9;
	v16 =	vshrl.u32 v13, $0x11;
	v14 =	vshrl.u32 v14, $0x11;
	[tilespmem:s0+$0xFFFFFFA8] =	vst v12;
	v9 =	vld [tilespmem:s1+$0x88];
	s1 =	smov.u32 s9;
	(pc) =	sbr.rel @p0 .LBB2_5-.Ltmp1, $4  }
0x75: {  	v16 =	vand.u32 $0x7FF0, v16;
	v23 =	vshra.s32 v8, $0x1F;
	v14 =	vand.u32 $0x7FF0, v14;
	[tilespmem:s10+$0x30] =	vst v24;
	v13 =	vld [tilespmem:s9+$0x180]  }
0x76: {  	v22 =	vshra.s32 v12, $0x1F;
	[tilespmem:v20+s21+$0x0] =	vst.idx.add.s32.msk $0xffff, v2;
	v21 =	vor.u32 v1, v14;
	v14 =	vshra.s32 v10, $0x1F  }
0x77: {  	v24 =	vshra.s32 v7, $0x1F;
	v20 =	vor.u32 $0x80000000, v17;
	[tilespmem:v15+s21+$0x0] =	vst.idx.add.s32.msk $0xffff, v2;
	v15 =	vor.u32 v1, v16  }
0x78: {  	s9 =	sadd.s32 $0x400, s9;
	v16 =	vor.u32 $0x80000000, v23;
	v23 =	vxor.u32 v6, v20;
	v20 =	vor.u32 $0x80000000, v14;
	v17 =	vld [tilespmem:s1+$0x108];
	[tilespmem:s0+$0x8] =	vst v10  }
0x79: {  	_ =	sdelay $0x3  }
0x7a: {  	[tilespmem:s8+$0xFFFFFFD0] =	vst v5  }
0x7b: {  	[tilespmem:v18+s21+$0x0] =	vst.idx.add.s32.msk vm0, v2  }
0x7c: {  	v14 =	vor.u32 $0x80000000, v24;
	v18 =	vor.u32 $0x80000000, v22;
	[tilespmem:v11+s21+$0x0] =	vst.idx.add.s32.msk $0xffff, v2  }
0x7d: {  	v11 =	vxor.u32 v8, v16;
	[tilespmem:s8+$0x0] =	vst v7;
	v14 =	vxor.u32 v7, v14;
	v5 =	vshra.s32 v13, $0x1F  }
0x7e: {  	[tilespmem:v21+s21+$0x0] =	vst.idx.add.s32.msk $0xffff, v2;
	v21 =	vshra.s32 v9, $0x1F;
	v7 =	vshrl.u32 v11, $0x11;
	v5 =	vor.u32 $0x80000000, v5  }
0x7f: {  	[tilespmem:v19+s21+$0x0] =	vst.idx.add.s32.msk vm0, v2;
	v14 =	vshrl.u32 v14, $0x11;
	v7 =	vand.u32 $0x7FF0, v7;
	v5 =	vxor.u32 v13, v5  }
0x80: {  	v22 =	vld [tilespmem:s1+$0xFFFFFE88];
	v14 =	vand.u32 $0x7FF0, v14;
	v7 =	vor.u32 v1, v7;
	v5 =	vshrl.u32 v5, $0x11  }
0x81: {  	[tilespmem:v15+s21+$0x0] =	vst.idx.add.s32.msk vm0, v2;
	v11 =	vxor.u32 v12, v18;
	v14 =	vor.u32 v1, v14;
	v5 =	vand.u32 $0x7FF0, v5  }
0x82: {  	[tilespmem:s0+$0xFFFFFFD8] =	vst v6;
	v16 =	vor.u32 $0x80000000, v21;
	v21 =	vshra.s32 v17, $0x1F;
	v5 =	vor.u32 v1, v5  }
0x83: {  	[tilespmem:s8+$0xFFFFFFA0] =	vst v8;
	v11 =	vshrl.u32 v11, $0x11;
	v12 =	vor.u32 $0x80000000, v21  }
0x84: {  	v19 =	vshrl.u32 v23, $0x11;
	[tilespmem:s8+$0x48] =	vst v13;
	v11 =	vand.u32 $0x7FF0, v11;
	v13 =	vld [tilespmem:s1+$0xFFFFFF08];
	v12 =	vxor.u32 v17, v12  }
0x85: {  	v10 =	vxor.u32 v10, v20;
	v11 =	vor.u32 v1, v11;
	v12 =	vshrl.u32 v12, $0x11;
	[tilespmem:v7+s21+$0x0] =	vst.idx.add.s32.msk $0xffff, v2  }
0x86: {  	v15 =	vshra.s32 v22, $0x1F;
	v12 =	vand.u32 $0x7FF0, v12;
	[tilespmem:v14+s21+$0x0] =	vst.idx.add.s32.msk $0xffff, v2;
	v14 =	vxor.u32 v9, v16  }
0x87: {  	v7 =	vshra.s32 v4, $0x1F;
	v6 =	vor.u32 v1, v12;
	v14 =	vshrl.u32 v14, $0x11;
	[tilespmem:v5+s21+$0x0] =	vst.idx.add.s32.msk $0xffff, v2  }
0x88: {  	v7 =	vor.u32 $0x80000000, v7;
	v8 =	vand.u32 $0x7FF0, v14;
	v14 =	vor.u32 $0x80000000, v15;
	v15 =	vld [tilespmem:s1+$0xFFFFFE08]  }
0x89: {  	[tilespmem:s8+$0xFFFFFFF0] =	vst v4;
	v5 =	vshrl.u32 v10, $0x11;
	v10 =	vand.u32 $0x7FF0, v19;
	v12 =	vld [tilespmem:s1+$0x188];
	v8 =	vor.u32 v1, v8  }
0x8a: {  	[tilespmem:s0+$0x20] =	vst v9;
	v4 =	vxor.u32 v4, v7;
	v5 =	vand.u32 $0x7FF0, v5;
	v10 =	vor.u32 v1, v10  }
0x8b: {  	[tilespmem:s8+$0x38] =	vst v17;
	v16 =	vld [tilespmem:s1+$0x8];
	v4 =	vshrl.u32 v4, $0x11;
	v14 =	vxor.u32 v22, v14;
	v5 =	vor.u32 v1, v5  }
0x8c: {  	[tilespmem:v11+s21+$0x0] =	vst.idx.add.s32.msk vm0, v2;
	v4 =	vand.u32 $0x7FF0, v4;
	v14 =	vshrl.u32 v14, $0x11  }
0x8d: {  	[tilespmem:s8+$0xFFFFFFC0] =	vst v22;
	v11 =	vshra.s32 v13, $0x1F;
	v4 =	vor.u32 v1, v4;
	v7 =	vand.u32 $0x7FF0, v14;
	v14 =	vld [tilespmem:s1+$0x88]  }
0x8e: {  	v7 =	vor.u32 v1, v7;
	v17 =	vshra.s32 v12, $0x1F;
	[tilespmem:v8+s21+$0x0] =	vst.idx.add.s32.msk vm0, v2;
	v8 =	vshra.s32 v15, $0x1F  }
0x8f: {  	[tilespmem:v10+s21+$0x0] =	vst.idx.add.s32.msk vm0, v2;
	v10 =	vor.u32 $0x80000000, v11;
	v9 =	vor.u32 $0x80000000, v17;
	v8 =	vor.u32 $0x80000000, v8  }
0x90: {  	[tilespmem:v5+s21+$0x0] =	vst.idx.add.s32.msk vm0, v2;
	v10 =	vxor.u32 v13, v10;
	v5 =	vxor.u32 v12, v9;
	v9 =	vshra.s32 v16, $0x1F  }
0x91: {  	[tilespmem:v6+s21+$0x0] =	vst.idx.add.s32.msk vm0, v2;
	v8 =	vxor.u32 v15, v8;
	v5 =	vshrl.u32 v5, $0x11;
	v6 =	vor.u32 $0x80000000, v9  }
0x92: {  	[tilespmem:s8+$0xFFFFFFD8] =	vst v13;
	v9 =	vshra.s32 v14, $0x1F;
	v8 =	vshrl.u32 v8, $0x11;
	v5 =	vand.u32 $0x7FF0, v5  }
0x93: {  	[tilespmem:s8+$0x8] =	vst v16;
	v9 =	vor.u32 $0x80000000, v9;
	v6 =	vxor.u32 v16, v6;
	v5 =	vor.u32 v1, v5  }
0x94: {  	[tilespmem:s8+$0xFFFFFFA8] =	vst v15;
	v8 =	vand.u32 $0x7FF0, v8;
	v9 =	vxor.u32 v14, v9;
	v6 =	vshrl.u32 v6, $0x11  }
0x95: {  	[tilespmem:v7+s21+$0x0] =	vst.idx.add.s32.msk vm0, v2;
	v8 =	vor.u32 v1, v8;
	v7 =	vshrl.u32 v9, $0x11;
	v6 =	vand.u32 $0x7FF0, v6  }
0x96: {  	p0 =	seq.s32 s29, $0xF;
	[tilespmem:v4+s21+$0x0] =	vst.idx.add.s32.msk vm0, v2;
	v9 =	vshrl.u32 v10, $0x11;
	v4 =	vand.u32 $0x7FF0, v7;
	v6 =	vor.u32 v1, v6  }
0x97: {  	s0 =	smul.u32 @!p0 $0x12000, s29;
	[tilespmem:s8+$0x50] =	vst v12;
	v7 =	vand.u32 $0x7FF0, v9;
	v4 =	vor.u32 v1, v4  }
0x98: {  	[tilespmem:v5+s21+$0x0] =	vst.idx.add.s32.msk vm0, v2;
	v5 =	vor.u32 v1, v7  }
0x99: {  	s1 =	sadd.s32 @!p0 s0, s13;
	[tilespmem:s8+$0x20] =	vst v14  }
0x9a: {  	s1 =	sshrl.u32 @!p0 s1, $0x3;
	[tilespmem:v8+s21+$0x0] =	vst.idx.add.s32.msk vm0, v2  }
0x9b: {  	s4 =	sadd.s32 @!p0 s5, s1;
	s1 =	smul.u32 $0x3600, s29;
	[tilespmem:v6+s21+$0x0] =	vst.idx.add.s32.msk vm0, v2  }
0x9c: {  	[tilespmem:v4+s21+$0x0] =	vst.idx.add.s32.msk vm0, v2  }
0x9d: {  	s30 =	sadd.s32 s6, s1;
	s8 =	simm.s32 @!p0 $0x0;
	[tilespmem:v5+s21+$0x0] =	vst.idx.add.s32.msk vm0, v2  }
0x9e: {  	[tilespmem:s8], [sflag:$0x1] =	stream.linear.gather @!p0 [hbm4b:s4+s8], $0x9000, $0x38;
	[tilespmem:$0x1D600] =	vst v63  }
0x9f: {  	s4 =	sshrl.u32 s30, $0x3  }
0xa0: {  	s4 =	sadd.s32 s2, s4  }
0xa1: {  	[hbm4b:s4+s3] =	stream.linear.scatter [tilespmem:s19], [sflag:$0x3], $0x1B00, $0x38;
	[tilespmem:$0x1D600] =	vst v63  }
0xa2: {  	_ =	swait.ge [sflag:s23], $0x9000  }
0xa3: {  	[sflag:s23] =	ssyncset.done $0x0  }
0xa4: {  	s4 =	simm.s32 @!p1 $0x4;
	[sflag:s23] =	ssyncadd.s32 $0xFFFF7000  }
0xa5: {  	_ =	swait.ge @!p1 [sflag:s4], $0x1B00  }
0xa6: {  	[sflag:s4] =	ssyncset.done @!p1 $0x0  }
0xa7: {  	s31 =	simm.s32 $0x9200;
	[sflag:s4] =	ssyncadd.s32 @!p1 $0xFFFFE500  }
0xa8: {  	v4 =	vld [tilespmem:s31+$0x100]  }
0xa9: {  	v5 =	vld [tilespmem:s31+$0xFFFFFF80]  }
0xaa: {  	v6 =	vld [tilespmem:s31+$0xFFFFFE80]  }
0xab: {  	v8 =	vld [tilespmem:s31+$0xFFFFFF00]  }
0xac: {  	v10 =	vld [tilespmem:s31+$0x80];
	_ =	sdelay $0x1  }
0xad: {  	v7 =	vshra.s32 v4, $0x1F  }
0xae: {  	v9 =	vshra.s32 v5, $0x1F;
	v7 =	vor.u32 $0x80000000, v7  }
0xaf: {  	v11 =	vshra.s32 v6, $0x1F;
	v13 =	vshra.s32 v8, $0x1F;
	v7 =	vxor.u32 v4, v7  }
0xb0: {  	v12 =	vld [tilespmem:s31+$0x0];
	v15 =	vshra.s32 v10, $0x1F;
	v9 =	vor.u32 $0x80000000, v9;
	v7 =	vshrl.u32 v7, $0x11  }
0xb1: {  	v11 =	vor.u32 $0x80000000, v11;
	v9 =	vxor.u32 v5, v9;
	v7 =	vand.u32 $0x7FF0, v7  }
0xb2: {  	s9 =	simm.s32 $0x9600;
	v14 =	vld [tilespmem:s31+$0xFFFFFE00];
	v11 =	vxor.u32 v6, v11;
	v9 =	vshrl.u32 v9, $0x11;
	v7 =	vor.u32 v1, v7  }
0xb3: {  	s8 =	simm.s32 $0x13B60;
	v17 =	vld [tilespmem:s9+$0xFFFFFE80];
	v13 =	vor.u32 $0x80000000, v13;
	v11 =	vshrl.u32 v11, $0x11;
	v9 =	vand.u32 $0x7FF0, v9  }
0xb4: {  	v19 =	vld [tilespmem:s9+$0x80];
	[tilespmem:s8+$0x30] =	vst v4;
	v15 =	vor.u32 $0x80000000, v15;
	v11 =	vand.u32 $0x7FF0, v11;
	v9 =	vor.u32 v1, v9  }
0xb5: {  	[tilespmem:s8+$0xFFFFFFE8] =	vst v5;
	v4 =	vld [tilespmem:s31+$0x180];
	v5 =	vxor.u32 v10, v15;
	v15 =	vshra.s32 v12, $0x1F;
	v11 =	vor.u32 v1, v11  }
0xb6: {  	[tilespmem:s8+$0xFFFFFFB8] =	vst v6;
	v13 =	vxor.u32 v8, v13;
	v6 =	vor.u32 $0x80000000, v15;
	v15 =	vld [tilespmem:s9+$0xFFFFFF80]  }
0xb7: {  	v13 =	vshrl.u32 v13, $0x11;
	v5 =	vshrl.u32 v5, $0x11;
	[tilespmem:v7+s21+$0x0] =	vst.idx.add.s32.msk $0xffff, v2  }
0xb8: {  	[tilespmem:s8+$0xFFFFFFD0] =	vst v8;
	v5 =	vand.u32 $0x7FF0, v5;
	v7 =	vand.u32 $0x7FF0, v13;
	v13 =	vld [tilespmem:s31+$0x108]  }
0xb9: {  	v16 =	vor.u32 v1, v5;
	v5 =	vshra.s32 v14, $0x1F;
	[tilespmem:v9+s21+$0x0] =	vst.idx.add.s32.msk $0xffff, v2;
	v7 =	vor.u32 v1, v7  }
0xba: {  	[tilespmem:v11+s21+$0x0] =	vst.idx.add.s32.msk $0xffff, v2;
	v11 =	vor.u32 $0x80000000, v5;
	v5 =	vxor.u32 v12, v6;
	v6 =	vshra.s32 v4, $0x1F  }
0xbb: {  	[tilespmem:s8+$0x18] =	vst v10;
	v10 =	vshra.s32 v15, $0x1F;
	v9 =	vld [tilespmem:s31+$0xFFFFFF88];
	v5 =	vshrl.u32 v5, $0x11;
	v6 =	vor.u32 $0x80000000, v6  }
0xbc: {  	[tilespmem:s8+$0x48] =	vst v4;
	v18 =	vld [tilespmem:s31+$0xFFFFFE88];
	v5 =	vand.u32 $0x7FF0, v5;
	v6 =	vxor.u32 v4, v6;
	v4 =	vshra.s32 v17, $0x1F  }
0xbd: {  	v20 =	vld [tilespmem:s9+$0x100];
	[tilespmem:s8+$0x0] =	vst v12;
	v6 =	vshrl.u32 v6, $0x11;
	v4 =	vor.u32 $0x80000000, v4;
	v8 =	vshra.s32 v13, $0x1F  }
0xbe: {  	v6 =	vand.u32 $0x7FF0, v6;
	[tilespmem:v7+s21+$0x0] =	vst.idx.add.s32.msk $0xffff, v2;
	v7 =	vor.u32 $0x80000000, v8;
	v8 =	vor.u32 v1, v5  }
0xbf: {  	v4 =	vxor.u32 v17, v4;
	[tilespmem:s8+$0x38] =	vst v13;
	v7 =	vxor.u32 v13, v7;
	v13 =	vor.u32 v1, v6  }
0xc0: {  	[tilespmem:v16+s21+$0x0] =	vst.idx.add.s32.msk $0xffff, v2;
	v4 =	vshrl.u32 v4, $0x11;
	v16 =	vshra.s32 v9, $0x1F;
	v7 =	vshrl.u32 v7, $0x11  }
0xc1: {  	s10 =	simm.s32 $0x13C20;
	[tilespmem:s8+$0xFFFFFFA0] =	vst v14;
	v6 =	vand.u32 $0x7FF0, v7;
	v7 =	vor.u32 $0x80000000, v10;
	v10 =	vshra.s32 v18, $0x1F  }
0xc2: {  	[tilespmem:s10+$0x18] =	vst v19;
	v5 =	vld [tilespmem:s9+$0xFFFFFF00];
	v21 =	vor.u32 v1, v6;
	v6 =	vxor.u32 v14, v11;
	v7 =	vxor.u32 v15, v7  }
0xc3: {  	v11 =	vor.u32 $0x80000000, v10;
	v10 =	vshra.s32 v20, $0x1F;
	v6 =	vshrl.u32 v6, $0x11;
	[tilespmem:v8+s21+$0x0] =	vst.idx.add.s32.msk $0xffff, v2  }
0xc4: {  	v7 =	vshrl.u32 v7, $0x11;
	v10 =	vor.u32 $0x80000000, v10;
	v6 =	vand.u32 $0x7FF0, v6;
	[tilespmem:v13+s21+$0x0] =	vst.idx.add.s32.msk $0xffff, v2  }
0xc5: {  	[tilespmem:s10+$0xFFFFFFE8] =	vst v15;
	v7 =	vand.u32 $0x7FF0, v7;
	v15 =	vxor.u32 v20, v10;
	v10 =	vld [tilespmem:s31+$0x8];
	v8 =	vor.u32 v1, v6  }
0xc6: {  	[tilespmem:s10+$0xFFFFFFB8] =	vst v17;
	v4 =	vand.u32 $0x7FF0, v4;
	v22 =	vor.u32 v1, v7;
	v6 =	vld [tilespmem:s31+$0xFFFFFF08];
	v7 =	vshra.s32 v19, $0x1F  }
0xc7: {  	[tilespmem:s10+$0x30] =	vst v20;
	v16 =	vor.u32 $0x80000000, v16;
	v13 =	vld [tilespmem:s31+$0x188];
	v14 =	vshrl.u32 v15, $0x11;
	v7 =	vor.u32 $0x80000000, v7  }
0xc8: {  	[tilespmem:s8+$0xFFFFFFF0] =	vst v9;
	v15 =	vor.u32 v1, v4;
	v4 =	vand.u32 $0x7FF0, v14;
	v12 =	vxor.u32 v19, v7;
	v7 =	vld [tilespmem:s9+$0x0]  }
0xc9: {  	v23 =	vshra.s32 v5, $0x1F;
	v14 =	vor.u32 v1, v4;
	[tilespmem:v21+s21+$0x0] =	vst.idx.add.s32.msk vm0, v2;
	v12 =	vshrl.u32 v12, $0x11  }
0xca: {  	v12 =	vand.u32 $0x7FF0, v12;
	v20 =	vshra.s32 v10, $0x1F;
	[tilespmem:v8+s21+$0x0] =	vst.idx.add.s32.msk $0xffff, v2;
	v8 =	vxor.u32 v18, v11  }
0xcb: {  	v11 =	vor.u32 v1, v12;
	v25 =	vshra.s32 v6, $0x1F;
	[tilespmem:v22+s21+$0x0] =	vst.idx.add.s32.msk $0xffff, v2;
	v4 =	vshrl.u32 v8, $0x11  }
0xcc: {  	[tilespmem:s8+$0xFFFFFFC0] =	vst v18;
	v18 =	vshra.s32 v13, $0x1F;
	v20 =	vor.u32 $0x80000000, v20;
	v8 =	vld [tilespmem:s9+$0xFFFFFE00];
	v19 =	vand.u32 $0x7FF0, v4  }
0xcd: {  	[tilespmem:s8+$0x50] =	vst v13;
	v12 =	vld [tilespmem:s31+$0xFFFFFE08];
	v4 =	vxor.u32 v9, v16;
	v9 =	vor.u32 $0x80000000, v18;
	v16 =	vor.u32 $0x80000000, v23  }
0xce: {  	[tilespmem:v15+s21+$0x0] =	vst.idx.add.s32.msk $0xffff, v2;
	v22 =	vshrl.u32 v4, $0x11;
	v13 =	vxor.u32 v13, v9;
	v9 =	vxor.u32 v5, v16  }
0xcf: {  	v24 =	vshra.s32 v7, $0x1F;
	v16 =	vand.u32 $0x7FF0, v22;
	v17 =	vshrl.u32 v9, $0x11;
	v9 =	vld [tilespmem:s31+$0x88]  }
0xd0: {  	v18 =	vor.u32 v1, v19;
	v19 =	vor.u32 v1, v16;
	v16 =	vshrl.u32 v13, $0x11;
	v13 =	vld [tilespmem:s9+$0x180]  }
0xd1: {  	[tilespmem:v14+s21+$0x0] =	vst.idx.add.s32.msk $0xffff, v2;
	v14 =	vor.u32 $0x80000000, v25;
	v17 =	vand.u32 $0x7FF0, v17;
	v23 =	vshra.s32 v8, $0x1F  }
0xd2: {  	[tilespmem:s8+$0x8] =	vst v10;
	v4 =	vld [tilespmem:s9+$0xFFFFFF88];
	v16 =	vand.u32 $0x7FF0, v16;
	v21 =	vor.u32 v1, v17;
	v22 =	vshra.s32 v12, $0x1F  }
0xd3: {  	s11 =	simm.s32 $0x9A00;
	s12 =	simm.s32 $0x13C20;
	s4 =	simm.s32 $0x8;
	[tilespmem:s8+$0xFFFFFFA8] =	vst v12;
	v17 =	vld [tilespmem:s9+$0x108];
	v15 =	vor.u32 v1, v16;
	v16 =	vor.u32 $0x80000000, v23;
	v23 =	vxor.u32 v6, v14  }
.LBB2_7:
0xd4: {  	v14 =	vld [tilespmem:s11+$0xFFFFFE80];
	s4 =	sadd.s32 $0x8, s4;
	[tilespmem:s10+$0xFFFFFFD0] =	vst v5;
	v5 =	vor.u32 $0x80000000, v24;
	s12 =	sadd.s32 $0xC0, s12;
	v22 =	vor.u32 $0x80000000, v22;
	v23 =	vshrl.u32 v23, $0x11  }
0xd5: {  	p1 =	slt.u32 s4, $0x118;
	v5 =	vxor.u32 v7, v5;
	v24 =	vshra.s32 v13, $0x1F;
	[tilespmem:v18+s21+$0x0] =	vst.idx.add.s32.msk vm0, v2;
	v18 =	vshra.s32 v9, $0x1F  }
0xd6: {  	v5 =	vshrl.u32 v5, $0x11;
	v24 =	vor.u32 $0x80000000, v24;
	[tilespmem:v19+s21+$0x0] =	vst.idx.add.s32.msk vm0, v2;
	v18 =	vor.u32 $0x80000000, v18  }
0xd7: {  	v12 =	vxor.u32 v12, v22;
	[tilespmem:v21+s21+$0x0] =	vst.idx.add.s32.msk $0xffff, v2;
	v19 =	vand.u32 $0x7FF0, v5;
	v21 =	vxor.u32 v13, v24  }
0xd8: {  	v10 =	vxor.u32 v10, v20;
	v5 =	vld [tilespmem:s11+$0xFFFFFF00];
	v19 =	vor.u32 v1, v19;
	[tilespmem:s10+$0x38] =	vst v17;
	v22 =	vshra.s32 v17, $0x1F  }
0xd9: {  	v12 =	vshrl.u32 v12, $0x11;
	v21 =	vshrl.u32 v21, $0x11;
	v20 =	vld [tilespmem:s11+$0xFFFFFF80];
	v22 =	vor.u32 $0x80000000, v22;
	[tilespmem:s8+$0xFFFFFFD8] =	vst v6  }
0xda: {  	v18 =	vxor.u32 v9, v18;
	v24 =	vld [tilespmem:s11+$0x100];
	[tilespmem:s10+$0xFFFFFFF0] =	vst v4;
	v6 =	vxor.u32 v17, v22;
	v17 =	vand.u32 $0x7FF0, v21  }
0xdb: {  	v12 =	vand.u32 $0x7FF0, v12;
	[tilespmem:v11+s21+$0x0] =	vst.idx.add.s32.msk $0xffff, v2;
	v6 =	vshrl.u32 v6, $0x11;
	v11 =	vor.u32 v1, v17  }
0xdc: {  	v12 =	vor.u32 v1, v12;
	v17 =	vld [tilespmem:s9+$0xFFFFFE88];
	[tilespmem:s10+$0x0] =	vst v7;
	v6 =	vand.u32 $0x7FF0, v6;
	v7 =	vshrl.u32 v10, $0x11  }
0xdd: {  	v10 =	vand.u32 $0x7FF0, v23;
	[tilespmem:v19+s21+$0x0] =	vst.idx.add.s32.msk $0xffff, v2;
	v19 =	vor.u32 v1, v6;
	v6 =	vshrl.u32 v18, $0x11  }
0xde: {  	v22 =	vshra.s32 v4, $0x1F;
	v23 =	vand.u32 $0x7FF0, v7;
	[tilespmem:s12+$0xFFFFFFE8] =	vst v20;
	v18 =	vshra.s32 v20, $0x1F;
	v21 =	vld [tilespmem:s11+$0x80]  }
0xdf: {  	v16 =	vxor.u32 v8, v16;
	v7 =	vor.u32 $0x80000000, v18;
	v18 =	vand.u32 $0x7FF0, v6;
	[tilespmem:v15+s21+$0x0] =	vst.idx.add.s32.msk vm0, v2  }
0xe0: {  	v15 =	vshrl.u32 v16, $0x11;
	v6 =	vxor.u32 v20, v7;
	v7 =	vld [tilespmem:s11+$0x0];
	[tilespmem:s10+$0x48] =	vst v13;
	v13 =	vor.u32 v1, v23  }
0xe1: {  	v15 =	vand.u32 $0x7FF0, v15;
	v18 =	vor.u32 v1, v18;
	v16 =	vshrl.u32 v6, $0x11;
	[tilespmem:s10+$0xFFFFFFC0] =	vst v17;
	v6 =	vld [tilespmem:s9+$0xFFFFFF08]  }
0xe2: {  	v15 =	vor.u32 v1, v15;
	v20 =	vshra.s32 v17, $0x1F;
	v16 =	vand.u32 $0x7FF0, v16;
	[tilespmem:v11+s21+$0x0] =	vst.idx.add.s32.msk $0xffff, v2  }
0xe3: {  	v11 =	vor.u32 $0x80000000, v20;
	v16 =	vor.u32 v1, v16;
	[tilespmem:v12+s21+$0x0] =	vst.idx.add.s32.msk vm0, v2;
	v12 =	vor.u32 v1, v10  }
0xe4: {  	v23 =	vshra.s32 v5, $0x1F;
	v20 =	vshra.s32 v14, $0x1F;
	v25 =	vshra.s32 v21, $0x1F;
	[tilespmem:s10+$0xFFFFFFA0] =	vst v8;
	v10 =	vld [tilespmem:s9+$0x8]  }
0xe5: {  	v8 =	vor.u32 $0x80000000, v20;
	v20 =	vor.u32 $0x80000000, v25;
	v25 =	vshra.s32 v24, $0x1F;
	v26 =	vld [tilespmem:s9+$0x188];
	[tilespmem:s8+$0x20] =	vst v9;
	s8 =	smov.u32 s10;
	s10 =	smov.u32 s12  }
0xe6: {  	v8 =	vxor.u32 v14, v8;
	v9 =	vxor.u32 v21, v20;
	v20 =	vor.u32 $0x80000000, v25;
	[tilespmem:v13+s21+$0x0] =	vst.idx.add.s32.msk vm0, v2  }
0xe7: {  	v8 =	vshrl.u32 v8, $0x11;
	v9 =	vshrl.u32 v9, $0x11;
	v13 =	vxor.u32 v24, v20;
	[tilespmem:v18+s21+$0x0] =	vst.idx.add.s32.msk vm0, v2  }
0xe8: {  	v8 =	vand.u32 $0x7FF0, v8;
	v9 =	vand.u32 $0x7FF0, v9;
	v13 =	vshrl.u32 v13, $0x11;
	[tilespmem:v12+s21+$0x0] =	vst.idx.add.s32.msk vm0, v2  }
0xe9: {  	v20 =	vor.u32 v1, v8;
	v8 =	vand.u32 $0x7FF0, v13;
	v13 =	vxor.u32 v17, v11;
	[tilespmem:v15+s21+$0x0] =	vst.idx.add.s32.msk $0xffff, v2  }
0xea: {  	v11 =	vor.u32 v1, v9;
	v15 =	vor.u32 v1, v8;
	v9 =	vshrl.u32 v13, $0x11;
	[tilespmem:s12+$0x18] =	vst v21;
	v12 =	vld [tilespmem:s9+$0xFFFFFE08]  }
0xeb: {  	v17 =	vshra.s32 v6, $0x1F;
	v13 =	vor.u32 $0x80000000, v22;
	v18 =	vshra.s32 v26, $0x1F;
	v8 =	vld [tilespmem:s11+$0xFFFFFE00];
	[tilespmem:s8+$0x50] =	vst v26  }
0xec: {  	v9 =	vand.u32 $0x7FF0, v9;
	v4 =	vxor.u32 v4, v13;
	v13 =	vor.u32 $0x80000000, v18;
	[tilespmem:v16+s21+$0x0] =	vst.idx.add.s32.msk $0xffff, v2  }
0xed: {  	v21 =	vshrl.u32 v4, $0x11;
	v16 =	vor.u32 $0x80000000, v23;
	v13 =	vxor.u32 v26, v13;
	[tilespmem:v19+s21+$0x0] =	vst.idx.add.s32.msk vm0, v2  }
0xee: {  	v18 =	vor.u32 v1, v9;
	v9 =	vand.u32 $0x7FF0, v21;
	[tilespmem:s12+$0xFFFFFFB8] =	vst v14;
	v14 =	vxor.u32 v5, v16;
	v4 =	vld [tilespmem:s11+$0xFFFFFF88]  }
.Ltmp2:
0xef: {  	v19 =	vor.u32 v1, v9;
	v16 =	vshrl.u32 v13, $0x11;
	v14 =	vshrl.u32 v14, $0x11;
	[tilespmem:s8+$0xFFFFFFA8] =	vst v12;
	v9 =	vld [tilespmem:s9+$0x88];
	s9 =	smov.u32 s11;
	(pc) =	sbr.rel @p1 .LBB2_7-.Ltmp2, $4  }
0xf0: {  	v16 =	vand.u32 $0x7FF0, v16;
	v23 =	vshra.s32 v8, $0x1F;
	v14 =	vand.u32 $0x7FF0, v14;
	[tilespmem:s12+$0x30] =	vst v24;
	v13 =	vld [tilespmem:s11+$0x180]  }
0xf1: {  	v22 =	vshra.s32 v12, $0x1F;
	[tilespmem:v20+s21+$0x0] =	vst.idx.add.s32.msk $0xffff, v2;
	v21 =	vor.u32 v1, v14;
	v14 =	vshra.s32 v10, $0x1F  }
0xf2: {  	v24 =	vshra.s32 v7, $0x1F;
	v20 =	vor.u32 $0x80000000, v17;
	[tilespmem:v15+s21+$0x0] =	vst.idx.add.s32.msk $0xffff, v2;
	v15 =	vor.u32 v1, v16  }
0xf3: {  	s11 =	sadd.s32 $0x400, s11;
	v16 =	vor.u32 $0x80000000, v23;
	v23 =	vxor.u32 v6, v20;
	v20 =	vor.u32 $0x80000000, v14;
	v17 =	vld [tilespmem:s9+$0x108];
	[tilespmem:s8+$0x8] =	vst v10  }
0xf4: {  	_ =	sdelay $0x3  }
0xf5: {  	[tilespmem:s10+$0xFFFFFFD0] =	vst v5  }
0xf6: {  	[tilespmem:v18+s21+$0x0] =	vst.idx.add.s32.msk vm0, v2  }
0xf7: {  	v14 =	vor.u32 $0x80000000, v24;
	[tilespmem:v19+s21+$0x0] =	vst.idx.add.s32.msk vm0, v2;
	v30 =	vor.u32 $0x80000000, v22;
	v31 =	vshrl.u32 v23, $0x11  }
0xf8: {  	v32 =	vshra.s32 v9, $0x1F;
	[tilespmem:v11+s21+$0x0] =	vst.idx.add.s32.msk $0xffff, v2;
	v33 =	vxor.u32 v8, v16;
	v5 =	vshra.s32 v13, $0x1F  }
0xf9: {  	v36 =	vld [tilespmem:s9+$0xFFFFFE88];
	[tilespmem:s10+$0x0] =	vst v7;
	v10 =	vxor.u32 v10, v20;
	v48 =	vshra.s32 v4, $0x1F;
	v5 =	vor.u32 $0x80000000, v5  }
0xfa: {  	[tilespmem:v15+s21+$0x0] =	vst.idx.add.s32.msk vm0, v2;
	v14 =	vxor.u32 v7, v14;
	v37 =	vshrl.u32 v33, $0x11;
	v5 =	vxor.u32 v13, v5  }
0xfb: {  	[tilespmem:v21+s21+$0x0] =	vst.idx.add.s32.msk $0xffff, v2;
	v34 =	vor.u32 $0x80000000, v32;
	v7 =	vand.u32 $0x7FF0, v37;
	v5 =	vshrl.u32 v5, $0x11  }
0xfc: {  	v38 =	vxor.u32 v12, v30;
	v55 =	vld [tilespmem:s9+$0x88];
	v7 =	vor.u32 v1, v7;
	v5 =	vand.u32 $0x7FF0, v5  }
0xfd: {  	[tilespmem:s8+$0xFFFFFFD8] =	vst v6;
	v43 =	vand.u32 $0x7FF0, v31;
	v14 =	vshrl.u32 v14, $0x11;
	v40 =	vld [tilespmem:s9+$0xFFFFFF08];
	v5 =	vor.u32 v1, v5  }
0xfe: {  	[tilespmem:s10+$0xFFFFFFA0] =	vst v8;
	v11 =	vshrl.u32 v38, $0x11;
	v41 =	vxor.u32 v9, v34;
	v14 =	vand.u32 $0x7FF0, v14  }
0xff: {  	[tilespmem:s8+$0x20] =	vst v9;
	v11 =	vand.u32 $0x7FF0, v11;
	v14 =	vor.u32 v1, v14;
	v35 =	vshra.s32 v17, $0x1F  }
0x100: {  	[tilespmem:s10+$0x48] =	vst v13;
	v11 =	vor.u32 v1, v11;
	v39 =	vor.u32 $0x80000000, v35;
	v45 =	vshra.s32 v36, $0x1F  }
0x101: {  	v12 =	vxor.u32 v17, v39;
	v47 =	vor.u32 $0x80000000, v45;
	v60 =	vshra.s32 v55, $0x1F;
	[tilespmem:v7+s21+$0x0] =	vst.idx.add.s32.msk $0xffff, v2  }
0x102: {  	v12 =	vshrl.u32 v12, $0x11;
	v51 =	vshra.s32 v40, $0x1F;
	v9 =	vor.u32 $0x80000000, v60;
	[tilespmem:v5+s21+$0x0] =	vst.idx.add.s32.msk $0xffff, v2  }
0x103: {  	[tilespmem:s10+$0xFFFFFFF0] =	vst v4;
	v12 =	vand.u32 $0x7FF0, v12;
	v7 =	vor.u32 $0x80000000, v48;
	v5 =	vshrl.u32 v10, $0x11;
	v44 =	vld [tilespmem:s9+$0x188]  }
0x104: {  	[tilespmem:v14+s21+$0x0] =	vst.idx.add.s32.msk $0xffff, v2;
	v42 =	vor.u32 v1, v12;
	v14 =	vshrl.u32 v41, $0x11;
	v5 =	vand.u32 $0x7FF0, v5  }
0x105: {  	[tilespmem:s10+$0x38] =	vst v17;
	v58 =	vor.u32 $0x80000000, v51;
	v49 =	vld [tilespmem:s9+$0xFFFFFE08];
	v46 =	vand.u32 $0x7FF0, v14;
	v5 =	vor.u32 v1, v5  }
0x106: {  	[tilespmem:s10+$0xFFFFFFC0] =	vst v36;
	v9 =	vxor.u32 v55, v9;
	v4 =	vxor.u32 v4, v7;
	v50 =	vld [tilespmem:s9+$0x8];
	v8 =	vor.u32 v1, v46  }
0x107: {  	[tilespmem:s10+$0x20] =	vst v55;
	v14 =	vxor.u32 v36, v47;
	v4 =	vshrl.u32 v4, $0x11;
	v10 =	vor.u32 v1, v43  }
0x108: {  	[tilespmem:v11+s21+$0x0] =	vst.idx.add.s32.msk vm0, v2;
	v14 =	vshrl.u32 v14, $0x11;
	v4 =	vand.u32 $0x7FF0, v4;
	v52 =	vshra.s32 v44, $0x1F  }
0x109: {  	v53 =	vand.u32 $0x7FF0, v14;
	v4 =	vor.u32 v1, v4;
	[tilespmem:v42+s21+$0x0] =	vst.idx.add.s32.msk vm0, v2;
	v54 =	vor.u32 $0x80000000, v52  }
0x10a: {  	v61 =	vshrl.u32 v9, $0x11;
	v7 =	vor.u32 v1, v53;
	[tilespmem:v5+s21+$0x0] =	vst.idx.add.s32.msk vm0, v2;
	v5 =	vxor.u32 v44, v54  }
0x10b: {  	v56 =	vshra.s32 v49, $0x1F;
	v57 =	vshra.s32 v50, $0x1F;
	[tilespmem:v8+s21+$0x0] =	vst.idx.add.s32.msk vm0, v2;
	v5 =	vshrl.u32 v5, $0x11  }
0x10c: {  	[tilespmem:v10+s21+$0x0] =	vst.idx.add.s32.msk vm0, v2;
	v8 =	vor.u32 $0x80000000, v56;
	v59 =	vor.u32 $0x80000000, v57;
	v5 =	vand.u32 $0x7FF0, v5  }
0x10d: {  	[tilespmem:s10+$0xFFFFFFD8] =	vst v40;
	v10 =	vxor.u32 v40, v58;
	v8 =	vxor.u32 v49, v8;
	v5 =	vor.u32 v1, v5  }
0x10e: {  	v6 =	vxor.u32 v50, v59;
	[tilespmem:v4+s21+$0x0] =	vst.idx.add.s32.msk vm0, v2;
	v4 =	vand.u32 $0x7FF0, v61;
	v8 =	vshrl.u32 v8, $0x11  }
0x10f: {  	[tilespmem:s10+$0xFFFFFFA8] =	vst v49;
	v6 =	vshrl.u32 v6, $0x11;
	v4 =	vor.u32 v1, v4;
	v8 =	vand.u32 $0x7FF0, v8  }
0x110: {  	[tilespmem:s10+$0x8] =	vst v50;
	v62 =	vshrl.u32 v10, $0x11;
	v6 =	vand.u32 $0x7FF0, v6;
	v8 =	vor.u32 v1, v8  }
0x111: {  	[tilespmem:s10+$0x50] =	vst v44;
	v63 =	vand.u32 $0x7FF0, v62;
	v6 =	vor.u32 v1, v6  }
0x112: {  	[tilespmem:v5+s21+$0x0] =	vst.idx.add.s32.msk vm0, v2;
	v5 =	vor.u32 v1, v63  }
0x113: {  	[tilespmem:v7+s21+$0x0] =	vst.idx.add.s32.msk vm0, v2  }
0x114: {  	[tilespmem:v4+s21+$0x0] =	vst.idx.add.s32.msk vm0, v2  }
0x115: {  	s0 =	sadd.s32 @!p0 s0, s14;
	[tilespmem:v8+s21+$0x0] =	vst.idx.add.s32.msk vm0, v2  }
0x116: {  	s4 =	simm.s32 @!p0 $0x0;
	s0 =	sshrl.u32 @!p0 s0, $0x3;
	[tilespmem:v6+s21+$0x0] =	vst.idx.add.s32.msk vm0, v2  }
0x117: {  	s8 =	simm.s32 @!p0 $0x9000;
	s29 =	sadd.s32 $0x1, s29;
	s0 =	sadd.s32 @!p0 s5, s0;
	[tilespmem:v5+s21+$0x0] =	vst.idx.add.s32.msk vm0, v2  }
0x118: {  	[tilespmem:s8], [sflag:$0x2] =	stream.linear.gather @!p0 [hbm4b:s0+s4], $0x9000, $0x38;
	[tilespmem:$0x1D600] =	vst v63  }
0x119: {  	p0 =	sne.s32 s29, $0x10  }
.Ltmp3:
0x11a: {  	_ = 	snop;
	(pc) =	sbr.rel @p0 .LBB2_4-.Ltmp3, $4  }
0x11b: {  	s31 =	sadd.s32 s17, s1  }
0x11c: {  	s0 =	sshrl.u32 s31, $0x3  }
0x11d: {  	s0 =	sadd.s32 s2, s0  }
0x11e: {  	[hbm4b:s0+s3] =	stream.linear.scatter [tilespmem:s24], [sflag:$0x4], $0x1B00, $0x38;
	[tilespmem:$0x1D600] =	vst v63  }
0x11f: {  	_ =	swait.ge [sflag:s22], $0x1B00  }
0x120: {  	[sflag:s22] =	ssyncset.done $0x0  }
0x121: {  	[sflag:s22] =	ssyncadd.s32 $0xFFFFE500  }
0x122: {  	_ =	swait.ge [sflag:s25], $0x1B00  }
0x123: {  	[sflag:s25] =	ssyncset.done $0x0  }
0x124: {  	s0 =	simm.s32 $0x0;
	[sflag:s25] =	ssyncadd.s32 $0xFFFFE500  }
0x125: {  	v4 =	vld [tilespmem:s0+$0x1D500]  }
0x126: {  	v5 =	vld [tilespmem:s0+$0x1D510]  }
0x127: {  	v6 =	vld [tilespmem:s0+$0x1D520]  }
0x128: {  	v7 =	vld [tilespmem:s0+$0x1D530]  }
0x129: {  	v8 =	vld [tilespmem:s0+$0x1D540]  }
0x12a: {  	s29 =	simm.s32 $0xFFFFFF00;
	v9 =	vld [tilespmem:s0+$0x1D550]  }
0x12b: {  	v10 =	vld [tilespmem:s29+$0x1D560]  }
0x12c: {  	v4 =	vadd.s32 v4, v5;
	v5 =	vld [tilespmem:s0+$0x1D560]  }
0x12d: {  	v4 =	vadd.s32 v6, v4;
	v6 =	vld [tilespmem:s0+$0x1D570]  }
0x12e: {  	v4 =	vadd.s32 v7, v4;
	v7 =	vld [tilespmem:s0+$0x1D580]  }
0x12f: {  	v4 =	vadd.s32 v8, v4;
	v8 =	vld [tilespmem:s0+$0x1D590]  }
0x130: {  	v4 =	vadd.s32 v9, v4;
	v9 =	vld [tilespmem:s0+$0x1D5A0]  }
0x131: {  	v4 =	vadd.s32 v5, v4;
	v5 =	vld [tilespmem:s0+$0x1D5B0]  }
0x132: {  	v4 =	vadd.s32 v6, v4;
	v6 =	vld [tilespmem:s0+$0x1D5C0]  }
0x133: {  	v4 =	vadd.s32 v7, v4;
	v7 =	vld [tilespmem:s0+$0x1D5D0]  }
0x134: {  	v4 =	vadd.s32 v8, v4;
	v8 =	vld [tilespmem:s0+$0x1D5E0]  }
0x135: {  	v4 =	vadd.s32 v9, v4;
	v9 =	vld [tilespmem:s0+$0x1D5F0]  }
0x136: {  	v4 =	vadd.s32 v5, v4;
	v5 =	vld [tilespmem:s29+$0x1D500]  }
0x137: {  	v4 =	vadd.s32 v6, v4;
	v6 =	vld [tilespmem:s29+$0x1D510]  }
0x138: {  	v4 =	vadd.s32 v7, v4;
	v7 =	vld [tilespmem:s29+$0x1D520]  }
0x139: {  	v4 =	vadd.s32 v8, v4;
	v8 =	vld [tilespmem:s29+$0x1D530]  }
0x13a: {  	v4 =	vadd.s32 v9, v4;
	v9 =	vld [tilespmem:s29+$0x1D540]  }
0x13b: {  	(xrf0) =	vadd.scan.msk.s32 $0xffff, v4;
	v4 =	vld [tilespmem:s29+$0x1D550]  }
0x13c: {  	v11 =	vld [tilespmem:s29+$0x1D570];
	v5 =	vadd.s32 v5, v6  }
0x13d: {  	v12 =	vld [tilespmem:s29+$0x1D580];
	v5 =	vadd.s32 v7, v5  }
0x13e: {  	s1 =	simm.s32 $0xFFFFFE00;
	v13 =	vld [tilespmem:s29+$0x1D590];
	v5 =	vadd.s32 v8, v5  }
0x13f: {  	v62 =	vld [tilespmem:s1+$0x1D510];
	v5 =	vadd.s32 v9, v5  }
0x140: {  	v6 =	vld [tilespmem:s29+$0x1D5A0];
	v4 =	vadd.s32 v4, v5  }
0x141: {  	v7 =	vld [tilespmem:s29+$0x1D5B0];
	v14, _, _ =	vpop (xrf0);
	v4 =	vadd.s32 v10, v4  }
0x142: {  	v8 =	vld [tilespmem:s29+$0x1D5C0];
	(v2sf) =	vpush v14, $0xF;
	v4 =	vadd.s32 v11, v4  }
0x143: {  	v9 =	vld [tilespmem:s29+$0x1D5D0];
	v4 =	vadd.s32 v12, v4  }
0x144: {  	v5 =	vld [tilespmem:s29+$0x1D5E0];
	v4 =	vadd.s32 v13, v4  }
0x145: {  	v10 =	vld [tilespmem:s29+$0x1D5F0];
	v4 =	vadd.s32 v6, v4  }
0x146: {  	v11 =	vld [tilespmem:s1+$0x1D500];
	v4 =	vadd.s32 v7, v4  }
0x147: {  	v63 =	vld [tilespmem:s1+$0x1D520];
	v4 =	vadd.s32 v8, v4  }
0x148: {  	v6 =	vld [tilespmem:s1+$0x1D530];
	v4 =	vadd.s32 v9, v4  }
0x149: {  	v7 =	vld [tilespmem:s1+$0x1D540];
	v4 =	vadd.s32 v5, v4  }
0x14a: {  	v8 =	vld [tilespmem:s1+$0x1D550];
	v4 =	vadd.s32 v10, v4  }
0x14b: {  	v9 =	vadd.s32 v11, v62;
	v11 =	vld [tilespmem:s1+$0x1D560];
	(xrf0) =	vadd.scan.msk.s32 $0xffff, v4  }
0x14c: {  	v5 =	vadd.s32 v63, v9;
	v9 =	vld [tilespmem:s1+$0x1D570]  }
0x14d: {  	v5 =	vadd.s32 v6, v5  }
0x14e: {  	v6 =	vld [tilespmem:s1+$0x1D580];
	v4 =	vadd.s32 v7, v5  }
0x14f: {  	v7 =	vld [tilespmem:s1+$0x1D590];
	v4 =	vadd.s32 v8, v4  }
0x150: {  	v8 =	vld [tilespmem:s1+$0x1D5A0];
	v4 =	vadd.s32 v11, v4  }
0x151: {  	v10 =	vld [tilespmem:s1+$0x1D5B0];
	v5 =	vadd.s32 v9, v4;
	s31 =	spop (v2sf);
	v9, _, _ =	vpop (xrf0)  }
0x152: {  	p0 =	por $0x1, $0x1;
	v4 =	vld [tilespmem:s1+$0x1D5C0];
	s0 =	sadd.s32 $0x0, s31;
	(v2sf) =	vpush v9, $0xF  }
0x153: {  	s30 =	simm.s32 $0x0;
	s4 =	simm.s32 $0x7F;
	v6 =	vadd.s32 v6, v5;
	v5 =	vld [tilespmem:s1+$0x1D5D0];
	p1 =	sgt.s32 s0, $0x1AFFF  }
0x154: {  	s9 =	simm.s32 $0xFFFFFD00;
	s11 =	simm.s32 $0xFFFFF000;
	v7 =	vadd.s32 v7, v6;
	v6 =	vld [tilespmem:s1+$0x1D5E0];
	p0 =	por !p0, !p1  }
0x155: {  	s10 =	simm.s32 $0x0;
	s8 =	simm.s32 $0x0;
	v11 =	vadd.s32 v8, v7;
	v7 =	vld [tilespmem:s1+$0x1D5F0];
	p0 =	por !p0, !p0  }
0x156: {  	v8 =	vld [tilespmem:s9+$0x1D500];
	s1 =	simm.s32 $0x0;
	v9 =	vadd.s32 v10, v11;
	s10 =	smov.u32 @p0 s4;
	s8 =	simm.s32 @p0 $0x1  }
.LBB2_10:
0x157: {  	p1 =	sne.s32 s11, $0xFFFE0400;
	v10 =	vld [tilespmem:s9+$0x1D510];
	v4 =	vadd.s32 v4, v9;
	s30 =	smov.u32 @p0 s1;
	s1 =	smov.u32 s0  }
0x158: {  	v9 =	vld [tilespmem:s9+$0x1D520];
	v4 =	vadd.s32 v5, v4  }
0x159: {  	v5 =	vld [tilespmem:s9+$0x1D530];
	v4 =	vadd.s32 v6, v4  }
0x15a: {  	v6 =	vld [tilespmem:s9+$0x1D540];
	v4 =	vadd.s32 v7, v4  }
0x15b: {  	v7 =	vld [tilespmem:s9+$0x1D550];
	(xrf0) =	vadd.scan.msk.s32 $0xffff, v4  }
0x15c: {  	v4 =	vadd.s32 v8, v10;
	v8 =	vld [tilespmem:s9+$0x1D560]  }
0x15d: {  	v4 =	vadd.s32 v9, v4;
	v9 =	vld [tilespmem:s9+$0x1D570]  }
0x15e: {  	v4 =	vadd.s32 v5, v4;
	v5 =	vld [tilespmem:s9+$0x1D580]  }
0x15f: {  	v4 =	vadd.s32 v6, v4;
	v6 =	vld [tilespmem:s9+$0x1D590]  }
0x160: {  	v4 =	vadd.s32 v7, v4;
	v7 =	vld [tilespmem:s9+$0x1D5A0]  }
0x161: {  	v4 =	vadd.s32 v8, v4;
	v10 =	vld [tilespmem:s9+$0x1D5B0];
	v8, _, _ =	vpop (xrf0);
	s12 =	spop (v2sf)  }
.Ltmp4:
0x162: {  	v9 =	vadd.s32 v9, v4;
	v4 =	vld [tilespmem:s9+$0x1D5C0];
	(v2sf) =	vpush v8, $0xF;
	s0 =	sadd.s32 s0, s12;
	(pc) =	sbr.rel @p1 .LBB2_10-.Ltmp4, $4  }
0x163: {  	p0 =	seq.s32 s8, $0x0;
	v8 =	vadd.s32 v5, v9;
	v5 =	vld [tilespmem:s9+$0x1D5D0];
	p2 =	sgt.s32 s0, $0x1AFFF  }
0x164: {  	v8 =	vadd.s32 v6, v8;
	v6 =	vld [tilespmem:s9+$0x1D5E0];
	p0 =	por !p0, !p2  }
0x165: {  	s4 =	sadd.s32 $0xFFFFFFFF, s4;
	v9 =	vadd.s32 v7, v8;
	v7 =	vld [tilespmem:s9+$0x1D5F0];
	s9 =	sshra.s32 s11, $0x2;
	p0 =	por !p0, !p0  }
0x166: {  	s11 =	sadd.s32 $0xFFFFFC00, s11;
	v8 =	vld [tilespmem:s9+$0x1D500];
	v9 =	vadd.s32 v10, v9;
	s10 =	smov.u32 @p0 s4;
	s8 =	simm.s32 @p0 $0x1  }
0x167: {  	v10 =	vld [tilespmem:s9+$0x1D510]  }
0x168: {  	v11 =	vld [tilespmem:s9+$0x1D520]  }
0x169: {  	v12 =	vld [tilespmem:s9+$0x1D530]  }
0x16a: {  	v13 =	vld [tilespmem:s9+$0x1D540]  }
0x16b: {  	v14 =	vld [tilespmem:s9+$0x1D550]  }
0x16c: {  	v8 =	vadd.s32 v8, v10;
	v10 =	vld [tilespmem:s9+$0x1D560]  }
0x16d: {  	v8 =	vadd.s32 v11, v8;
	v11 =	vld [tilespmem:s9+$0x1D570]  }
0x16e: {  	v8 =	vadd.s32 v12, v8;
	v12 =	vld [tilespmem:s9+$0x1D580]  }
0x16f: {  	v8 =	vadd.s32 v13, v8;
	v13 =	vld [tilespmem:s9+$0x1D590]  }
0x170: {  	v8 =	vadd.s32 v14, v8;
	v14 =	vld [tilespmem:s9+$0x1D5A0]  }
0x171: {  	v8 =	vadd.s32 v10, v8;
	v10 =	vld [tilespmem:s9+$0x1D5B0]  }
0x172: {  	v8 =	vadd.s32 v11, v8;
	v11 =	vld [tilespmem:s9+$0x1D5C0]  }
0x173: {  	v4 =	vadd.s32 v4, v9;
	v9 =	vld [tilespmem:s9+$0x1D5D0];
	v8 =	vadd.s32 v12, v8  }
0x174: {  	v4 =	vadd.s32 v5, v4;
	v5 =	vadd.s32 v13, v8;
	v8 =	vld [tilespmem:s9+$0x1D5E0]  }
0x175: {  	v4 =	vadd.s32 v6, v4;
	v6 =	vld [tilespmem:s9+$0x1D5F0];
	v5 =	vadd.s32 v14, v5  }
0x176: {  	v4 =	vadd.s32 v7, v4;
	v5 =	vadd.s32 v10, v5  }
0x177: {  	(xrf0) =	vadd.scan.msk.s32 $0xffff, v4;
	v4 =	vadd.s32 v11, v5  }
0x178: {  	v4 =	vadd.s32 v9, v4  }
0x179: {  	v4 =	vadd.s32 v8, v4  }
0x17a: {  	v4 =	vadd.s32 v6, v4  }
0x17b: {  	(xrf0) =	vadd.scan.msk.s32 $0xffff, v4;
	_ =	sdelay $0x1  }
0x17c: {  	v4, _, _ =	vpop (xrf0)  }
0x17d: {  	(v2sf) =	vpush v4, $0xF;
	_ =	sdelay $0x2  }
0x17e: {  	v4, _, _ =	vpop (xrf0)  }
0x17f: {  	(v2sf) =	vpush v4, $0xF;
	_ =	sdelay $0x6  }
0x180: {  	s28 =	spop (v2sf)  }
0x181: {  	s9 =	sadd.s32 s0, s28  }
0x182: {  	p1 =	seq.s32 s8, $0x0;
	p2 =	sgt.s32 s9, $0x1AFFF  }
0x183: {  	p1 =	por !p1, !p2  }
0x184: {  	p1 =	por !p1, !p1;
	s11 =	spop (v2sf)  }
0x185: {  	s8 =	simm.s32 @p1 $0x1;
	s11 =	sadd.s32 s9, s11  }
0x186: {  	p5 =	seq.s32 s8, $0x0;
	p3 =	sgt.s32 s11, $0x1AFFF  }
0x187: {  	p2 =	por !p5, !p3  }
0x188: {  	p2 =	por !p2, !p2;
	s12 =	spop (v2sf)  }
0x189: {  	s8 =	simm.s32 @p2 $0x1;
	s12 =	sadd.s32 s11, s12  }
0x18a: {  	s4 =	sadd.s32 $0xFFFFFFFF, s4;
	p6 =	seq.s32 s8, $0x0;
	p4 =	sgt.s32 s12, $0x1AFFF  }
0x18b: {  	s10 =	smov.u32 @p1 s4;
	s4 =	sadd.s32 $0xFFFFFFFF, s4;
	p3 =	por !p6, !p4  }
0x18c: {  	s10 =	smov.u32 @p2 s4;
	s4 =	sadd.s32 $0xFFFFFFFF, s4;
	p3 =	por !p3, !p3  }
0x18d: {  	s10 =	smov.u32 @p3 s4  }
0x18e: {  	s4 =	sshll.u32 s10, $0x8  }
0x18f: {  	s4 =	sand.u32 $0x3FFFFF00, s4  }
0x190: {  	v16 =	vld [tilespmem:s4+$0x156F0]  }
0x191: {  	v17 =	vld [tilespmem:s4+$0x156E0]  }
0x192: {  	v18 =	vld [tilespmem:s4+$0x156D0]  }
0x193: {  	v19 =	vld [tilespmem:s4+$0x156C0]  }
0x194: {  	v15 =	vld [tilespmem:s4+$0x156B0]  }
0x195: {  	v14 =	vld [tilespmem:s4+$0x156A0]  }
0x196: {  	v13 =	vld [tilespmem:s4+$0x15690]  }
0x197: {  	v12 =	vld [tilespmem:s4+$0x15680]  }
0x198: {  	v11 =	vld [tilespmem:s4+$0x15670]  }
0x199: {  	v10 =	vld [tilespmem:s4+$0x15660]  }
0x19a: {  	v9 =	vld [tilespmem:s4+$0x15650]  }
0x19b: {  	v8 =	vld [tilespmem:s4+$0x15640]  }
0x19c: {  	v7 =	vld [tilespmem:s4+$0x15630]  }
0x19d: {  	v6 =	vld [tilespmem:s4+$0x15620]  }
0x19e: {  	s29 =	rddreg [dreg:$0x8];
	v5 =	vld [tilespmem:s4+$0x15610]  }
0x19f: {  	v4 =	vld [tilespmem:s4+$0x15600];
	[tilespmem:s19], [sflag:$0x1] =	stream.linear.gather [hbm4b:s29+s3], $0x1B00, $0x38  }
0x1a0: {  	s31 =	rddreg [dreg:$0xa];
	s4 =	simm.s32 $0x15640  }
0x1a1: {  	[tilespmem:s24], [sflag:$0x2] =	stream.linear.gather [hbm4b:s31+s3], $0x1B00, $0x38;
	[tilespmem:$0x1D600] =	vst v63  }
0x1a2: {  	[tilespmem:s4+$0xFFFFFFC0] =	vst v0  }
0x1a3: {  	[tilespmem:s4+$0x30] =	vst v0  }
0x1a4: {  	[tilespmem:s4+$0x20] =	vst v0  }
0x1a5: {  	s30 =	smov.u32 @p0 s1;
	[tilespmem:s4+$0x10] =	vst v0  }
0x1a6: {  	s30 =	smov.u32 @p1 s0;
	[tilespmem:s4+$0x0] =	vst v0  }
0x1a7: {  	s30 =	smov.u32 @p2 s9;
	[tilespmem:s4+$0xFFFFFFF0] =	vst v0  }
0x1a8: {  	s0 =	simm.s32 $0x0;
	s30 =	smov.u32 @p3 s11;
	[tilespmem:s4+$0xFFFFFFE0] =	vst v0  }
.LBB2_12:
0x1a9: {  	s0 =	sadd.s32 $0x8, s0;
	[tilespmem:s4+$0xFFFFFFD0] =	vst v0;
	s4 =	sadd.s32 $0x80, s4  }
0x1aa: {  	[tilespmem:s4+$0xFFFFFFC0] =	vst v0;
	p0 =	slt.u32 s0, $0x7F8  }
0x1ab: {  	[tilespmem:s4+$0x30] =	vst v0  }
.Ltmp5:
0x1ac: {  	[tilespmem:s4+$0x20] =	vst v0;
	(pc) =	sbr.rel @p0 .LBB2_12-.Ltmp5, $4  }
0x1ad: {  	[tilespmem:s4+$0x10] =	vst v0  }
0x1ae: {  	[tilespmem:s4+$0x0] =	vst v0  }
0x1af: {  	[tilespmem:s4+$0xFFFFFFF0] =	vst v0  }
0x1b0: {  	[tilespmem:s4+$0xFFFFFFE0] =	vst v0  }
0x1b1: {  	(xrf0) =	vadd.scan.msk.s32 $0xffff, v16  }
0x1b2: {  	(xrf0) =	vadd.scan.msk.s32 $0xffff, v17  }
0x1b3: {  	(xrf0) =	vadd.scan.msk.s32 $0xffff, v18;
	_ =	sdelay $0x1  }
0x1b4: {  	(xrf0) =	vadd.scan.msk.s32 $0xffff, v19;
	_ =	sdelay $0x1  }
0x1b5: {  	v16, _, _ =	vpop (xrf0)  }
0x1b6: {  	(xrf0) =	vadd.scan.msk.s32 $0xffff, v15;
	v54, _, _ =	vpop (xrf0);
	(v2sf) =	vpush v16, $0xF  }
0x1b7: {  	(xrf0) =	vadd.scan.msk.s32 $0xffff, v14;
	(v2sf) =	vpush v54, $0xF;
	v55, _, _ =	vpop (xrf0)  }
0x1b8: {  	(v2sf) =	vpush v55, $0xF  }
0x1b9: {  	(xrf0) =	vadd.scan.msk.s32 $0xffff, v13;
	v56, _, _ =	vpop (xrf0)  }
0x1ba: {  	(v2sf) =	vpush v56, $0xF;
	_ =	sdelay $0x1  }
0x1bb: {  	v57, _, _ =	vpop (xrf0)  }
0x1bc: {  	(v2sf) =	vpush v57, $0xF;
	v58, _, _ =	vpop (xrf0)  }
0x1bd: {  	(xrf0) =	vadd.scan.msk.s32 $0xffff, v12;
	(v2sf) =	vpush v58, $0xF  }
0x1be: {  	v59, _, _ =	vpop (xrf0)  }
0x1bf: {  	(xrf0) =	vadd.scan.msk.s32 $0xffff, v11;
	(v2sf) =	vpush v59, $0xF;
	_ =	sdelay $0x2  }
0x1c0: {  	(xrf0) =	vadd.scan.msk.s32 $0xffff, v10  }
0x1c1: {  	v60, _, _ =	vpop (xrf0)  }
0x1c2: {  	(v2sf) =	vpush v60, $0xF;
	s0 =	spop (v2sf)  }
0x1c3: {  	v61, _, _ =	vpop (xrf0);
	s31 =	sadd.s32 s30, s0;
	s6 =	spop (v2sf)  }
0x1c4: {  	(v2sf) =	vpush v61, $0xF;
	s8 =	spop (v2sf);
	s1 =	sadd.s32 s6, s31  }
0x1c5: {  	p6 =	sgt.s32 s31, $0x1AFFF;
	p0 =	sgt.s32 s1, $0x1AFFF;
	s0 =	sadd.s32 s8, s1  }
0x1c6: {  	(xrf0) =	vadd.scan.msk.s32 $0xffff, v9;
	v62, _, _ =	vpop (xrf0);
	s9 =	spop (v2sf);
	p1 =	por p6, p0;
	p4 =	slt.s32 s0, $0x1B000  }
0x1c7: {  	(v2sf) =	vpush v62, $0xF;
	p3 =	sgt.s32 s0, $0x1AFFF;
	s9 =	sadd.s32 s9, s0;
	p2 =	por p4, p1  }
0x1c8: {  	(xrf0) =	vadd.scan.msk.s32 $0xffff, v8;
	p1 =	por p1, p3;
	p3 =	sgt.s32 s9, $0x1AFFF;
	p5 =	slt.s32 s9, $0x1B000  }
0x1c9: {  	s11 =	spop (v2sf);
	p4 =	por p5, p1;
	p1 =	por p1, p3  }
0x1ca: {  	s6 =	simm.s32 @!p4 $0x0;
	s18 =	sadd.s32 s11, s9;
	s12 =	spop (v2sf)  }
0x1cb: {  	s6 =	simm.s32 @p4 $0x1;
	p3 =	sgt.s32 s18, $0x1AFFF;
	p5 =	slt.s32 s18, $0x1B000  }
0x1cc: {  	v63, _, _ =	vpop (xrf0);
	s8 =	sadd.s32 s12, s18;
	s11 =	spop (v2sf);
	[smem:$0x7F6] =	sst s6  }
0x1cd: {  	(v2sf) =	vpush v63, $0xF;
	p4 =	por p5, p1;
	p1 =	por p1, p3;
	p3 =	sgt.s32 s8, $0x1AFFF  }
0x1ce: {  	(xrf0) =	vadd.scan.msk.s32 $0xffff, v7;
	v7, _, _ =	vpop (xrf0);
	p5 =	slt.s32 s8, $0x1B000;
	s25 =	sadd.s32 s11, s8;
	s6 =	simm.s32 @!p4 $0x0  }
0x1cf: {  	(xrf0) =	vadd.scan.msk.s32 $0xffff, v6;
	(v2sf) =	vpush v7, $0xF;
	s6 =	simm.s32 @p4 $0x1;
	p4 =	por p5, p1;
	p1 =	por p1, p3  }
0x1d0: {  	p3 =	sgt.s32 s25, $0x1AFFF;
	[smem:$0x7F7] =	sst s6;
	s6 =	simm.s32 @!p4 $0x0  }
0x1d1: {  	p5 =	slt.s32 s25, $0x1B000;
	s13 =	spop (v2sf);
	s6 =	simm.s32 @p4 $0x1  }
0x1d2: {  	p4 =	por p5, p1;
	p1 =	por p1, p3;
	s26 =	sadd.s32 s13, s25  }
0x1d3: {  	s14 =	spop (v2sf);
	s13 =	simm.s32 $0xE;
	[smem:$0x7F4] =	sst s6  }
0x1d4: {  	(xrf0) =	vadd.scan.msk.s32 $0xffff, v5;
	v5, _, _ =	vpop (xrf0);
	s6 =	simm.s32 @!p4 $0x0;
	p3 =	sgt.s32 s26, $0x1AFFF;
	p5 =	slt.s32 s26, $0x1B000  }
0x1d5: {  	(xrf0) =	vadd.scan.msk.s32 $0xffff, v4;
	(v2sf) =	vpush v5, $0xF;
	v4, _, _ =	vpop (xrf0);
	s14 =	sadd.s32 s14, s26;
	s13 =	simm.s32 @!p0 $0x0;
	s6 =	simm.s32 @p4 $0x1  }
0x1d6: {  	(v2sf) =	vpush v4, $0xF;
	p4 =	por p5, p1;
	p1 =	por p1, p3;
	s17 =	spop (v2sf)  }
0x1d7: {  	p3 =	sgt.s32 s14, $0x1AFFF;
	p5 =	slt.s32 s14, $0x1B000;
	s22 =	sld [smem:$0x7F4]  }
0x1d8: {  	s13 =	simm.s32 @p6 $0xF;
	[smem:$0x7F8] =	sst s6;
	s6 =	simm.s32 @!p4 $0x0  }
0x1d9: {  	p5 =	por p5, p1;
	p1 =	por p1, p3;
	s12 =	sadd.s32 s17, s14  }
0x1da: {  	s13 =	simm.s32 @!p2 $0xD;
	s6 =	simm.s32 @p4 $0x1;
	s11 =	sld [smem:$0x7F8]  }
0x1db: {  	v5, _, _ =	vpop (xrf0);
	p4 =	slt.s32 s12, $0x1B000;
	[smem:$0x7F9] =	sst s6;
	s6 =	simm.s32 @!p0 $0x0  }
0x1dc: {  	(v2sf) =	vpush v5, $0xF;
	s19 =	spop (v2sf);
	p4 =	por p4, p1;
	s6 =	simm.s32 @p0 $0x1  }
0x1dd: {  	v4, _, _ =	vpop (xrf0);
	p0 =	sgt.s32 s12, $0x1AFFF;
	s28 =	sadd.s32 s19, s12;
	s19 =	sld [smem:$0x7F6]  }
0x1de: {  	(v2sf) =	vpush v4, $0xF;
	s17 =	spop (v2sf);
	[smem:$0x7F2] =	sst s6;
	p1 =	por p1, p0  }
0x1df: {  	s6 =	simm.s32 @!p6 $0x0;
	p0 =	seq.s32 s22, $0x1;
	s22 =	sld [smem:$0x7F7]  }
0x1e0: {  	s29 =	sadd.s32 s17, s28;
	s17 =	sld [smem:$0x7F9];
	s6 =	simm.s32 @p6 $0x1  }
0x1e1: {  	p6 =	slt.s32 s28, $0x1B000;
	[smem:$0x7F3] =	sst s6;
	s6 =	simm.s32 @!p2 $0x0  }
0x1e2: {  	p6 =	por p6, p1;
	s6 =	simm.s32 @p2 $0x1;
	p2 =	seq.s32 s19, $0x1  }
0x1e3: {  	[smem:$0x7F5] =	sst s6;
	s13 =	simm.s32 @!p2 $0xC;
	p2 =	sgt.s32 s28, $0x1AFFF  }
0x1e4: {  	s6 =	spop (v2sf);
	p1 =	por p1, p2;
	p2 =	seq.s32 s22, $0x1  }
0x1e5: {  	s19 =	sadd.s32 s6, s29;
	s22 =	spop (v2sf);
	s6 =	simm.s32 @!p5 $0x0  }
0x1e6: {  	s13 =	simm.s32 @!p2 $0xB;
	p2 =	slt.s32 s29, $0x1B000;
	p3 =	slt.s32 s19, $0x1B000  }
0x1e7: {  	s6 =	simm.s32 @p5 $0x1;
	s22 =	sadd.s32 s22, s19;
	s13 =	simm.s32 @!p0 $0xA  }
0x1e8: {  	p2 =	por p2, p1;
	p0 =	sgt.s32 s29, $0x1AFFF;
	[smem:$0x7FA] =	sst s6  }
0x1e9: {  	s6 =	simm.s32 @!p4 $0x0;
	p1 =	por p1, p0;
	p0 =	seq.s32 s11, $0x1  }
0x1ea: {  	s6 =	simm.s32 @p4 $0x1;
	s13 =	simm.s32 @!p0 $0x9;
	p0 =	seq.s32 s17, $0x1  }
0x1eb: {  	s17 =	spop (v2sf);
	[smem:$0x7FB] =	sst s6;
	s6 =	simm.s32 @!p6 $0x0  }
0x1ec: {  	s13 =	simm.s32 @!p0 $0x8;
	p0 =	por p3, p1;
	p3 =	sgt.s32 s19, $0x1AFFF  }
0x1ed: {  	s17 =	sadd.s32 s17, s22;
	s11 =	spop (v2sf);
	s6 =	simm.s32 @p6 $0x1  }
0x1ee: {  	p1 =	por p1, p3;
	s13 =	simm.s32 @!p5 $0x7;
	[smem:$0x7FC] =	sst s6  }
0x1ef: {  	s11 =	sadd.s32 s11, s17;
	s13 =	simm.s32 @!p4 $0x6;
	p4 =	sgt.s32 s22, $0x1AFFF  }
0x1f0: {  	p3 =	slt.s32 s22, $0x1B000;
	s6 =	simm.s32 @!p2 $0x0;
	p4 =	por p1, p4  }
0x1f1: {  	p5 =	sgt.s32 s11, $0x1AFFF;
	s13 =	simm.s32 @!p6 $0x5;
	p6 =	por !p4, !p4  }
0x1f2: {  	p3 =	por p3, p1;
	s13 =	simm.s32 @!p2 $0x4;
	p5 =	por !p5, !p6  }
0x1f3: {  	s13 =	simm.s32 @!p0 $0x3;
	p6 =	slt.s32 s17, $0x1B000;
	p1 =	por !p5, !p5  }
0x1f4: {  	p4 =	por p6, p4;
	s13 =	simm.s32 @!p3 $0x2;
	p1 =	por !p6, !p1  }
0x1f5: {  	s6 =	simm.s32 @p2 $0x1;
	s13 =	simm.s32 @!p4 $0x1;
	p5 =	por !p1, !p1  }
0x1f6: {  	s10 =	sshll.u32 s10, $0x4;
	[smem:$0x7FD] =	sst s6;
	s13 =	simm.s32 @p5 $0x0  }
0x1f7: {  	[tilespmem:s4+$0xFFFFFFD0] =	vst v0;
	s10 =	sadd.s32 s10, s13  }
0x1f8: {  	p2 =	por p0, p0;
	[dreg:$0xe] =	wrdreg s10;
	v4 =	vmov s10;
	s10 =	simm.s32 $0x0  }
.LBB2_14:
0x1f9: {  	_ =	swait.ge [sflag:s20], $0x1B00  }
0x1fa: {  	[sflag:s20] =	ssyncset.done $0x0  }
0x1fb: {  	s4 =	simm.s32 $0x12040;
	[sflag:s20] =	ssyncadd.s32 $0xFFFFE500  }
0x1fc: {  	v5 =	vld [tilespmem:s4+$0x30]  }
0x1fd: {  	v6 =	vld [tilespmem:s4+$0xFFFFFFD0]  }
0x1fe: {  	v7 =	vld [tilespmem:s4+$0xFFFFFFE0]  }
0x1ff: {  	v9 =	vld [tilespmem:s4+$0x0]  }
0x200: {  	v14 =	vld [tilespmem:s4+$0xFFFFFFC0];
	_ =	sdelay $0x1  }
0x201: {  	v8 =	vld [tilespmem:s4+$0xFFFFFFF0];
	_ =	sdelay $0x1  }
0x202: {  	v11 =	vshra.s32 v5, $0x1F;
	v12 =	vshra.s32 v6, $0x1F;
	v15 =	vshra.s32 v7, $0x1F  }
0x203: {  	v10 =	vld [tilespmem:s4+$0x10];
	v17 =	vshra.s32 v9, $0x1F;
	v18 =	vshra.s32 v14, $0x1F;
	v11 =	vor.u32 $0x80000000, v11  }
0x204: {  	v13 =	vld [tilespmem:s4+$0x20];
	v12 =	vor.u32 $0x80000000, v12;
	v15 =	vor.u32 $0x80000000, v15;
	v18 =	vor.u32 $0x80000000, v18  }
0x205: {  	v5 =	vxor.u32 v5, v11;
	v11 =	vshra.s32 v8, $0x1F;
	v12 =	vxor.u32 v6, v12  }
0x206: {  	v7 =	vxor.u32 v7, v15;
	v16 =	vshrl.u32 v5, $0x6;
	v5 =	vshrl.u32 v5, $0x15  }
0x207: {  	v14 =	vxor.u32 v14, v18;
	vm1 =	veq.s32 v5, v4;
	v5 =	vand.u32 $0x7FF0, v16  }
0x208: {  	v15 =	vshrl.u32 v12, $0x6;
	v16 =	vshra.s32 v10, $0x1F;
	v19 =	vor.u32 v1, v5  }
0x209: {  	v5 =	vor.u32 $0x80000000, v11;
	v11 =	vor.u32 $0x80000000, v17;
	v17 =	vshra.s32 v13, $0x1F  }
0x20a: {  	v18 =	vshrl.u32 v14, $0x15;
	v16 =	vor.u32 $0x80000000, v16;
	v17 =	vor.u32 $0x80000000, v17  }
0x20b: {  	v8 =	vxor.u32 v8, v5;
	v9 =	vxor.u32 v9, v11;
	v11 =	vshrl.u32 v14, $0x6  }
0x20c: {  	v10 =	vxor.u32 v10, v16;
	v16 =	vshrl.u32 v7, $0x6;
	v14 =	vshrl.u32 v12, $0x15  }
0x20d: {  	v5 =	vxor.u32 v13, v17;
	v20 =	vshrl.u32 v8, $0x6;
	v21 =	vshrl.u32 v9, $0x6  }
0x20e: {  	v22 =	vshrl.u32 v10, $0x6;
	v13 =	vand.u32 $0x7FF0, v11;
	v17 =	vand.u32 $0x7FF0, v15  }
0x20f: {  	v11 =	vshrl.u32 v7, $0x15;
	v12 =	vand.u32 $0x7FF0, v16;
	v15 =	vshrl.u32 v8, $0x15  }
0x210: {  	v9 =	vshrl.u32 v9, $0x15;
	v10 =	vshrl.u32 v10, $0x15;
	v6 =	vshrl.u32 v5, $0x6  }
0x211: {  	s11 =	simm.s32 $0x120C0;
	s4 =	simm.s32 $0x0;
	v8 =	vand.u32 $0x7FF0, v20;
	v16 =	vand.u32 $0x7FF0, v21;
	v7 =	vand.u32 $0x7FF0, v22;
	[tilespmem:v19+s21+$0x0] =	vst.idx.add.s32.msk vm1, v2  }
.LBB2_15:
0x212: {  	v19 =	vld [tilespmem:s11+$0x30];
	s4 =	sadd.s32 $0x8, s4;
	vm5 =	veq.s32 v18, v4;
	v5 =	vshrl.u32 v5, $0x15;
	v6 =	vand.u32 $0x7FF0, v6  }
0x213: {  	v13 =	vor.u32 v1, v13;
	vm7 =	veq.s32 v14, v4;
	v14 =	vor.u32 v1, v17;
	v18 =	vld [tilespmem:s11+$0xFFFFFFD0];
	p6 =	slt.u32 s4, $0x1A8  }
0x214: {  	vm6 =	veq.s32 v11, v4;
	v11 =	vor.u32 v1, v12;
	vm4 =	veq.s32 v15, v4;
	v17 =	vld [tilespmem:s11+$0xFFFFFFE0]  }
0x215: {  	v8 =	vor.u32 v1, v8;
	vm3 =	veq.s32 v9, v4;
	v9 =	vor.u32 v1, v16;
	v12 =	vld [tilespmem:s11+$0xFFFFFFF0]  }
0x216: {  	vm2 =	veq.s32 v10, v4;
	v7 =	vor.u32 v1, v7;
	vm1 =	veq.s32 v5, v4;
	v15 =	vld [tilespmem:s11+$0x0]  }
0x217: {  	v6 =	vor.u32 v1, v6;
	v5 =	vld [tilespmem:s11+$0x10];
	v10 =	vshra.s32 v19, $0x1F  }
0x218: {  	v16 =	vshra.s32 v18, $0x1F;
	v20 =	vld [tilespmem:s11+$0x20];
	v10 =	vor.u32 $0x80000000, v10  }
0x219: {  	v21 =	vld [tilespmem:s11+$0xFFFFFFC0];
	v16 =	vor.u32 $0x80000000, v16;
	v22 =	vshra.s32 v17, $0x1F;
	v10 =	vxor.u32 v19, v10  }
0x21a: {  	v19 =	vshra.s32 v12, $0x1F;
	v23 =	vshrl.u32 v10, $0x6;
	v10 =	vshrl.u32 v10, $0x15;
	[tilespmem:v13+s21+$0x0] =	vst.idx.add.s32.msk vm5, v2  }
0x21b: {  	v13 =	vshra.s32 v15, $0x1F;
	vm5 =	veq.s32 v10, v4;
	v10 =	vand.u32 $0x7FF0, v23;
	[tilespmem:v14+s21+$0x0] =	vst.idx.add.s32.msk vm7, v2  }
0x21c: {  	v14 =	vor.u32 $0x80000000, v22;
	v22 =	vshra.s32 v5, $0x1F;
	v10 =	vor.u32 v1, v10;
	[tilespmem:v11+s21+$0x0] =	vst.idx.add.s32.msk vm6, v2  }
0x21d: {  	v11 =	vor.u32 $0x80000000, v19;
	v13 =	vor.u32 $0x80000000, v13;
	v19 =	vshra.s32 v20, $0x1F;
	[tilespmem:v8+s21+$0x0] =	vst.idx.add.s32.msk vm4, v2  }
0x21e: {  	v22 =	vor.u32 $0x80000000, v22;
	v8 =	vshra.s32 v21, $0x1F;
	v19 =	vor.u32 $0x80000000, v19;
	[tilespmem:v9+s21+$0x0] =	vst.idx.add.s32.msk vm3, v2  }
0x21f: {  	v9 =	vxor.u32 v18, v16;
	v16 =	vxor.u32 v17, v14;
	v8 =	vor.u32 $0x80000000, v8;
	[tilespmem:v7+s21+$0x0] =	vst.idx.add.s32.msk vm2, v2  }
0x220: {  	v7 =	vxor.u32 v21, v8;
	v8 =	vxor.u32 v12, v11;
	v21 =	vxor.u32 v15, v13  }
0x221: {  	v22 =	vxor.u32 v5, v22;
	v5 =	vxor.u32 v20, v19;
	v11 =	vshrl.u32 v7, $0x6;
	[tilespmem:v10+s21+$0x0] =	vst.idx.add.s32.msk vm5, v2  }
0x222: {  	v12 =	vshrl.u32 v16, $0x6;
	v10 =	vshrl.u32 v9, $0x6;
	v19 =	vshrl.u32 v8, $0x6;
	[tilespmem:v6+s21+$0x0] =	vst.idx.add.s32.msk vm1, v2  }
.Ltmp6:
0x223: {  	v23 =	vshrl.u32 v22, $0x6;
	v20 =	vshrl.u32 v21, $0x6;
	v6 =	vshrl.u32 v5, $0x6;
	(pc) =	sbr.rel @p6 .LBB2_15-.Ltmp6, $4  }
0x224: {  	v14 =	vshrl.u32 v9, $0x15;
	v18 =	vshrl.u32 v7, $0x15;
	v13 =	vand.u32 $0x7FF0, v11  }
0x225: {  	v12 =	vand.u32 $0x7FF0, v12;
	v17 =	vand.u32 $0x7FF0, v10;
	v11 =	vshrl.u32 v16, $0x15  }
0x226: {  	v15 =	vshrl.u32 v8, $0x15;
	v9 =	vshrl.u32 v21, $0x15;
	v8 =	vand.u32 $0x7FF0, v19  }
0x227: {  	s11 =	sadd.s32 $0x80, s11;
	v7 =	vand.u32 $0x7FF0, v23;
	v16 =	vand.u32 $0x7FF0, v20;
	v10 =	vshrl.u32 v22, $0x15  }
0x228: {  	vm1 =	veq.s32 v18, v4  }
0x229: {  	v13 =	vor.u32 v1, v13;
	vm2 =	veq.s32 v14, v4  }
0x22a: {  	v14 =	vor.u32 v1, v17;
	vm3 =	veq.s32 v11, v4  }
0x22b: {  	v11 =	vor.u32 v1, v12;
	vm4 =	veq.s32 v15, v4  }
0x22c: {  	v8 =	vor.u32 v1, v8;
	vm5 =	veq.s32 v9, v4  }
0x22d: {  	v5 =	vshrl.u32 v5, $0x15;
	v9 =	vor.u32 v1, v16;
	vm6 =	veq.s32 v10, v4  }
0x22e: {  	v6 =	vand.u32 $0x7FF0, v6;
	v7 =	vor.u32 v1, v7;
	vm7 =	veq.s32 v5, v4;
	[tilespmem:v13+s21+$0x0] =	vst.idx.add.s32.msk vm1, v2  }
0x22f: {  	p6 =	seq.s32 s10, $0xF;
	v5 =	vor.u32 v1, v6;
	[tilespmem:v14+s21+$0x0] =	vst.idx.add.s32.msk vm2, v2  }
0x230: {  	s4 =	smul.u32 @!p6 $0x3600, s10;
	[tilespmem:v11+s21+$0x0] =	vst.idx.add.s32.msk vm3, v2  }
0x231: {  	[tilespmem:v8+s21+$0x0] =	vst.idx.add.s32.msk vm4, v2  }
0x232: {  	s4 =	sadd.s32 @!p6 s4, s15;
	[tilespmem:v9+s21+$0x0] =	vst.idx.add.s32.msk vm5, v2  }
0x233: {  	s4 =	sshrl.u32 @!p6 s4, $0x3;
	[tilespmem:v7+s21+$0x0] =	vst.idx.add.s32.msk vm6, v2  }
0x234: {  	s11 =	simm.s32 @!p6 $0x0;
	s13 =	simm.s32 @!p6 $0x12000;
	s4 =	sadd.s32 @!p6 s2, s4;
	[tilespmem:v5+s21+$0x0] =	vst.idx.add.s32.msk vm7, v2  }
0x235: {  	[tilespmem:s13], [sflag:$0x1] =	stream.linear.gather @!p6 [hbm4b:s4+s11], $0x1B00, $0x38;
	[tilespmem:$0x1D600] =	vst v63  }
0x236: {  	_ =	swait.ge [sflag:s23], $0x1B00  }
0x237: {  	[sflag:s23] =	ssyncset.done $0x0  }
0x238: {  	s13 =	simm.s32 $0x13B40;
	[sflag:s23] =	ssyncadd.s32 $0xFFFFE500  }
0x239: {  	v5 =	vld [tilespmem:s13+$0x30]  }
0x23a: {  	v6 =	vld [tilespmem:s13+$0xFFFFFFD0]  }
0x23b: {  	v7 =	vld [tilespmem:s13+$0xFFFFFFE0]  }
0x23c: {  	v9 =	vld [tilespmem:s13+$0x0]  }
0x23d: {  	v14 =	vld [tilespmem:s13+$0xFFFFFFC0];
	_ =	sdelay $0x1  }
0x23e: {  	v8 =	vld [tilespmem:s13+$0xFFFFFFF0];
	_ =	sdelay $0x1  }
0x23f: {  	v11 =	vshra.s32 v5, $0x1F;
	v12 =	vshra.s32 v6, $0x1F;
	v15 =	vshra.s32 v7, $0x1F  }
0x240: {  	v10 =	vld [tilespmem:s13+$0x10];
	v17 =	vshra.s32 v9, $0x1F;
	v18 =	vshra.s32 v14, $0x1F;
	v11 =	vor.u32 $0x80000000, v11  }
0x241: {  	v13 =	vld [tilespmem:s13+$0x20];
	v12 =	vor.u32 $0x80000000, v12;
	v15 =	vor.u32 $0x80000000, v15;
	v18 =	vor.u32 $0x80000000, v18  }
0x242: {  	v5 =	vxor.u32 v5, v11;
	v11 =	vshra.s32 v8, $0x1F;
	v12 =	vxor.u32 v6, v12  }
0x243: {  	v7 =	vxor.u32 v7, v15;
	v16 =	vshrl.u32 v5, $0x6;
	v5 =	vshrl.u32 v5, $0x15  }
0x244: {  	v14 =	vxor.u32 v14, v18;
	vm1 =	veq.s32 v5, v4;
	v5 =	vand.u32 $0x7FF0, v16  }
0x245: {  	v15 =	vshrl.u32 v12, $0x6;
	v16 =	vshra.s32 v10, $0x1F;
	v19 =	vor.u32 v1, v5  }
0x246: {  	v5 =	vor.u32 $0x80000000, v11;
	v11 =	vor.u32 $0x80000000, v17;
	v17 =	vshra.s32 v13, $0x1F  }
0x247: {  	v18 =	vshrl.u32 v14, $0x15;
	v16 =	vor.u32 $0x80000000, v16;
	v17 =	vor.u32 $0x80000000, v17  }
0x248: {  	v8 =	vxor.u32 v8, v5;
	v9 =	vxor.u32 v9, v11;
	v11 =	vshrl.u32 v14, $0x6  }
0x249: {  	v10 =	vxor.u32 v10, v16;
	v16 =	vshrl.u32 v7, $0x6;
	v14 =	vshrl.u32 v12, $0x15  }
0x24a: {  	v5 =	vxor.u32 v13, v17;
	v20 =	vshrl.u32 v8, $0x6;
	v21 =	vshrl.u32 v9, $0x6  }
0x24b: {  	v22 =	vshrl.u32 v10, $0x6;
	v13 =	vand.u32 $0x7FF0, v11;
	v17 =	vand.u32 $0x7FF0, v15  }
0x24c: {  	v11 =	vshrl.u32 v7, $0x15;
	v12 =	vand.u32 $0x7FF0, v16;
	v15 =	vshrl.u32 v8, $0x15  }
0x24d: {  	v9 =	vshrl.u32 v9, $0x15;
	v10 =	vshrl.u32 v10, $0x15;
	v6 =	vshrl.u32 v5, $0x6  }
0x24e: {  	s4 =	simm.s32 $0x0;
	s11 =	simm.s32 $0x13BC0;
	v8 =	vand.u32 $0x7FF0, v20;
	v16 =	vand.u32 $0x7FF0, v21;
	v7 =	vand.u32 $0x7FF0, v22;
	[tilespmem:v19+s21+$0x0] =	vst.idx.add.s32.msk vm1, v2  }
.LBB2_17:
0x24f: {  	v19 =	vld [tilespmem:s11+$0x30];
	s4 =	sadd.s32 $0x8, s4;
	vm5 =	veq.s32 v18, v4;
	v5 =	vshrl.u32 v5, $0x15;
	v6 =	vand.u32 $0x7FF0, v6  }
0x250: {  	v13 =	vor.u32 v1, v13;
	vm7 =	veq.s32 v14, v4;
	v14 =	vor.u32 v1, v17;
	v18 =	vld [tilespmem:s11+$0xFFFFFFD0];
	p1 =	slt.u32 s4, $0x1A8  }
0x251: {  	vm6 =	veq.s32 v11, v4;
	v11 =	vor.u32 v1, v12;
	vm4 =	veq.s32 v15, v4;
	v17 =	vld [tilespmem:s11+$0xFFFFFFE0]  }
0x252: {  	v8 =	vor.u32 v1, v8;
	vm3 =	veq.s32 v9, v4;
	v9 =	vor.u32 v1, v16;
	v12 =	vld [tilespmem:s11+$0xFFFFFFF0]  }
0x253: {  	vm2 =	veq.s32 v10, v4;
	v7 =	vor.u32 v1, v7;
	vm1 =	veq.s32 v5, v4;
	v15 =	vld [tilespmem:s11+$0x0]  }
0x254: {  	v6 =	vor.u32 v1, v6;
	v5 =	vld [tilespmem:s11+$0x10];
	v10 =	vshra.s32 v19, $0x1F  }
0x255: {  	v16 =	vshra.s32 v18, $0x1F;
	v20 =	vld [tilespmem:s11+$0x20];
	v10 =	vor.u32 $0x80000000, v10  }
0x256: {  	v21 =	vld [tilespmem:s11+$0xFFFFFFC0];
	v16 =	vor.u32 $0x80000000, v16;
	v22 =	vshra.s32 v17, $0x1F;
	v10 =	vxor.u32 v19, v10  }
0x257: {  	v19 =	vshra.s32 v12, $0x1F;
	v23 =	vshrl.u32 v10, $0x6;
	v10 =	vshrl.u32 v10, $0x15;
	[tilespmem:v13+s21+$0x0] =	vst.idx.add.s32.msk vm5, v2  }
0x258: {  	v13 =	vshra.s32 v15, $0x1F;
	vm5 =	veq.s32 v10, v4;
	v10 =	vand.u32 $0x7FF0, v23;
	[tilespmem:v14+s21+$0x0] =	vst.idx.add.s32.msk vm7, v2  }
0x259: {  	v14 =	vor.u32 $0x80000000, v22;
	v22 =	vshra.s32 v5, $0x1F;
	v10 =	vor.u32 v1, v10;
	[tilespmem:v11+s21+$0x0] =	vst.idx.add.s32.msk vm6, v2  }
0x25a: {  	v11 =	vor.u32 $0x80000000, v19;
	v13 =	vor.u32 $0x80000000, v13;
	v19 =	vshra.s32 v20, $0x1F;
	[tilespmem:v8+s21+$0x0] =	vst.idx.add.s32.msk vm4, v2  }
0x25b: {  	v22 =	vor.u32 $0x80000000, v22;
	v8 =	vshra.s32 v21, $0x1F;
	v19 =	vor.u32 $0x80000000, v19;
	[tilespmem:v9+s21+$0x0] =	vst.idx.add.s32.msk vm3, v2  }
0x25c: {  	v9 =	vxor.u32 v18, v16;
	v16 =	vxor.u32 v17, v14;
	v8 =	vor.u32 $0x80000000, v8;
	[tilespmem:v7+s21+$0x0] =	vst.idx.add.s32.msk vm2, v2  }
0x25d: {  	v7 =	vxor.u32 v21, v8;
	v8 =	vxor.u32 v12, v11;
	v21 =	vxor.u32 v15, v13  }
0x25e: {  	v22 =	vxor.u32 v5, v22;
	v5 =	vxor.u32 v20, v19;
	v11 =	vshrl.u32 v7, $0x6;
	[tilespmem:v10+s21+$0x0] =	vst.idx.add.s32.msk vm5, v2  }
0x25f: {  	v12 =	vshrl.u32 v16, $0x6;
	v10 =	vshrl.u32 v9, $0x6;
	v19 =	vshrl.u32 v8, $0x6;
	[tilespmem:v6+s21+$0x0] =	vst.idx.add.s32.msk vm1, v2  }
.Ltmp7:
0x260: {  	v23 =	vshrl.u32 v22, $0x6;
	v20 =	vshrl.u32 v21, $0x6;
	v6 =	vshrl.u32 v5, $0x6;
	(pc) =	sbr.rel @p1 .LBB2_17-.Ltmp7, $4  }
0x261: {  	v14 =	vshrl.u32 v9, $0x15;
	v18 =	vshrl.u32 v7, $0x15;
	v13 =	vand.u32 $0x7FF0, v11  }
0x262: {  	v12 =	vand.u32 $0x7FF0, v12;
	v17 =	vand.u32 $0x7FF0, v10;
	v11 =	vshrl.u32 v16, $0x15  }
0x263: {  	v15 =	vshrl.u32 v8, $0x15;
	v9 =	vshrl.u32 v21, $0x15;
	v8 =	vand.u32 $0x7FF0, v19  }
0x264: {  	s11 =	sadd.s32 $0x80, s11;
	v7 =	vand.u32 $0x7FF0, v23;
	v16 =	vand.u32 $0x7FF0, v20;
	v10 =	vshrl.u32 v22, $0x15  }
0x265: {  	vm1 =	veq.s32 v18, v4  }
0x266: {  	v13 =	vor.u32 v1, v13;
	vm2 =	veq.s32 v14, v4  }
0x267: {  	v61 =	vor.u32 v1, v17;
	vm3 =	veq.s32 v11, v4  }
0x268: {  	v62 =	vor.u32 v1, v12;
	vm4 =	veq.s32 v15, v4  }
0x269: {  	v8 =	vor.u32 v1, v8;
	vm5 =	veq.s32 v9, v4  }
0x26a: {  	v5 =	vshrl.u32 v5, $0x15;
	v63 =	vor.u32 v1, v16;
	vm6 =	veq.s32 v10, v4  }
0x26b: {  	v6 =	vand.u32 $0x7FF0, v6;
	v7 =	vor.u32 v1, v7;
	vm7 =	veq.s32 v5, v4;
	[tilespmem:v13+s21+$0x0] =	vst.idx.add.s32.msk vm1, v2  }
0x26c: {  	v5 =	vor.u32 v1, v6;
	[tilespmem:v61+s21+$0x0] =	vst.idx.add.s32.msk vm2, v2  }
.Ltmp8:
0x26d: {  	[tilespmem:v62+s21+$0x0] =	vst.idx.add.s32.msk vm3, v2;
	(pc) =	sbr.rel @p6 .LBB2_20-.Ltmp8, $4  }
0x26e: {  	[tilespmem:v8+s21+$0x0] =	vst.idx.add.s32.msk vm4, v2  }
0x26f: {  	[tilespmem:v63+s21+$0x0] =	vst.idx.add.s32.msk vm5, v2  }
0x270: {  	[tilespmem:v7+s21+$0x0] =	vst.idx.add.s32.msk vm6, v2  }
0x271: {  	[tilespmem:v5+s21+$0x0] =	vst.idx.add.s32.msk vm7, v2  }
0x272: {  	s4 =	smul.u32 $0x3600, s10  }
.Ltmp9:
0x273: {  	_ = 	snop;
	(pc) =	sbr.rel .LBB2_14-.Ltmp9, $4  }
0x274: {  	s4 =	sadd.s32 s4, s16  }
0x275: {  	s4 =	sshrl.u32 s4, $0x3  }
0x276: {  	s10 =	sadd.s32 $0x1, s10;
	s4 =	sadd.s32 s2, s4  }
0x277: {  	[tilespmem:s24], [sflag:$0x2] =	stream.linear.gather [hbm4b:s4+s3], $0x1B00, $0x38;
	[tilespmem:$0x1D600] =	vst v63  }
.LBB2_20:
0x278: {  	s4 =	simm.s32 $0x0  }
0x279: {  	v4 =	vld [tilespmem:s4+$0x1D500]  }
0x27a: {  	s6 =	sld [smem:$0x7F2];
	v5 =	vld [tilespmem:s4+$0x1D510]  }
0x27b: {  	s13 =	sld [smem:$0x7F3];
	v6 =	vld [tilespmem:s4+$0x1D520]  }
0x27c: {  	s10 =	sld [smem:$0x7F5];
	v7 =	vld [tilespmem:s4+$0x1D530]  }
0x27d: {  	s11 =	sld [smem:$0x7F6];
	v8 =	vld [tilespmem:s4+$0x1D540];
	p0 =	seq.s32 s6, $0x1  }
0x27e: {  	v9 =	vld [tilespmem:s4+$0x1D550];
	s31 =	simm.s32 @!p0 $0x0;
	p0 =	seq.s32 s13, $0x1  }
0x27f: {  	s31 =	smov.u32 @p0 s30;
	p0 =	seq.s32 s10, $0x1;
	v4 =	vadd.s32 v4, v5;
	v5 =	vld [tilespmem:s4+$0x1D560]  }
0x280: {  	s1 =	smov.u32 @p0 s31;
	p0 =	seq.s32 s11, $0x1;
	v4 =	vadd.s32 v6, v4;
	v6 =	vld [tilespmem:s4+$0x1D570]  }
0x281: {  	s0 =	smov.u32 @p0 s1;
	s1 =	simm.s32 $0xFFFFFE00;
	v4 =	vadd.s32 v7, v4;
	v7 =	vld [tilespmem:s4+$0x1D580]  }
0x282: {  	v62 =	vld [tilespmem:s1+$0x1D510]  }
0x283: {  	v4 =	vadd.s32 v8, v4;
	v8 =	vld [tilespmem:s4+$0x1D590]  }
0x284: {  	v4 =	vadd.s32 v9, v4;
	v9 =	vld [tilespmem:s4+$0x1D5A0]  }
0x285: {  	v4 =	vadd.s32 v5, v4;
	v5 =	vld [tilespmem:s4+$0x1D5B0]  }
0x286: {  	v4 =	vadd.s32 v6, v4;
	v6 =	vld [tilespmem:s4+$0x1D5C0]  }
0x287: {  	v4 =	vadd.s32 v7, v4;
	v7 =	vld [tilespmem:s4+$0x1D5D0]  }
0x288: {  	v4 =	vadd.s32 v8, v4;
	v8 =	vld [tilespmem:s4+$0x1D5E0]  }
0x289: {  	v4 =	vadd.s32 v9, v4;
	v9 =	vld [tilespmem:s4+$0x1D5F0];
	s4 =	simm.s32 $0xFFFFFF00  }
0x28a: {  	v4 =	vadd.s32 v5, v4;
	v5 =	vld [tilespmem:s4+$0x1D500]  }
0x28b: {  	v4 =	vadd.s32 v6, v4;
	v6 =	vld [tilespmem:s4+$0x1D510]  }
0x28c: {  	v4 =	vadd.s32 v7, v4;
	v7 =	vld [tilespmem:s4+$0x1D520]  }
0x28d: {  	v4 =	vadd.s32 v8, v4;
	v8 =	vld [tilespmem:s4+$0x1D530]  }
0x28e: {  	v4 =	vadd.s32 v9, v4;
	v9 =	vld [tilespmem:s4+$0x1D540]  }
0x28f: {  	(xrf0) =	vadd.scan.msk.s32 $0xffff, v4;
	v4 =	vld [tilespmem:s4+$0x1D550]  }
0x290: {  	v10 =	vld [tilespmem:s4+$0x1D560];
	v5 =	vadd.s32 v5, v6  }
0x291: {  	v11 =	vld [tilespmem:s4+$0x1D570];
	v5 =	vadd.s32 v7, v5  }
0x292: {  	v12 =	vld [tilespmem:s4+$0x1D580];
	v5 =	vadd.s32 v8, v5  }
0x293: {  	s13 =	sld [smem:$0x7F7];
	v13 =	vld [tilespmem:s4+$0x1D590];
	v5 =	vadd.s32 v9, v5  }
0x294: {  	s6 =	sld [smem:$0x7F4];
	v6 =	vld [tilespmem:s4+$0x1D5A0];
	v4 =	vadd.s32 v4, v5  }
0x295: {  	s10 =	sld [smem:$0x7F8];
	v7 =	vld [tilespmem:s4+$0x1D5B0];
	v14, _, _ =	vpop (xrf0);
	v4 =	vadd.s32 v10, v4  }
0x296: {  	p0 =	seq.s32 s13, $0x1;
	v8 =	vld [tilespmem:s4+$0x1D5C0];
	(v2sf) =	vpush v14, $0xF;
	v4 =	vadd.s32 v11, v4  }
0x297: {  	s11 =	sld [smem:$0x7F9];
	s9 =	smov.u32 @p0 s0;
	p0 =	seq.s32 s6, $0x1;
	v9 =	vld [tilespmem:s4+$0x1D5D0];
	v4 =	vadd.s32 v12, v4  }
0x298: {  	s13 =	sld [smem:$0x7FA];
	s18 =	smov.u32 @p0 s9;
	p0 =	seq.s32 s10, $0x1;
	v5 =	vld [tilespmem:s4+$0x1D5E0];
	v4 =	vadd.s32 v13, v4  }
0x299: {  	s8 =	smov.u32 @p0 s18;
	s18 =	sld [smem:$0x7FB];
	v10 =	vld [tilespmem:s4+$0x1D5F0];
	v4 =	vadd.s32 v6, v4  }
0x29a: {  	p0 =	seq.s32 s11, $0x1;
	v11 =	vld [tilespmem:s1+$0x1D500];
	v4 =	vadd.s32 v7, v4  }
0x29b: {  	v63 =	vld [tilespmem:s1+$0x1D520];
	s25 =	smov.u32 @p0 s8;
	p0 =	seq.s32 s13, $0x1;
	v4 =	vadd.s32 v8, v4  }
0x29c: {  	s26 =	smov.u32 @p0 s25;
	s25 =	sld [smem:$0x7FC];
	p0 =	seq.s32 s18, $0x1;
	v6 =	vld [tilespmem:s1+$0x1D530];
	v4 =	vadd.s32 v9, v4  }
0x29d: {  	s14 =	smov.u32 @p0 s26;
	s26 =	sld [smem:$0x7FD];
	v7 =	vld [tilespmem:s1+$0x1D540];
	v4 =	vadd.s32 v5, v4  }
0x29e: {  	v8 =	vld [tilespmem:s1+$0x1D550];
	v4 =	vadd.s32 v10, v4  }
0x29f: {  	p0 =	seq.s32 s25, $0x1;
	v9 =	vadd.s32 v11, v62;
	v11 =	vld [tilespmem:s1+$0x1D560];
	(xrf0) =	vadd.scan.msk.s32 $0xffff, v4  }
0x2a0: {  	s12 =	smov.u32 @p0 s14;
	p0 =	seq.s32 s26, $0x1;
	v5 =	vadd.s32 v63, v9;
	v9 =	vld [tilespmem:s1+$0x1D570]  }
0x2a1: {  	s28 =	smov.u32 @p0 s12;
	v5 =	vadd.s32 v6, v5  }
0x2a2: {  	s29 =	smov.u32 @p2 s28;
	v6 =	vld [tilespmem:s1+$0x1D580];
	v4 =	vadd.s32 v7, v5  }
0x2a3: {  	s19 =	smov.u32 @p3 s29;
	v7 =	vld [tilespmem:s1+$0x1D590];
	v4 =	vadd.s32 v8, v4  }
0x2a4: {  	s22 =	smov.u32 @p4 s19;
	v8 =	vld [tilespmem:s1+$0x1D5A0];
	v4 =	vadd.s32 v11, v4  }
0x2a5: {  	s22 =	smov.u32 @p5 s17;
	v10 =	vld [tilespmem:s1+$0x1D5B0];
	v5 =	vadd.s32 v9, v4;
	s29 =	spop (v2sf);
	v9, _, _ =	vpop (xrf0)  }
0x2a6: {  	p6 =	por $0x1, $0x1;
	s30 =	ssub.s32 $0x1B000, s22;
	v4 =	vld [tilespmem:s1+$0x1D5C0];
	s0 =	sadd.s32 $0x0, s29;
	(v2sf) =	vpush v9, $0xF  }
0x2a7: {  	s31 =	simm.s32 $0x0;
	s9 =	simm.s32 $0xFFFFFD00;
	v6 =	vadd.s32 v6, v5;
	v5 =	vld [tilespmem:s1+$0x1D5D0];
	p1 =	sge.s32 s0, s30  }
0x2a8: {  	s10 =	simm.s32 $0xFFFFF000;
	s11 =	simm.s32 $0x0;
	v7 =	vadd.s32 v7, v6;
	v6 =	vld [tilespmem:s1+$0x1D5E0];
	p0 =	por !p6, !p1  }
0x2a9: {  	s8 =	simm.s32 $0x0;
	s4 =	simm.s32 $0x7F;
	v11 =	vadd.s32 v8, v7;
	v7 =	vld [tilespmem:s1+$0x1D5F0];
	p0 =	por !p0, !p0  }
0x2aa: {  	v8 =	vld [tilespmem:s9+$0x1D500];
	s1 =	simm.s32 $0x0;
	v9 =	vadd.s32 v10, v11;
	s11 =	smov.u32 @p0 s4;
	s8 =	simm.s32 @p0 $0x1  }
.LBB2_21:
0x2ab: {  	p1 =	sne.s32 s10, $0xFFFE0400;
	v10 =	vld [tilespmem:s9+$0x1D510];
	v4 =	vadd.s32 v4, v9;
	s31 =	smov.u32 @p0 s1;
	s1 =	smov.u32 s0  }
0x2ac: {  	v9 =	vld [tilespmem:s9+$0x1D520];
	v4 =	vadd.s32 v5, v4  }
0x2ad: {  	v5 =	vld [tilespmem:s9+$0x1D530];
	v4 =	vadd.s32 v6, v4  }
0x2ae: {  	v6 =	vld [tilespmem:s9+$0x1D540];
	v4 =	vadd.s32 v7, v4  }
0x2af: {  	v7 =	vld [tilespmem:s9+$0x1D550];
	(xrf0) =	vadd.scan.msk.s32 $0xffff, v4  }
0x2b0: {  	v4 =	vadd.s32 v8, v10;
	v8 =	vld [tilespmem:s9+$0x1D560]  }
0x2b1: {  	v4 =	vadd.s32 v9, v4;
	v9 =	vld [tilespmem:s9+$0x1D570]  }
0x2b2: {  	v4 =	vadd.s32 v5, v4;
	v5 =	vld [tilespmem:s9+$0x1D580]  }
0x2b3: {  	v4 =	vadd.s32 v6, v4;
	v6 =	vld [tilespmem:s9+$0x1D590]  }
0x2b4: {  	v4 =	vadd.s32 v7, v4;
	v7 =	vld [tilespmem:s9+$0x1D5A0]  }
0x2b5: {  	v4 =	vadd.s32 v8, v4;
	v10 =	vld [tilespmem:s9+$0x1D5B0];
	v8, _, _ =	vpop (xrf0);
	s12 =	spop (v2sf)  }
.Ltmp10:
0x2b6: {  	v9 =	vadd.s32 v9, v4;
	v4 =	vld [tilespmem:s9+$0x1D5C0];
	(v2sf) =	vpush v8, $0xF;
	s0 =	sadd.s32 s0, s12;
	(pc) =	sbr.rel @p1 .LBB2_21-.Ltmp10, $4  }
0x2b7: {  	p0 =	seq.s32 s8, $0x0;
	v8 =	vadd.s32 v5, v9;
	v5 =	vld [tilespmem:s9+$0x1D5D0];
	p2 =	sge.s32 s0, s30  }
0x2b8: {  	v8 =	vadd.s32 v6, v8;
	v6 =	vld [tilespmem:s9+$0x1D5E0];
	p0 =	por !p0, !p2  }
0x2b9: {  	s4 =	sadd.s32 $0xFFFFFFFF, s4;
	v9 =	vadd.s32 v7, v8;
	v7 =	vld [tilespmem:s9+$0x1D5F0];
	s9 =	sshra.s32 s10, $0x2;
	p0 =	por !p0, !p0  }
0x2ba: {  	s10 =	sadd.s32 $0xFFFFFC00, s10;
	v8 =	vld [tilespmem:s9+$0x1D500];
	v9 =	vadd.s32 v10, v9;
	s11 =	smov.u32 @p0 s4;
	s8 =	simm.s32 @p0 $0x1  }
0x2bb: {  	v10 =	vld [tilespmem:s9+$0x1D510]  }
0x2bc: {  	v11 =	vld [tilespmem:s9+$0x1D520]  }
0x2bd: {  	v12 =	vld [tilespmem:s9+$0x1D530]  }
0x2be: {  	v13 =	vld [tilespmem:s9+$0x1D540]  }
0x2bf: {  	v14 =	vld [tilespmem:s9+$0x1D550]  }
0x2c0: {  	v8 =	vadd.s32 v8, v10;
	v10 =	vld [tilespmem:s9+$0x1D560]  }
0x2c1: {  	v8 =	vadd.s32 v11, v8;
	v11 =	vld [tilespmem:s9+$0x1D570]  }
0x2c2: {  	v8 =	vadd.s32 v12, v8;
	v12 =	vld [tilespmem:s9+$0x1D580]  }
0x2c3: {  	v8 =	vadd.s32 v13, v8;
	v13 =	vld [tilespmem:s9+$0x1D590]  }
0x2c4: {  	v8 =	vadd.s32 v14, v8;
	v14 =	vld [tilespmem:s9+$0x1D5A0]  }
0x2c5: {  	v8 =	vadd.s32 v10, v8;
	v10 =	vld [tilespmem:s9+$0x1D5B0]  }
0x2c6: {  	v8 =	vadd.s32 v11, v8;
	v11 =	vld [tilespmem:s9+$0x1D5C0]  }
0x2c7: {  	v4 =	vadd.s32 v4, v9;
	v9 =	vld [tilespmem:s9+$0x1D5D0];
	v8 =	vadd.s32 v12, v8  }
0x2c8: {  	v4 =	vadd.s32 v5, v4;
	v5 =	vadd.s32 v13, v8;
	v8 =	vld [tilespmem:s9+$0x1D5E0]  }
0x2c9: {  	v4 =	vadd.s32 v6, v4;
	v6 =	vld [tilespmem:s9+$0x1D5F0];
	v5 =	vadd.s32 v14, v5  }
0x2ca: {  	v4 =	vadd.s32 v7, v4;
	v5 =	vadd.s32 v10, v5  }
0x2cb: {  	(xrf0) =	vadd.scan.msk.s32 $0xffff, v4;
	v4 =	vadd.s32 v11, v5  }
0x2cc: {  	v4 =	vadd.s32 v9, v4  }
0x2cd: {  	v4 =	vadd.s32 v8, v4  }
0x2ce: {  	v4 =	vadd.s32 v6, v4  }
0x2cf: {  	(xrf0) =	vadd.scan.msk.s32 $0xffff, v4;
	_ =	sdelay $0x1  }
0x2d0: {  	v4, _, _ =	vpop (xrf0)  }
0x2d1: {  	(v2sf) =	vpush v4, $0xF;
	_ =	sdelay $0x2  }
0x2d2: {  	v4, _, _ =	vpop (xrf0)  }
0x2d3: {  	(v2sf) =	vpush v4, $0xF;
	_ =	sdelay $0x6  }
0x2d4: {  	s25 =	spop (v2sf)  }
0x2d5: {  	s9 =	sadd.s32 s0, s25  }
0x2d6: {  	p1 =	seq.s32 s8, $0x0;
	p2 =	sge.s32 s9, s30  }
0x2d7: {  	p1 =	por !p1, !p2  }
0x2d8: {  	p1 =	por !p1, !p1;
	s10 =	spop (v2sf)  }
0x2d9: {  	s8 =	simm.s32 @p1 $0x1;
	s10 =	sadd.s32 s9, s10  }
0x2da: {  	p5 =	seq.s32 s8, $0x0;
	p3 =	sge.s32 s10, s30  }
0x2db: {  	p2 =	por !p5, !p3  }
0x2dc: {  	p2 =	por !p2, !p2;
	s12 =	spop (v2sf)  }
0x2dd: {  	s8 =	simm.s32 @p2 $0x1;
	s12 =	sadd.s32 s10, s12  }
0x2de: {  	s4 =	sadd.s32 $0xFFFFFFFF, s4;
	p6 =	seq.s32 s8, $0x0;
	p4 =	sge.s32 s12, s30  }
0x2df: {  	s11 =	smov.u32 @p1 s4;
	s4 =	sadd.s32 $0xFFFFFFFF, s4;
	p3 =	por !p6, !p4  }
0x2e0: {  	s11 =	smov.u32 @p2 s4;
	s4 =	sadd.s32 $0xFFFFFFFF, s4;
	p3 =	por !p3, !p3  }
0x2e1: {  	s11 =	smov.u32 @p3 s4  }
0x2e2: {  	s4 =	sshll.u32 s11, $0x8  }
0x2e3: {  	s4 =	sand.u32 $0x3FFFFF00, s4  }
0x2e4: {  	v16 =	vld [tilespmem:s4+$0x156F0]  }
0x2e5: {  	v17 =	vld [tilespmem:s4+$0x156E0]  }
0x2e6: {  	v18 =	vld [tilespmem:s4+$0x156D0]  }
0x2e7: {  	v19 =	vld [tilespmem:s4+$0x156C0]  }
0x2e8: {  	v15 =	vld [tilespmem:s4+$0x156B0]  }
0x2e9: {  	v14 =	vld [tilespmem:s4+$0x156A0]  }
0x2ea: {  	v13 =	vld [tilespmem:s4+$0x15690]  }
0x2eb: {  	v12 =	vld [tilespmem:s4+$0x15680]  }
0x2ec: {  	v11 =	vld [tilespmem:s4+$0x15670]  }
0x2ed: {  	v10 =	vld [tilespmem:s4+$0x15660]  }
0x2ee: {  	v9 =	vld [tilespmem:s4+$0x15650]  }
0x2ef: {  	v8 =	vld [tilespmem:s4+$0x15640]  }
0x2f0: {  	v7 =	vld [tilespmem:s4+$0x15630]  }
0x2f1: {  	v6 =	vld [tilespmem:s4+$0x15620]  }
0x2f2: {  	s26 =	rddreg [dreg:$0x8];
	s28 =	simm.s32 $0x12000;
	v5 =	vld [tilespmem:s4+$0x15610]  }
0x2f3: {  	v4 =	vld [tilespmem:s4+$0x15600];
	[tilespmem:s28], [sflag:$0x1] =	stream.linear.gather [hbm4b:s26+s3], $0x1B00, $0x38  }
0x2f4: {  	s29 =	rddreg [dreg:$0xa];
	s4 =	simm.s32 $0x15640  }
0x2f5: {  	[tilespmem:s24], [sflag:$0x2] =	stream.linear.gather [hbm4b:s29+s3], $0x1B00, $0x38;
	[tilespmem:$0x1D600] =	vst v63  }
0x2f6: {  	[tilespmem:s4+$0xFFFFFFC0] =	vst v0  }
0x2f7: {  	[tilespmem:s4+$0x30] =	vst v0  }
0x2f8: {  	[tilespmem:s4+$0x20] =	vst v0  }
0x2f9: {  	s31 =	smov.u32 @p0 s1;
	[tilespmem:s4+$0x10] =	vst v0  }
0x2fa: {  	s31 =	smov.u32 @p1 s0;
	[tilespmem:s4+$0x0] =	vst v0  }
0x2fb: {  	s31 =	smov.u32 @p2 s9;
	[tilespmem:s4+$0xFFFFFFF0] =	vst v0  }
0x2fc: {  	s0 =	simm.s32 $0x0;
	s31 =	smov.u32 @p3 s10;
	[tilespmem:s4+$0xFFFFFFE0] =	vst v0  }
.LBB2_23:
0x2fd: {  	s0 =	sadd.s32 $0x8, s0;
	[tilespmem:s4+$0xFFFFFFD0] =	vst v0;
	s4 =	sadd.s32 $0x80, s4  }
0x2fe: {  	[tilespmem:s4+$0xFFFFFFC0] =	vst v0;
	p0 =	slt.u32 s0, $0x3F8  }
0x2ff: {  	[tilespmem:s4+$0x30] =	vst v0  }
.Ltmp11:
0x300: {  	[tilespmem:s4+$0x20] =	vst v0;
	(pc) =	sbr.rel @p0 .LBB2_23-.Ltmp11, $4  }
0x301: {  	[tilespmem:s4+$0x10] =	vst v0  }
0x302: {  	[tilespmem:s4+$0x0] =	vst v0  }
0x303: {  	[tilespmem:s4+$0xFFFFFFF0] =	vst v0  }
0x304: {  	[tilespmem:s4+$0xFFFFFFE0] =	vst v0  }
0x305: {  	(xrf0) =	vadd.scan.msk.s32 $0xffff, v16  }
0x306: {  	(xrf0) =	vadd.scan.msk.s32 $0xffff, v17;
	_ =	sdelay $0x1  }
0x307: {  	(xrf0) =	vadd.scan.msk.s32 $0xffff, v18  }
0x308: {  	(xrf0) =	vadd.scan.msk.s32 $0xffff, v19;
	_ =	sdelay $0x1  }
0x309: {  	v16, _, _ =	vpop (xrf0)  }
0x30a: {  	v54, _, _ =	vpop (xrf0);
	(v2sf) =	vpush v16, $0xF  }
0x30b: {  	(xrf0) =	vadd.scan.msk.s32 $0xffff, v15;
	(v2sf) =	vpush v54, $0xF  }
0x30c: {  	(xrf0) =	vadd.scan.msk.s32 $0xffff, v14;
	v55, _, _ =	vpop (xrf0)  }
0x30d: {  	(v2sf) =	vpush v55, $0xF;
	v56, _, _ =	vpop (xrf0)  }
0x30e: {  	(xrf0) =	vadd.scan.msk.s32 $0xffff, v13;
	(v2sf) =	vpush v56, $0xF;
	_ =	sdelay $0x2  }
0x30f: {  	v57, _, _ =	vpop (xrf0)  }
0x310: {  	(v2sf) =	vpush v57, $0xF;
	v58, _, _ =	vpop (xrf0)  }
0x311: {  	(xrf0) =	vadd.scan.msk.s32 $0xffff, v12;
	(v2sf) =	vpush v58, $0xF  }
0x312: {  	(xrf0) =	vadd.scan.msk.s32 $0xffff, v11;
	v59, _, _ =	vpop (xrf0)  }
0x313: {  	(v2sf) =	vpush v59, $0xF;
	_ =	sdelay $0x1  }
0x314: {  	(xrf0) =	vadd.scan.msk.s32 $0xffff, v10;
	_ =	sdelay $0x1  }
0x315: {  	v60, _, _ =	vpop (xrf0);
	s0 =	spop (v2sf)  }
0x316: {  	(v2sf) =	vpush v60, $0xF;
	v61, _, _ =	vpop (xrf0);
	s0 =	sadd.s32 s31, s0;
	s1 =	spop (v2sf)  }
0x317: {  	(v2sf) =	vpush v61, $0xF;
	s1 =	sadd.s32 s1, s0  }
0x318: {  	(xrf0) =	vadd.scan.msk.s32 $0xffff, v9;
	s8 =	spop (v2sf);
	p6 =	sge.s32 s0, s30;
	p0 =	sge.s32 s1, s30  }
0x319: {  	v62, _, _ =	vpop (xrf0);
	s8 =	sadd.s32 s8, s1;
	s9 =	spop (v2sf);
	p1 =	por p6, p0  }
0x31a: {  	(xrf0) =	vadd.scan.msk.s32 $0xffff, v8;
	(v2sf) =	vpush v62, $0xF;
	p3 =	sge.s32 s8, s30;
	p4 =	slt.s32 s8, s30;
	s9 =	sadd.s32 s9, s8  }
0x31b: {  	p2 =	por p4, p1;
	p1 =	por p1, p3;
	p5 =	slt.s32 s9, s30  }
0x31c: {  	p3 =	sge.s32 s9, s30;
	p4 =	por p5, p1  }
0x31d: {  	s10 =	spop (v2sf);
	p1 =	por p1, p3;
	s6 =	simm.s32 @!p4 $0x0  }
0x31e: {  	v63, _, _ =	vpop (xrf0);
	s12 =	sadd.s32 s10, s9;
	s19 =	spop (v2sf);
	s6 =	simm.s32 @p4 $0x1  }
0x31f: {  	(v2sf) =	vpush v63, $0xF;
	p3 =	sge.s32 s12, s30;
	p5 =	slt.s32 s12, s30;
	s14 =	sadd.s32 s19, s12  }
0x320: {  	(xrf0) =	vadd.scan.msk.s32 $0xffff, v7;
	v7, _, _ =	vpop (xrf0);
	s22 =	spop (v2sf);
	[smem:$0x7E9] =	sst s6;
	p4 =	por p5, p1  }
0x321: {  	(v2sf) =	vpush v7, $0xF;
	p1 =	por p1, p3;
	p3 =	sge.s32 s14, s30;
	s6 =	simm.s32 @!p4 $0x0  }
0x322: {  	p5 =	slt.s32 s14, s30;
	s18 =	sadd.s32 s22, s14;
	s6 =	simm.s32 @p4 $0x1  }
0x323: {  	p4 =	por p5, p1;
	p1 =	por p1, p3;
	p3 =	sge.s32 s18, s30  }
0x324: {  	p5 =	slt.s32 s18, s30;
	[smem:$0x7EA] =	sst s6;
	s6 =	simm.s32 @!p4 $0x0  }
0x325: {  	s25 =	spop (v2sf);
	s6 =	simm.s32 @p4 $0x1;
	p4 =	por p5, p1  }
0x326: {  	(xrf0) =	vadd.scan.msk.s32 $0xffff, v6;
	p1 =	por p1, p3;
	s19 =	sadd.s32 s25, s18;
	s26 =	spop (v2sf)  }
0x327: {  	(xrf0) =	vadd.scan.msk.s32 $0xffff, v5;
	v5, _, _ =	vpop (xrf0);
	[smem:$0x7E7] =	sst s6;
	s6 =	simm.s32 @!p4 $0x0;
	p3 =	sge.s32 s19, s30  }
0x328: {  	(v2sf) =	vpush v5, $0xF;
	p5 =	slt.s32 s19, s30;
	s22 =	sadd.s32 s26, s19;
	s6 =	simm.s32 @p4 $0x1  }
0x329: {  	p4 =	por p5, p1;
	p1 =	por p1, p3;
	s13 =	spop (v2sf)  }
0x32a: {  	p3 =	sge.s32 s22, s30;
	p5 =	slt.s32 s22, s30;
	s26 =	sld [smem:$0x7E7]  }
0x32b: {  	(xrf0) =	vadd.scan.msk.s32 $0xffff, v4;
	[smem:$0x7EB] =	sst s6;
	s6 =	simm.s32 @!p4 $0x0;
	p5 =	por p5, p1  }
0x32c: {  	p1 =	por p1, p3;
	s25 =	sadd.s32 s13, s22;
	s13 =	simm.s32 $0xE  }
0x32d: {  	s6 =	simm.s32 @p4 $0x1;
	p4 =	slt.s32 s25, s30;
	s13 =	simm.s32 @!p0 $0x0  }
0x32e: {  	v4, _, _ =	vpop (xrf0);
	[smem:$0x7EC] =	sst s6;
	s17 =	spop (v2sf);
	s6 =	simm.s32 @!p0 $0x0  }
0x32f: {  	v5, _, _ =	vpop (xrf0);
	(v2sf) =	vpush v4, $0xF;
	p4 =	por p4, p1;
	s13 =	simm.s32 @p6 $0xF;
	s6 =	simm.s32 @p0 $0x1  }
0x330: {  	(v2sf) =	vpush v5, $0xF;
	p0 =	sge.s32 s25, s30;
	s10 =	spop (v2sf);
	s13 =	simm.s32 @!p2 $0xD  }
0x331: {  	v4, _, _ =	vpop (xrf0);
	[smem:$0x7E5] =	sst s6;
	p1 =	por p1, p0;
	s6 =	simm.s32 @!p6 $0x0  }
0x332: {  	(v2sf) =	vpush v4, $0xF;
	p0 =	seq.s32 s26, $0x1;
	s26 =	sadd.s32 s17, s25;
	s17 =	sld [smem:$0x7E9]  }
0x333: {  	s6 =	simm.s32 @p6 $0x1;
	s28 =	sadd.s32 s10, s26;
	s10 =	sld [smem:$0x7EC]  }
0x334: {  	p6 =	slt.s32 s26, s30;
	[smem:$0x7E6] =	sst s6;
	s6 =	simm.s32 @!p2 $0x0  }
0x335: {  	s6 =	simm.s32 @p2 $0x1;
	p2 =	seq.s32 s17, $0x1;
	s17 =	sld [smem:$0x7EA]  }
0x336: {  	p6 =	por p6, p1;
	s13 =	simm.s32 @!p2 $0xC;
	p2 =	sge.s32 s26, s30  }
0x337: {  	[smem:$0x7E8] =	sst s6;
	s6 =	spop (v2sf);
	p1 =	por p1, p2  }
0x338: {  	s29 =	sadd.s32 s6, s28;
	s6 =	simm.s32 @!p5 $0x0;
	p2 =	seq.s32 s17, $0x1  }
0x339: {  	s17 =	sld [smem:$0x7EB];
	p3 =	slt.s32 s29, s30;
	s6 =	simm.s32 @p5 $0x1  }
0x33a: {  	s13 =	simm.s32 @!p2 $0xB;
	p2 =	slt.s32 s28, s30;
	[smem:$0x7ED] =	sst s6  }
0x33b: {  	s6 =	simm.s32 @!p4 $0x0;
	s13 =	simm.s32 @!p0 $0xA;
	p0 =	sge.s32 s28, s30  }
0x33c: {  	p2 =	por p2, p1;
	p1 =	por p1, p0;
	p0 =	seq.s32 s17, $0x1  }
0x33d: {  	s6 =	simm.s32 @p4 $0x1;
	s13 =	simm.s32 @!p0 $0x9;
	p0 =	seq.s32 s10, $0x1  }
0x33e: {  	[smem:$0x7EE] =	sst s6;
	s10 =	spop (v2sf);
	s13 =	simm.s32 @!p0 $0x8  }
0x33f: {  	p0 =	por p3, p1;
	p3 =	sge.s32 s29, s30;
	s17 =	spop (v2sf)  }
0x340: {  	s10 =	sadd.s32 s10, s29;
	p1 =	por p1, p3;
	s13 =	simm.s32 @!p5 $0x7  }
0x341: {  	s6 =	sadd.s32 s17, s10;
	s17 =	spop (v2sf);
	[smem:$0x7EF] =	sst s0  }
0x342: {  	s0 =	simm.s32 @!p6 $0x0;
	p3 =	slt.s32 s10, s30;
	s13 =	simm.s32 @!p4 $0x6  }
0x343: {  	p4 =	sge.s32 s10, s30;
	s0 =	simm.s32 @p6 $0x1;
	s17 =	sadd.s32 s17, s6  }
0x344: {  	p3 =	por p3, p1;
	[smem:$0x7F0] =	sst s0;
	s13 =	simm.s32 @!p6 $0x5  }
0x345: {  	p4 =	por p1, p4;
	p5 =	sge.s32 s17, s30;
	s17 =	simm.s32 @!p2 $0x0  }
0x346: {  	s0 =	sld [smem:$0x7EF];
	p6 =	por !p4, !p4;
	s17 =	simm.s32 @p2 $0x1  }
0x347: {  	s13 =	simm.s32 @!p2 $0x4;
	[dreg:$0x10] =	wrdreg s6;
	p5 =	por !p5, !p6  }
0x348: {  	s13 =	simm.s32 @!p0 $0x3;
	p6 =	slt.s32 s6, s30;
	p1 =	por !p5, !p5  }
0x349: {  	p4 =	por p6, p4;
	s13 =	simm.s32 @!p3 $0x2;
	p1 =	por !p6, !p1  }
0x34a: {  	[smem:$0x7F1] =	sst s17;
	s13 =	simm.s32 @!p4 $0x1;
	p5 =	por !p1, !p1  }
0x34b: {  	s11 =	sshll.u32 s11, $0x4;
	s17 =	rddreg [dreg:$0xe];
	s13 =	simm.s32 @p5 $0x0  }
0x34c: {  	[tilespmem:s4+$0xFFFFFFD0] =	vst v0;
	s11 =	sadd.s32 s11, s13;
	s13 =	sshll.u32 s17, $0xB  }
0x34d: {  	s6 =	rddreg [dreg:$0x11];
	s11 =	sor.u32 s13, s11  }
0x34e: {  	p2 =	por p0, p0;
	[dreg:$0xf] =	wrdreg s11;
	v4 =	vmov s11;
	s11 =	simm.s32 $0x0  }
.LBB2_25:
0x34f: {  	_ =	swait.ge [sflag:s20], $0x1B00  }
0x350: {  	[sflag:s20] =	ssyncset.done $0x0  }
0x351: {  	s4 =	simm.s32 $0x12040;
	[sflag:s20] =	ssyncadd.s32 $0xFFFFE500  }
0x352: {  	v5 =	vld [tilespmem:s4+$0x30]  }
0x353: {  	v6 =	vld [tilespmem:s4+$0xFFFFFFD0]  }
0x354: {  	v7 =	vld [tilespmem:s4+$0xFFFFFFE0]  }
0x355: {  	v9 =	vld [tilespmem:s4+$0x0]  }
0x356: {  	v14 =	vld [tilespmem:s4+$0xFFFFFFC0];
	_ =	sdelay $0x1  }
0x357: {  	v8 =	vld [tilespmem:s4+$0xFFFFFFF0];
	_ =	sdelay $0x1  }
0x358: {  	v11 =	vshra.s32 v5, $0x1F;
	v12 =	vshra.s32 v6, $0x1F;
	v15 =	vshra.s32 v7, $0x1F  }
0x359: {  	v10 =	vld [tilespmem:s4+$0x10];
	v17 =	vshra.s32 v9, $0x1F;
	v18 =	vshra.s32 v14, $0x1F;
	v11 =	vor.u32 $0x80000000, v11  }
0x35a: {  	v13 =	vld [tilespmem:s4+$0x20];
	v12 =	vor.u32 $0x80000000, v12;
	v18 =	vor.u32 $0x80000000, v18;
	v5 =	vxor.u32 v5, v11  }
0x35b: {  	v11 =	vshra.s32 v8, $0x1F;
	v20 =	vxor.u32 v6, v12;
	v12 =	vxor.u32 v14, v18  }
0x35c: {  	v16 =	vshll.u32 v5, $0x4;
	v5 =	vshrl.u32 v5, $0xA;
	v11 =	vor.u32 $0x80000000, v11  }
0x35d: {  	v18 =	vshrl.u32 v12, $0xA;
	v16 =	vor.u32 v1, v16;
	vm1 =	veq.s32 v5, v4  }
0x35e: {  	v5 =	vor.u32 $0x80000000, v15;
	v15 =	vshra.s32 v10, $0x1F;
	v8 =	vxor.u32 v8, v11  }
0x35f: {  	v19 =	vand.u32 $0x3FFF, v16;
	v16 =	vor.u32 $0x80000000, v17;
	v17 =	vshra.s32 v13, $0x1F  }
0x360: {  	v15 =	vor.u32 $0x80000000, v15;
	v7 =	vxor.u32 v7, v5;
	v17 =	vor.u32 $0x80000000, v17  }
0x361: {  	v21 =	vxor.u32 v9, v16;
	v9 =	vshll.u32 v12, $0x4;
	v22 =	vxor.u32 v10, v15  }
0x362: {  	v10 =	vshll.u32 v20, $0x4;
	v15 =	vshll.u32 v8, $0x4;
	v16 =	vshrl.u32 v20, $0xA  }
0x363: {  	v14 =	vshrl.u32 v7, $0xA;
	v5 =	vxor.u32 v13, v17;
	v13 =	vshll.u32 v7, $0x4  }
0x364: {  	v17 =	vshll.u32 v21, $0x4;
	v23 =	vshll.u32 v22, $0x4;
	v11 =	vor.u32 v1, v9  }
0x365: {  	v12 =	vor.u32 v1, v10;
	v9 =	vor.u32 v1, v15;
	v15 =	vshrl.u32 v8, $0xA  }
0x366: {  	v6 =	vshll.u32 v5, $0x4;
	v10 =	vor.u32 v1, v13;
	v7 =	vor.u32 v1, v17  }
0x367: {  	s13 =	simm.s32 $0x120C0;
	s4 =	simm.s32 $0x0;
	v17 =	vshrl.u32 v21, $0xA;
	v8 =	vor.u32 v1, v23;
	v13 =	vshrl.u32 v22, $0xA;
	[tilespmem:v19+s21+$0x0] =	vst.idx.add.s32.msk vm1, v2  }
.LBB2_26:
0x368: {  	v19 =	vld [tilespmem:s13+$0x30];
	s4 =	sadd.s32 $0x8, s4;
	vm5 =	veq.s32 v18, v4;
	v6 =	vor.u32 v1, v6;
	v5 =	vshrl.u32 v5, $0xA  }
0x369: {  	v11 =	vand.u32 $0x3FFF, v11;
	vm7 =	veq.s32 v16, v4;
	v12 =	vand.u32 $0x3FFF, v12;
	v18 =	vld [tilespmem:s13+$0xFFFFFFD0];
	p6 =	slt.u32 s4, $0x1A8  }
0x36a: {  	vm6 =	veq.s32 v14, v4;
	v10 =	vand.u32 $0x3FFF, v10;
	vm4 =	veq.s32 v15, v4;
	v16 =	vld [tilespmem:s13+$0xFFFFFFE0]  }
0x36b: {  	v9 =	vand.u32 $0x3FFF, v9;
	vm3 =	veq.s32 v17, v4;
	v7 =	vand.u32 $0x3FFF, v7;
	v14 =	vld [tilespmem:s13+$0xFFFFFFF0]  }
0x36c: {  	vm2 =	veq.s32 v13, v4;
	v8 =	vand.u32 $0x3FFF, v8;
	vm1 =	veq.s32 v5, v4;
	v15 =	vld [tilespmem:s13+$0x0]  }
0x36d: {  	v6 =	vand.u32 $0x3FFF, v6;
	v5 =	vld [tilespmem:s13+$0x10];
	v13 =	vshra.s32 v19, $0x1F  }
0x36e: {  	v17 =	vshra.s32 v18, $0x1F;
	v20 =	vld [tilespmem:s13+$0x20];
	v13 =	vor.u32 $0x80000000, v13  }
0x36f: {  	v21 =	vld [tilespmem:s13+$0xFFFFFFC0];
	v17 =	vor.u32 $0x80000000, v17;
	v22 =	vshra.s32 v16, $0x1F;
	v13 =	vxor.u32 v19, v13  }
0x370: {  	v19 =	vshra.s32 v14, $0x1F;
	v23 =	vshll.u32 v13, $0x4;
	v13 =	vshrl.u32 v13, $0xA;
	[tilespmem:v11+s21+$0x0] =	vst.idx.add.s32.msk vm5, v2  }
0x371: {  	v11 =	vshra.s32 v15, $0x1F;
	v23 =	vor.u32 v1, v23;
	vm5 =	veq.s32 v13, v4;
	[tilespmem:v12+s21+$0x0] =	vst.idx.add.s32.msk vm7, v2  }
0x372: {  	v12 =	vor.u32 $0x80000000, v22;
	v13 =	vshra.s32 v5, $0x1F;
	v22 =	vand.u32 $0x3FFF, v23;
	[tilespmem:v10+s21+$0x0] =	vst.idx.add.s32.msk vm6, v2  }
0x373: {  	v10 =	vor.u32 $0x80000000, v19;
	v11 =	vor.u32 $0x80000000, v11;
	v19 =	vshra.s32 v20, $0x1F;
	[tilespmem:v9+s21+$0x0] =	vst.idx.add.s32.msk vm4, v2  }
0x374: {  	v13 =	vor.u32 $0x80000000, v13;
	v9 =	vshra.s32 v21, $0x1F;
	v19 =	vor.u32 $0x80000000, v19;
	[tilespmem:v7+s21+$0x0] =	vst.idx.add.s32.msk vm3, v2  }
0x375: {  	v7 =	vor.u32 $0x80000000, v9;
	v9 =	vxor.u32 v18, v17;
	v17 =	vxor.u32 v16, v12;
	[tilespmem:v8+s21+$0x0] =	vst.idx.add.s32.msk vm2, v2  }
0x376: {  	v8 =	vxor.u32 v14, v10;
	v7 =	vxor.u32 v21, v7;
	v21 =	vxor.u32 v15, v11  }
0x377: {  	v13 =	vxor.u32 v5, v13;
	v5 =	vxor.u32 v20, v19;
	v10 =	vshll.u32 v7, $0x4;
	[tilespmem:v22+s21+$0x0] =	vst.idx.add.s32.msk vm5, v2  }
0x378: {  	v12 =	vshll.u32 v9, $0x4;
	v14 =	vshll.u32 v17, $0x4;
	v15 =	vshll.u32 v8, $0x4;
	[tilespmem:v6+s21+$0x0] =	vst.idx.add.s32.msk vm1, v2  }
.Ltmp12:
0x379: {  	v20 =	vshll.u32 v13, $0x4;
	v19 =	vshll.u32 v21, $0x4;
	v6 =	vshll.u32 v5, $0x4;
	(pc) =	sbr.rel @p6 .LBB2_26-.Ltmp12, $4  }
0x37a: {  	v18 =	vshrl.u32 v7, $0xA;
	v12 =	vor.u32 v1, v12;
	v11 =	vor.u32 v1, v10  }
0x37b: {  	v16 =	vshrl.u32 v9, $0xA;
	v10 =	vor.u32 v1, v14;
	v14 =	vshrl.u32 v17, $0xA  }
0x37c: {  	v9 =	vor.u32 v1, v15;
	v15 =	vshrl.u32 v8, $0xA;
	v7 =	vor.u32 v1, v19  }
0x37d: {  	s13 =	sadd.s32 $0x80, s13;
	v13 =	vshrl.u32 v13, $0xA;
	v8 =	vor.u32 v1, v20;
	v17 =	vshrl.u32 v21, $0xA  }
0x37e: {  	vm1 =	veq.s32 v18, v4  }
0x37f: {  	v11 =	vand.u32 $0x3FFF, v11;
	vm2 =	veq.s32 v16, v4  }
0x380: {  	v12 =	vand.u32 $0x3FFF, v12;
	vm3 =	veq.s32 v14, v4  }
0x381: {  	v10 =	vand.u32 $0x3FFF, v10;
	vm4 =	veq.s32 v15, v4  }
0x382: {  	v9 =	vand.u32 $0x3FFF, v9;
	vm5 =	veq.s32 v17, v4  }
0x383: {  	v5 =	vshrl.u32 v5, $0xA;
	v7 =	vand.u32 $0x3FFF, v7;
	vm6 =	veq.s32 v13, v4  }
0x384: {  	v6 =	vor.u32 v1, v6;
	v8 =	vand.u32 $0x3FFF, v8;
	vm7 =	veq.s32 v5, v4;
	[tilespmem:v11+s21+$0x0] =	vst.idx.add.s32.msk vm1, v2  }
0x385: {  	p6 =	seq.s32 s11, $0xF;
	v5 =	vand.u32 $0x3FFF, v6;
	[tilespmem:v12+s21+$0x0] =	vst.idx.add.s32.msk vm2, v2  }
0x386: {  	s4 =	smul.u32 @!p6 $0x3600, s11;
	[tilespmem:v10+s21+$0x0] =	vst.idx.add.s32.msk vm3, v2  }
0x387: {  	[tilespmem:v9+s21+$0x0] =	vst.idx.add.s32.msk vm4, v2  }
0x388: {  	s4 =	sadd.s32 @!p6 s4, s15;
	[tilespmem:v7+s21+$0x0] =	vst.idx.add.s32.msk vm5, v2  }
0x389: {  	s4 =	sshrl.u32 @!p6 s4, $0x3;
	[tilespmem:v8+s21+$0x0] =	vst.idx.add.s32.msk vm6, v2  }
0x38a: {  	s13 =	simm.s32 @!p6 $0x0;
	s17 =	simm.s32 @!p6 $0x12000;
	s4 =	sadd.s32 @!p6 s2, s4;
	[tilespmem:v5+s21+$0x0] =	vst.idx.add.s32.msk vm7, v2  }
0x38b: {  	[tilespmem:s17], [sflag:$0x1] =	stream.linear.gather @!p6 [hbm4b:s4+s13], $0x1B00, $0x38;
	[tilespmem:$0x1D600] =	vst v63  }
0x38c: {  	_ =	swait.ge [sflag:s23], $0x1B00  }
0x38d: {  	[sflag:s23] =	ssyncset.done $0x0  }
0x38e: {  	s17 =	simm.s32 $0x13B40;
	[sflag:s23] =	ssyncadd.s32 $0xFFFFE500  }
0x38f: {  	v5 =	vld [tilespmem:s17+$0x30]  }
0x390: {  	v6 =	vld [tilespmem:s17+$0xFFFFFFD0]  }
0x391: {  	v7 =	vld [tilespmem:s17+$0xFFFFFFE0]  }
0x392: {  	v9 =	vld [tilespmem:s17+$0x0]  }
0x393: {  	v14 =	vld [tilespmem:s17+$0xFFFFFFC0];
	_ =	sdelay $0x1  }
0x394: {  	v8 =	vld [tilespmem:s17+$0xFFFFFFF0];
	_ =	sdelay $0x1  }
0x395: {  	v11 =	vshra.s32 v5, $0x1F;
	v12 =	vshra.s32 v6, $0x1F;
	v15 =	vshra.s32 v7, $0x1F  }
0x396: {  	v10 =	vld [tilespmem:s17+$0x10];
	v17 =	vshra.s32 v9, $0x1F;
	v18 =	vshra.s32 v14, $0x1F;
	v11 =	vor.u32 $0x80000000, v11  }
0x397: {  	v13 =	vld [tilespmem:s17+$0x20];
	v12 =	vor.u32 $0x80000000, v12;
	v18 =	vor.u32 $0x80000000, v18;
	v5 =	vxor.u32 v5, v11  }
0x398: {  	v11 =	vshra.s32 v8, $0x1F;
	v20 =	vxor.u32 v6, v12;
	v12 =	vxor.u32 v14, v18  }
0x399: {  	v16 =	vshll.u32 v5, $0x4;
	v5 =	vshrl.u32 v5, $0xA;
	v11 =	vor.u32 $0x80000000, v11  }
0x39a: {  	v18 =	vshrl.u32 v12, $0xA;
	v16 =	vor.u32 v1, v16;
	vm1 =	veq.s32 v5, v4  }
0x39b: {  	v5 =	vor.u32 $0x80000000, v15;
	v15 =	vshra.s32 v10, $0x1F;
	v8 =	vxor.u32 v8, v11  }
0x39c: {  	v19 =	vand.u32 $0x3FFF, v16;
	v16 =	vor.u32 $0x80000000, v17;
	v17 =	vshra.s32 v13, $0x1F  }
0x39d: {  	v15 =	vor.u32 $0x80000000, v15;
	v7 =	vxor.u32 v7, v5;
	v17 =	vor.u32 $0x80000000, v17  }
0x39e: {  	v21 =	vxor.u32 v9, v16;
	v9 =	vshll.u32 v12, $0x4;
	v22 =	vxor.u32 v10, v15  }
0x39f: {  	v10 =	vshll.u32 v20, $0x4;
	v15 =	vshll.u32 v8, $0x4;
	v16 =	vshrl.u32 v20, $0xA  }
0x3a0: {  	v14 =	vshrl.u32 v7, $0xA;
	v5 =	vxor.u32 v13, v17;
	v13 =	vshll.u32 v7, $0x4  }
0x3a1: {  	v17 =	vshll.u32 v21, $0x4;
	v23 =	vshll.u32 v22, $0x4;
	v11 =	vor.u32 v1, v9  }
0x3a2: {  	v12 =	vor.u32 v1, v10;
	v9 =	vor.u32 v1, v15;
	v15 =	vshrl.u32 v8, $0xA  }
0x3a3: {  	v6 =	vshll.u32 v5, $0x4;
	v10 =	vor.u32 v1, v13;
	v7 =	vor.u32 v1, v17  }
0x3a4: {  	s4 =	simm.s32 $0x0;
	s13 =	simm.s32 $0x13BC0;
	v17 =	vshrl.u32 v21, $0xA;
	v8 =	vor.u32 v1, v23;
	v13 =	vshrl.u32 v22, $0xA;
	[tilespmem:v19+s21+$0x0] =	vst.idx.add.s32.msk vm1, v2  }
.LBB2_28:
0x3a5: {  	v19 =	vld [tilespmem:s13+$0x30];
	s4 =	sadd.s32 $0x8, s4;
	vm5 =	veq.s32 v18, v4;
	v6 =	vor.u32 v1, v6;
	v5 =	vshrl.u32 v5, $0xA  }
0x3a6: {  	v11 =	vand.u32 $0x3FFF, v11;
	vm7 =	veq.s32 v16, v4;
	v12 =	vand.u32 $0x3FFF, v12;
	v18 =	vld [tilespmem:s13+$0xFFFFFFD0];
	p1 =	slt.u32 s4, $0x1A8  }
0x3a7: {  	vm6 =	veq.s32 v14, v4;
	v10 =	vand.u32 $0x3FFF, v10;
	vm4 =	veq.s32 v15, v4;
	v16 =	vld [tilespmem:s13+$0xFFFFFFE0]  }
0x3a8: {  	v9 =	vand.u32 $0x3FFF, v9;
	vm3 =	veq.s32 v17, v4;
	v7 =	vand.u32 $0x3FFF, v7;
	v14 =	vld [tilespmem:s13+$0xFFFFFFF0]  }
0x3a9: {  	vm2 =	veq.s32 v13, v4;
	v8 =	vand.u32 $0x3FFF, v8;
	vm1 =	veq.s32 v5, v4;
	v15 =	vld [tilespmem:s13+$0x0]  }
0x3aa: {  	v6 =	vand.u32 $0x3FFF, v6;
	v5 =	vld [tilespmem:s13+$0x10];
	v13 =	vshra.s32 v19, $0x1F  }
0x3ab: {  	v17 =	vshra.s32 v18, $0x1F;
	v20 =	vld [tilespmem:s13+$0x20];
	v13 =	vor.u32 $0x80000000, v13  }
0x3ac: {  	v21 =	vld [tilespmem:s13+$0xFFFFFFC0];
	v17 =	vor.u32 $0x80000000, v17;
	v22 =	vshra.s32 v16, $0x1F;
	v13 =	vxor.u32 v19, v13  }
0x3ad: {  	v19 =	vshra.s32 v14, $0x1F;
	v23 =	vshll.u32 v13, $0x4;
	v13 =	vshrl.u32 v13, $0xA;
	[tilespmem:v11+s21+$0x0] =	vst.idx.add.s32.msk vm5, v2  }
0x3ae: {  	v11 =	vshra.s32 v15, $0x1F;
	v23 =	vor.u32 v1, v23;
	vm5 =	veq.s32 v13, v4;
	[tilespmem:v12+s21+$0x0] =	vst.idx.add.s32.msk vm7, v2  }
0x3af: {  	v12 =	vor.u32 $0x80000000, v22;
	v13 =	vshra.s32 v5, $0x1F;
	v22 =	vand.u32 $0x3FFF, v23;
	[tilespmem:v10+s21+$0x0] =	vst.idx.add.s32.msk vm6, v2  }
0x3b0: {  	v10 =	vor.u32 $0x80000000, v19;
	v11 =	vor.u32 $0x80000000, v11;
	v19 =	vshra.s32 v20, $0x1F;
	[tilespmem:v9+s21+$0x0] =	vst.idx.add.s32.msk vm4, v2  }
0x3b1: {  	v13 =	vor.u32 $0x80000000, v13;
	v9 =	vshra.s32 v21, $0x1F;
	v19 =	vor.u32 $0x80000000, v19;
	[tilespmem:v7+s21+$0x0] =	vst.idx.add.s32.msk vm3, v2  }
0x3b2: {  	v7 =	vor.u32 $0x80000000, v9;
	v9 =	vxor.u32 v18, v17;
	v17 =	vxor.u32 v16, v12;
	[tilespmem:v8+s21+$0x0] =	vst.idx.add.s32.msk vm2, v2  }
0x3b3: {  	v8 =	vxor.u32 v14, v10;
	v7 =	vxor.u32 v21, v7;
	v21 =	vxor.u32 v15, v11  }
0x3b4: {  	v13 =	vxor.u32 v5, v13;
	v5 =	vxor.u32 v20, v19;
	v10 =	vshll.u32 v7, $0x4;
	[tilespmem:v22+s21+$0x0] =	vst.idx.add.s32.msk vm5, v2  }
0x3b5: {  	v12 =	vshll.u32 v9, $0x4;
	v14 =	vshll.u32 v17, $0x4;
	v15 =	vshll.u32 v8, $0x4;
	[tilespmem:v6+s21+$0x0] =	vst.idx.add.s32.msk vm1, v2  }
.Ltmp13:
0x3b6: {  	v20 =	vshll.u32 v13, $0x4;
	v19 =	vshll.u32 v21, $0x4;
	v6 =	vshll.u32 v5, $0x4;
	(pc) =	sbr.rel @p1 .LBB2_28-.Ltmp13, $4  }
0x3b7: {  	v18 =	vshrl.u32 v7, $0xA;
	v12 =	vor.u32 v1, v12;
	v11 =	vor.u32 v1, v10  }
0x3b8: {  	v16 =	vshrl.u32 v9, $0xA;
	v10 =	vor.u32 v1, v14;
	v14 =	vshrl.u32 v17, $0xA  }
0x3b9: {  	v9 =	vor.u32 v1, v15;
	v15 =	vshrl.u32 v8, $0xA;
	v7 =	vor.u32 v1, v19  }
0x3ba: {  	s13 =	sadd.s32 $0x80, s13;
	v13 =	vshrl.u32 v13, $0xA;
	v8 =	vor.u32 v1, v20;
	v17 =	vshrl.u32 v21, $0xA  }
0x3bb: {  	vm1 =	veq.s32 v18, v4  }
0x3bc: {  	v11 =	vand.u32 $0x3FFF, v11;
	vm2 =	veq.s32 v16, v4  }
0x3bd: {  	v12 =	vand.u32 $0x3FFF, v12;
	vm3 =	veq.s32 v14, v4  }
0x3be: {  	v10 =	vand.u32 $0x3FFF, v10;
	vm4 =	veq.s32 v15, v4  }
0x3bf: {  	v9 =	vand.u32 $0x3FFF, v9;
	vm5 =	veq.s32 v17, v4  }
0x3c0: {  	v5 =	vshrl.u32 v5, $0xA;
	v7 =	vand.u32 $0x3FFF, v7;
	vm6 =	veq.s32 v13, v4  }
0x3c1: {  	v6 =	vor.u32 v1, v6;
	v8 =	vand.u32 $0x3FFF, v8;
	vm7 =	veq.s32 v5, v4;
	[tilespmem:v11+s21+$0x0] =	vst.idx.add.s32.msk vm1, v2  }
0x3c2: {  	v5 =	vand.u32 $0x3FFF, v6;
	[tilespmem:v12+s21+$0x0] =	vst.idx.add.s32.msk vm2, v2  }
.Ltmp14:
0x3c3: {  	[tilespmem:v10+s21+$0x0] =	vst.idx.add.s32.msk vm3, v2;
	(pc) =	sbr.rel @p6 .LBB2_31-.Ltmp14, $4  }
0x3c4: {  	[tilespmem:v9+s21+$0x0] =	vst.idx.add.s32.msk vm4, v2  }
0x3c5: {  	[tilespmem:v7+s21+$0x0] =	vst.idx.add.s32.msk vm5, v2  }
0x3c6: {  	[tilespmem:v8+s21+$0x0] =	vst.idx.add.s32.msk vm6, v2  }
0x3c7: {  	[tilespmem:v5+s21+$0x0] =	vst.idx.add.s32.msk vm7, v2  }
0x3c8: {  	s4 =	smul.u32 $0x3600, s11  }
.Ltmp15:
0x3c9: {  	_ = 	snop;
	(pc) =	sbr.rel .LBB2_25-.Ltmp15, $4  }
0x3ca: {  	s4 =	sadd.s32 s4, s16  }
0x3cb: {  	s4 =	sshrl.u32 s4, $0x3  }
0x3cc: {  	s11 =	sadd.s32 $0x1, s11;
	s4 =	sadd.s32 s2, s4  }
0x3cd: {  	[tilespmem:s24], [sflag:$0x2] =	stream.linear.gather [hbm4b:s4+s3], $0x1B00, $0x38;
	[tilespmem:$0x1D600] =	vst v63  }
.LBB2_31:
0x3ce: {  	s4 =	simm.s32 $0x195F0  }
0x3cf: {  	v4 =	vld [tilespmem:s4+$0xFFFFFF10]  }
0x3d0: {  	s11 =	sld [smem:$0x7E5];
	v5 =	vld [tilespmem:s4+$0xFFFFFF20]  }
0x3d1: {  	s13 =	sld [smem:$0x7E6];
	v6 =	vld [tilespmem:s4+$0xFFFFFF30]  }
0x3d2: {  	v7 =	vld [tilespmem:s4+$0xFFFFFF40]  }
0x3d3: {  	v8 =	vld [tilespmem:s4+$0xFFFFFF50];
	p0 =	seq.s32 s11, $0x1  }
0x3d4: {  	s17 =	sld [smem:$0x7E8];
	v9 =	vld [tilespmem:s4+$0xFFFFFF60];
	s0 =	simm.s32 @!p0 $0x0;
	p0 =	seq.s32 s13, $0x1  }
0x3d5: {  	v10 =	vld [tilespmem:s4+$0xFFFFFF70];
	s0 =	smov.u32 @p0 s31;
	s31 =	sld [smem:$0x7E9]  }
0x3d6: {  	v11 =	vld [tilespmem:s4+$0xFFFFFF80]  }
0x3d7: {  	v12 =	vld [tilespmem:s4+$0xFFFFFF90];
	p0 =	seq.s32 s17, $0x1;
	v4 =	vadd.s32 v4, v5  }
0x3d8: {  	v13 =	vld [tilespmem:s4+$0xFFFFFFA0];
	s1 =	smov.u32 @p0 s0;
	v4 =	vadd.s32 v6, v4;
	p0 =	seq.s32 s31, $0x1  }
0x3d9: {  	v14 =	vld [tilespmem:s4+$0xFFFFFFB0];
	v4 =	vadd.s32 v7, v4;
	s8 =	smov.u32 @p0 s1;
	s1 =	sld [smem:$0x7EA]  }
0x3da: {  	v5 =	vld [tilespmem:s4+$0xFFFFFFC0];
	v4 =	vadd.s32 v8, v4  }
0x3db: {  	v6 =	vld [tilespmem:s4+$0xFFFFFFD0];
	v4 =	vadd.s32 v9, v4  }
0x3dc: {  	v7 =	vld [tilespmem:s4+$0xFFFFFFE0];
	v4 =	vadd.s32 v10, v4;
	p0 =	seq.s32 s1, $0x1  }
0x3dd: {  	v8 =	vld [tilespmem:s4+$0xFFFFFFF0];
	v4 =	vadd.s32 v11, v4;
	s9 =	smov.u32 @p0 s8;
	s8 =	sld [smem:$0x7E7]  }
0x3de: {  	s11 =	sld [smem:$0x7EB];
	v9 =	vld [tilespmem:s4+$0x0];
	s4 =	simm.s32 $0x194F0;
	v4 =	vadd.s32 v12, v4  }
0x3df: {  	s13 =	sld [smem:$0x7EC];
	v10 =	vld [tilespmem:s4+$0xFFFFFF10];
	v4 =	vadd.s32 v13, v4  }
0x3e0: {  	s17 =	sld [smem:$0x7ED];
	v11 =	vld [tilespmem:s4+$0xFFFFFF20];
	v4 =	vadd.s32 v14, v4;
	p0 =	seq.s32 s8, $0x1  }
0x3e1: {  	v61 =	vld [tilespmem:s4+$0xFFFFFF30];
	v4 =	vadd.s32 v5, v4;
	s12 =	smov.u32 @p0 s9;
	p0 =	seq.s32 s11, $0x1  }
0x3e2: {  	v62 =	vld [tilespmem:s4+$0xFFFFFF40];
	v4 =	vadd.s32 v6, v4;
	s14 =	smov.u32 @p0 s12;
	p0 =	seq.s32 s13, $0x1  }
0x3e3: {  	v63 =	vld [tilespmem:s4+$0xFFFFFF50];
	v4 =	vadd.s32 v7, v4;
	s18 =	smov.u32 @p0 s14;
	p0 =	seq.s32 s17, $0x1  }
0x3e4: {  	v5 =	vld [tilespmem:s4+$0xFFFFFF60];
	v4 =	vadd.s32 v8, v4;
	s19 =	smov.u32 @p0 s18;
	s18 =	sld [smem:$0x7EE]  }
0x3e5: {  	v6 =	vadd.s32 v10, v11;
	v10 =	vld [tilespmem:s4+$0xFFFFFF70];
	v4 =	vadd.s32 v9, v4  }
0x3e6: {  	v6 =	vadd.s32 v61, v6;
	v7 =	vld [tilespmem:s4+$0xFFFFFF80];
	(xrf0) =	vadd.scan.msk.s32 $0xffff, v4  }
0x3e7: {  	v6 =	vadd.s32 v62, v6;
	v8 =	vld [tilespmem:s4+$0xFFFFFF90];
	p0 =	seq.s32 s18, $0x1  }
0x3e8: {  	v6 =	vadd.s32 v63, v6;
	s22 =	smov.u32 @p0 s19;
	s19 =	sld [smem:$0x7F0]  }
0x3e9: {  	s31 =	sld [smem:$0x7F1];
	v4 =	vadd.s32 v5, v6  }
0x3ea: {  	v9 =	vld [tilespmem:s4+$0xFFFFFFA0];
	v4 =	vadd.s32 v10, v4  }
0x3eb: {  	v6 =	vld [tilespmem:s4+$0xFFFFFFB0];
	v4 =	vadd.s32 v7, v4;
	p0 =	seq.s32 s19, $0x1  }
0x3ec: {  	v10 =	vld [tilespmem:s4+$0xFFFFFFC0];
	v5 =	vadd.s32 v8, v4;
	v8, _, _ =	vpop (xrf0);
	s25 =	smov.u32 @p0 s22;
	p0 =	seq.s32 s31, $0x1  }
0x3ed: {  	s0 =	rddreg [dreg:$0x10];
	v11 =	vld [tilespmem:s4+$0xFFFFFFD0];
	(v2sf) =	vpush v8, $0xF;
	s26 =	smov.u32 @p0 s25  }
0x3ee: {  	s1 =	simm.s32 $0x0;
	s8 =	simm.s32 $0x0;
	v4 =	vld [tilespmem:s4+$0xFFFFFFE0];
	s28 =	smov.u32 @p2 s26  }
0x3ef: {  	s9 =	simm.s32 $0x0;
	s11 =	simm.s32 $0x3F;
	v7 =	vadd.s32 v9, v5;
	v5 =	vld [tilespmem:s4+$0xFFFFFFF0];
	s29 =	smov.u32 @p3 s28  }
0x3f0: {  	s12 =	simm.s32 $0x3D;
	s18 =	simm.s32 $0x193F0;
	v7 =	vadd.s32 v6, v7;
	v6 =	vld [tilespmem:s4+$0x0];
	s10 =	smov.u32 @p4 s29  }
0x3f1: {  	s13 =	simm.s32 $0x3C;
	s14 =	simm.s32 $0x0;
	v9 =	vadd.s32 v10, v7;
	v7 =	vld [tilespmem:s18+$0xFFFFFF10];
	s10 =	smov.u32 @p5 s0  }
0x3f2: {  	s4 =	simm.s32 $0x0;
	v8 =	vld [tilespmem:s18+$0xFFFFFF20];
	v9 =	vadd.s32 v11, v9;
	s0 =	ssub.s32 s30, s10;
	s10 =	simm.s32 $0x3E  }
.LBB2_32:
0x3f3: {  	p0 =	sne.s32 s13, $0x0;
	v10 =	vld [tilespmem:s18+$0xFFFFFF30];
	v4 =	vadd.s32 v4, v9;
	s17 =	smov.u32 s10;
	s10 =	smov.u32 s12  }
0x3f4: {  	s12 =	smov.u32 s13;
	v9 =	vld [tilespmem:s18+$0xFFFFFF40];
	v4 =	vadd.s32 v5, v4  }
0x3f5: {  	v5 =	vld [tilespmem:s18+$0xFFFFFF50];
	v4 =	vadd.s32 v6, v4  }
0x3f6: {  	v6 =	vld [tilespmem:s18+$0xFFFFFF60];
	(xrf0) =	vadd.scan.msk.s32 $0xffff, v4  }
0x3f7: {  	v4 =	vadd.s32 v7, v8;
	v7 =	vld [tilespmem:s18+$0xFFFFFF70]  }
0x3f8: {  	v4 =	vadd.s32 v10, v4;
	v8 =	vld [tilespmem:s18+$0xFFFFFF80]  }
0x3f9: {  	v4 =	vadd.s32 v9, v4;
	v9 =	vld [tilespmem:s18+$0xFFFFFF90]  }
0x3fa: {  	v4 =	vadd.s32 v5, v4;
	v5 =	vld [tilespmem:s18+$0xFFFFFFA0]  }
0x3fb: {  	v4 =	vadd.s32 v6, v4;
	v6 =	vld [tilespmem:s18+$0xFFFFFFB0]  }
0x3fc: {  	v4 =	vadd.s32 v7, v4;
	v10 =	vld [tilespmem:s18+$0xFFFFFFC0];
	v7, _, _ =	vpop (xrf0);
	s19 =	spop (v2sf)  }
0x3fd: {  	v4 =	vadd.s32 v8, v4;
	v11 =	vld [tilespmem:s18+$0xFFFFFFD0];
	(v2sf) =	vpush v7, $0xF;
	s14 =	sadd.s32 s14, s19  }
.Ltmp16:
0x3fe: {  	p1 =	seq.s32 s9, $0x0;
	v7 =	vadd.s32 v9, v4;
	v4 =	vld [tilespmem:s18+$0xFFFFFFE0];
	p2 =	sge.s32 s14, s0;
	(pc) =	sbr.rel @p0 .LBB2_32-.Ltmp16, $4  }
0x3ff: {  	v7 =	vadd.s32 v5, v7;
	v5 =	vld [tilespmem:s18+$0xFFFFFFF0];
	p1 =	por !p1, !p2  }
0x400: {  	v8 =	vadd.s32 v6, v7;
	v6 =	vld [tilespmem:s18+$0x0];
	s18 =	sadd.s32 $0xFFFFFF00, s18;
	p1 =	por !p1, !p1  }
0x401: {  	v7 =	vld [tilespmem:s18+$0xFFFFFF10];
	v9 =	vadd.s32 v10, v8;
	s1 =	smov.u32 @p1 s11;
	s9 =	simm.s32 @p1 $0x1;
	s11 =	smov.u32 s17  }
0x402: {  	s13 =	sadd.s32 $0xFFFFFFFF, s13;
	s4 =	smov.u32 @p1 s8;
	s8 =	smov.u32 s14;
	v8 =	vld [tilespmem:s18+$0xFFFFFF20];
	v9 =	vadd.s32 v11, v9  }
0x403: {  	v10 =	vld [tilespmem:s18+$0xFFFFFF30]  }
0x404: {  	v11 =	vld [tilespmem:s18+$0xFFFFFF40]  }
0x405: {  	v12 =	vld [tilespmem:s18+$0xFFFFFF50]  }
0x406: {  	v13 =	vld [tilespmem:s18+$0xFFFFFF60]  }
0x407: {  	v55 =	vld [tilespmem:s18+$0xFFFFFF70];
	v7 =	vadd.s32 v7, v8  }
0x408: {  	v56 =	vld [tilespmem:s18+$0xFFFFFF80];
	v7 =	vadd.s32 v10, v7  }
0x409: {  	v57 =	vld [tilespmem:s18+$0xFFFFFF90];
	v7 =	vadd.s32 v11, v7  }
0x40a: {  	v58 =	vld [tilespmem:s18+$0xFFFFFFA0];
	v7 =	vadd.s32 v12, v7  }
0x40b: {  	v59 =	vld [tilespmem:s18+$0xFFFFFFB0];
	v7 =	vadd.s32 v13, v7  }
0x40c: {  	v60 =	vld [tilespmem:s18+$0xFFFFFFC0];
	v7 =	vadd.s32 v55, v7  }
0x40d: {  	v61 =	vld [tilespmem:s18+$0xFFFFFFD0];
	v7 =	vadd.s32 v56, v7  }
0x40e: {  	v62 =	vld [tilespmem:s18+$0xFFFFFFE0];
	v7 =	vadd.s32 v57, v7  }
0x40f: {  	v4 =	vadd.s32 v4, v9;
	v63 =	vld [tilespmem:s18+$0xFFFFFFF0];
	v7 =	vadd.s32 v58, v7  }
0x410: {  	v4 =	vadd.s32 v5, v4;
	v5 =	vadd.s32 v59, v7;
	v7 =	vld [tilespmem:s18+$0x0]  }
0x411: {  	v4 =	vadd.s32 v6, v4;
	v5 =	vadd.s32 v60, v5  }
0x412: {  	(xrf0) =	vadd.scan.msk.s32 $0xffff, v4;
	v4 =	vadd.s32 v61, v5  }
0x413: {  	v4 =	vadd.s32 v62, v4  }
0x414: {  	v4 =	vadd.s32 v63, v4  }
0x415: {  	v4 =	vadd.s32 v7, v4  }
0x416: {  	(xrf0) =	vadd.scan.msk.s32 $0xffff, v4;
	_ =	sdelay $0x1  }
0x417: {  	v4, _, _ =	vpop (xrf0)  }
0x418: {  	(v2sf) =	vpush v4, $0xF;
	_ =	sdelay $0x2  }
0x419: {  	v4, _, _ =	vpop (xrf0)  }
0x41a: {  	(v2sf) =	vpush v4, $0xF;
	_ =	sdelay $0x6  }
0x41b: {  	s13 =	spop (v2sf)  }
0x41c: {  	s13 =	sadd.s32 s14, s13  }
0x41d: {  	p0 =	seq.s32 s9, $0x0;
	p1 =	sge.s32 s13, s0  }
0x41e: {  	p0 =	por !p0, !p1  }
0x41f: {  	p0 =	por !p0, !p0;
	s22 =	spop (v2sf)  }
0x420: {  	s9 =	simm.s32 @p0 $0x1;
	s14 =	sadd.s32 s13, s22  }
0x421: {  	p5 =	seq.s32 s9, $0x0;
	p2 =	sge.s32 s14, s0  }
0x422: {  	p1 =	por !p5, !p2  }
0x423: {  	p1 =	por !p1, !p1;
	s17 =	spop (v2sf)  }
0x424: {  	s9 =	simm.s32 @p1 $0x1;
	s17 =	sadd.s32 s14, s17  }
0x425: {  	p6 =	seq.s32 s9, $0x0;
	p3 =	sge.s32 s17, s0  }
0x426: {  	s1 =	smov.u32 @p0 s11;
	p2 =	por !p6, !p3  }
0x427: {  	s1 =	smov.u32 @p1 s10;
	p2 =	por !p2, !p2  }
0x428: {  	s1 =	smov.u32 @p2 s12  }
0x429: {  	s25 =	sshll.u32 s1, $0x8  }
0x42a: {  	s9 =	sand.u32 $0x3FFFFF00, s25  }
0x42b: {  	v4 =	vld [tilespmem:s9+$0x156F0]  }
0x42c: {  	v5 =	vld [tilespmem:s9+$0x156E0];
	_ =	sdelay $0x3  }
0x42d: {  	(xrf0) =	vadd.scan.msk.s32 $0xffff, v4;
	v4 =	vld [tilespmem:s9+$0x156D0]  }
0x42e: {  	(xrf0) =	vadd.scan.msk.s32 $0xffff, v5;
	_ =	sdelay $0x1  }
0x42f: {  	v5 =	vld [tilespmem:s9+$0x156C0];
	_ =	sdelay $0x1  }
0x430: {  	(xrf0) =	vadd.scan.msk.s32 $0xffff, v4  }
0x431: {  	v6 =	vld [tilespmem:s9+$0x156B0];
	v4, _, _ =	vpop (xrf0)  }
0x432: {  	(v2sf) =	vpush v4, $0xF;
	v4, _, _ =	vpop (xrf0)  }
0x433: {  	(xrf0) =	vadd.scan.msk.s32 $0xffff, v5;
	(v2sf) =	vpush v4, $0xF  }
0x434: {  	v4 =	vld [tilespmem:s9+$0x156A0];
	_ =	sdelay $0x1  }
0x435: {  	(xrf0) =	vadd.scan.msk.s32 $0xffff, v6;
	v5, _, _ =	vpop (xrf0)  }
0x436: {  	(v2sf) =	vpush v5, $0xF;
	v5 =	vld [tilespmem:s9+$0x15690];
	_ =	sdelay $0x1  }
0x437: {  	v6, _, _ =	vpop (xrf0);
	(xrf0) =	vadd.scan.msk.s32 $0xffff, v4  }
0x438: {  	(v2sf) =	vpush v6, $0xF;
	v4 =	vld [tilespmem:s9+$0x15680];
	_ =	sdelay $0x1  }
0x439: {  	v6, _, _ =	vpop (xrf0);
	(xrf0) =	vadd.scan.msk.s32 $0xffff, v5  }
0x43a: {  	(v2sf) =	vpush v6, $0xF;
	v5 =	vld [tilespmem:s9+$0x15670];
	_ =	sdelay $0x1  }
0x43b: {  	s4 =	smov.u32 @p0 s8;
	v6, _, _ =	vpop (xrf0);
	(xrf0) =	vadd.scan.msk.s32 $0xffff, v4  }
0x43c: {  	s4 =	smov.u32 @p1 s13;
	v4 =	vld [tilespmem:s9+$0x15660];
	(v2sf) =	vpush v6, $0xF  }
0x43d: {  	s4 =	smov.u32 @p2 s14;
	s26 =	spop (v2sf)  }
0x43e: {  	s4 =	sadd.s32 s4, s26;
	s28 =	spop (v2sf);
	v6, _, _ =	vpop (xrf0);
	(xrf0) =	vadd.scan.msk.s32 $0xffff, v5  }
0x43f: {  	v5 =	vld [tilespmem:s9+$0x15650];
	s8 =	sadd.s32 s28, s4;
	(v2sf) =	vpush v6, $0xF  }
0x440: {  	s10 =	simm.s32 $0xE;
	p0 =	sge.s32 s8, s0  }
0x441: {  	p1 =	sge.s32 s4, s0;
	v6, _, _ =	vpop (xrf0);
	(xrf0) =	vadd.scan.msk.s32 $0xffff, v4;
	s10 =	simm.s32 @!p0 $0x0  }
0x442: {  	v4 =	vld [tilespmem:s9+$0x15640];
	(v2sf) =	vpush v6, $0xF;
	s10 =	simm.s32 @p1 $0xF;
	s29 =	spop (v2sf)  }
0x443: {  	p0 =	por p1, p0;
	s4 =	sadd.s32 s29, s8;
	s8 =	smov.u32 s10  }
0x444: {  	p1 =	slt.s32 s4, s0;
	s8 =	simm.s32 @!p0 $0xD;
	v6, _, _ =	vpop (xrf0);
	(xrf0) =	vadd.scan.msk.s32 $0xffff, v5  }
0x445: {  	s30 =	spop (v2sf);
	p3 =	sge.s32 s4, s0;
	v5 =	vld [tilespmem:s9+$0x15630];
	s8 =	smov.u32 @p1 s10;
	(v2sf) =	vpush v6, $0xF  }
0x446: {  	s4 =	sadd.s32 s30, s4;
	p0 =	por p0, p3;
	s10 =	smov.u32 s8  }
0x447: {  	p1 =	slt.s32 s4, s0;
	v6, _, _ =	vpop (xrf0);
	(xrf0) =	vadd.scan.msk.s32 $0xffff, v4;
	s10 =	simm.s32 @!p0 $0xC  }
0x448: {  	s31 =	spop (v2sf);
	p4 =	sge.s32 s4, s0;
	v4 =	vld [tilespmem:s9+$0x15620];
	(v2sf) =	vpush v6, $0xF;
	s10 =	smov.u32 @p1 s8  }
0x449: {  	s4 =	sadd.s32 s31, s4;
	p0 =	por p0, p4;
	s8 =	smov.u32 s10  }
0x44a: {  	p1 =	slt.s32 s4, s0;
	s8 =	simm.s32 @!p0 $0xB;
	v6, _, _ =	vpop (xrf0);
	(xrf0) =	vadd.scan.msk.s32 $0xffff, v5  }
0x44b: {  	p5 =	sge.s32 s4, s0;
	s11 =	spop (v2sf);
	v5 =	vld [tilespmem:s9+$0x15610];
	s8 =	smov.u32 @p1 s10;
	(v2sf) =	vpush v6, $0xF  }
0x44c: {  	p0 =	por p0, p5;
	s4 =	sadd.s32 s11, s4;
	s10 =	smov.u32 s8  }
0x44d: {  	p1 =	slt.s32 s4, s0;
	v6, _, _ =	vpop (xrf0);
	(xrf0) =	vadd.scan.msk.s32 $0xffff, v4;
	s10 =	simm.s32 @!p0 $0xA  }
0x44e: {  	p6 =	sge.s32 s4, s0;
	v4 =	vld [tilespmem:s9+$0x15600];
	s10 =	smov.u32 @p1 s8;
	s12 =	spop (v2sf);
	(v2sf) =	vpush v6, $0xF  }
0x44f: {  	p0 =	por p0, p6;
	s4 =	sadd.s32 s12, s4;
	s8 =	smov.u32 s10  }
0x450: {  	p1 =	slt.s32 s4, s0;
	s8 =	simm.s32 @!p0 $0x9;
	v6, _, _ =	vpop (xrf0);
	(xrf0) =	vadd.scan.msk.s32 $0xffff, v5  }
0x451: {  	p3 =	sge.s32 s4, s0;
	s13 =	spop (v2sf);
	s8 =	smov.u32 @p1 s10;
	(v2sf) =	vpush v6, $0xF  }
0x452: {  	p0 =	por p0, p3;
	s4 =	sadd.s32 s13, s4;
	s9 =	smov.u32 s8  }
0x453: {  	p1 =	slt.s32 s4, s0;
	v5, _, _ =	vpop (xrf0);
	(xrf0) =	vadd.scan.msk.s32 $0xffff, v4;
	s9 =	simm.s32 @!p0 $0x8  }
0x454: {  	p4 =	sge.s32 s4, s0;
	s9 =	smov.u32 @p1 s8;
	s14 =	spop (v2sf);
	(v2sf) =	vpush v5, $0xF  }
0x455: {  	p0 =	por p0, p4;
	s4 =	sadd.s32 s14, s4;
	s8 =	smov.u32 s9  }
0x456: {  	v4, _, _ =	vpop (xrf0);
	p1 =	slt.s32 s4, s0;
	s8 =	simm.s32 @!p0 $0x7  }
0x457: {  	p5 =	sge.s32 s4, s0;
	s17 =	spop (v2sf);
	s8 =	smov.u32 @p1 s9;
	(v2sf) =	vpush v4, $0xF  }
0x458: {  	p0 =	por p0, p5;
	s4 =	sadd.s32 s17, s4;
	s9 =	smov.u32 s8  }
0x459: {  	p1 =	slt.s32 s4, s0;
	v4, _, _ =	vpop (xrf0);
	s9 =	simm.s32 @!p0 $0x6  }
0x45a: {  	p6 =	sge.s32 s4, s0;
	s9 =	smov.u32 @p1 s8;
	s18 =	spop (v2sf);
	(v2sf) =	vpush v4, $0xF  }
0x45b: {  	p0 =	por p0, p6;
	s4 =	sadd.s32 s18, s4;
	s8 =	smov.u32 s9  }
0x45c: {  	p1 =	slt.s32 s4, s0;
	s8 =	simm.s32 @!p0 $0x5  }
0x45d: {  	p3 =	sge.s32 s4, s0;
	s19 =	spop (v2sf);
	s8 =	smov.u32 @p1 s9  }
0x45e: {  	p0 =	por p0, p3;
	s4 =	sadd.s32 s19, s4;
	s9 =	smov.u32 s8  }
0x45f: {  	p1 =	slt.s32 s4, s0;
	s9 =	simm.s32 @!p0 $0x4  }
0x460: {  	p4 =	sge.s32 s4, s0;
	s22 =	spop (v2sf);
	s9 =	smov.u32 @p1 s8  }
0x461: {  	p0 =	por p0, p4;
	s4 =	sadd.s32 s22, s4;
	s8 =	smov.u32 s9  }
0x462: {  	p1 =	slt.s32 s4, s0;
	s8 =	simm.s32 @!p0 $0x3  }
0x463: {  	p5 =	sge.s32 s4, s0;
	s25 =	spop (v2sf);
	s8 =	smov.u32 @p1 s9  }
0x464: {  	p0 =	por p0, p5;
	s4 =	sadd.s32 s25, s4;
	s9 =	smov.u32 s8  }
0x465: {  	p1 =	slt.s32 s4, s0;
	s9 =	simm.s32 @!p0 $0x2  }
0x466: {  	p6 =	sge.s32 s4, s0;
	s26 =	spop (v2sf);
	s9 =	smov.u32 @p1 s8  }
0x467: {  	p0 =	por p0, p6;
	s4 =	sadd.s32 s26, s4;
	s8 =	smov.u32 s9  }
0x468: {  	s29 =	rddreg [dreg:$0xf];
	p1 =	slt.s32 s4, s0;
	s8 =	simm.s32 @!p0 $0x1  }
0x469: {  	s30 =	rddreg [dreg:$0x8];
	s8 =	smov.u32 @p1 s9;
	s28 =	spop (v2sf)  }
0x46a: {  	s31 =	rddreg [dreg:$0xa];
	s4 =	sadd.s32 s28, s4;
	s9 =	smov.u32 s8  }
0x46b: {  	p2 =	sge.s32 s4, s0;
	s9 =	simm.s32 @!p0 $0x0;
	s0 =	smov.u32 s8  }
0x46c: {  	s11 =	rddreg [dreg:$0x3];
	s0 =	smov.u32 @p2 s9  }
0x46d: {  	s1 =	sshll.u32 s1, $0x4;
	s12 =	rddreg [dreg:$0xb];
	s8 =	smov.u32 @p1 s0  }
0x46e: {  	s13 =	rddreg [dreg:$0x6];
	s0 =	sadd.s32 s1, s8;
	s1 =	sshll.u32 s29, $0xA  }
0x46f: {  	s14 =	rddreg [dreg:$0x7];
	s1 =	sor.u32 s1, s0  }
0x470: {  	s17 =	rddreg [dreg:$0x9];
	s19 =	simm.s32 $0x12000;
	s0 =	simm.s32 $0x0;
	v4 =	vmov s1  }
0x471: {  	[tilespmem:s19], [sflag:$0x1] =	stream.linear.gather [hbm4b:s30+s0], $0x1B00, $0x38;
	vm1 =	vgt.s32 v4, $0xFFFFFFFF;
	[tilespmem:$0x1D600] =	vst v63  }
0x472: {  	s18 =	simm.s32 $0x9000;
	s22 =	simm.s32 $0x3;
	s25 =	simm.s32 $0x4;
	v4 =	vsel vm1, $0xFFFFFFFF, v3  }
0x473: {  	[tilespmem:s24], [sflag:$0x2] =	stream.linear.gather [hbm4b:s31+s0], $0x1B00, $0x38;
	v4 =	vxor.u32 s1, v4;
	[tilespmem:$0x1D600] =	vst v63  }
.LBB2_34:
0x474: {  	_ =	swait.ge [sflag:s20], $0x1B00  }
0x475: {  	p1 =	seq.s32 s0, $0x0;
	[sflag:s20] =	ssyncset.done $0x0  }
0x476: {  	s1 =	simm.s32 @!p1 $0x3;
	[sflag:s20] =	ssyncadd.s32 $0xFFFFE500  }
0x477: {  	_ =	swait.ge @!p1 [sflag:s1], $0x9000  }
0x478: {  	[sflag:s1] =	ssyncset.done @!p1 $0x0  }
0x479: {  	s8 =	simm.s32 $0x12060;
	[sflag:s1] =	ssyncadd.s32 @!p1 $0xFFFF7000  }
0x47a: {  	v5 =	vld [tilespmem:s8+$0x48]  }
0x47b: {  	v6 =	vld [tilespmem:s8+$0xFFFFFFB8]  }
0x47c: {  	v7 =	vld [tilespmem:s8+$0xFFFFFFD0]  }
0x47d: {  	v8 =	vld [tilespmem:s8+$0xFFFFFFE8]  }
0x47e: {  	v9 =	vld [tilespmem:s8+$0x0]  }
0x47f: {  	v10 =	vld [tilespmem:s8+$0x18];
	vm1 =	vge.f32 v5, v4  }
0x480: {  	s4 =	simm.s32 $0x200;
	v11 =	vld [tilespmem:s8+$0x30];
	vm2 =	vge.f32 v6, v4;
	v5 =	vnsel vm1, $0x0, v5  }
0x481: {  	v12 =	vld [tilespmem:s8+$0xFFFFFFA0];
	v6 =	vnsel vm2, $0x0, v6;
	vm1 =	vge.f32 v7, v4;
	[tilespmem:s4+$0x180] =	vst v5  }
0x482: {  	[tilespmem:s4+$0xFFFFFE80] =	vst v6;
	v5 =	vnsel vm1, $0x0, v7;
	vm1 =	vge.f32 v8, v4;
	v13 =	vld [tilespmem:s8+$0x50]  }
0x483: {  	v14 =	vld [tilespmem:s8+$0xFFFFFFC0];
	[tilespmem:s4+$0xFFFFFF00] =	vst v5;
	v5 =	vnsel vm1, $0x0, v8;
	vm1 =	vge.f32 v9, v4  }
0x484: {  	v6 =	vld [tilespmem:s8+$0xFFFFFFD8];
	[tilespmem:s4+$0xFFFFFF80] =	vst v5;
	v7 =	vnsel vm1, $0x0, v9;
	vm1 =	vge.f32 v10, v4  }
0x485: {  	v5 =	vld [tilespmem:s8+$0xFFFFFFF0];
	[tilespmem:s4+$0x0] =	vst v7;
	v8 =	vnsel vm1, $0x0, v10;
	vm1 =	vge.f32 v11, v4  }
0x486: {  	vm2 =	vge.f32 v12, v4;
	v7 =	vld [tilespmem:s8+$0x8];
	[tilespmem:s4+$0x80] =	vst v8;
	v9 =	vnsel vm1, $0x0, v11  }
0x487: {  	v10 =	vnsel vm2, $0x0, v12;
	v8 =	vld [tilespmem:s8+$0x20];
	[tilespmem:s4+$0x100] =	vst v9;
	vm1 =	vge.f32 v13, v4  }
0x488: {  	[tilespmem:s4+$0xFFFFFE00] =	vst v10;
	vm2 =	vge.f32 v14, v4;
	v9 =	vld [tilespmem:s8+$0x38];
	v63 =	vnsel vm1, $0x0, v13  }
0x489: {  	s1 =	simm.s32 $0x0;
	v10 =	vld [tilespmem:s8+$0xFFFFFFA8];
	s8 =	simm.s32 $0x12120;
	v11 =	vnsel vm2, $0x0, v14;
	vm1 =	vge.f32 v6, v4;
	[tilespmem:s4+$0x188] =	vst v63  }
.LBB2_35:
0x48a: {  	v12 =	vld [tilespmem:s8+$0x48];
	s1 =	sadd.s32 $0x8, s1;
	[tilespmem:s4+$0xFFFFFE88] =	vst v11;
	v6 =	vnsel vm1, $0x0, v6;
	vm1 =	vge.f32 v5, v4  }
0x48b: {  	v11 =	vld [tilespmem:s8+$0xFFFFFFB8];
	p0 =	slt.u32 s1, $0x118;
	[tilespmem:s4+$0xFFFFFF08] =	vst v6;
	v5 =	vnsel vm1, $0x0, v5;
	vm1 =	vge.f32 v7, v4  }
0x48c: {  	v6 =	vld [tilespmem:s8+$0xFFFFFFD0];
	[tilespmem:s4+$0xFFFFFF88] =	vst v5;
	v5 =	vnsel vm1, $0x0, v7;
	vm1 =	vge.f32 v8, v4  }
0x48d: {  	v7 =	vld [tilespmem:s8+$0xFFFFFFE8];
	[tilespmem:s4+$0x8] =	vst v5;
	v5 =	vnsel vm1, $0x0, v8;
	vm1 =	vge.f32 v9, v4  }
0x48e: {  	v8 =	vld [tilespmem:s8+$0x0];
	vm2 =	vge.f32 v10, v4;
	[tilespmem:s4+$0x88] =	vst v5;
	v5 =	vnsel vm1, $0x0, v9  }
0x48f: {  	v9 =	vld [tilespmem:s8+$0x18];
	vm1 =	vge.f32 v12, v4;
	v10 =	vnsel vm2, $0x0, v10;
	[tilespmem:s4+$0x108] =	vst v5  }
0x490: {  	vm2 =	vge.f32 v11, v4;
	v13 =	vld [tilespmem:s8+$0x30];
	v5 =	vnsel vm1, $0x0, v12;
	[tilespmem:s4+$0xFFFFFE08] =	vst v10;
	s4 =	sadd.s32 $0x400, s4  }
0x491: {  	v10 =	vld [tilespmem:s8+$0xFFFFFFA0];
	v11 =	vnsel vm2, $0x0, v11;
	vm1 =	vge.f32 v6, v4;
	[tilespmem:s4+$0x180] =	vst v5  }
0x492: {  	[tilespmem:s4+$0xFFFFFE80] =	vst v11;
	v5 =	vnsel vm1, $0x0, v6;
	vm1 =	vge.f32 v7, v4;
	v11 =	vld [tilespmem:s8+$0x50]  }
0x493: {  	v12 =	vld [tilespmem:s8+$0xFFFFFFC0];
	[tilespmem:s4+$0xFFFFFF00] =	vst v5;
	v5 =	vnsel vm1, $0x0, v7;
	vm1 =	vge.f32 v8, v4  }
0x494: {  	v6 =	vld [tilespmem:s8+$0xFFFFFFD8];
	[tilespmem:s4+$0xFFFFFF80] =	vst v5;
	v7 =	vnsel vm1, $0x0, v8;
	vm1 =	vge.f32 v9, v4  }
.Ltmp17:
0x495: {  	v5 =	vld [tilespmem:s8+$0xFFFFFFF0];
	[tilespmem:s4+$0x0] =	vst v7;
	v8 =	vnsel vm1, $0x0, v9;
	vm1 =	vge.f32 v13, v4;
	(pc) =	sbr.rel @p0 .LBB2_35-.Ltmp17, $4  }
0x496: {  	vm2 =	vge.f32 v10, v4;
	v7 =	vld [tilespmem:s8+$0x8];
	[tilespmem:s4+$0x80] =	vst v8;
	v9 =	vnsel vm1, $0x0, v13  }
0x497: {  	v10 =	vnsel vm2, $0x0, v10;
	v8 =	vld [tilespmem:s8+$0x20];
	[tilespmem:s4+$0x100] =	vst v9;
	vm1 =	vge.f32 v11, v4  }
0x498: {  	[tilespmem:s4+$0xFFFFFE00] =	vst v10;
	vm2 =	vge.f32 v12, v4;
	v9 =	vld [tilespmem:s8+$0x38];
	v13 =	vnsel vm1, $0x0, v11  }
0x499: {  	v10 =	vld [tilespmem:s8+$0xFFFFFFA8];
	v11 =	vnsel vm2, $0x0, v12;
	vm1 =	vge.f32 v6, v4;
	[tilespmem:s4+$0x188] =	vst v13;
	s8 =	sadd.s32 $0xC0, s8  }
0x49a: {  	[tilespmem:s4+$0xFFFFFE88] =	vst v11;
	v6 =	vnsel vm1, $0x0, v6;
	vm1 =	vge.f32 v5, v4  }
0x49b: {  	p0 =	seq.s32 s0, $0xF;
	[tilespmem:s4+$0xFFFFFF08] =	vst v6;
	v5 =	vnsel vm1, $0x0, v5;
	vm1 =	vge.f32 v7, v4  }
0x49c: {  	s1 =	smul.u32 @!p0 $0x3600, s0;
	[tilespmem:s4+$0xFFFFFF88] =	vst v5;
	v5 =	vnsel vm1, $0x0, v7;
	vm1 =	vge.f32 v8, v4  }
0x49d: {  	[tilespmem:s4+$0x8] =	vst v5;
	v5 =	vnsel vm1, $0x0, v8;
	vm1 =	vge.f32 v9, v4  }
0x49e: {  	s8 =	sadd.s32 @!p0 s1, s15;
	vm2 =	vge.f32 v10, v4;
	[tilespmem:s4+$0x88] =	vst v5;
	v5 =	vnsel vm1, $0x0, v9  }
0x49f: {  	s9 =	simm.s32 @!p0 $0x0;
	s8 =	sshrl.u32 @!p0 s8, $0x3;
	v6 =	vnsel vm2, $0x0, v10;
	[tilespmem:s4+$0x108] =	vst v5  }
0x4a0: {  	s10 =	simm.s32 @!p0 $0x12000;
	s8 =	sadd.s32 @!p0 s2, s8;
	[tilespmem:s4+$0xFFFFFE08] =	vst v6;
	s4 =	smul.u32 $0x12000, s0  }
0x4a1: {  	[tilespmem:s10], [sflag:$0x1] =	stream.linear.gather @!p0 [hbm4b:s8+s9], $0x1B00, $0x38;
	[tilespmem:$0x1D600] =	vst v63  }
0x4a2: {  	s30 =	sadd.s32 s11, s4  }
0x4a3: {  	s8 =	sshrl.u32 s30, $0x3  }
0x4a4: {  	s8 =	sadd.s32 s7, s8  }
0x4a5: {  	[hbm4b:s8+s3] =	stream.linear.scatter [tilespmem:s3], [sflag:$0x3], $0x9000, $0x38;
	[tilespmem:$0x1D600] =	vst v63  }
0x4a6: {  	_ =	swait.ge [sflag:s23], $0x1B00  }
0x4a7: {  	[sflag:s23] =	ssyncset.done $0x0  }
0x4a8: {  	s8 =	simm.s32 @!p1 $0x4;
	[sflag:s23] =	ssyncadd.s32 $0xFFFFE500  }
0x4a9: {  	_ =	swait.ge @!p1 [sflag:s8], $0x9000  }
0x4aa: {  	[sflag:s8] =	ssyncset.done @!p1 $0x0  }
0x4ab: {  	s31 =	simm.s32 $0x13B60;
	[sflag:s8] =	ssyncadd.s32 @!p1 $0xFFFF7000  }
0x4ac: {  	v5 =	vld [tilespmem:s31+$0x48]  }
0x4ad: {  	v6 =	vld [tilespmem:s31+$0xFFFFFFB8]  }
0x4ae: {  	v7 =	vld [tilespmem:s31+$0xFFFFFFD0]  }
0x4af: {  	v8 =	vld [tilespmem:s31+$0xFFFFFFE8]  }
0x4b0: {  	v9 =	vld [tilespmem:s31+$0x0]  }
0x4b1: {  	v10 =	vld [tilespmem:s31+$0x18];
	vm1 =	vge.f32 v5, v4  }
0x4b2: {  	s8 =	simm.s32 $0x9200;
	v11 =	vld [tilespmem:s31+$0x30];
	vm2 =	vge.f32 v6, v4;
	v5 =	vnsel vm1, $0x0, v5  }
0x4b3: {  	v12 =	vld [tilespmem:s31+$0xFFFFFFA0];
	v6 =	vnsel vm2, $0x0, v6;
	vm1 =	vge.f32 v7, v4;
	[tilespmem:s8+$0x180] =	vst v5  }
0x4b4: {  	[tilespmem:s8+$0xFFFFFE80] =	vst v6;
	v5 =	vnsel vm1, $0x0, v7;
	vm1 =	vge.f32 v8, v4;
	v13 =	vld [tilespmem:s31+$0x50]  }
0x4b5: {  	v14 =	vld [tilespmem:s31+$0xFFFFFFC0];
	[tilespmem:s8+$0xFFFFFF00] =	vst v5;
	v6 =	vnsel vm1, $0x0, v8;
	vm1 =	vge.f32 v9, v4  }
0x4b6: {  	v5 =	vld [tilespmem:s31+$0xFFFFFFD8];
	[tilespmem:s8+$0xFFFFFF80] =	vst v6;
	v7 =	vnsel vm1, $0x0, v9;
	vm1 =	vge.f32 v10, v4  }
0x4b7: {  	v6 =	vld [tilespmem:s31+$0xFFFFFFF0];
	[tilespmem:s8+$0x0] =	vst v7;
	v8 =	vnsel vm1, $0x0, v10;
	vm1 =	vge.f32 v11, v4  }
0x4b8: {  	vm2 =	vge.f32 v12, v4;
	v7 =	vld [tilespmem:s31+$0x8];
	[tilespmem:s8+$0x80] =	vst v8;
	v9 =	vnsel vm1, $0x0, v11  }
0x4b9: {  	v10 =	vnsel vm2, $0x0, v12;
	v8 =	vld [tilespmem:s31+$0x20];
	[tilespmem:s8+$0x100] =	vst v9;
	vm1 =	vge.f32 v13, v4  }
0x4ba: {  	[tilespmem:s8+$0xFFFFFE00] =	vst v10;
	vm2 =	vge.f32 v14, v4;
	v9 =	vld [tilespmem:s31+$0x38];
	v63 =	vnsel vm1, $0x0, v13  }
0x4bb: {  	s9 =	simm.s32 $0x0;
	s10 =	simm.s32 $0x13C20;
	v10 =	vld [tilespmem:s31+$0xFFFFFFA8];
	v11 =	vnsel vm2, $0x0, v14;
	vm1 =	vge.f32 v5, v4;
	[tilespmem:s8+$0x188] =	vst v63  }
.LBB2_37:
0x4bc: {  	v12 =	vld [tilespmem:s10+$0x48];
	s9 =	sadd.s32 $0x8, s9;
	[tilespmem:s8+$0xFFFFFE88] =	vst v11;
	v5 =	vnsel vm1, $0x0, v5;
	vm1 =	vge.f32 v6, v4  }
0x4bd: {  	v11 =	vld [tilespmem:s10+$0xFFFFFFB8];
	p1 =	slt.u32 s9, $0x118;
	[tilespmem:s8+$0xFFFFFF08] =	vst v5;
	v5 =	vnsel vm1, $0x0, v6;
	vm1 =	vge.f32 v7, v4  }
0x4be: {  	v6 =	vld [tilespmem:s10+$0xFFFFFFD0];
	[tilespmem:s8+$0xFFFFFF88] =	vst v5;
	v5 =	vnsel vm1, $0x0, v7;
	vm1 =	vge.f32 v8, v4  }
0x4bf: {  	v7 =	vld [tilespmem:s10+$0xFFFFFFE8];
	[tilespmem:s8+$0x8] =	vst v5;
	v5 =	vnsel vm1, $0x0, v8;
	vm1 =	vge.f32 v9, v4  }
0x4c0: {  	v8 =	vld [tilespmem:s10+$0x0];
	vm2 =	vge.f32 v10, v4;
	[tilespmem:s8+$0x88] =	vst v5;
	v5 =	vnsel vm1, $0x0, v9  }
0x4c1: {  	v9 =	vld [tilespmem:s10+$0x18];
	vm1 =	vge.f32 v12, v4;
	v10 =	vnsel vm2, $0x0, v10;
	[tilespmem:s8+$0x108] =	vst v5  }
0x4c2: {  	vm2 =	vge.f32 v11, v4;
	v13 =	vld [tilespmem:s10+$0x30];
	v5 =	vnsel vm1, $0x0, v12;
	[tilespmem:s8+$0xFFFFFE08] =	vst v10;
	s8 =	sadd.s32 $0x400, s8  }
0x4c3: {  	v10 =	vld [tilespmem:s10+$0xFFFFFFA0];
	v11 =	vnsel vm2, $0x0, v11;
	vm1 =	vge.f32 v6, v4;
	[tilespmem:s8+$0x180] =	vst v5  }
0x4c4: {  	[tilespmem:s8+$0xFFFFFE80] =	vst v11;
	v5 =	vnsel vm1, $0x0, v6;
	vm1 =	vge.f32 v7, v4;
	v11 =	vld [tilespmem:s10+$0x50]  }
0x4c5: {  	v12 =	vld [tilespmem:s10+$0xFFFFFFC0];
	[tilespmem:s8+$0xFFFFFF00] =	vst v5;
	v6 =	vnsel vm1, $0x0, v7;
	vm1 =	vge.f32 v8, v4  }
0x4c6: {  	v5 =	vld [tilespmem:s10+$0xFFFFFFD8];
	[tilespmem:s8+$0xFFFFFF80] =	vst v6;
	v7 =	vnsel vm1, $0x0, v8;
	vm1 =	vge.f32 v9, v4  }
.Ltmp18:
0x4c7: {  	v6 =	vld [tilespmem:s10+$0xFFFFFFF0];
	[tilespmem:s8+$0x0] =	vst v7;
	v8 =	vnsel vm1, $0x0, v9;
	vm1 =	vge.f32 v13, v4;
	(pc) =	sbr.rel @p1 .LBB2_37-.Ltmp18, $4  }
0x4c8: {  	vm2 =	vge.f32 v10, v4;
	v7 =	vld [tilespmem:s10+$0x8];
	[tilespmem:s8+$0x80] =	vst v8;
	v9 =	vnsel vm1, $0x0, v13  }
0x4c9: {  	v10 =	vnsel vm2, $0x0, v10;
	v8 =	vld [tilespmem:s10+$0x20];
	[tilespmem:s8+$0x100] =	vst v9;
	vm1 =	vge.f32 v11, v4  }
0x4ca: {  	[tilespmem:s8+$0xFFFFFE00] =	vst v10;
	vm2 =	vge.f32 v12, v4;
	v9 =	vld [tilespmem:s10+$0x38];
	v13 =	vnsel vm1, $0x0, v11  }
0x4cb: {  	v10 =	vld [tilespmem:s10+$0xFFFFFFA8];
	v11 =	vnsel vm2, $0x0, v12;
	vm1 =	vge.f32 v5, v4;
	[tilespmem:s8+$0x188] =	vst v13;
	s10 =	sadd.s32 $0xC0, s10  }
0x4cc: {  	[tilespmem:s8+$0xFFFFFE88] =	vst v11;
	v5 =	vnsel vm1, $0x0, v5;
	vm1 =	vge.f32 v6, v4  }
0x4cd: {  	[tilespmem:s8+$0xFFFFFF08] =	vst v5;
	v5 =	vnsel vm1, $0x0, v6;
	vm1 =	vge.f32 v7, v4  }
0x4ce: {  	[tilespmem:s8+$0xFFFFFF88] =	vst v5;
	v5 =	vnsel vm1, $0x0, v7;
	vm1 =	vge.f32 v8, v4  }
0x4cf: {  	[tilespmem:s8+$0x8] =	vst v5;
	v5 =	vnsel vm1, $0x0, v8;
	vm1 =	vge.f32 v9, v4  }
0x4d0: {  	s1 =	sadd.s32 @!p0 s1, s16;
	vm2 =	vge.f32 v10, v4;
	[tilespmem:s8+$0x88] =	vst v5;
	v5 =	vnsel vm1, $0x0, v9  }
0x4d1: {  	s9 =	simm.s32 @!p0 $0x13B00;
	s1 =	sshrl.u32 @!p0 s1, $0x3;
	v6 =	vnsel vm2, $0x0, v10;
	[tilespmem:s8+$0x108] =	vst v5  }
0x4d2: {  	s0 =	sadd.s32 $0x1, s0;
	s1 =	sadd.s32 @!p0 s2, s1;
	[tilespmem:s8+$0xFFFFFE08] =	vst v6;
	s8 =	simm.s32 @!p0 $0x0  }
0x4d3: {  	[tilespmem:s9], [sflag:$0x2] =	stream.linear.gather @!p0 [hbm4b:s1+s8], $0x1B00, $0x38;
	[tilespmem:$0x1D600] =	vst v63  }
0x4d4: {  	p0 =	sne.s32 s0, $0x10  }
.Ltmp19:
0x4d5: {  	_ = 	snop;
	(pc) =	sbr.rel @p0 .LBB2_34-.Ltmp19, $4  }
0x4d6: {  	s31 =	sadd.s32 s4, s12  }
0x4d7: {  	s1 =	sshrl.u32 s31, $0x3  }
0x4d8: {  	s1 =	sadd.s32 s7, s1  }
0x4d9: {  	[hbm4b:s1+s3] =	stream.linear.scatter [tilespmem:s18], [sflag:$0x4], $0x9000, $0x38;
	[tilespmem:$0x1D600] =	vst v63  }
0x4da: {  	_ =	swait.ge [sflag:s22], $0x9000  }
0x4db: {  	[sflag:s22] =	ssyncset.done $0x0  }
0x4dc: {  	[sflag:s22] =	ssyncadd.s32 $0xFFFF7000  }
0x4dd: {  	_ =	swait.ge [sflag:s25], $0x9000  }
0x4de: {  	s1 =	rddreg [dreg:$0xd]  }
0x4df: {  	s0 =	rddreg [dreg:$0xc];
	s1 =	sadd.s32 $0x1, s1  }
0x4e0: {  	p0 =	sne.s32 s1, s0  }
.Ltmp20:
0x4e1: {  	_ = 	snop;
	(pc) =	sbr.rel @p0 .LBB2_1-.Ltmp20, $3  }
0x4e2: {  	_ =	sdelay $0x1  }
0x4e3: {  	[sflag:s25] =	ssyncset.done $0x0  }
0x4e4: {  	[sflag:s25] =	ssyncadd.s32 $0xFFFF7000  }
0x4e5: {  	_ =	sfence.sel $0x180000  }
0x4e6: {  	[bflag:$0x0] =	sbarrier.arrive $0xFFFF  }
0x4e7: {  	_ =	strace $0x90000047  }
0x4e8: {  	s0 =	stileid.u32;
	[bflag:$0x2] =	sbarrier.arrive $0xFFFF  }
0x4e9: {  	p0 =	sne.s32 s0, $0x0;
	s0 =	rddreg [dreg:$0x2]  }
0x4ea: {  	s0 =	sadd.s32 @!p0 $0x100000, s0  }
0x4eb: {  	[sflag:s0] =	ssyncadd.tile.s32 @!p0 $0x1;
	_ =	shalt  }
.Lfunc_end2:
_tile_overlayer_lowered:
.L_overlay_start_2:
0x4ec: {  	(tag) =	ssettag $0x2  }
0x4ed: {  	s0 =	rddreg [dreg:$0x0];
	s2 =	stileid.u32  }
0x4ee: {  	s1 =	rddreg [dreg:$0x1];
	p0 =	sne.s32 s2, $0x0  }
0x4ef: {  	s3 =	rddreg [dreg:$0x2];
	[bflag:$0x3] =	sbarrier.arrive $0xFFFF;
	s2 =	simm.s32 @!p0 $0x1C05  }
0x4f0: {  	[timem:s3], [sflag:s2] =	dma.local @!p0 [hbm:s0], s1  }
0x4f1: {  	s0 =	simm.s32 @!p0 $0x5  }
0x4f2: {  	_ =	swait.ge @!p0 [sflag:s0], s1  }
0x4f3: {  	s1 =	ssub.s32 @!p0 $0x0, s1;
	[sflag:s0] =	ssyncset.done @!p0 $0x0  }
0x4f4: {  	[sflag:s0] =	ssyncadd.s32 @!p0 s1  }
0x4f5: {  	[bflag:$0x3] =	sbarrier.arrive $0xFFFF  }
0x4f6: {  	_ =	shalt  }

</sc_bundles>
